<compile_context>
chip_gen: v7x
topology: tpu7x:2x2x1
jax: 0.10.2.dev20260603
libtpu: 0.0.44.dev20260713+nightly
codegen_flags: <defaults>
</compile_context>

<pallas_src>
import jax
import jax.numpy as jnp
from jax import lax
from jax.experimental import pallas as pl
from jax.experimental.pallas import tpu as pltpu
from jax.experimental.pallas import tpu_sc as plsc

SEQ_LEN = 200
BATCH = 4096
EMBED_DIM = 64
TOTAL = SEQ_LEN * BATCH

NC = 2
NS = 16
NW = NC * NS

PER_W = TOTAL // NW

IDX_ROW = 128
N_IDX_ROWS = PER_W // IDX_ROW
CHUNK = IDX_ROW
NBUF = 8
LAG = 2
LEAD = NBUF - LAG
NCHUNK = PER_W // CHUNK

VOCAB = 1000000
NTILES = VOCAB // 8
LTB = 16
NLB_TOTAL = NTILES // LTB
LREM_TILES = NTILES - NLB_TOTAL * LTB
LNB = (NLB_TOTAL + NW - 1) // NW


def _launder_kernel(tbl_hbm, out_hbm, buf_v, wide_v, sem_i, sem_o):
    wid = lax.axis_index("s") * NC + lax.axis_index("c")

    def src(g):
        return tbl_hbm.at[pl.ds(g * LTB, LTB)]

    def dst(g):
        return out_hbm.at[pl.ds(g * LTB, LTB)]

    def fire_in(g, s):
        pltpu.async_copy(src(g), buf_v.at[s], sem_i.at[s])

    def wait_in(g, s):
        pltpu.make_async_copy(src(g), buf_v.at[s], sem_i.at[s]).wait()

    def fire_out(g, s):
        pltpu.async_copy(wide_v.at[s], dst(g), sem_o.at[s])

    def wait_out(g, s):
        pltpu.make_async_copy(wide_v.at[s], dst(g), sem_o.at[s]).wait()

    def widen(s):
        def tile(i, carry):
            for j in range(8):
                for k in range(EMBED_DIM // 16):
                    wide_v[s, i, j, pl.ds(k * 16, 16)] = (
                        buf_v[s, i, j, pl.ds(k * 16, 16)]
                    )
            return carry
        lax.fori_loop(0, LTB, tile, 0)

    def batch(b):
        return b * NW + wid

    def guarded(b, fn):
        @pl.when(batch(b) < NLB_TOTAL)
        def _():
            fn(batch(b))

    guarded(0, lambda g: fire_in(g, 0))
    guarded(1, lambda g: fire_in(g, 1))

    def step(b, s):
        def work(g):
            wait_in(g, s)
            widen(s)
            fire_out(g, s)
            wait_out(g, s)
        guarded(b, work)
        guarded(b + 2, lambda g: fire_in(g, s))

    def body(t, carry):
        step(2 * t, 0)
        step(2 * t + 1, 1)
        return carry

    lax.fori_loop(0, LNB // 2, body, 0)
    if LNB % 2:
        step(LNB - 1, (LNB - 1) % 2)

    if LREM_TILES:
        @pl.when(wid == 0)
        def _():
            t0 = NLB_TOTAL * LTB
            pltpu.sync_copy(
                tbl_hbm.at[pl.ds(t0, LREM_TILES)],
                buf_v.at[0, pl.ds(0, LREM_TILES)],
            )
            def tile(i, carry):
                for j in range(8):
                    for k in range(EMBED_DIM // 16):
                        wide_v[0, i, j, pl.ds(k * 16, 16)] = (
                            buf_v[0, i, j, pl.ds(k * 16, 16)]
                        )
                return carry
            lax.fori_loop(0, LREM_TILES, tile, 0)
            pltpu.sync_copy(
                wide_v.at[0, pl.ds(0, LREM_TILES)],
                out_hbm.at[pl.ds(t0, LREM_TILES)],
            )


def _emb_kernel(idx_hbm, table_hbm, out_hbm, idx_v, rows_v, sem_g, sem_o):
    wid = lax.axis_index("s") * NC + lax.axis_index("c")
    base = wid * PER_W

    pltpu.sync_copy(idx_hbm.at[wid], idx_v)

    def fire_gather(c, s):
        pltpu.async_copy(
            table_hbm.at[idx_v.at[c]],
            rows_v.at[s],
            sem_g.at[s],
        )

    def wait_gather(c, s):
        pltpu.make_async_copy(
            table_hbm.at[idx_v.at[c]],
            rows_v.at[s],
            sem_g.at[s],
        ).wait()

    def fire_out(c, s):
        pltpu.async_copy(
            rows_v.at[s],
            out_hbm.at[pl.ds(base + c * CHUNK, CHUNK), pl.ds(0, EMBED_DIM)],
            sem_o.at[s],
        )

    def wait_out(c, s):
        pltpu.make_async_copy(
            rows_v.at[s],
            out_hbm.at[pl.ds(base + c * CHUNK, CHUNK), pl.ds(0, EMBED_DIM)],
            sem_o.at[s],
        ).wait()


    for c in range(LEAD):
        fire_gather(c, c % NBUF)
    for c in range(LAG):
        wait_gather(c, c % NBUF)
        fire_out(c, c % NBUF)
        fire_gather(c + LEAD, (c + LEAD) % NBUF)

    STEADY = NCHUNK - LEAD - LAG
    GROUPS = STEADY // NBUF

    def body(t, carry):
        c0 = LAG + t * NBUF
        for i in range(NBUF):
            c = c0 + i
            s = (LAG + i) % NBUF
            wait_gather(c, s)
            fire_out(c, s)
            wait_out(c - LAG, (s - LAG) % NBUF)
            fire_gather(c + LEAD, (s - LAG) % NBUF)
        return carry

    lax.fori_loop(0, GROUPS, body, 0)

    for c in range(LAG + GROUPS * NBUF, NCHUNK - LEAD):
        s = c % NBUF
        wait_gather(c, s)
        fire_out(c, s)
        wait_out(c - LAG, (c - LAG) % NBUF)
        fire_gather(c + LEAD, (c - LAG) % NBUF)

    for c in range(NCHUNK - LEAD, NCHUNK):
        s = c % NBUF
        wait_gather(c, s)
        fire_out(c, s)
    for c in range(NCHUNK - LEAD - LAG, NCHUNK):
        wait_out(c, c % NBUF)


@jax.jit
def kernel(inp, table):
    mesh = plsc.VectorSubcoreMesh(core_axis_name="c", subcore_axis_name="s")

    padded = pl.kernel(
        _launder_kernel,
        out_type=jax.ShapeDtypeStruct((NTILES, 8, 2 * EMBED_DIM),
                                      jnp.float32),
        mesh=mesh,
        scratch_types=[
            pltpu.VMEM((2, LTB, 8, EMBED_DIM), jnp.float32),
            pltpu.VMEM((2, LTB, 8, 2 * EMBED_DIM), jnp.float32),
            pltpu.SemaphoreType.DMA((2,)),
            pltpu.SemaphoreType.DMA((2,)),
        ],
    )(table.reshape(NTILES, 8, EMBED_DIM))
    flat = padded.reshape(2 * VOCAB, EMBED_DIM)

    idx = (inp * 2).reshape(NW, N_IDX_ROWS, IDX_ROW)
    out = pl.kernel(
        _emb_kernel,
        out_type=jax.ShapeDtypeStruct((TOTAL, 2 * EMBED_DIM), jnp.float32),
        mesh=mesh,
        scratch_types=[
            pltpu.VMEM((N_IDX_ROWS, IDX_ROW), jnp.int32),
            pltpu.VMEM((NBUF, CHUNK, EMBED_DIM), jnp.float32),
            pltpu.SemaphoreType.DMA((NBUF,)),
            pltpu.SemaphoreType.DMA((NBUF,)),
        ],
        compiler_params=pltpu.CompilerParams(use_tc_tiling_on_sc=False),
    )(idx, flat)
    return out.reshape(SEQ_LEN, BATCH, 2 * EMBED_DIM)[:, :, :EMBED_DIM]

# --- scband reference (transcript-rebuilt; emitter-appended) ---
"""Pipeline reference for scband-single-embeddings-30769145708691 (READ-ONLY COPY).

The authoritative reference and input builder live on the scoring server;
editing this copy changes nothing except your own understanding.
"""

import jax, jax.numpy as jnp
import numpy as np

VOCAB = 1000000
EMBED_DIM = 64
SEQ_LEN = 200
BATCH = 4096

def setup_inputs(seed: int = 0) -> dict:
    key = jax.random.key(seed)
    k1, k2 = jax.random.split(key)
    inp = jax.random.randint(k1, (SEQ_LEN, BATCH), 0, VOCAB, dtype=jnp.int32)
    table = jax.random.normal(k2, (VOCAB, EMBED_DIM), dtype=jnp.float32) * 0.02
    return {"inp": inp, "table": table}

def reference(inp, table):
    # embedding lookup: seq_len, batch, word_dim
    embedded_word = jnp.take(table, inp, axis=0)
    # dropout is identity in eval mode
    emb = embedded_word
    return emb

if __name__ == "__main__":
    import jax
    _d = setup_inputs()
    print(jax.jit(kernel)(*tuple(_d.values())))

</pallas_src>

<mosaic_0001>
#map = affine_map<(d0, d1) -> (0, 0, 0)>
module attributes {stable_mosaic.version = 14 : i64} {
  func.func @_launder_kernel(%arg0: i32, %arg1: i32, %arg2: memref<125000x8x64xf32, #tpu.memory_space<hbm>>, %arg3: memref<125000x8x128xf32, #tpu.memory_space<hbm>>, %arg4: memref<2x16x8x64xf32, #tpu.memory_space<vmem>>, %arg5: memref<2x16x8x128xf32, #tpu.memory_space<vmem>>, %arg6: memref<2x!tpu.dma_semaphore, #tpu.memory_space<semaphore_mem>>, %arg7: memref<2x!tpu.dma_semaphore, #tpu.memory_space<semaphore_mem>>) attributes {dimension_semantics = [#tpu.dimension_semantics<core_parallel>, #tpu.dimension_semantics<subcore_parallel>], iteration_bounds = array<i64: 2, 16>, scalar_prefetch = 0 : i64, scratch_operands = 4 : i64, tpu.core_type = #tpu.core_type<sc_vector_subcore>, window_params = [{transform_indices = #map}, {transform_indices = #map}]} {
    %mul3A = arith.constant 2 : i32
    %mul3A_0 = arith.muli %arg1, %mul3A : i32
    %add3A = arith.addi %mul3A_0, %arg0 : i32
    %add3A_1 = arith.constant 0 : i32
    %add3A_2 = arith.addi %add3A_1, %add3A : i32
    %lt3A = arith.constant 7812 : i32
    %lt3A_3 = arith.cmpi slt, %add3A_2, %lt3A : i32
    %convert_element_type3A = arith.extui %lt3A_3 : i1 to i32
    %cond3A = arith.constant 0 : i32
    %cond3A_4 = arith.cmpi ne, %convert_element_type3A, %cond3A : i32
    scf.if %cond3A_4 {
      %add3A_35 = arith.constant 0 : i32
      %add3A_36 = arith.addi %add3A_35, %add3A : i32
      %mul3A_37 = arith.constant 16 : i32
      %mul3A_38 = arith.muli %add3A_36, %mul3A_37 : i32
      %dma_start3A = arith.constant 0 : i32
      %dma_start3A_39 = arith.constant 0 : i32
      %dma_start3A_40 = arith.constant 0 : i32
      %dma_start3A_41 = arith.constant 0 : i32
      %dma_start3A_42 = arith.constant 0 : i32
      %dma_start3A_43 = tpu.memref_slice %arg4[%dma_start3A, %dma_start3A_40, %dma_start3A_41, %dma_start3A_42] : memref<2x16x8x64xf32, #tpu.memory_space<vmem>> -> memref<1x16x8x64xf32, #tpu.memory_space<vmem>>
      %dma_start3A_44 = tpu.memref_squeeze %dma_start3A_43 : memref<1x16x8x64xf32, #tpu.memory_space<vmem>> -> memref<16x8x64xf32, #tpu.memory_space<vmem>>
      %dma_start3A_45 = arith.constant 0 : i32
      %dma_start3A_46 = arith.constant 0 : i32
      %dma_start3A_47 = tpu.memref_slice %arg2[%mul3A_38, %dma_start3A_45, %dma_start3A_46] : memref<125000x8x64xf32, #tpu.memory_space<hbm>> -> memref<16x8x64xf32, #tpu.memory_space<hbm>>
      %dma_start3A_48 = tpu.memref_slice %arg6[%dma_start3A_39] : memref<2x!tpu.dma_semaphore, #tpu.memory_space<semaphore_mem>> -> memref<1x!tpu.dma_semaphore, #tpu.memory_space<semaphore_mem>>
      %dma_start3A_49 = tpu.memref_squeeze %dma_start3A_48 : memref<1x!tpu.dma_semaphore, #tpu.memory_space<semaphore_mem>> -> memref<!tpu.dma_semaphore, #tpu.memory_space<semaphore_mem>>
      %dma_start3A_50 = arith.constant 0 : i32
      %dma_start3A_51 = arith.constant 0 : i32
      %dma_start3A_52 = arith.constant 0 : i32
      %dma_start3A_53 = tpu.memref_slice %arg4[%dma_start3A, %dma_start3A_50, %dma_start3A_51, %dma_start3A_52] : memref<2x16x8x64xf32, #tpu.memory_space<vmem>> -> memref<1x16x8x64xf32, #tpu.memory_space<vmem>>
      %dma_start3A_54 = tpu.memref_squeeze %dma_start3A_53 : memref<1x16x8x64xf32, #tpu.memory_space<vmem>> -> memref<16x8x64xf32, #tpu.memory_space<vmem>>
      %dma_start3A_55 = arith.constant 0 : i32
      %dma_start3A_56 = arith.constant 0 : i32
      %dma_start3A_57 = tpu.memref_slice %arg2[%mul3A_38, %dma_start3A_55, %dma_start3A_56] : memref<125000x8x64xf32, #tpu.memory_space<hbm>> -> memref<16x8x64xf32, #tpu.memory_space<hbm>>
      tpu.enqueue_dma source(%dma_start3A_57 : memref<16x8x64xf32, #tpu.memory_space<hbm>>) target(%dma_start3A_54 : memref<16x8x64xf32, #tpu.memory_space<vmem>>) target_semaphore(%dma_start3A_49 : memref<!tpu.dma_semaphore, #tpu.memory_space<semaphore_mem>>)
    } else {
    }
    %add3A_5 = arith.constant 32 : i32
    %add3A_6 = arith.addi %add3A_5, %add3A : i32
    %lt3A_7 = arith.constant 7812 : i32
    %lt3A_8 = arith.cmpi slt, %add3A_6, %lt3A_7 : i32
    %convert_element_type3A_9 = arith.extui %lt3A_8 : i1 to i32
    %cond3A_10 = arith.constant 0 : i32
    %cond3A_11 = arith.cmpi ne, %convert_element_type3A_9, %cond3A_10 : i32
    scf.if %cond3A_11 {
      %add3A_35 = arith.constant 32 : i32
      %add3A_36 = arith.addi %add3A_35, %add3A : i32
      %mul3A_37 = arith.constant 16 : i32
      %mul3A_38 = arith.muli %add3A_36, %mul3A_37 : i32
      %dma_start3A = arith.constant 1 : i32
      %dma_start3A_39 = arith.constant 1 : i32
      %dma_start3A_40 = arith.constant 0 : i32
      %dma_start3A_41 = arith.constant 0 : i32
      %dma_start3A_42 = arith.constant 0 : i32
      %dma_start3A_43 = tpu.memref_slice %arg4[%dma_start3A, %dma_start3A_40, %dma_start3A_41, %dma_start3A_42] : memref<2x16x8x64xf32, #tpu.memory_space<vmem>> -> memref<1x16x8x64xf32, #tpu.memory_space<vmem>>
      %dma_start3A_44 = tpu.memref_squeeze %dma_start3A_43 : memref<1x16x8x64xf32, #tpu.memory_space<vmem>> -> memref<16x8x64xf32, #tpu.memory_space<vmem>>
      %dma_start3A_45 = arith.constant 0 : i32
      %dma_start3A_46 = arith.constant 0 : i32
      %dma_start3A_47 = tpu.memref_slice %arg2[%mul3A_38, %dma_start3A_45, %dma_start3A_46] : memref<125000x8x64xf32, #tpu.memory_space<hbm>> -> memref<16x8x64xf32, #tpu.memory_space<hbm>>
      %dma_start3A_48 = tpu.memref_slice %arg6[%dma_start3A_39] : memref<2x!tpu.dma_semaphore, #tpu.memory_space<semaphore_mem>> -> memref<1x!tpu.dma_semaphore, #tpu.memory_space<semaphore_mem>>
      %dma_start3A_49 = tpu.memref_squeeze %dma_start3A_48 : memref<1x!tpu.dma_semaphore, #tpu.memory_space<semaphore_mem>> -> memref<!tpu.dma_semaphore, #tpu.memory_space<semaphore_mem>>
      %dma_start3A_50 = arith.constant 0 : i32
      %dma_start3A_51 = arith.constant 0 : i32
      %dma_start3A_52 = arith.constant 0 : i32
      %dma_start3A_53 = tpu.memref_slice %arg4[%dma_start3A, %dma_start3A_50, %dma_start3A_51, %dma_start3A_52] : memref<2x16x8x64xf32, #tpu.memory_space<vmem>> -> memref<1x16x8x64xf32, #tpu.memory_space<vmem>>
      %dma_start3A_54 = tpu.memref_squeeze %dma_start3A_53 : memref<1x16x8x64xf32, #tpu.memory_space<vmem>> -> memref<16x8x64xf32, #tpu.memory_space<vmem>>
      %dma_start3A_55 = arith.constant 0 : i32
      %dma_start3A_56 = arith.constant 0 : i32
      %dma_start3A_57 = tpu.memref_slice %arg2[%mul3A_38, %dma_start3A_55, %dma_start3A_56] : memref<125000x8x64xf32, #tpu.memory_space<hbm>> -> memref<16x8x64xf32, #tpu.memory_space<hbm>>
      tpu.enqueue_dma source(%dma_start3A_57 : memref<16x8x64xf32, #tpu.memory_space<hbm>>) target(%dma_start3A_54 : memref<16x8x64xf32, #tpu.memory_space<vmem>>) target_semaphore(%dma_start3A_49 : memref<!tpu.dma_semaphore, #tpu.memory_space<semaphore_mem>>)
    } else {
    }
    %scan3A = arith.constant 0 : i32
    %scan3A_12 = arith.constant 0 : i32
    %scan3A_13 = arith.constant 122 : i32
    %scan3A_14 = arith.addi %scan3A_12, %scan3A_13 : i32
    %scan3A_15 = arith.constant 1 : i32
    scf.for %scan3A_35 = %scan3A_12 to %scan3A_14 step %scan3A_15  : i32 {
      %mul3A_36 = arith.constant 2 : i32
      %mul3A_37 = arith.muli %mul3A_36, %scan3A_35 : i32
      %mul3A_38 = arith.constant 32 : i32
      %mul3A_39 = arith.muli %mul3A_37, %mul3A_38 : i32
      %add3A_40 = arith.addi %mul3A_39, %add3A : i32
      %lt3A_41 = arith.constant 7812 : i32
      %lt3A_42 = arith.cmpi slt, %add3A_40, %lt3A_41 : i32
      %convert_element_type3A_43 = arith.extui %lt3A_42 : i1 to i32
      %cond3A_44 = arith.constant 0 : i32
      %cond3A_45 = arith.cmpi ne, %convert_element_type3A_43, %cond3A_44 : i32
      scf.if %cond3A_45 {
        %mul3A_78 = arith.constant 32 : i32
        %mul3A_79 = arith.muli %mul3A_37, %mul3A_78 : i32
        %add3A_80 = arith.addi %mul3A_79, %add3A : i32
        %mul3A_81 = arith.constant 16 : i32
        %mul3A_82 = arith.muli %add3A_80, %mul3A_81 : i32
        %dma_wait3A = arith.constant 0 : i32
        %dma_wait3A_83 = arith.constant 0 : i32
        %dma_wait3A_84 = arith.constant 0 : i32
        %dma_wait3A_85 = arith.constant 0 : i32
        %dma_wait3A_86 = arith.constant 0 : i32
        %dma_wait3A_87 = tpu.memref_slice %arg4[%dma_wait3A, %dma_wait3A_84, %dma_wait3A_85, %dma_wait3A_86] : memref<2x16x8x64xf32, #tpu.memory_space<vmem>> -> memref<1x16x8x64xf32, #tpu.memory_space<vmem>>
        %dma_wait3A_88 = tpu.memref_squeeze %dma_wait3A_87 : memref<1x16x8x64xf32, #tpu.memory_space<vmem>> -> memref<16x8x64xf32, #tpu.memory_space<vmem>>
        %dma_wait3A_89 = arith.constant 0 : i32
        %dma_wait3A_90 = arith.constant 0 : i32
        %dma_wait3A_91 = tpu.memref_slice %arg2[%mul3A_82, %dma_wait3A_89, %dma_wait3A_90] : memref<125000x8x64xf32, #tpu.memory_space<hbm>> -> memref<16x8x64xf32, #tpu.memory_space<hbm>>
        %dma_wait3A_92 = tpu.memref_slice %arg6[%dma_wait3A_83] : memref<2x!tpu.dma_semaphore, #tpu.memory_space<semaphore_mem>> -> memref<1x!tpu.dma_semaphore, #tpu.memory_space<semaphore_mem>>
        %dma_wait3A_93 = tpu.memref_squeeze %dma_wait3A_92 : memref<1x!tpu.dma_semaphore, #tpu.memory_space<semaphore_mem>> -> memref<!tpu.dma_semaphore, #tpu.memory_space<semaphore_mem>>
        %dma_wait3A_94 = arith.constant 0 : i32
        %dma_wait3A_95 = arith.constant 0 : i32
        %dma_wait3A_96 = arith.constant 0 : i32
        %dma_wait3A_97 = tpu.memref_slice %arg4[%dma_wait3A, %dma_wait3A_94, %dma_wait3A_95, %dma_wait3A_96] : memref<2x16x8x64xf32, #tpu.memory_space<vmem>> -> memref<1x16x8x64xf32, #tpu.memory_space<vmem>>
        %dma_wait3A_98 = tpu.memref_squeeze %dma_wait3A_97 : memref<1x16x8x64xf32, #tpu.memory_space<vmem>> -> memref<16x8x64xf32, #tpu.memory_space<vmem>>
        %dma_wait3A_99 = arith.constant 0 : i32
        %dma_wait3A_100 = arith.constant 0 : i32
        %dma_wait3A_101 = tpu.memref_slice %arg2[%mul3A_82, %dma_wait3A_99, %dma_wait3A_100] : memref<125000x8x64xf32, #tpu.memory_space<hbm>> -> memref<16x8x64xf32, #tpu.memory_space<hbm>>
        tpu.wait_dma2 semaphore(%dma_wait3A_93 : memref<!tpu.dma_semaphore, #tpu.memory_space<semaphore_mem>>) src(%dma_wait3A_101 : memref<16x8x64xf32, #tpu.memory_space<hbm>>) dst(%dma_wait3A_98 : memref<16x8x64xf32, #tpu.memory_space<vmem>>)
        %scan3A_102 = arith.constant 0 : i32
        %scan3A_103 = arith.constant 0 : i32
        %scan3A_104 = arith.constant 16 : i32
        %scan3A_105 = arith.addi %scan3A_103, %scan3A_104 : i32
        %scan3A_106 = arith.constant 1 : i32
        scf.for %scan3A_151 = %scan3A_103 to %scan3A_105 step %scan3A_106  : i32 {
          %get3A = arith.constant 0 : i32
          %get3A_152 = arith.constant 0 : i32
          %get3A_153 = arith.index_cast %get3A : i32 to index
          %get3A_154 = arith.index_cast %scan3A_151 : i32 to index
          %get3A_155 = arith.index_cast %get3A_152 : i32 to index
          %get3A_156 = arith.constant 0 : index
          %get3A_157 = tpu.vector_load %arg4[%get3A_153, %get3A_154, %get3A_155, %get3A_156] {strides = array<i32>} : memref<2x16x8x64xf32, #tpu.memory_space<vmem>>, vector<1x1x1x16xf32>,
          %get3A_158 = vector.shape_cast %get3A_157 : vector<1x1x1x16xf32> to vector<16xf32>
          %swap3A = arith.constant 0 : i32
          %swap3A_159 = arith.constant 0 : i32
          %swap3A_160 = arith.index_cast %swap3A : i32 to index
          %swap3A_161 = arith.index_cast %scan3A_151 : i32 to index
          %swap3A_162 = arith.index_cast %swap3A_159 : i32 to index
          %swap3A_163 = arith.constant 0 : index
          %swap3A_164 = tpu.vector_load %arg5[%swap3A_160, %swap3A_161, %swap3A_162, %swap3A_163] {strides = array<i32>} : memref<2x16x8x128xf32, #tpu.memory_space<vmem>>, vector<1x1x1x16xf32>,
          %swap3A_165 = vector.shape_cast %swap3A_164 : vector<1x1x1x16xf32> to vector<16xf32>
          %swap3A_166 = vector.shape_cast %get3A_158 : vector<16xf32> to vector<1x1x1x16xf32>
          tpu.vector_store %arg5[%swap3A_160, %swap3A_161, %swap3A_162, %swap3A_163], %swap3A_166 {strides = array<i32>} : memref<2x16x8x128xf32, #tpu.memory_space<vmem>>, vector<1x1x1x16xf32>,
          %get3A_167 = arith.constant 0 : i32
          %get3A_168 = arith.constant 0 : i32
          %get3A_169 = arith.index_cast %get3A_167 : i32 to index
          %get3A_170 = arith.index_cast %scan3A_151 : i32 to index
          %get3A_171 = arith.index_cast %get3A_168 : i32 to index
          %get3A_172 = arith.constant 16 : index
          %get3A_173 = tpu.vector_load %arg4[%get3A_169, %get3A_170, %get3A_171, %get3A_172] {strides = array<i32>} : memref<2x16x8x64xf32, #tpu.memory_space<vmem>>, vector<1x1x1x16xf32>,
          %get3A_174 = vector.shape_cast %get3A_173 : vector<1x1x1x16xf32> to vector<16xf32>
          %swap3A_175 = arith.constant 0 : i32
          %swap3A_176 = arith.constant 0 : i32
          %swap3A_177 = arith.index_cast %swap3A_175 : i32 to index
          %swap3A_178 = arith.index_cast %scan3A_151 : i32 to index
          %swap3A_179 = arith.index_cast %swap3A_176 : i32 to index
          %swap3A_180 = arith.constant 16 : index
          %swap3A_181 = tpu.vector_load %arg5[%swap3A_177, %swap3A_178, %swap3A_179, %swap3A_180] {strides = array<i32>} : memref<2x16x8x128xf32, #tpu.memory_space<vmem>>, vector<1x1x1x16xf32>,
          %swap3A_182 = vector.shape_cast %swap3A_181 : vector<1x1x1x16xf32> to vector<16xf32>
          %swap3A_183 = vector.shape_cast %get3A_174 : vector<16xf32> to vector<1x1x1x16xf32>
          tpu.vector_store %arg5[%swap3A_177, %swap3A_178, %swap3A_179, %swap3A_180], %swap3A_183 {strides = array<i32>} : memref<2x16x8x128xf32, #tpu.memory_space<vmem>>, vector<1x1x1x16xf32>,
          %get3A_184 = arith.constant 0 : i32
          %get3A_185 = arith.constant 0 : i32
          %get3A_186 = arith.index_cast %get3A_184 : i32 to index
          %get3A_187 = arith.index_cast %scan3A_151 : i32 to index
          %get3A_188 = arith.index_cast %get3A_185 : i32 to index
          %get3A_189 = arith.constant 32 : index
          %get3A_190 = tpu.vector_load %arg4[%get3A_186, %get3A_187, %get3A_188, %get3A_189] {strides = array<i32>} : memref<2x16x8x64xf32, #tpu.memory_space<vmem>>, vector<1x1x1x16xf32>,
          %get3A_191 = vector.shape_cast %get3A_190 : vector<1x1x1x16xf32> to vector<16xf32>
          %swap3A_192 = arith.constant 0 : i32
          %swap3A_193 = arith.constant 0 : i32
          %swap3A_194 = arith.index_cast %swap3A_192 : i32 to index
          %swap3A_195 = arith.index_cast %scan3A_151 : i32 to index
          %swap3A_196 = arith.index_cast %swap3A_193 : i32 to index
          %swap3A_197 = arith.constant 32 : index
          %swap3A_198 = tpu.vector_load %arg5[%swap3A_194, %swap3A_195, %swap3A_196, %swap3A_197] {strides = array<i32>} : memref<2x16x8x128xf32, #tpu.memory_space<vmem>>, vector<1x1x1x16xf32>,
          %swap3A_199 = vector.shape_cast %swap3A_198 : vector<1x1x1x16xf32> to vector<16xf32>
          %swap3A_200 = vector.shape_cast %get3A_191 : vector<16xf32> to vector<1x1x1x16xf32>
          tpu.vector_store %arg5[%swap3A_194, %swap3A_195, %swap3A_196, %swap3A_197], %swap3A_200 {strides = array<i32>} : memref<2x16x8x128xf32, #tpu.memory_space<vmem>>, vector<1x1x1x16xf32>,
          %get3A_201 = arith.constant 0 : i32
          %get3A_202 = arith.constant 0 : i32
          %get3A_203 = arith.index_cast %get3A_201 : i32 to index
          %get3A_204 = arith.index_cast %scan3A_151 : i32 to index
          %get3A_205 = arith.index_cast %get3A_202 : i32 to index
          %get3A_206 = arith.constant 48 : index
          %get3A_207 = tpu.vector_load %arg4[%get3A_203, %get3A_204, %get3A_205, %get3A_206] {strides = array<i32>} : memref<2x16x8x64xf32, #tpu.memory_space<vmem>>, vector<1x1x1x16xf32>,
          %get3A_208 = vector.shape_cast %get3A_207 : vector<1x1x1x16xf32> to vector<16xf32>
          %swap3A_209 = arith.constant 0 : i32
          %swap3A_210 = arith.constant 0 : i32
          %swap3A_211 = arith.index_cast %swap3A_209 : i32 to index
          %swap3A_212 = arith.index_cast %scan3A_151 : i32 to index
          %swap3A_213 = arith.index_cast %swap3A_210 : i32 to index
          %swap3A_214 = arith.constant 48 : index
          %swap3A_215 = tpu.vector_load %arg5[%swap3A_211, %swap3A_212, %swap3A_213, %swap3A_214] {strides = array<i32>} : memref<2x16x8x128xf32, #tpu.memory_space<vmem>>, vector<1x1x1x16xf32>,
          %swap3A_216 = vector.shape_cast %swap3A_215 : vector<1x1x1x16xf32> to vector<16xf32>
          %swap3A_217 = vector.shape_cast %get3A_208 : vector<16xf32> to vector<1x1x1x16xf32>
          tpu.vector_store %arg5[%swap3A_211, %swap3A_212, %swap3A_213, %swap3A_214], %swap3A_217 {strides = array<i32>} : memref<2x16x8x128xf32, #tpu.memory_space<vmem>>, vector<1x1x1x16xf32>,
          %get3A_218 = arith.constant 0 : i32
          %get3A_219 = arith.constant 1 : i32
          %get3A_220 = arith.index_cast %get3A_218 : i32 to index
          %get3A_221 = arith.index_cast %scan3A_151 : i32 to index
          %get3A_222 = arith.index_cast %get3A_219 : i32 to index
          %get3A_223 = arith.constant 0 : index
          %get3A_224 = tpu.vector_load %arg4[%get3A_220, %get3A_221, %get3A_222, %get3A_223] {strides = array<i32>} : memref<2x16x8x64xf32, #tpu.memory_space<vmem>>, vector<1x1x1x16xf32>,
          %get3A_225 = vector.shape_cast %get3A_224 : vector<1x1x1x16xf32> to vector<16xf32>
          %swap3A_226 = arith.constant 0 : i32
          %swap3A_227 = arith.constant 1 : i32
          %swap3A_228 = arith.index_cast %swap3A_226 : i32 to index
          %swap3A_229 = arith.index_cast %scan3A_151 : i32 to index
          %swap3A_230 = arith.index_cast %swap3A_227 : i32 to index
          %swap3A_231 = arith.constant 0 : index
          %swap3A_232 = tpu.vector_load %arg5[%swap3A_228, %swap3A_229, %swap3A_230, %swap3A_231] {strides = array<i32>} : memref<2x16x8x128xf32, #tpu.memory_space<vmem>>, vector<1x1x1x16xf32>,
          %swap3A_233 = vector.shape_cast %swap3A_232 : vector<1x1x1x16xf32> to vector<16xf32>
          %swap3A_234 = vector.shape_cast %get3A_225 : vector<16xf32> to vector<1x1x1x16xf32>
          tpu.vector_store %arg5[%swap3A_228, %swap3A_229, %swap3A_230, %swap3A_231], %swap3A_234 {strides = array<i32>} : memref<2x16x8x128xf32, #tpu.memory_space<vmem>>, vector<1x1x1x16xf32>,
          %get3A_235 = arith.constant 0 : i32
          %get3A_236 = arith.constant 1 : i32
          %get3A_237 = arith.index_cast %get3A_235 : i32 to index
          %get3A_238 = arith.index_cast %scan3A_151 : i32 to index
          %get3A_239 = arith.index_cast %get3A_236 : i32 to index
          %get3A_240 = arith.constant 16 : index
          %get3A_241 = tpu.vector_load %arg4[%get3A_237, %get3A_238, %get3A_239, %get3A_240] {strides = array<i32>} : memref<2x16x8x64xf32, #tpu.memory_space<vmem>>, vector<1x1x1x16xf32>,
          %get3A_242 = vector.shape_cast %get3A_241 : vector<1x1x1x16xf32> to vector<16xf32>
          %swap3A_243 = arith.constant 0 : i32
          %swap3A_244 = arith.constant 1 : i32
          %swap3A_245 = arith.index_cast %swap3A_243 : i32 to index
          %swap3A_246 = arith.index_cast %scan3A_151 : i32 to index
          %swap3A_247 = arith.index_cast %swap3A_244 : i32 to index
          %swap3A_248 = arith.constant 16 : index
          %swap3A_249 = tpu.vector_load %arg5[%swap3A_245, %swap3A_246, %swap3A_247, %swap3A_248] {strides = array<i32>} : memref<2x16x8x128xf32, #tpu.memory_space<vmem>>, vector<1x1x1x16xf32>,
          %swap3A_250 = vector.shape_cast %swap3A_249 : vector<1x1x1x16xf32> to vector<16xf32>
          %swap3A_251 = vector.shape_cast %get3A_242 : vector<16xf32> to vector<1x1x1x16xf32>
          tpu.vector_store %arg5[%swap3A_245, %swap3A_246, %swap3A_247, %swap3A_248], %swap3A_251 {strides = array<i32>} : memref<2x16x8x128xf32, #tpu.memory_space<vmem>>, vector<1x1x1x16xf32>,
          %get3A_252 = arith.constant 0 : i32
          %get3A_253 = arith.constant 1 : i32
          %get3A_254 = arith.index_cast %get3A_252 : i32 to index
          %get3A_255 = arith.index_cast %scan3A_151 : i32 to index
          %get3A_256 = arith.index_cast %get3A_253 : i32 to index
          %get3A_257 = arith.constant 32 : index
          %get3A_258 = tpu.vector_load %arg4[%get3A_254, %get3A_255, %get3A_256, %get3A_257] {strides = array<i32>} : memref<2x16x8x64xf32, #tpu.memory_space<vmem>>, vector<1x1x1x16xf32>,
          %get3A_259 = vector.shape_cast %get3A_258 : vector<1x1x1x16xf32> to vector<16xf32>
          %swap3A_260 = arith.constant 0 : i32
          %swap3A_261 = arith.constant 1 : i32
          %swap3A_262 = arith.index_cast %swap3A_260 : i32 to index
          %swap3A_263 = arith.index_cast %scan3A_151 : i32 to index
          %swap3A_264 = arith.index_cast %swap3A_261 : i32 to index
          %swap3A_265 = arith.constant 32 : index
          %swap3A_266 = tpu.vector_load %arg5[%swap3A_262, %swap3A_263, %swap3A_264, %swap3A_265] {strides = array<i32>} : memref<2x16x8x128xf32, #tpu.memory_space<vmem>>, vector<1x1x1x16xf32>,
          %swap3A_267 = vector.shape_cast %swap3A_266 : vector<1x1x1x16xf32> to vector<16xf32>
          %swap3A_268 = vector.shape_cast %get3A_259 : vector<16xf32> to vector<1x1x1x16xf32>
          tpu.vector_store %arg5[%swap3A_262, %swap3A_263, %swap3A_264, %swap3A_265], %swap3A_268 {strides = array<i32>} : memref<2x16x8x128xf32, #tpu.memory_space<vmem>>, vector<1x1x1x16xf32>,
          %get3A_269 = arith.constant 0 : i32
          %get3A_270 = arith.constant 1 : i32
          %get3A_271 = arith.index_cast %get3A_269 : i32 to index
          %get3A_272 = arith.index_cast %scan3A_151 : i32 to index
          %get3A_273 = arith.index_cast %get3A_270 : i32 to index
          %get3A_274 = arith.constant 48 : index
          %get3A_275 = tpu.vector_load %arg4[%get3A_271, %get3A_272, %get3A_273, %get3A_274] {strides = array<i32>} : memref<2x16x8x64xf32, #tpu.memory_space<vmem>>, vector<1x1x1x16xf32>,
          %get3A_276 = vector.shape_cast %get3A_275 : vector<1x1x1x16xf32> to vector<16xf32>
          %swap3A_277 = arith.constant 0 : i32
          %swap3A_278 = arith.constant 1 : i32
          %swap3A_279 = arith.index_cast %swap3A_277 : i32 to index
          %swap3A_280 = arith.index_cast %scan3A_151 : i32 to index
          %swap3A_281 = arith.index_cast %swap3A_278 : i32 to index
          %swap3A_282 = arith.constant 48 : index
          %swap3A_283 = tpu.vector_load %arg5[%swap3A_279, %swap3A_280, %swap3A_281, %swap3A_282] {strides = array<i32>} : memref<2x16x8x128xf32, #tpu.memory_space<vmem>>, vector<1x1x1x16xf32>,
          %swap3A_284 = vector.shape_cast %swap3A_283 : vector<1x1x1x16xf32> to vector<16xf32>
          %swap3A_285 = vector.shape_cast %get3A_276 : vector<16xf32> to vector<1x1x1x16xf32>
          tpu.vector_store %arg5[%swap3A_279, %swap3A_280, %swap3A_281, %swap3A_282], %swap3A_285 {strides = array<i32>} : memref<2x16x8x128xf32, #tpu.memory_space<vmem>>, vector<1x1x1x16xf32>,
          %get3A_286 = arith.constant 0 : i32
          %get3A_287 = arith.constant 2 : i32
          %get3A_288 = arith.index_cast %get3A_286 : i32 to index
          %get3A_289 = arith.index_cast %scan3A_151 : i32 to index
          %get3A_290 = arith.index_cast %get3A_287 : i32 to index
          %get3A_291 = arith.constant 0 : index
          %get3A_292 = tpu.vector_load %arg4[%get3A_288, %get3A_289, %get3A_290, %get3A_291] {strides = array<i32>} : memref<2x16x8x64xf32, #tpu.memory_space<vmem>>, vector<1x1x1x16xf32>,
          %get3A_293 = vector.shape_cast %get3A_292 : vector<1x1x1x16xf32> to vector<16xf32>
          %swap3A_294 = arith.constant 0 : i32
          %swap3A_295 = arith.constant 2 : i32
          %swap3A_296 = arith.index_cast %swap3A_294 : i32 to index
          %swap3A_297 = arith.index_cast %scan3A_151 : i32 to index
          %swap3A_298 = arith.index_cast %swap3A_295 : i32 to index
          %swap3A_299 = arith.constant 0 : index
          %swap3A_300 = tpu.vector_load %arg5[%swap3A_296, %swap3A_297, %swap3A_298, %swap3A_299] {strides = array<i32>} : memref<2x16x8x128xf32, #tpu.memory_space<vmem>>, vector<1x1x1x16xf32>,
          %swap3A_301 = vector.shape_cast %swap3A_300 : vector<1x1x1x16xf32> to vector<16xf32>
          %swap3A_302 = vector.shape_cast %get3A_293 : vector<16xf32> to vector<1x1x1x16xf32>
          tpu.vector_store %arg5[%swap3A_296, %swap3A_297, %swap3A_298, %swap3A_299], %swap3A_302 {strides = array<i32>} : memref<2x16x8x128xf32, #tpu.memory_space<vmem>>, vector<1x1x1x16xf32>,
          %get3A_303 = arith.constant 0 : i32
          %get3A_304 = arith.constant 2 : i32
          %get3A_305 = arith.index_cast %get3A_303 : i32 to index
          %get3A_306 = arith.index_cast %scan3A_151 : i32 to index
          %get3A_307 = arith.index_cast %get3A_304 : i32 to index
          %get3A_308 = arith.constant 16 : index
          %get3A_309 = tpu.vector_load %arg4[%get3A_305, %get3A_306, %get3A_307, %get3A_308] {strides = array<i32>} : memref<2x16x8x64xf32, #tpu.memory_space<vmem>>, vector<1x1x1x16xf32>,
          %get3A_310 = vector.shape_cast %get3A_309 : vector<1x1x1x16xf32> to vector<16xf32>
          %swap3A_311 = arith.constant 0 : i32
          %swap3A_312 = arith.constant 2 : i32
          %swap3A_313 = arith.index_cast %swap3A_311 : i32 to index
          %swap3A_314 = arith.index_cast %scan3A_151 : i32 to index
          %swap3A_315 = arith.index_cast %swap3A_312 : i32 to index
          %swap3A_316 = arith.constant 16 : index
          %swap3A_317 = tpu.vector_load %arg5[%swap3A_313, %swap3A_314, %swap3A_315, %swap3A_316] {strides = array<i32>} : memref<2x16x8x128xf32, #tpu.memory_space<vmem>>, vector<1x1x1x16xf32>,
          %swap3A_318 = vector.shape_cast %swap3A_317 : vector<1x1x1x16xf32> to vector<16xf32>
          %swap3A_319 = vector.shape_cast %get3A_310 : vector<16xf32> to vector<1x1x1x16xf32>
          tpu.vector_store %arg5[%swap3A_313, %swap3A_314, %swap3A_315, %swap3A_316], %swap3A_319 {strides = array<i32>} : memref<2x16x8x128xf32, #tpu.memory_space<vmem>>, vector<1x1x1x16xf32>,
          %get3A_320 = arith.constant 0 : i32
          %get3A_321 = arith.constant 2 : i32
          %get3A_322 = arith.index_cast %get3A_320 : i32 to index
          %get3A_323 = arith.index_cast %scan3A_151 : i32 to index
          %get3A_324 = arith.index_cast %get3A_321 : i32 to index
          %get3A_325 = arith.constant 32 : index
          %get3A_326 = tpu.vector_load %arg4[%get3A_322, %get3A_323, %get3A_324, %get3A_325] {strides = array<i32>} : memref<2x16x8x64xf32, #tpu.memory_space<vmem>>, vector<1x1x1x16xf32>,
          %get3A_327 = vector.shape_cast %get3A_326 : vector<1x1x1x16xf32> to vector<16xf32>
          %swap3A_328 = arith.constant 0 : i32
          %swap3A_329 = arith.constant 2 : i32
          %swap3A_330 = arith.index_cast %swap3A_328 : i32 to index
          %swap3A_331 = arith.index_cast %scan3A_151 : i32 to index
          %swap3A_332 = arith.index_cast %swap3A_329 : i32 to index
          %swap3A_333 = arith.constant 32 : index
          %swap3A_334 = tpu.vector_load %arg5[%swap3A_330, %swap3A_331, %swap3A_332, %swap3A_333] {strides = array<i32>} : memref<2x16x8x128xf32, #tpu.memory_space<vmem>>, vector<1x1x1x16xf32>,
          %swap3A_335 = vector.shape_cast %swap3A_334 : vector<1x1x1x16xf32> to vector<16xf32>
          %swap3A_336 = vector.shape_cast %get3A_327 : vector<16xf32> to vector<1x1x1x16xf32>
          tpu.vector_store %arg5[%swap3A_330, %swap3A_331, %swap3A_332, %swap3A_333], %swap3A_336 {strides = array<i32>} : memref<2x16x8x128xf32, #tpu.memory_space<vmem>>, vector<1x1x1x16xf32>,
          %get3A_337 = arith.constant 0 : i32
          %get3A_338 = arith.constant 2 : i32
          %get3A_339 = arith.index_cast %get3A_337 : i32 to index
          %get3A_340 = arith.index_cast %scan3A_151 : i32 to index
          %get3A_341 = arith.index_cast %get3A_338 : i32 to index
          %get3A_342 = arith.constant 48 : index
          %get3A_343 = tpu.vector_load %arg4[%get3A_339, %get3A_340, %get3A_341, %get3A_342] {strides = array<i32>} : memref<2x16x8x64xf32, #tpu.memory_space<vmem>>, vector<1x1x1x16xf32>,
          %get3A_344 = vector.shape_cast %get3A_343 : vector<1x1x1x16xf32> to vector<16xf32>
          %swap3A_345 = arith.constant 0 : i32
          %swap3A_346 = arith.constant 2 : i32
          %swap3A_347 = arith.index_cast %swap3A_345 : i32 to index
          %swap3A_348 = arith.index_cast %scan3A_151 : i32 to index
          %swap3A_349 = arith.index_cast %swap3A_346 : i32 to index
          %swap3A_350 = arith.constant 48 : index
          %swap3A_351 = tpu.vector_load %arg5[%swap3A_347, %swap3A_348, %swap3A_349, %swap3A_350] {strides = array<i32>} : memref<2x16x8x128xf32, #tpu.memory_space<vmem>>, vector<1x1x1x16xf32>,
          %swap3A_352 = vector.shape_cast %swap3A_351 : vector<1x1x1x16xf32> to vector<16xf32>
          %swap3A_353 = vector.shape_cast %get3A_344 : vector<16xf32> to vector<1x1x1x16xf32>
          tpu.vector_store %arg5[%swap3A_347, %swap3A_348, %swap3A_349, %swap3A_350], %swap3A_353 {strides = array<i32>} : memref<2x16x8x128xf32, #tpu.memory_space<vmem>>, vector<1x1x1x16xf32>,
          %get3A_354 = arith.constant 0 : i32
          %get3A_355 = arith.constant 3 : i32
          %get3A_356 = arith.index_cast %get3A_354 : i32 to index
          %get3A_357 = arith.index_cast %scan3A_151 : i32 to index
          %get3A_358 = arith.index_cast %get3A_355 : i32 to index
          %get3A_359 = arith.constant 0 : index
          %get3A_360 = tpu.vector_load %arg4[%get3A_356, %get3A_357, %get3A_358, %get3A_359] {strides = array<i32>} : memref<2x16x8x64xf32, #tpu.memory_space<vmem>>, vector<1x1x1x16xf32>,
          %get3A_361 = vector.shape_cast %get3A_360 : vector<1x1x1x16xf32> to vector<16xf32>
          %swap3A_362 = arith.constant 0 : i32
          %swap3A_363 = arith.constant 3 : i32
          %swap3A_364 = arith.index_cast %swap3A_362 : i32 to index
          %swap3A_365 = arith.index_cast %scan3A_151 : i32 to index
          %swap3A_366 = arith.index_cast %swap3A_363 : i32 to index
          %swap3A_367 = arith.constant 0 : index
          %swap3A_368 = tpu.vector_load %arg5[%swap3A_364, %swap3A_365, %swap3A_366, %swap3A_367] {strides = array<i32>} : memref<2x16x8x128xf32, #tpu.memory_space<vmem>>, vector<1x1x1x16xf32>,
          %swap3A_369 = vector.shape_cast %swap3A_368 : vector<1x1x1x16xf32> to vector<16xf32>
          %swap3A_370 = vector.shape_cast %get3A_361 : vector<16xf32> to vector<1x1x1x16xf32>
          tpu.vector_store %arg5[%swap3A_364, %swap3A_365, %swap3A_366, %swap3A_367], %swap3A_370 {strides = array<i32>} : memref<2x16x8x128xf32, #tpu.memory_space<vmem>>, vector<1x1x1x16xf32>,
          %get3A_371 = arith.constant 0 : i32
          %get3A_372 = arith.constant 3 : i32
          %get3A_373 = arith.index_cast %get3A_371 : i32 to index
          %get3A_374 = arith.index_cast %scan3A_151 : i32 to index
          %get3A_375 = arith.index_cast %get3A_372 : i32 to index
          %get3A_376 = arith.constant 16 : index
          %get3A_377 = tpu.vector_load %arg4[%get3A_373, %get3A_374, %get3A_375, %get3A_376] {strides = array<i32>} : memref<2x16x8x64xf32, #tpu.memory_space<vmem>>, vector<1x1x1x16xf32>,
          %get3A_378 = vector.shape_cast %get3A_377 : vector<1x1x1x16xf32> to vector<16xf32>
          %swap3A_379 = arith.constant 0 : i32
          %swap3A_380 = arith.constant 3 : i32
          %swap3A_381 = arith.index_cast %swap3A_379 : i32 to index
          %swap3A_382 = arith.index_cast %scan3A_151 : i32 to index
          %swap3A_383 = arith.index_cast %swap3A_380 : i32 to index
          %swap3A_384 = arith.constant 16 : index
          %swap3A_385 = tpu.vector_load %arg5[%swap3A_381, %swap3A_382, %swap3A_383, %swap3A_384] {strides = array<i32>} : memref<2x16x8x128xf32, #tpu.memory_space<vmem>>, vector<1x1x1x16xf32>,
          %swap3A_386 = vector.shape_cast %swap3A_385 : vector<1x1x1x16xf32> to vector<16xf32>
          %swap3A_387 = vector.shape_cast %get3A_378 : vector<16xf32> to vector<1x1x1x16xf32>
          tpu.vector_store %arg5[%swap3A_381, %swap3A_382, %swap3A_383, %swap3A_384], %swap3A_387 {strides = array<i32>} : memref<2x16x8x128xf32, #tpu.memory_space<vmem>>, vector<1x1x1x16xf32>,
          %get3A_388 = arith.constant 0 : i32
          %get3A_389 = arith.constant 3 : i32
          %get3A_390 = arith.index_cast %get3A_388 : i32 to index
          %get3A_391 = arith.index_cast %scan3A_151 : i32 to index
          %get3A_392 = arith.index_cast %get3A_389 : i32 to index
          %get3A_393 = arith.constant 32 : index
          %get3A_394 = tpu.vector_load %arg4[%get3A_390, %get3A_391, %get3A_392, %get3A_393] {strides = array<i32>} : memref<2x16x8x64xf32, #tpu.memory_space<vmem>>, vector<1x1x1x16xf32>,
          %get3A_395 = vector.shape_cast %get3A_394 : vector<1x1x1x16xf32> to vector<16xf32>
          %swap3A_396 = arith.constant 0 : i32
          %swap3A_397 = arith.constant 3 : i32
          %swap3A_398 = arith.index_cast %swap3A_396 : i32 to index
          %swap3A_399 = arith.index_cast %scan3A_151 : i32 to index
          %swap3A_400 = arith.index_cast %swap3A_397 : i32 to index
          %swap3A_401 = arith.constant 32 : index
          %swap3A_402 = tpu.vector_load %arg5[%swap3A_398, %swap3A_399, %swap3A_400, %swap3A_401] {strides = array<i32>} : memref<2x16x8x128xf32, #tpu.memory_space<vmem>>, vector<1x1x1x16xf32>,
          %swap3A_403 = vector.shape_cast %swap3A_402 : vector<1x1x1x16xf32> to vector<16xf32>
          %swap3A_404 = vector.shape_cast %get3A_395 : vector<16xf32> to vector<1x1x1x16xf32>
          tpu.vector_store %arg5[%swap3A_398, %swap3A_399, %swap3A_400, %swap3A_401], %swap3A_404 {strides = array<i32>} : memref<2x16x8x128xf32, #tpu.memory_space<vmem>>, vector<1x1x1x16xf32>,
          %get3A_405 = arith.constant 0 : i32
          %get3A_406 = arith.constant 3 : i32
          %get3A_407 = arith.index_cast %get3A_405 : i32 to index
          %get3A_408 = arith.index_cast %scan3A_151 : i32 to index
          %get3A_409 = arith.index_cast %get3A_406 : i32 to index
          %get3A_410 = arith.constant 48 : index
          %get3A_411 = tpu.vector_load %arg4[%get3A_407, %get3A_408, %get3A_409, %get3A_410] {strides = array<i32>} : memref<2x16x8x64xf32, #tpu.memory_space<vmem>>, vector<1x1x1x16xf32>,
          %get3A_412 = vector.shape_cast %get3A_411 : vector<1x1x1x16xf32> to vector<16xf32>
          %swap3A_413 = arith.constant 0 : i32
          %swap3A_414 = arith.constant 3 : i32
          %swap3A_415 = arith.index_cast %swap3A_413 : i32 to index
          %swap3A_416 = arith.index_cast %scan3A_151 : i32 to index
          %swap3A_417 = arith.index_cast %swap3A_414 : i32 to index
          %swap3A_418 = arith.constant 48 : index
          %swap3A_419 = tpu.vector_load %arg5[%swap3A_415, %swap3A_416, %swap3A_417, %swap3A_418] {strides = array<i32>} : memref<2x16x8x128xf32, #tpu.memory_space<vmem>>, vector<1x1x1x16xf32>,
          %swap3A_420 = vector.shape_cast %swap3A_419 : vector<1x1x1x16xf32> to vector<16xf32>
          %swap3A_421 = vector.shape_cast %get3A_412 : vector<16xf32> to vector<1x1x1x16xf32>
          tpu.vector_store %arg5[%swap3A_415, %swap3A_416, %swap3A_417, %swap3A_418], %swap3A_421 {strides = array<i32>} : memref<2x16x8x128xf32, #tpu.memory_space<vmem>>, vector<1x1x1x16xf32>,
          %get3A_422 = arith.constant 0 : i32
          %get3A_423 = arith.constant 4 : i32
          %get3A_424 = arith.index_cast %get3A_422 : i32 to index
          %get3A_425 = arith.index_cast %scan3A_151 : i32 to index
          %get3A_426 = arith.index_cast %get3A_423 : i32 to index
          %get3A_427 = arith.constant 0 : index
          %get3A_428 = tpu.vector_load %arg4[%get3A_424, %get3A_425, %get3A_426, %get3A_427] {strides = array<i32>} : memref<2x16x8x64xf32, #tpu.memory_space<vmem>>, vector<1x1x1x16xf32>,
          %get3A_429 = vector.shape_cast %get3A_428 : vector<1x1x1x16xf32> to vector<16xf32>
          %swap3A_430 = arith.constant 0 : i32
          %swap3A_431 = arith.constant 4 : i32
          %swap3A_432 = arith.index_cast %swap3A_430 : i32 to index
          %swap3A_433 = arith.index_cast %scan3A_151 : i32 to index
          %swap3A_434 = arith.index_cast %swap3A_431 : i32 to index
          %swap3A_435 = arith.constant 0 : index
          %swap3A_436 = tpu.vector_load %arg5[%swap3A_432, %swap3A_433, %swap3A_434, %swap3A_435] {strides = array<i32>} : memref<2x16x8x128xf32, #tpu.memory_space<vmem>>, vector<1x1x1x16xf32>,
          %swap3A_437 = vector.shape_cast %swap3A_436 : vector<1x1x1x16xf32> to vector<16xf32>
          %swap3A_438 = vector.shape_cast %get3A_429 : vector<16xf32> to vector<1x1x1x16xf32>
          tpu.vector_store %arg5[%swap3A_432, %swap3A_433, %swap3A_434, %swap3A_435], %swap3A_438 {strides = array<i32>} : memref<2x16x8x128xf32, #tpu.memory_space<vmem>>, vector<1x1x1x16xf32>,
          %get3A_439 = arith.constant 0 : i32
          %get3A_440 = arith.constant 4 : i32
          %get3A_441 = arith.index_cast %get3A_439 : i32 to index
          %get3A_442 = arith.index_cast %scan3A_151 : i32 to index
          %get3A_443 = arith.index_cast %get3A_440 : i32 to index
          %get3A_444 = arith.constant 16 : index
          %get3A_445 = tpu.vector_load %arg4[%get3A_441, %get3A_442, %get3A_443, %get3A_444] {strides = array<i32>} : memref<2x16x8x64xf32, #tpu.memory_space<vmem>>, vector<1x1x1x16xf32>,
          %get3A_446 = vector.shape_cast %get3A_445 : vector<1x1x1x16xf32> to vector<16xf32>
          %swap3A_447 = arith.constant 0 : i32
          %swap3A_448 = arith.constant 4 : i32
          %swap3A_449 = arith.index_cast %swap3A_447 : i32 to index
          %swap3A_450 = arith.index_cast %scan3A_151 : i32 to index
          %swap3A_451 = arith.index_cast %swap3A_448 : i32 to index
          %swap3A_452 = arith.constant 16 : index
          %swap3A_453 = tpu.vector_load %arg5[%swap3A_449, %swap3A_450, %swap3A_451, %swap3A_452] {strides = array<i32>} : memref<2x16x8x128xf32, #tpu.memory_space<vmem>>, vector<1x1x1x16xf32>,
          %swap3A_454 = vector.shape_cast %swap3A_453 : vector<1x1x1x16xf32> to vector<16xf32>
          %swap3A_455 = vector.shape_cast %get3A_446 : vector<16xf32> to vector<1x1x1x16xf32>
          tpu.vector_store %arg5[%swap3A_449, %swap3A_450, %swap3A_451, %swap3A_452], %swap3A_455 {strides = array<i32>} : memref<2x16x8x128xf32, #tpu.memory_space<vmem>>, vector<1x1x1x16xf32>,
          %get3A_456 = arith.constant 0 : i32
          %get3A_457 = arith.constant 4 : i32
          %get3A_458 = arith.index_cast %get3A_456 : i32 to index
          %get3A_459 = arith.index_cast %scan3A_151 : i32 to index
          %get3A_460 = arith.index_cast %get3A_457 : i32 to index
          %get3A_461 = arith.constant 32 : index
          %get3A_462 = tpu.vector_load %arg4[%get3A_458, %get3A_459, %get3A_460, %get3A_461] {strides = array<i32>} : memref<2x16x8x64xf32, #tpu.memory_space<vmem>>, vector<1x1x1x16xf32>,
          %get3A_463 = vector.shape_cast %get3A_462 : vector<1x1x1x16xf32> to vector<16xf32>
          %swap3A_464 = arith.constant 0 : i32
          %swap3A_465 = arith.constant 4 : i32
          %swap3A_466 = arith.index_cast %swap3A_464 : i32 to index
          %swap3A_467 = arith.index_cast %scan3A_151 : i32 to index
          %swap3A_468 = arith.index_cast %swap3A_465 : i32 to index
          %swap3A_469 = arith.constant 32 : index
          %swap3A_470 = tpu.vector_load %arg5[%swap3A_466, %swap3A_467, %swap3A_468, %swap3A_469] {strides = array<i32>} : memref<2x16x8x128xf32, #tpu.memory_space<vmem>>, vector<1x1x1x16xf32>,
          %swap3A_471 = vector.shape_cast %swap3A_470 : vector<1x1x1x16xf32> to vector<16xf32>
          %swap3A_472 = vector.shape_cast %get3A_463 : vector<16xf32> to vector<1x1x1x16xf32>
          tpu.vector_store %arg5[%swap3A_466, %swap3A_467, %swap3A_468, %swap3A_469], %swap3A_472 {strides = array<i32>} : memref<2x16x8x128xf32, #tpu.memory_space<vmem>>, vector<1x1x1x16xf32>,
          %get3A_473 = arith.constant 0 : i32
          %get3A_474 = arith.constant 4 : i32
          %get3A_475 = arith.index_cast %get3A_473 : i32 to index
          %get3A_476 = arith.index_cast %scan3A_151 : i32 to index
          %get3A_477 = arith.index_cast %get3A_474 : i32 to index
          %get3A_478 = arith.constant 48 : index
          %get3A_479 = tpu.vector_load %arg4[%get3A_475, %get3A_476, %get3A_477, %get3A_478] {strides = array<i32>} : memref<2x16x8x64xf32, #tpu.memory_space<vmem>>, vector<1x1x1x16xf32>,
          %get3A_480 = vector.shape_cast %get3A_479 : vector<1x1x1x16xf32> to vector<16xf32>
          %swap3A_481 = arith.constant 0 : i32
          %swap3A_482 = arith.constant 4 : i32
          %swap3A_483 = arith.index_cast %swap3A_481 : i32 to index
          %swap3A_484 = arith.index_cast %scan3A_151 : i32 to index
          %swap3A_485 = arith.index_cast %swap3A_482 : i32 to index
          %swap3A_486 = arith.constant 48 : index
          %swap3A_487 = tpu.vector_load %arg5[%swap3A_483, %swap3A_484, %swap3A_485, %swap3A_486] {strides = array<i32>} : memref<2x16x8x128xf32, #tpu.memory_space<vmem>>, vector<1x1x1x16xf32>,
          %swap3A_488 = vector.shape_cast %swap3A_487 : vector<1x1x1x16xf32> to vector<16xf32>
          %swap3A_489 = vector.shape_cast %get3A_480 : vector<16xf32> to vector<1x1x1x16xf32>
          tpu.vector_store %arg5[%swap3A_483, %swap3A_484, %swap3A_485, %swap3A_486], %swap3A_489 {strides = array<i32>} : memref<2x16x8x128xf32, #tpu.memory_space<vmem>>, vector<1x1x1x16xf32>,
          %get3A_490 = arith.constant 0 : i32
          %get3A_491 = arith.constant 5 : i32
          %get3A_492 = arith.index_cast %get3A_490 : i32 to index
          %get3A_493 = arith.index_cast %scan3A_151 : i32 to index
          %get3A_494 = arith.index_cast %get3A_491 : i32 to index
          %get3A_495 = arith.constant 0 : index
          %get3A_496 = tpu.vector_load %arg4[%get3A_492, %get3A_493, %get3A_494, %get3A_495] {strides = array<i32>} : memref<2x16x8x64xf32, #tpu.memory_space<vmem>>, vector<1x1x1x16xf32>,
          %get3A_497 = vector.shape_cast %get3A_496 : vector<1x1x1x16xf32> to vector<16xf32>
          %swap3A_498 = arith.constant 0 : i32
          %swap3A_499 = arith.constant 5 : i32
          %swap3A_500 = arith.index_cast %swap3A_498 : i32 to index
          %swap3A_501 = arith.index_cast %scan3A_151 : i32 to index
          %swap3A_502 = arith.index_cast %swap3A_499 : i32 to index
          %swap3A_503 = arith.constant 0 : index
          %swap3A_504 = tpu.vector_load %arg5[%swap3A_500, %swap3A_501, %swap3A_502, %swap3A_503] {strides = array<i32>} : memref<2x16x8x128xf32, #tpu.memory_space<vmem>>, vector<1x1x1x16xf32>,
          %swap3A_505 = vector.shape_cast %swap3A_504 : vector<1x1x1x16xf32> to vector<16xf32>
          %swap3A_506 = vector.shape_cast %get3A_497 : vector<16xf32> to vector<1x1x1x16xf32>
          tpu.vector_store %arg5[%swap3A_500, %swap3A_501, %swap3A_502, %swap3A_503], %swap3A_506 {strides = array<i32>} : memref<2x16x8x128xf32, #tpu.memory_space<vmem>>, vector<1x1x1x16xf32>,
          %get3A_507 = arith.constant 0 : i32
          %get3A_508 = arith.constant 5 : i32
          %get3A_509 = arith.index_cast %get3A_507 : i32 to index
          %get3A_510 = arith.index_cast %scan3A_151 : i32 to index
          %get3A_511 = arith.index_cast %get3A_508 : i32 to index
          %get3A_512 = arith.constant 16 : index
          %get3A_513 = tpu.vector_load %arg4[%get3A_509, %get3A_510, %get3A_511, %get3A_512] {strides = array<i32>} : memref<2x16x8x64xf32, #tpu.memory_space<vmem>>, vector<1x1x1x16xf32>,
          %get3A_514 = vector.shape_cast %get3A_513 : vector<1x1x1x16xf32> to vector<16xf32>
          %swap3A_515 = arith.constant 0 : i32
          %swap3A_516 = arith.constant 5 : i32
          %swap3A_517 = arith.index_cast %swap3A_515 : i32 to index
          %swap3A_518 = arith.index_cast %scan3A_151 : i32 to index
          %swap3A_519 = arith.index_cast %swap3A_516 : i32 to index
          %swap3A_520 = arith.constant 16 : index
          %swap3A_521 = tpu.vector_load %arg5[%swap3A_517, %swap3A_518, %swap3A_519, %swap3A_520] {strides = array<i32>} : memref<2x16x8x128xf32, #tpu.memory_space<vmem>>, vector<1x1x1x16xf32>,
          %swap3A_522 = vector.shape_cast %swap3A_521 : vector<1x1x1x16xf32> to vector<16xf32>
          %swap3A_523 = vector.shape_cast %get3A_514 : vector<16xf32> to vector<1x1x1x16xf32>
          tpu.vector_store %arg5[%swap3A_517, %swap3A_518, %swap3A_519, %swap3A_520], %swap3A_523 {strides = array<i32>} : memref<2x16x8x128xf32, #tpu.memory_space<vmem>>, vector<1x1x1x16xf32>,
          %get3A_524 = arith.constant 0 : i32
          %get3A_525 = arith.constant 5 : i32
          %get3A_526 = arith.index_cast %get3A_524 : i32 to index
          %get3A_527 = arith.index_cast %scan3A_151 : i32 to index
          %get3A_528 = arith.index_cast %get3A_525 : i32 to index
          %get3A_529 = arith.constant 32 : index
          %get3A_530 = tpu.vector_load %arg4[%get3A_526, %get3A_527, %get3A_528, %get3A_529] {strides = array<i32>} : memref<2x16x8x64xf32, #tpu.memory_space<vmem>>, vector<1x1x1x16xf32>,
          %get3A_531 = vector.shape_cast %get3A_530 : vector<1x1x1x16xf32> to vector<16xf32>
          %swap3A_532 = arith.constant 0 : i32
          %swap3A_533 = arith.constant 5 : i32
          %swap3A_534 = arith.index_cast %swap3A_532 : i32 to index
          %swap3A_535 = arith.index_cast %scan3A_151 : i32 to index
          %swap3A_536 = arith.index_cast %swap3A_533 : i32 to index
          %swap3A_537 = arith.constant 32 : index
          %swap3A_538 = tpu.vector_load %arg5[%swap3A_534, %swap3A_535, %swap3A_536, %swap3A_537] {strides = array<i32>} : memref<2x16x8x128xf32, #tpu.memory_space<vmem>>, vector<1x1x1x16xf32>,
          %swap3A_539 = vector.shape_cast %swap3A_538 : vector<1x1x1x16xf32> to vector<16xf32>
          %swap3A_540 = vector.shape_cast %get3A_531 : vector<16xf32> to vector<1x1x1x16xf32>
          tpu.vector_store %arg5[%swap3A_534, %swap3A_535, %swap3A_536, %swap3A_537], %swap3A_540 {strides = array<i32>} : memref<2x16x8x128xf32, #tpu.memory_space<vmem>>, vector<1x1x1x16xf32>,
          %get3A_541 = arith.constant 0 : i32
          %get3A_542 = arith.constant 5 : i32
          %get3A_543 = arith.index_cast %get3A_541 : i32 to index
          %get3A_544 = arith.index_cast %scan3A_151 : i32 to index
          %get3A_545 = arith.index_cast %get3A_542 : i32 to index
          %get3A_546 = arith.constant 48 : index
          %get3A_547 = tpu.vector_load %arg4[%get3A_543, %get3A_544, %get3A_545, %get3A_546] {strides = array<i32>} : memref<2x16x8x64xf32, #tpu.memory_space<vmem>>, vector<1x1x1x16xf32>,
          %get3A_548 = vector.shape_cast %get3A_547 : vector<1x1x1x16xf32> to vector<16xf32>
          %swap3A_549 = arith.constant 0 : i32
          %swap3A_550 = arith.constant 5 : i32
          %swap3A_551 = arith.index_cast %swap3A_549 : i32 to index
          %swap3A_552 = arith.index_cast %scan3A_151 : i32 to index
          %swap3A_553 = arith.index_cast %swap3A_550 : i32 to index
          %swap3A_554 = arith.constant 48 : index
          %swap3A_555 = tpu.vector_load %arg5[%swap3A_551, %swap3A_552, %swap3A_553, %swap3A_554] {strides = array<i32>} : memref<2x16x8x128xf32, #tpu.memory_space<vmem>>, vector<1x1x1x16xf32>,
          %swap3A_556 = vector.shape_cast %swap3A_555 : vector<1x1x1x16xf32> to vector<16xf32>
          %swap3A_557 = vector.shape_cast %get3A_548 : vector<16xf32> to vector<1x1x1x16xf32>
          tpu.vector_store %arg5[%swap3A_551, %swap3A_552, %swap3A_553, %swap3A_554], %swap3A_557 {strides = array<i32>} : memref<2x16x8x128xf32, #tpu.memory_space<vmem>>, vector<1x1x1x16xf32>,
          %get3A_558 = arith.constant 0 : i32
          %get3A_559 = arith.constant 6 : i32
          %get3A_560 = arith.index_cast %get3A_558 : i32 to index
          %get3A_561 = arith.index_cast %scan3A_151 : i32 to index
          %get3A_562 = arith.index_cast %get3A_559 : i32 to index
          %get3A_563 = arith.constant 0 : index
          %get3A_564 = tpu.vector_load %arg4[%get3A_560, %get3A_561, %get3A_562, %get3A_563] {strides = array<i32>} : memref<2x16x8x64xf32, #tpu.memory_space<vmem>>, vector<1x1x1x16xf32>,
          %get3A_565 = vector.shape_cast %get3A_564 : vector<1x1x1x16xf32> to vector<16xf32>
          %swap3A_566 = arith.constant 0 : i32
          %swap3A_567 = arith.constant 6 : i32
          %swap3A_568 = arith.index_cast %swap3A_566 : i32 to index
          %swap3A_569 = arith.index_cast %scan3A_151 : i32 to index
          %swap3A_570 = arith.index_cast %swap3A_567 : i32 to index
          %swap3A_571 = arith.constant 0 : index
          %swap3A_572 = tpu.vector_load %arg5[%swap3A_568, %swap3A_569, %swap3A_570, %swap3A_571] {strides = array<i32>} : memref<2x16x8x128xf32, #tpu.memory_space<vmem>>, vector<1x1x1x16xf32>,
          %swap3A_573 = vector.shape_cast %swap3A_572 : vector<1x1x1x16xf32> to vector<16xf32>
          %swap3A_574 = vector.shape_cast %get3A_565 : vector<16xf32> to vector<1x1x1x16xf32>
          tpu.vector_store %arg5[%swap3A_568, %swap3A_569, %swap3A_570, %swap3A_571], %swap3A_574 {strides = array<i32>} : memref<2x16x8x128xf32, #tpu.memory_space<vmem>>, vector<1x1x1x16xf32>,
          %get3A_575 = arith.constant 0 : i32
          %get3A_576 = arith.constant 6 : i32
          %get3A_577 = arith.index_cast %get3A_575 : i32 to index
          %get3A_578 = arith.index_cast %scan3A_151 : i32 to index
          %get3A_579 = arith.index_cast %get3A_576 : i32 to index
          %get3A_580 = arith.constant 16 : index
          %get3A_581 = tpu.vector_load %arg4[%get3A_577, %get3A_578, %get3A_579, %get3A_580] {strides = array<i32>} : memref<2x16x8x64xf32, #tpu.memory_space<vmem>>, vector<1x1x1x16xf32>,
          %get3A_582 = vector.shape_cast %get3A_581 : vector<1x1x1x16xf32> to vector<16xf32>
          %swap3A_583 = arith.constant 0 : i32
          %swap3A_584 = arith.constant 6 : i32
          %swap3A_585 = arith.index_cast %swap3A_583 : i32 to index
          %swap3A_586 = arith.index_cast %scan3A_151 : i32 to index
          %swap3A_587 = arith.index_cast %swap3A_584 : i32 to index
          %swap3A_588 = arith.constant 16 : index
          %swap3A_589 = tpu.vector_load %arg5[%swap3A_585, %swap3A_586, %swap3A_587, %swap3A_588] {strides = array<i32>} : memref<2x16x8x128xf32, #tpu.memory_space<vmem>>, vector<1x1x1x16xf32>,
          %swap3A_590 = vector.shape_cast %swap3A_589 : vector<1x1x1x16xf32> to vector<16xf32>
          %swap3A_591 = vector.shape_cast %get3A_582 : vector<16xf32> to vector<1x1x1x16xf32>
          tpu.vector_store %arg5[%swap3A_585, %swap3A_586, %swap3A_587, %swap3A_588], %swap3A_591 {strides = array<i32>} : memref<2x16x8x128xf32, #tpu.memory_space<vmem>>, vector<1x1x1x16xf32>,
          %get3A_592 = arith.constant 0 : i32
          %get3A_593 = arith.constant 6 : i32
          %get3A_594 = arith.index_cast %get3A_592 : i32 to index
          %get3A_595 = arith.index_cast %scan3A_151 : i32 to index
          %get3A_596 = arith.index_cast %get3A_593 : i32 to index
          %get3A_597 = arith.constant 32 : index
          %get3A_598 = tpu.vector_load %arg4[%get3A_594, %get3A_595, %get3A_596, %get3A_597] {strides = array<i32>} : memref<2x16x8x64xf32, #tpu.memory_space<vmem>>, vector<1x1x1x16xf32>,
          %get3A_599 = vector.shape_cast %get3A_598 : vector<1x1x1x16xf32> to vector<16xf32>
          %swap3A_600 = arith.constant 0 : i32
          %swap3A_601 = arith.constant 6 : i32
          %swap3A_602 = arith.index_cast %swap3A_600 : i32 to index
          %swap3A_603 = arith.index_cast %scan3A_151 : i32 to index
          %swap3A_604 = arith.index_cast %swap3A_601 : i32 to index
          %swap3A_605 = arith.constant 32 : index
          %swap3A_606 = tpu.vector_load %arg5[%swap3A_602, %swap3A_603, %swap3A_604, %swap3A_605] {strides = array<i32>} : memref<2x16x8x128xf32, #tpu.memory_space<vmem>>, vector<1x1x1x16xf32>,
          %swap3A_607 = vector.shape_cast %swap3A_606 : vector<1x1x1x16xf32> to vector<16xf32>
          %swap3A_608 = vector.shape_cast %get3A_599 : vector<16xf32> to vector<1x1x1x16xf32>
          tpu.vector_store %arg5[%swap3A_602, %swap3A_603, %swap3A_604, %swap3A_605], %swap3A_608 {strides = array<i32>} : memref<2x16x8x128xf32, #tpu.memory_space<vmem>>, vector<1x1x1x16xf32>,
          %get3A_609 = arith.constant 0 : i32
          %get3A_610 = arith.constant 6 : i32
          %get3A_611 = arith.index_cast %get3A_609 : i32 to index
          %get3A_612 = arith.index_cast %scan3A_151 : i32 to index
          %get3A_613 = arith.index_cast %get3A_610 : i32 to index
          %get3A_614 = arith.constant 48 : index
          %get3A_615 = tpu.vector_load %arg4[%get3A_611, %get3A_612, %get3A_613, %get3A_614] {strides = array<i32>} : memref<2x16x8x64xf32, #tpu.memory_space<vmem>>, vector<1x1x1x16xf32>,
          %get3A_616 = vector.shape_cast %get3A_615 : vector<1x1x1x16xf32> to vector<16xf32>
          %swap3A_617 = arith.constant 0 : i32
          %swap3A_618 = arith.constant 6 : i32
          %swap3A_619 = arith.index_cast %swap3A_617 : i32 to index
          %swap3A_620 = arith.index_cast %scan3A_151 : i32 to index
          %swap3A_621 = arith.index_cast %swap3A_618 : i32 to index
          %swap3A_622 = arith.constant 48 : index
          %swap3A_623 = tpu.vector_load %arg5[%swap3A_619, %swap3A_620, %swap3A_621, %swap3A_622] {strides = array<i32>} : memref<2x16x8x128xf32, #tpu.memory_space<vmem>>, vector<1x1x1x16xf32>,
          %swap3A_624 = vector.shape_cast %swap3A_623 : vector<1x1x1x16xf32> to vector<16xf32>
          %swap3A_625 = vector.shape_cast %get3A_616 : vector<16xf32> to vector<1x1x1x16xf32>
          tpu.vector_store %arg5[%swap3A_619, %swap3A_620, %swap3A_621, %swap3A_622], %swap3A_625 {strides = array<i32>} : memref<2x16x8x128xf32, #tpu.memory_space<vmem>>, vector<1x1x1x16xf32>,
          %get3A_626 = arith.constant 0 : i32
          %get3A_627 = arith.constant 7 : i32
          %get3A_628 = arith.index_cast %get3A_626 : i32 to index
          %get3A_629 = arith.index_cast %scan3A_151 : i32 to index
          %get3A_630 = arith.index_cast %get3A_627 : i32 to index
          %get3A_631 = arith.constant 0 : index
          %get3A_632 = tpu.vector_load %arg4[%get3A_628, %get3A_629, %get3A_630, %get3A_631] {strides = array<i32>} : memref<2x16x8x64xf32, #tpu.memory_space<vmem>>, vector<1x1x1x16xf32>,
          %get3A_633 = vector.shape_cast %get3A_632 : vector<1x1x1x16xf32> to vector<16xf32>
          %swap3A_634 = arith.constant 0 : i32
          %swap3A_635 = arith.constant 7 : i32
          %swap3A_636 = arith.index_cast %swap3A_634 : i32 to index
          %swap3A_637 = arith.index_cast %scan3A_151 : i32 to index
          %swap3A_638 = arith.index_cast %swap3A_635 : i32 to index
          %swap3A_639 = arith.constant 0 : index
          %swap3A_640 = tpu.vector_load %arg5[%swap3A_636, %swap3A_637, %swap3A_638, %swap3A_639] {strides = array<i32>} : memref<2x16x8x128xf32, #tpu.memory_space<vmem>>, vector<1x1x1x16xf32>,
          %swap3A_641 = vector.shape_cast %swap3A_640 : vector<1x1x1x16xf32> to vector<16xf32>
          %swap3A_642 = vector.shape_cast %get3A_633 : vector<16xf32> to vector<1x1x1x16xf32>
          tpu.vector_store %arg5[%swap3A_636, %swap3A_637, %swap3A_638, %swap3A_639], %swap3A_642 {strides = array<i32>} : memref<2x16x8x128xf32, #tpu.memory_space<vmem>>, vector<1x1x1x16xf32>,
          %get3A_643 = arith.constant 0 : i32
          %get3A_644 = arith.constant 7 : i32
          %get3A_645 = arith.index_cast %get3A_643 : i32 to index
          %get3A_646 = arith.index_cast %scan3A_151 : i32 to index
          %get3A_647 = arith.index_cast %get3A_644 : i32 to index
          %get3A_648 = arith.constant 16 : index
          %get3A_649 = tpu.vector_load %arg4[%get3A_645, %get3A_646, %get3A_647, %get3A_648] {strides = array<i32>} : memref<2x16x8x64xf32, #tpu.memory_space<vmem>>, vector<1x1x1x16xf32>,
          %get3A_650 = vector.shape_cast %get3A_649 : vector<1x1x1x16xf32> to vector<16xf32>
          %swap3A_651 = arith.constant 0 : i32
          %swap3A_652 = arith.constant 7 : i32
          %swap3A_653 = arith.index_cast %swap3A_651 : i32 to index
          %swap3A_654 = arith.index_cast %scan3A_151 : i32 to index
          %swap3A_655 = arith.index_cast %swap3A_652 : i32 to index
          %swap3A_656 = arith.constant 16 : index
          %swap3A_657 = tpu.vector_load %arg5[%swap3A_653, %swap3A_654, %swap3A_655, %swap3A_656] {strides = array<i32>} : memref<2x16x8x128xf32, #tpu.memory_space<vmem>>, vector<1x1x1x16xf32>,
          %swap3A_658 = vector.shape_cast %swap3A_657 : vector<1x1x1x16xf32> to vector<16xf32>
          %swap3A_659 = vector.shape_cast %get3A_650 : vector<16xf32> to vector<1x1x1x16xf32>
          tpu.vector_store %arg5[%swap3A_653, %swap3A_654, %swap3A_655, %swap3A_656], %swap3A_659 {strides = array<i32>} : memref<2x16x8x128xf32, #tpu.memory_space<vmem>>, vector<1x1x1x16xf32>,
          %get3A_660 = arith.constant 0 : i32
          %get3A_661 = arith.constant 7 : i32
          %get3A_662 = arith.index_cast %get3A_660 : i32 to index
          %get3A_663 = arith.index_cast %scan3A_151 : i32 to index
          %get3A_664 = arith.index_cast %get3A_661 : i32 to index
          %get3A_665 = arith.constant 32 : index
          %get3A_666 = tpu.vector_load %arg4[%get3A_662, %get3A_663, %get3A_664, %get3A_665] {strides = array<i32>} : memref<2x16x8x64xf32, #tpu.memory_space<vmem>>, vector<1x1x1x16xf32>,
          %get3A_667 = vector.shape_cast %get3A_666 : vector<1x1x1x16xf32> to vector<16xf32>
          %swap3A_668 = arith.constant 0 : i32
          %swap3A_669 = arith.constant 7 : i32
          %swap3A_670 = arith.index_cast %swap3A_668 : i32 to index
          %swap3A_671 = arith.index_cast %scan3A_151 : i32 to index
          %swap3A_672 = arith.index_cast %swap3A_669 : i32 to index
          %swap3A_673 = arith.constant 32 : index
          %swap3A_674 = tpu.vector_load %arg5[%swap3A_670, %swap3A_671, %swap3A_672, %swap3A_673] {strides = array<i32>} : memref<2x16x8x128xf32, #tpu.memory_space<vmem>>, vector<1x1x1x16xf32>,
          %swap3A_675 = vector.shape_cast %swap3A_674 : vector<1x1x1x16xf32> to vector<16xf32>
          %swap3A_676 = vector.shape_cast %get3A_667 : vector<16xf32> to vector<1x1x1x16xf32>
          tpu.vector_store %arg5[%swap3A_670, %swap3A_671, %swap3A_672, %swap3A_673], %swap3A_676 {strides = array<i32>} : memref<2x16x8x128xf32, #tpu.memory_space<vmem>>, vector<1x1x1x16xf32>,
          %get3A_677 = arith.constant 0 : i32
          %get3A_678 = arith.constant 7 : i32
          %get3A_679 = arith.index_cast %get3A_677 : i32 to index
          %get3A_680 = arith.index_cast %scan3A_151 : i32 to index
          %get3A_681 = arith.index_cast %get3A_678 : i32 to index
          %get3A_682 = arith.constant 48 : index
          %get3A_683 = tpu.vector_load %arg4[%get3A_679, %get3A_680, %get3A_681, %get3A_682] {strides = array<i32>} : memref<2x16x8x64xf32, #tpu.memory_space<vmem>>, vector<1x1x1x16xf32>,
          %get3A_684 = vector.shape_cast %get3A_683 : vector<1x1x1x16xf32> to vector<16xf32>
          %swap3A_685 = arith.constant 0 : i32
          %swap3A_686 = arith.constant 7 : i32
          %swap3A_687 = arith.index_cast %swap3A_685 : i32 to index
          %swap3A_688 = arith.index_cast %scan3A_151 : i32 to index
          %swap3A_689 = arith.index_cast %swap3A_686 : i32 to index
          %swap3A_690 = arith.constant 48 : index
          %swap3A_691 = tpu.vector_load %arg5[%swap3A_687, %swap3A_688, %swap3A_689, %swap3A_690] {strides = array<i32>} : memref<2x16x8x128xf32, #tpu.memory_space<vmem>>, vector<1x1x1x16xf32>,
          %swap3A_692 = vector.shape_cast %swap3A_691 : vector<1x1x1x16xf32> to vector<16xf32>
          %swap3A_693 = vector.shape_cast %get3A_684 : vector<16xf32> to vector<1x1x1x16xf32>
          tpu.vector_store %arg5[%swap3A_687, %swap3A_688, %swap3A_689, %swap3A_690], %swap3A_693 {strides = array<i32>} : memref<2x16x8x128xf32, #tpu.memory_space<vmem>>, vector<1x1x1x16xf32>,
        }
        %scan3A_107 = arith.constant 16 : i32
        %mul3A_108 = arith.constant 16 : i32
        %mul3A_109 = arith.muli %add3A_80, %mul3A_108 : i32
        %dma_start3A = arith.constant 0 : i32
        %dma_start3A_110 = arith.constant 0 : i32
        %dma_start3A_111 = arith.constant 0 : i32
        %dma_start3A_112 = arith.constant 0 : i32
        %dma_start3A_113 = arith.constant 0 : i32
        %dma_start3A_114 = tpu.memref_slice %arg5[%dma_start3A, %dma_start3A_111, %dma_start3A_112, %dma_start3A_113] : memref<2x16x8x128xf32, #tpu.memory_space<vmem>> -> memref<1x16x8x128xf32, #tpu.memory_space<vmem>>
        %dma_start3A_115 = tpu.memref_squeeze %dma_start3A_114 : memref<1x16x8x128xf32, #tpu.memory_space<vmem>> -> memref<16x8x128xf32, #tpu.memory_space<vmem>>
        %dma_start3A_116 = arith.constant 0 : i32
        %dma_start3A_117 = arith.constant 0 : i32
        %dma_start3A_118 = tpu.memref_slice %arg3[%mul3A_109, %dma_start3A_116, %dma_start3A_117] : memref<125000x8x128xf32, #tpu.memory_space<hbm>> -> memref<16x8x128xf32, #tpu.memory_space<hbm>>
        %dma_start3A_119 = tpu.memref_slice %arg7[%dma_start3A_110] : memref<2x!tpu.dma_semaphore, #tpu.memory_space<semaphore_mem>> -> memref<1x!tpu.dma_semaphore, #tpu.memory_space<semaphore_mem>>
        %dma_start3A_120 = tpu.memref_squeeze %dma_start3A_119 : memref<1x!tpu.dma_semaphore, #tpu.memory_space<semaphore_mem>> -> memref<!tpu.dma_semaphore, #tpu.memory_space<semaphore_mem>>
        %dma_start3A_121 = arith.constant 0 : i32
        %dma_start3A_122 = arith.constant 0 : i32
        %dma_start3A_123 = tpu.memref_slice %arg3[%mul3A_109, %dma_start3A_121, %dma_start3A_122] : memref<125000x8x128xf32, #tpu.memory_space<hbm>> -> memref<16x8x128xf32, #tpu.memory_space<hbm>>
        %dma_start3A_124 = arith.constant 0 : i32
        %dma_start3A_125 = arith.constant 0 : i32
        %dma_start3A_126 = arith.constant 0 : i32
        %dma_start3A_127 = tpu.memref_slice %arg5[%dma_start3A, %dma_start3A_124, %dma_start3A_125, %dma_start3A_126] : memref<2x16x8x128xf32, #tpu.memory_space<vmem>> -> memref<1x16x8x128xf32, #tpu.memory_space<vmem>>
        %dma_start3A_128 = tpu.memref_squeeze %dma_start3A_127 : memref<1x16x8x128xf32, #tpu.memory_space<vmem>> -> memref<16x8x128xf32, #tpu.memory_space<vmem>>
        tpu.enqueue_dma source(%dma_start3A_128 : memref<16x8x128xf32, #tpu.memory_space<vmem>>) target(%dma_start3A_123 : memref<16x8x128xf32, #tpu.memory_space<hbm>>) target_semaphore(%dma_start3A_120 : memref<!tpu.dma_semaphore, #tpu.memory_space<semaphore_mem>>)
        %mul3A_129 = arith.constant 16 : i32
        %mul3A_130 = arith.muli %add3A_80, %mul3A_129 : i32
        %dma_wait3A_131 = arith.constant 0 : i32
        %dma_wait3A_132 = arith.constant 0 : i32
        %dma_wait3A_133 = arith.constant 0 : i32
        %dma_wait3A_134 = arith.constant 0 : i32
        %dma_wait3A_135 = arith.constant 0 : i32
        %dma_wait3A_136 = tpu.memref_slice %arg5[%dma_wait3A_131, %dma_wait3A_133, %dma_wait3A_134, %dma_wait3A_135] : memref<2x16x8x128xf32, #tpu.memory_space<vmem>> -> memref<1x16x8x128xf32, #tpu.memory_space<vmem>>
        %dma_wait3A_137 = tpu.memref_squeeze %dma_wait3A_136 : memref<1x16x8x128xf32, #tpu.memory_space<vmem>> -> memref<16x8x128xf32, #tpu.memory_space<vmem>>
        %dma_wait3A_138 = arith.constant 0 : i32
        %dma_wait3A_139 = arith.constant 0 : i32
        %dma_wait3A_140 = tpu.memref_slice %arg3[%mul3A_130, %dma_wait3A_138, %dma_wait3A_139] : memref<125000x8x128xf32, #tpu.memory_space<hbm>> -> memref<16x8x128xf32, #tpu.memory_space<hbm>>
        %dma_wait3A_141 = tpu.memref_slice %arg7[%dma_wait3A_132] : memref<2x!tpu.dma_semaphore, #tpu.memory_space<semaphore_mem>> -> memref<1x!tpu.dma_semaphore, #tpu.memory_space<semaphore_mem>>
        %dma_wait3A_142 = tpu.memref_squeeze %dma_wait3A_141 : memref<1x!tpu.dma_semaphore, #tpu.memory_space<semaphore_mem>> -> memref<!tpu.dma_semaphore, #tpu.memory_space<semaphore_mem>>
        %dma_wait3A_143 = arith.constant 0 : i32
        %dma_wait3A_144 = arith.constant 0 : i32
        %dma_wait3A_145 = tpu.memref_slice %arg3[%mul3A_130, %dma_wait3A_143, %dma_wait3A_144] : memref<125000x8x128xf32, #tpu.memory_space<hbm>> -> memref<16x8x128xf32, #tpu.memory_space<hbm>>
        %dma_wait3A_146 = arith.constant 0 : i32
        %dma_wait3A_147 = arith.constant 0 : i32
        %dma_wait3A_148 = arith.constant 0 : i32
        %dma_wait3A_149 = tpu.memref_slice %arg5[%dma_wait3A_131, %dma_wait3A_146, %dma_wait3A_147, %dma_wait3A_148] : memref<2x16x8x128xf32, #tpu.memory_space<vmem>> -> memref<1x16x8x128xf32, #tpu.memory_space<vmem>>
        %dma_wait3A_150 = tpu.memref_squeeze %dma_wait3A_149 : memref<1x16x8x128xf32, #tpu.memory_space<vmem>> -> memref<16x8x128xf32, #tpu.memory_space<vmem>>
        tpu.wait_dma2 semaphore(%dma_wait3A_142 : memref<!tpu.dma_semaphore, #tpu.memory_space<semaphore_mem>>) src(%dma_wait3A_150 : memref<16x8x128xf32, #tpu.memory_space<vmem>>) dst(%dma_wait3A_145 : memref<16x8x128xf32, #tpu.memory_space<hbm>>)
      } else {
      }
      %add3A_46 = arith.constant 2 : i32
      %add3A_47 = arith.addi %mul3A_37, %add3A_46 : i32
      %mul3A_48 = arith.constant 32 : i32
      %mul3A_49 = arith.muli %add3A_47, %mul3A_48 : i32
      %add3A_50 = arith.addi %mul3A_49, %add3A : i32
      %lt3A_51 = arith.constant 7812 : i32
      %lt3A_52 = arith.cmpi slt, %add3A_50, %lt3A_51 : i32
      %convert_element_type3A_53 = arith.extui %lt3A_52 : i1 to i32
      %cond3A_54 = arith.constant 0 : i32
      %cond3A_55 = arith.cmpi ne, %convert_element_type3A_53, %cond3A_54 : i32
      scf.if %cond3A_55 {
        %mul3A_78 = arith.constant 32 : i32
        %mul3A_79 = arith.muli %add3A_47, %mul3A_78 : i32
        %add3A_80 = arith.addi %mul3A_79, %add3A : i32
        %mul3A_81 = arith.constant 16 : i32
        %mul3A_82 = arith.muli %add3A_80, %mul3A_81 : i32
        %dma_start3A = arith.constant 0 : i32
        %dma_start3A_83 = arith.constant 0 : i32
        %dma_start3A_84 = arith.constant 0 : i32
        %dma_start3A_85 = arith.constant 0 : i32
        %dma_start3A_86 = arith.constant 0 : i32
        %dma_start3A_87 = tpu.memref_slice %arg4[%dma_start3A, %dma_start3A_84, %dma_start3A_85, %dma_start3A_86] : memref<2x16x8x64xf32, #tpu.memory_space<vmem>> -> memref<1x16x8x64xf32, #tpu.memory_space<vmem>>
        %dma_start3A_88 = tpu.memref_squeeze %dma_start3A_87 : memref<1x16x8x64xf32, #tpu.memory_space<vmem>> -> memref<16x8x64xf32, #tpu.memory_space<vmem>>
        %dma_start3A_89 = arith.constant 0 : i32
        %dma_start3A_90 = arith.constant 0 : i32
        %dma_start3A_91 = tpu.memref_slice %arg2[%mul3A_82, %dma_start3A_89, %dma_start3A_90] : memref<125000x8x64xf32, #tpu.memory_space<hbm>> -> memref<16x8x64xf32, #tpu.memory_space<hbm>>
        %dma_start3A_92 = tpu.memref_slice %arg6[%dma_start3A_83] : memref<2x!tpu.dma_semaphore, #tpu.memory_space<semaphore_mem>> -> memref<1x!tpu.dma_semaphore, #tpu.memory_space<semaphore_mem>>
        %dma_start3A_93 = tpu.memref_squeeze %dma_start3A_92 : memref<1x!tpu.dma_semaphore, #tpu.memory_space<semaphore_mem>> -> memref<!tpu.dma_semaphore, #tpu.memory_space<semaphore_mem>>
        %dma_start3A_94 = arith.constant 0 : i32
        %dma_start3A_95 = arith.constant 0 : i32
        %dma_start3A_96 = arith.constant 0 : i32
        %dma_start3A_97 = tpu.memref_slice %arg4[%dma_start3A, %dma_start3A_94, %dma_start3A_95, %dma_start3A_96] : memref<2x16x8x64xf32, #tpu.memory_space<vmem>> -> memref<1x16x8x64xf32, #tpu.memory_space<vmem>>
        %dma_start3A_98 = tpu.memref_squeeze %dma_start3A_97 : memref<1x16x8x64xf32, #tpu.memory_space<vmem>> -> memref<16x8x64xf32, #tpu.memory_space<vmem>>
        %dma_start3A_99 = arith.constant 0 : i32
        %dma_start3A_100 = arith.constant 0 : i32
        %dma_start3A_101 = tpu.memref_slice %arg2[%mul3A_82, %dma_start3A_99, %dma_start3A_100] : memref<125000x8x64xf32, #tpu.memory_space<hbm>> -> memref<16x8x64xf32, #tpu.memory_space<hbm>>
        tpu.enqueue_dma source(%dma_start3A_101 : memref<16x8x64xf32, #tpu.memory_space<hbm>>) target(%dma_start3A_98 : memref<16x8x64xf32, #tpu.memory_space<vmem>>) target_semaphore(%dma_start3A_93 : memref<!tpu.dma_semaphore, #tpu.memory_space<semaphore_mem>>)
      } else {
      }
      %mul3A_56 = arith.constant 2 : i32
      %mul3A_57 = arith.muli %mul3A_56, %scan3A_35 : i32
      %add3A_58 = arith.constant 1 : i32
      %add3A_59 = arith.addi %mul3A_57, %add3A_58 : i32
      %mul3A_60 = arith.constant 32 : i32
      %mul3A_61 = arith.muli %add3A_59, %mul3A_60 : i32
      %add3A_62 = arith.addi %mul3A_61, %add3A : i32
      %lt3A_63 = arith.constant 7812 : i32
      %lt3A_64 = arith.cmpi slt, %add3A_62, %lt3A_63 : i32
      %convert_element_type3A_65 = arith.extui %lt3A_64 : i1 to i32
      %cond3A_66 = arith.constant 0 : i32
      %cond3A_67 = arith.cmpi ne, %convert_element_type3A_65, %cond3A_66 : i32
      scf.if %cond3A_67 {
        %mul3A_78 = arith.constant 32 : i32
        %mul3A_79 = arith.muli %add3A_59, %mul3A_78 : i32
        %add3A_80 = arith.addi %mul3A_79, %add3A : i32
        %mul3A_81 = arith.constant 16 : i32
        %mul3A_82 = arith.muli %add3A_80, %mul3A_81 : i32
        %dma_wait3A = arith.constant 1 : i32
        %dma_wait3A_83 = arith.constant 1 : i32
        %dma_wait3A_84 = arith.constant 0 : i32
        %dma_wait3A_85 = arith.constant 0 : i32
        %dma_wait3A_86 = arith.constant 0 : i32
        %dma_wait3A_87 = tpu.memref_slice %arg4[%dma_wait3A, %dma_wait3A_84, %dma_wait3A_85, %dma_wait3A_86] : memref<2x16x8x64xf32, #tpu.memory_space<vmem>> -> memref<1x16x8x64xf32, #tpu.memory_space<vmem>>
        %dma_wait3A_88 = tpu.memref_squeeze %dma_wait3A_87 : memref<1x16x8x64xf32, #tpu.memory_space<vmem>> -> memref<16x8x64xf32, #tpu.memory_space<vmem>>
        %dma_wait3A_89 = arith.constant 0 : i32
        %dma_wait3A_90 = arith.constant 0 : i32
        %dma_wait3A_91 = tpu.memref_slice %arg2[%mul3A_82, %dma_wait3A_89, %dma_wait3A_90] : memref<125000x8x64xf32, #tpu.memory_space<hbm>> -> memref<16x8x64xf32, #tpu.memory_space<hbm>>
        %dma_wait3A_92 = tpu.memref_slice %arg6[%dma_wait3A_83] : memref<2x!tpu.dma_semaphore, #tpu.memory_space<semaphore_mem>> -> memref<1x!tpu.dma_semaphore, #tpu.memory_space<semaphore_mem>>
        %dma_wait3A_93 = tpu.memref_squeeze %dma_wait3A_92 : memref<1x!tpu.dma_semaphore, #tpu.memory_space<semaphore_mem>> -> memref<!tpu.dma_semaphore, #tpu.memory_space<semaphore_mem>>
        %dma_wait3A_94 = arith.constant 0 : i32
        %dma_wait3A_95 = arith.constant 0 : i32
        %dma_wait3A_96 = arith.constant 0 : i32
        %dma_wait3A_97 = tpu.memref_slice %arg4[%dma_wait3A, %dma_wait3A_94, %dma_wait3A_95, %dma_wait3A_96] : memref<2x16x8x64xf32, #tpu.memory_space<vmem>> -> memref<1x16x8x64xf32, #tpu.memory_space<vmem>>
        %dma_wait3A_98 = tpu.memref_squeeze %dma_wait3A_97 : memref<1x16x8x64xf32, #tpu.memory_space<vmem>> -> memref<16x8x64xf32, #tpu.memory_space<vmem>>
        %dma_wait3A_99 = arith.constant 0 : i32
        %dma_wait3A_100 = arith.constant 0 : i32
        %dma_wait3A_101 = tpu.memref_slice %arg2[%mul3A_82, %dma_wait3A_99, %dma_wait3A_100] : memref<125000x8x64xf32, #tpu.memory_space<hbm>> -> memref<16x8x64xf32, #tpu.memory_space<hbm>>
        tpu.wait_dma2 semaphore(%dma_wait3A_93 : memref<!tpu.dma_semaphore, #tpu.memory_space<semaphore_mem>>) src(%dma_wait3A_101 : memref<16x8x64xf32, #tpu.memory_space<hbm>>) dst(%dma_wait3A_98 : memref<16x8x64xf32, #tpu.memory_space<vmem>>)
        %scan3A_102 = arith.constant 0 : i32
        %scan3A_103 = arith.constant 0 : i32
        %scan3A_104 = arith.constant 16 : i32
        %scan3A_105 = arith.addi %scan3A_103, %scan3A_104 : i32
        %scan3A_106 = arith.constant 1 : i32
        scf.for %scan3A_151 = %scan3A_103 to %scan3A_105 step %scan3A_106  : i32 {
          %get3A = arith.constant 1 : i32
          %get3A_152 = arith.constant 0 : i32
          %get3A_153 = arith.index_cast %get3A : i32 to index
          %get3A_154 = arith.index_cast %scan3A_151 : i32 to index
          %get3A_155 = arith.index_cast %get3A_152 : i32 to index
          %get3A_156 = arith.constant 0 : index
          %get3A_157 = tpu.vector_load %arg4[%get3A_153, %get3A_154, %get3A_155, %get3A_156] {strides = array<i32>} : memref<2x16x8x64xf32, #tpu.memory_space<vmem>>, vector<1x1x1x16xf32>,
          %get3A_158 = vector.shape_cast %get3A_157 : vector<1x1x1x16xf32> to vector<16xf32>
          %swap3A = arith.constant 1 : i32
          %swap3A_159 = arith.constant 0 : i32
          %swap3A_160 = arith.index_cast %swap3A : i32 to index
          %swap3A_161 = arith.index_cast %scan3A_151 : i32 to index
          %swap3A_162 = arith.index_cast %swap3A_159 : i32 to index
          %swap3A_163 = arith.constant 0 : index
          %swap3A_164 = tpu.vector_load %arg5[%swap3A_160, %swap3A_161, %swap3A_162, %swap3A_163] {strides = array<i32>} : memref<2x16x8x128xf32, #tpu.memory_space<vmem>>, vector<1x1x1x16xf32>,
          %swap3A_165 = vector.shape_cast %swap3A_164 : vector<1x1x1x16xf32> to vector<16xf32>
          %swap3A_166 = vector.shape_cast %get3A_158 : vector<16xf32> to vector<1x1x1x16xf32>
          tpu.vector_store %arg5[%swap3A_160, %swap3A_161, %swap3A_162, %swap3A_163], %swap3A_166 {strides = array<i32>} : memref<2x16x8x128xf32, #tpu.memory_space<vmem>>, vector<1x1x1x16xf32>,
          %get3A_167 = arith.constant 1 : i32
          %get3A_168 = arith.constant 0 : i32
          %get3A_169 = arith.index_cast %get3A_167 : i32 to index
          %get3A_170 = arith.index_cast %scan3A_151 : i32 to index
          %get3A_171 = arith.index_cast %get3A_168 : i32 to index
          %get3A_172 = arith.constant 16 : index
          %get3A_173 = tpu.vector_load %arg4[%get3A_169, %get3A_170, %get3A_171, %get3A_172] {strides = array<i32>} : memref<2x16x8x64xf32, #tpu.memory_space<vmem>>, vector<1x1x1x16xf32>,
          %get3A_174 = vector.shape_cast %get3A_173 : vector<1x1x1x16xf32> to vector<16xf32>
          %swap3A_175 = arith.constant 1 : i32
          %swap3A_176 = arith.constant 0 : i32
          %swap3A_177 = arith.index_cast %swap3A_175 : i32 to index
          %swap3A_178 = arith.index_cast %scan3A_151 : i32 to index
          %swap3A_179 = arith.index_cast %swap3A_176 : i32 to index
          %swap3A_180 = arith.constant 16 : index
          %swap3A_181 = tpu.vector_load %arg5[%swap3A_177, %swap3A_178, %swap3A_179, %swap3A_180] {strides = array<i32>} : memref<2x16x8x128xf32, #tpu.memory_space<vmem>>, vector<1x1x1x16xf32>,
          %swap3A_182 = vector.shape_cast %swap3A_181 : vector<1x1x1x16xf32> to vector<16xf32>
          %swap3A_183 = vector.shape_cast %get3A_174 : vector<16xf32> to vector<1x1x1x16xf32>
          tpu.vector_store %arg5[%swap3A_177, %swap3A_178, %swap3A_179, %swap3A_180], %swap3A_183 {strides = array<i32>} : memref<2x16x8x128xf32, #tpu.memory_space<vmem>>, vector<1x1x1x16xf32>,
          %get3A_184 = arith.constant 1 : i32
          %get3A_185 = arith.constant 0 : i32
          %get3A_186 = arith.index_cast %get3A_184 : i32 to index
          %get3A_187 = arith.index_cast %scan3A_151 : i32 to index
          %get3A_188 = arith.index_cast %get3A_185 : i32 to index
          %get3A_189 = arith.constant 32 : index
          %get3A_190 = tpu.vector_load %arg4[%get3A_186, %get3A_187, %get3A_188, %get3A_189] {strides = array<i32>} : memref<2x16x8x64xf32, #tpu.memory_space<vmem>>, vector<1x1x1x16xf32>,
          %get3A_191 = vector.shape_cast %get3A_190 : vector<1x1x1x16xf32> to vector<16xf32>
          %swap3A_192 = arith.constant 1 : i32
          %swap3A_193 = arith.constant 0 : i32
          %swap3A_194 = arith.index_cast %swap3A_192 : i32 to index
          %swap3A_195 = arith.index_cast %scan3A_151 : i32 to index
          %swap3A_196 = arith.index_cast %swap3A_193 : i32 to index
          %swap3A_197 = arith.constant 32 : index
          %swap3A_198 = tpu.vector_load %arg5[%swap3A_194, %swap3A_195, %swap3A_196, %swap3A_197] {strides = array<i32>} : memref<2x16x8x128xf32, #tpu.memory_space<vmem>>, vector<1x1x1x16xf32>,
          %swap3A_199 = vector.shape_cast %swap3A_198 : vector<1x1x1x16xf32> to vector<16xf32>
          %swap3A_200 = vector.shape_cast %get3A_191 : vector<16xf32> to vector<1x1x1x16xf32>
          tpu.vector_store %arg5[%swap3A_194, %swap3A_195, %swap3A_196, %swap3A_197], %swap3A_200 {strides = array<i32>} : memref<2x16x8x128xf32, #tpu.memory_space<vmem>>, vector<1x1x1x16xf32>,
          %get3A_201 = arith.constant 1 : i32
          %get3A_202 = arith.constant 0 : i32
          %get3A_203 = arith.index_cast %get3A_201 : i32 to index
          %get3A_204 = arith.index_cast %scan3A_151 : i32 to index
          %get3A_205 = arith.index_cast %get3A_202 : i32 to index
          %get3A_206 = arith.constant 48 : index
          %get3A_207 = tpu.vector_load %arg4[%get3A_203, %get3A_204, %get3A_205, %get3A_206] {strides = array<i32>} : memref<2x16x8x64xf32, #tpu.memory_space<vmem>>, vector<1x1x1x16xf32>,
          %get3A_208 = vector.shape_cast %get3A_207 : vector<1x1x1x16xf32> to vector<16xf32>
          %swap3A_209 = arith.constant 1 : i32
          %swap3A_210 = arith.constant 0 : i32
          %swap3A_211 = arith.index_cast %swap3A_209 : i32 to index
          %swap3A_212 = arith.index_cast %scan3A_151 : i32 to index
          %swap3A_213 = arith.index_cast %swap3A_210 : i32 to index
          %swap3A_214 = arith.constant 48 : index
          %swap3A_215 = tpu.vector_load %arg5[%swap3A_211, %swap3A_212, %swap3A_213, %swap3A_214] {strides = array<i32>} : memref<2x16x8x128xf32, #tpu.memory_space<vmem>>, vector<1x1x1x16xf32>,
          %swap3A_216 = vector.shape_cast %swap3A_215 : vector<1x1x1x16xf32> to vector<16xf32>
          %swap3A_217 = vector.shape_cast %get3A_208 : vector<16xf32> to vector<1x1x1x16xf32>
          tpu.vector_store %arg5[%swap3A_211, %swap3A_212, %swap3A_213, %swap3A_214], %swap3A_217 {strides = array<i32>} : memref<2x16x8x128xf32, #tpu.memory_space<vmem>>, vector<1x1x1x16xf32>,
          %get3A_218 = arith.constant 1 : i32
          %get3A_219 = arith.constant 1 : i32
          %get3A_220 = arith.index_cast %get3A_218 : i32 to index
          %get3A_221 = arith.index_cast %scan3A_151 : i32 to index
          %get3A_222 = arith.index_cast %get3A_219 : i32 to index
          %get3A_223 = arith.constant 0 : index
          %get3A_224 = tpu.vector_load %arg4[%get3A_220, %get3A_221, %get3A_222, %get3A_223] {strides = array<i32>} : memref<2x16x8x64xf32, #tpu.memory_space<vmem>>, vector<1x1x1x16xf32>,
          %get3A_225 = vector.shape_cast %get3A_224 : vector<1x1x1x16xf32> to vector<16xf32>
          %swap3A_226 = arith.constant 1 : i32
          %swap3A_227 = arith.constant 1 : i32
          %swap3A_228 = arith.index_cast %swap3A_226 : i32 to index
          %swap3A_229 = arith.index_cast %scan3A_151 : i32 to index
          %swap3A_230 = arith.index_cast %swap3A_227 : i32 to index
          %swap3A_231 = arith.constant 0 : index
          %swap3A_232 = tpu.vector_load %arg5[%swap3A_228, %swap3A_229, %swap3A_230, %swap3A_231] {strides = array<i32>} : memref<2x16x8x128xf32, #tpu.memory_space<vmem>>, vector<1x1x1x16xf32>,
          %swap3A_233 = vector.shape_cast %swap3A_232 : vector<1x1x1x16xf32> to vector<16xf32>
          %swap3A_234 = vector.shape_cast %get3A_225 : vector<16xf32> to vector<1x1x1x16xf32>
          tpu.vector_store %arg5[%swap3A_228, %swap3A_229, %swap3A_230, %swap3A_231], %swap3A_234 {strides = array<i32>} : memref<2x16x8x128xf32, #tpu.memory_space<vmem>>, vector<1x1x1x16xf32>,
          %get3A_235 = arith.constant 1 : i32
          %get3A_236 = arith.constant 1 : i32
          %get3A_237 = arith.index_cast %get3A_235 : i32 to index
          %get3A_238 = arith.index_cast %scan3A_151 : i32 to index
          %get3A_239 = arith.index_cast %get3A_236 : i32 to index
          %get3A_240 = arith.constant 16 : index
          %get3A_241 = tpu.vector_load %arg4[%get3A_237, %get3A_238, %get3A_239, %get3A_240] {strides = array<i32>} : memref<2x16x8x64xf32, #tpu.memory_space<vmem>>, vector<1x1x1x16xf32>,
          %get3A_242 = vector.shape_cast %get3A_241 : vector<1x1x1x16xf32> to vector<16xf32>
          %swap3A_243 = arith.constant 1 : i32
          %swap3A_244 = arith.constant 1 : i32
          %swap3A_245 = arith.index_cast %swap3A_243 : i32 to index
          %swap3A_246 = arith.index_cast %scan3A_151 : i32 to index
          %swap3A_247 = arith.index_cast %swap3A_244 : i32 to index
          %swap3A_248 = arith.constant 16 : index
          %swap3A_249 = tpu.vector_load %arg5[%swap3A_245, %swap3A_246, %swap3A_247, %swap3A_248] {strides = array<i32>} : memref<2x16x8x128xf32, #tpu.memory_space<vmem>>, vector<1x1x1x16xf32>,
          %swap3A_250 = vector.shape_cast %swap3A_249 : vector<1x1x1x16xf32> to vector<16xf32>
          %swap3A_251 = vector.shape_cast %get3A_242 : vector<16xf32> to vector<1x1x1x16xf32>
          tpu.vector_store %arg5[%swap3A_245, %swap3A_246, %swap3A_247, %swap3A_248], %swap3A_251 {strides = array<i32>} : memref<2x16x8x128xf32, #tpu.memory_space<vmem>>, vector<1x1x1x16xf32>,
          %get3A_252 = arith.constant 1 : i32
          %get3A_253 = arith.constant 1 : i32
          %get3A_254 = arith.index_cast %get3A_252 : i32 to index
          %get3A_255 = arith.index_cast %scan3A_151 : i32 to index
          %get3A_256 = arith.index_cast %get3A_253 : i32 to index
          %get3A_257 = arith.constant 32 : index
          %get3A_258 = tpu.vector_load %arg4[%get3A_254, %get3A_255, %get3A_256, %get3A_257] {strides = array<i32>} : memref<2x16x8x64xf32, #tpu.memory_space<vmem>>, vector<1x1x1x16xf32>,
          %get3A_259 = vector.shape_cast %get3A_258 : vector<1x1x1x16xf32> to vector<16xf32>
          %swap3A_260 = arith.constant 1 : i32
          %swap3A_261 = arith.constant 1 : i32
          %swap3A_262 = arith.index_cast %swap3A_260 : i32 to index
          %swap3A_263 = arith.index_cast %scan3A_151 : i32 to index
          %swap3A_264 = arith.index_cast %swap3A_261 : i32 to index
          %swap3A_265 = arith.constant 32 : index
          %swap3A_266 = tpu.vector_load %arg5[%swap3A_262, %swap3A_263, %swap3A_264, %swap3A_265] {strides = array<i32>} : memref<2x16x8x128xf32, #tpu.memory_space<vmem>>, vector<1x1x1x16xf32>,
          %swap3A_267 = vector.shape_cast %swap3A_266 : vector<1x1x1x16xf32> to vector<16xf32>
          %swap3A_268 = vector.shape_cast %get3A_259 : vector<16xf32> to vector<1x1x1x16xf32>
          tpu.vector_store %arg5[%swap3A_262, %swap3A_263, %swap3A_264, %swap3A_265], %swap3A_268 {strides = array<i32>} : memref<2x16x8x128xf32, #tpu.memory_space<vmem>>, vector<1x1x1x16xf32>,
          %get3A_269 = arith.constant 1 : i32
          %get3A_270 = arith.constant 1 : i32
          %get3A_271 = arith.index_cast %get3A_269 : i32 to index
          %get3A_272 = arith.index_cast %scan3A_151 : i32 to index
          %get3A_273 = arith.index_cast %get3A_270 : i32 to index
          %get3A_274 = arith.constant 48 : index
          %get3A_275 = tpu.vector_load %arg4[%get3A_271, %get3A_272, %get3A_273, %get3A_274] {strides = array<i32>} : memref<2x16x8x64xf32, #tpu.memory_space<vmem>>, vector<1x1x1x16xf32>,
          %get3A_276 = vector.shape_cast %get3A_275 : vector<1x1x1x16xf32> to vector<16xf32>
          %swap3A_277 = arith.constant 1 : i32
          %swap3A_278 = arith.constant 1 : i32
          %swap3A_279 = arith.index_cast %swap3A_277 : i32 to index
          %swap3A_280 = arith.index_cast %scan3A_151 : i32 to index
          %swap3A_281 = arith.index_cast %swap3A_278 : i32 to index
          %swap3A_282 = arith.constant 48 : index
          %swap3A_283 = tpu.vector_load %arg5[%swap3A_279, %swap3A_280, %swap3A_281, %swap3A_282] {strides = array<i32>} : memref<2x16x8x128xf32, #tpu.memory_space<vmem>>, vector<1x1x1x16xf32>,
          %swap3A_284 = vector.shape_cast %swap3A_283 : vector<1x1x1x16xf32> to vector<16xf32>
          %swap3A_285 = vector.shape_cast %get3A_276 : vector<16xf32> to vector<1x1x1x16xf32>
          tpu.vector_store %arg5[%swap3A_279, %swap3A_280, %swap3A_281, %swap3A_282], %swap3A_285 {strides = array<i32>} : memref<2x16x8x128xf32, #tpu.memory_space<vmem>>, vector<1x1x1x16xf32>,
          %get3A_286 = arith.constant 1 : i32
          %get3A_287 = arith.constant 2 : i32
          %get3A_288 = arith.index_cast %get3A_286 : i32 to index
          %get3A_289 = arith.index_cast %scan3A_151 : i32 to index
          %get3A_290 = arith.index_cast %get3A_287 : i32 to index
          %get3A_291 = arith.constant 0 : index
          %get3A_292 = tpu.vector_load %arg4[%get3A_288, %get3A_289, %get3A_290, %get3A_291] {strides = array<i32>} : memref<2x16x8x64xf32, #tpu.memory_space<vmem>>, vector<1x1x1x16xf32>,
          %get3A_293 = vector.shape_cast %get3A_292 : vector<1x1x1x16xf32> to vector<16xf32>
          %swap3A_294 = arith.constant 1 : i32
          %swap3A_295 = arith.constant 2 : i32
          %swap3A_296 = arith.index_cast %swap3A_294 : i32 to index
          %swap3A_297 = arith.index_cast %scan3A_151 : i32 to index
          %swap3A_298 = arith.index_cast %swap3A_295 : i32 to index
          %swap3A_299 = arith.constant 0 : index
          %swap3A_300 = tpu.vector_load %arg5[%swap3A_296, %swap3A_297, %swap3A_298, %swap3A_299] {strides = array<i32>} : memref<2x16x8x128xf32, #tpu.memory_space<vmem>>, vector<1x1x1x16xf32>,
          %swap3A_301 = vector.shape_cast %swap3A_300 : vector<1x1x1x16xf32> to vector<16xf32>
          %swap3A_302 = vector.shape_cast %get3A_293 : vector<16xf32> to vector<1x1x1x16xf32>
          tpu.vector_store %arg5[%swap3A_296, %swap3A_297, %swap3A_298, %swap3A_299], %swap3A_302 {strides = array<i32>} : memref<2x16x8x128xf32, #tpu.memory_space<vmem>>, vector<1x1x1x16xf32>,
          %get3A_303 = arith.constant 1 : i32
          %get3A_304 = arith.constant 2 : i32
          %get3A_305 = arith.index_cast %get3A_303 : i32 to index
          %get3A_306 = arith.index_cast %scan3A_151 : i32 to index
          %get3A_307 = arith.index_cast %get3A_304 : i32 to index
          %get3A_308 = arith.constant 16 : index
          %get3A_309 = tpu.vector_load %arg4[%get3A_305, %get3A_306, %get3A_307, %get3A_308] {strides = array<i32>} : memref<2x16x8x64xf32, #tpu.memory_space<vmem>>, vector<1x1x1x16xf32>,
          %get3A_310 = vector.shape_cast %get3A_309 : vector<1x1x1x16xf32> to vector<16xf32>
          %swap3A_311 = arith.constant 1 : i32
          %swap3A_312 = arith.constant 2 : i32
          %swap3A_313 = arith.index_cast %swap3A_311 : i32 to index
          %swap3A_314 = arith.index_cast %scan3A_151 : i32 to index
          %swap3A_315 = arith.index_cast %swap3A_312 : i32 to index
          %swap3A_316 = arith.constant 16 : index
          %swap3A_317 = tpu.vector_load %arg5[%swap3A_313, %swap3A_314, %swap3A_315, %swap3A_316] {strides = array<i32>} : memref<2x16x8x128xf32, #tpu.memory_space<vmem>>, vector<1x1x1x16xf32>,
          %swap3A_318 = vector.shape_cast %swap3A_317 : vector<1x1x1x16xf32> to vector<16xf32>
          %swap3A_319 = vector.shape_cast %get3A_310 : vector<16xf32> to vector<1x1x1x16xf32>
          tpu.vector_store %arg5[%swap3A_313, %swap3A_314, %swap3A_315, %swap3A_316], %swap3A_319 {strides = array<i32>} : memref<2x16x8x128xf32, #tpu.memory_space<vmem>>, vector<1x1x1x16xf32>,
          %get3A_320 = arith.constant 1 : i32
          %get3A_321 = arith.constant 2 : i32
          %get3A_322 = arith.index_cast %get3A_320 : i32 to index
          %get3A_323 = arith.index_cast %scan3A_151 : i32 to index
          %get3A_324 = arith.index_cast %get3A_321 : i32 to index
          %get3A_325 = arith.constant 32 : index
          %get3A_326 = tpu.vector_load %arg4[%get3A_322, %get3A_323, %get3A_324, %get3A_325] {strides = array<i32>} : memref<2x16x8x64xf32, #tpu.memory_space<vmem>>, vector<1x1x1x16xf32>,
          %get3A_327 = vector.shape_cast %get3A_326 : vector<1x1x1x16xf32> to vector<16xf32>
          %swap3A_328 = arith.constant 1 : i32
          %swap3A_329 = arith.constant 2 : i32
          %swap3A_330 = arith.index_cast %swap3A_328 : i32 to index
          %swap3A_331 = arith.index_cast %scan3A_151 : i32 to index
          %swap3A_332 = arith.index_cast %swap3A_329 : i32 to index
          %swap3A_333 = arith.constant 32 : index
          %swap3A_334 = tpu.vector_load %arg5[%swap3A_330, %swap3A_331, %swap3A_332, %swap3A_333] {strides = array<i32>} : memref<2x16x8x128xf32, #tpu.memory_space<vmem>>, vector<1x1x1x16xf32>,
          %swap3A_335 = vector.shape_cast %swap3A_334 : vector<1x1x1x16xf32> to vector<16xf32>
          %swap3A_336 = vector.shape_cast %get3A_327 : vector<16xf32> to vector<1x1x1x16xf32>
          tpu.vector_store %arg5[%swap3A_330, %swap3A_331, %swap3A_332, %swap3A_333], %swap3A_336 {strides = array<i32>} : memref<2x16x8x128xf32, #tpu.memory_space<vmem>>, vector<1x1x1x16xf32>,
          %get3A_337 = arith.constant 1 : i32
          %get3A_338 = arith.constant 2 : i32
          %get3A_339 = arith.index_cast %get3A_337 : i32 to index
          %get3A_340 = arith.index_cast %scan3A_151 : i32 to index
          %get3A_341 = arith.index_cast %get3A_338 : i32 to index
          %get3A_342 = arith.constant 48 : index
          %get3A_343 = tpu.vector_load %arg4[%get3A_339, %get3A_340, %get3A_341, %get3A_342] {strides = array<i32>} : memref<2x16x8x64xf32, #tpu.memory_space<vmem>>, vector<1x1x1x16xf32>,
          %get3A_344 = vector.shape_cast %get3A_343 : vector<1x1x1x16xf32> to vector<16xf32>
          %swap3A_345 = arith.constant 1 : i32
          %swap3A_346 = arith.constant 2 : i32
          %swap3A_347 = arith.index_cast %swap3A_345 : i32 to index
          %swap3A_348 = arith.index_cast %scan3A_151 : i32 to index
          %swap3A_349 = arith.index_cast %swap3A_346 : i32 to index
          %swap3A_350 = arith.constant 48 : index
          %swap3A_351 = tpu.vector_load %arg5[%swap3A_347, %swap3A_348, %swap3A_349, %swap3A_350] {strides = array<i32>} : memref<2x16x8x128xf32, #tpu.memory_space<vmem>>, vector<1x1x1x16xf32>,
          %swap3A_352 = vector.shape_cast %swap3A_351 : vector<1x1x1x16xf32> to vector<16xf32>
          %swap3A_353 = vector.shape_cast %get3A_344 : vector<16xf32> to vector<1x1x1x16xf32>
          tpu.vector_store %arg5[%swap3A_347, %swap3A_348, %swap3A_349, %swap3A_350], %swap3A_353 {strides = array<i32>} : memref<2x16x8x128xf32, #tpu.memory_space<vmem>>, vector<1x1x1x16xf32>,
          %get3A_354 = arith.constant 1 : i32
          %get3A_355 = arith.constant 3 : i32
          %get3A_356 = arith.index_cast %get3A_354 : i32 to index
          %get3A_357 = arith.index_cast %scan3A_151 : i32 to index
          %get3A_358 = arith.index_cast %get3A_355 : i32 to index
          %get3A_359 = arith.constant 0 : index
          %get3A_360 = tpu.vector_load %arg4[%get3A_356, %get3A_357, %get3A_358, %get3A_359] {strides = array<i32>} : memref<2x16x8x64xf32, #tpu.memory_space<vmem>>, vector<1x1x1x16xf32>,
          %get3A_361 = vector.shape_cast %get3A_360 : vector<1x1x1x16xf32> to vector<16xf32>
          %swap3A_362 = arith.constant 1 : i32
          %swap3A_363 = arith.constant 3 : i32
          %swap3A_364 = arith.index_cast %swap3A_362 : i32 to index
          %swap3A_365 = arith.index_cast %scan3A_151 : i32 to index
          %swap3A_366 = arith.index_cast %swap3A_363 : i32 to index
          %swap3A_367 = arith.constant 0 : index
          %swap3A_368 = tpu.vector_load %arg5[%swap3A_364, %swap3A_365, %swap3A_366, %swap3A_367] {strides = array<i32>} : memref<2x16x8x128xf32, #tpu.memory_space<vmem>>, vector<1x1x1x16xf32>,
          %swap3A_369 = vector.shape_cast %swap3A_368 : vector<1x1x1x16xf32> to vector<16xf32>
          %swap3A_370 = vector.shape_cast %get3A_361 : vector<16xf32> to vector<1x1x1x16xf32>
          tpu.vector_store %arg5[%swap3A_364, %swap3A_365, %swap3A_366, %swap3A_367], %swap3A_370 {strides = array<i32>} : memref<2x16x8x128xf32, #tpu.memory_space<vmem>>, vector<1x1x1x16xf32>,
          %get3A_371 = arith.constant 1 : i32
          %get3A_372 = arith.constant 3 : i32
          %get3A_373 = arith.index_cast %get3A_371 : i32 to index
          %get3A_374 = arith.index_cast %scan3A_151 : i32 to index
          %get3A_375 = arith.index_cast %get3A_372 : i32 to index
          %get3A_376 = arith.constant 16 : index
          %get3A_377 = tpu.vector_load %arg4[%get3A_373, %get3A_374, %get3A_375, %get3A_376] {strides = array<i32>} : memref<2x16x8x64xf32, #tpu.memory_space<vmem>>, vector<1x1x1x16xf32>,
          %get3A_378 = vector.shape_cast %get3A_377 : vector<1x1x1x16xf32> to vector<16xf32>
          %swap3A_379 = arith.constant 1 : i32
          %swap3A_380 = arith.constant 3 : i32
          %swap3A_381 = arith.index_cast %swap3A_379 : i32 to index
          %swap3A_382 = arith.index_cast %scan3A_151 : i32 to index
          %swap3A_383 = arith.index_cast %swap3A_380 : i32 to index
          %swap3A_384 = arith.constant 16 : index
          %swap3A_385 = tpu.vector_load %arg5[%swap3A_381, %swap3A_382, %swap3A_383, %swap3A_384] {strides = array<i32>} : memref<2x16x8x128xf32, #tpu.memory_space<vmem>>, vector<1x1x1x16xf32>,
          %swap3A_386 = vector.shape_cast %swap3A_385 : vector<1x1x1x16xf32> to vector<16xf32>
          %swap3A_387 = vector.shape_cast %get3A_378 : vector<16xf32> to vector<1x1x1x16xf32>
          tpu.vector_store %arg5[%swap3A_381, %swap3A_382, %swap3A_383, %swap3A_384], %swap3A_387 {strides = array<i32>} : memref<2x16x8x128xf32, #tpu.memory_space<vmem>>, vector<1x1x1x16xf32>,
          %get3A_388 = arith.constant 1 : i32
          %get3A_389 = arith.constant 3 : i32
          %get3A_390 = arith.index_cast %get3A_388 : i32 to index
          %get3A_391 = arith.index_cast %scan3A_151 : i32 to index
          %get3A_392 = arith.index_cast %get3A_389 : i32 to index
          %get3A_393 = arith.constant 32 : index
          %get3A_394 = tpu.vector_load %arg4[%get3A_390, %get3A_391, %get3A_392, %get3A_393] {strides = array<i32>} : memref<2x16x8x64xf32, #tpu.memory_space<vmem>>, vector<1x1x1x16xf32>,
          %get3A_395 = vector.shape_cast %get3A_394 : vector<1x1x1x16xf32> to vector<16xf32>
          %swap3A_396 = arith.constant 1 : i32
          %swap3A_397 = arith.constant 3 : i32
          %swap3A_398 = arith.index_cast %swap3A_396 : i32 to index
          %swap3A_399 = arith.index_cast %scan3A_151 : i32 to index
          %swap3A_400 = arith.index_cast %swap3A_397 : i32 to index
          %swap3A_401 = arith.constant 32 : index
          %swap3A_402 = tpu.vector_load %arg5[%swap3A_398, %swap3A_399, %swap3A_400, %swap3A_401] {strides = array<i32>} : memref<2x16x8x128xf32, #tpu.memory_space<vmem>>, vector<1x1x1x16xf32>,
          %swap3A_403 = vector.shape_cast %swap3A_402 : vector<1x1x1x16xf32> to vector<16xf32>
          %swap3A_404 = vector.shape_cast %get3A_395 : vector<16xf32> to vector<1x1x1x16xf32>
          tpu.vector_store %arg5[%swap3A_398, %swap3A_399, %swap3A_400, %swap3A_401], %swap3A_404 {strides = array<i32>} : memref<2x16x8x128xf32, #tpu.memory_space<vmem>>, vector<1x1x1x16xf32>,
          %get3A_405 = arith.constant 1 : i32
          %get3A_406 = arith.constant 3 : i32
          %get3A_407 = arith.index_cast %get3A_405 : i32 to index
          %get3A_408 = arith.index_cast %scan3A_151 : i32 to index
          %get3A_409 = arith.index_cast %get3A_406 : i32 to index
          %get3A_410 = arith.constant 48 : index
          %get3A_411 = tpu.vector_load %arg4[%get3A_407, %get3A_408, %get3A_409, %get3A_410] {strides = array<i32>} : memref<2x16x8x64xf32, #tpu.memory_space<vmem>>, vector<1x1x1x16xf32>,
          %get3A_412 = vector.shape_cast %get3A_411 : vector<1x1x1x16xf32> to vector<16xf32>
          %swap3A_413 = arith.constant 1 : i32
          %swap3A_414 = arith.constant 3 : i32
          %swap3A_415 = arith.index_cast %swap3A_413 : i32 to index
          %swap3A_416 = arith.index_cast %scan3A_151 : i32 to index
          %swap3A_417 = arith.index_cast %swap3A_414 : i32 to index
          %swap3A_418 = arith.constant 48 : index
          %swap3A_419 = tpu.vector_load %arg5[%swap3A_415, %swap3A_416, %swap3A_417, %swap3A_418] {strides = array<i32>} : memref<2x16x8x128xf32, #tpu.memory_space<vmem>>, vector<1x1x1x16xf32>,
          %swap3A_420 = vector.shape_cast %swap3A_419 : vector<1x1x1x16xf32> to vector<16xf32>
          %swap3A_421 = vector.shape_cast %get3A_412 : vector<16xf32> to vector<1x1x1x16xf32>
          tpu.vector_store %arg5[%swap3A_415, %swap3A_416, %swap3A_417, %swap3A_418], %swap3A_421 {strides = array<i32>} : memref<2x16x8x128xf32, #tpu.memory_space<vmem>>, vector<1x1x1x16xf32>,
          %get3A_422 = arith.constant 1 : i32
          %get3A_423 = arith.constant 4 : i32
          %get3A_424 = arith.index_cast %get3A_422 : i32 to index
          %get3A_425 = arith.index_cast %scan3A_151 : i32 to index
          %get3A_426 = arith.index_cast %get3A_423 : i32 to index
          %get3A_427 = arith.constant 0 : index
          %get3A_428 = tpu.vector_load %arg4[%get3A_424, %get3A_425, %get3A_426, %get3A_427] {strides = array<i32>} : memref<2x16x8x64xf32, #tpu.memory_space<vmem>>, vector<1x1x1x16xf32>,
          %get3A_429 = vector.shape_cast %get3A_428 : vector<1x1x1x16xf32> to vector<16xf32>
          %swap3A_430 = arith.constant 1 : i32
          %swap3A_431 = arith.constant 4 : i32
          %swap3A_432 = arith.index_cast %swap3A_430 : i32 to index
          %swap3A_433 = arith.index_cast %scan3A_151 : i32 to index
          %swap3A_434 = arith.index_cast %swap3A_431 : i32 to index
          %swap3A_435 = arith.constant 0 : index
          %swap3A_436 = tpu.vector_load %arg5[%swap3A_432, %swap3A_433, %swap3A_434, %swap3A_435] {strides = array<i32>} : memref<2x16x8x128xf32, #tpu.memory_space<vmem>>, vector<1x1x1x16xf32>,
          %swap3A_437 = vector.shape_cast %swap3A_436 : vector<1x1x1x16xf32> to vector<16xf32>
          %swap3A_438 = vector.shape_cast %get3A_429 : vector<16xf32> to vector<1x1x1x16xf32>
          tpu.vector_store %arg5[%swap3A_432, %swap3A_433, %swap3A_434, %swap3A_435], %swap3A_438 {strides = array<i32>} : memref<2x16x8x128xf32, #tpu.memory_space<vmem>>, vector<1x1x1x16xf32>,
          %get3A_439 = arith.constant 1 : i32
          %get3A_440 = arith.constant 4 : i32
          %get3A_441 = arith.index_cast %get3A_439 : i32 to index
          %get3A_442 = arith.index_cast %scan3A_151 : i32 to index
          %get3A_443 = arith.index_cast %get3A_440 : i32 to index
          %get3A_444 = arith.constant 16 : index
          %get3A_445 = tpu.vector_load %arg4[%get3A_441, %get3A_442, %get3A_443, %get3A_444] {strides = array<i32>} : memref<2x16x8x64xf32, #tpu.memory_space<vmem>>, vector<1x1x1x16xf32>,
          %get3A_446 = vector.shape_cast %get3A_445 : vector<1x1x1x16xf32> to vector<16xf32>
          %swap3A_447 = arith.constant 1 : i32
          %swap3A_448 = arith.constant 4 : i32
          %swap3A_449 = arith.index_cast %swap3A_447 : i32 to index
          %swap3A_450 = arith.index_cast %scan3A_151 : i32 to index
          %swap3A_451 = arith.index_cast %swap3A_448 : i32 to index
          %swap3A_452 = arith.constant 16 : index
          %swap3A_453 = tpu.vector_load %arg5[%swap3A_449, %swap3A_450, %swap3A_451, %swap3A_452] {strides = array<i32>} : memref<2x16x8x128xf32, #tpu.memory_space<vmem>>, vector<1x1x1x16xf32>,
          %swap3A_454 = vector.shape_cast %swap3A_453 : vector<1x1x1x16xf32> to vector<16xf32>
          %swap3A_455 = vector.shape_cast %get3A_446 : vector<16xf32> to vector<1x1x1x16xf32>
          tpu.vector_store %arg5[%swap3A_449, %swap3A_450, %swap3A_451, %swap3A_452], %swap3A_455 {strides = array<i32>} : memref<2x16x8x128xf32, #tpu.memory_space<vmem>>, vector<1x1x1x16xf32>,
          %get3A_456 = arith.constant 1 : i32
          %get3A_457 = arith.constant 4 : i32
          %get3A_458 = arith.index_cast %get3A_456 : i32 to index
          %get3A_459 = arith.index_cast %scan3A_151 : i32 to index
          %get3A_460 = arith.index_cast %get3A_457 : i32 to index
          %get3A_461 = arith.constant 32 : index
          %get3A_462 = tpu.vector_load %arg4[%get3A_458, %get3A_459, %get3A_460, %get3A_461] {strides = array<i32>} : memref<2x16x8x64xf32, #tpu.memory_space<vmem>>, vector<1x1x1x16xf32>,
          %get3A_463 = vector.shape_cast %get3A_462 : vector<1x1x1x16xf32> to vector<16xf32>
          %swap3A_464 = arith.constant 1 : i32
          %swap3A_465 = arith.constant 4 : i32
          %swap3A_466 = arith.index_cast %swap3A_464 : i32 to index
          %swap3A_467 = arith.index_cast %scan3A_151 : i32 to index
          %swap3A_468 = arith.index_cast %swap3A_465 : i32 to index
          %swap3A_469 = arith.constant 32 : index
          %swap3A_470 = tpu.vector_load %arg5[%swap3A_466, %swap3A_467, %swap3A_468, %swap3A_469] {strides = array<i32>} : memref<2x16x8x128xf32, #tpu.memory_space<vmem>>, vector<1x1x1x16xf32>,
          %swap3A_471 = vector.shape_cast %swap3A_470 : vector<1x1x1x16xf32> to vector<16xf32>
          %swap3A_472 = vector.shape_cast %get3A_463 : vector<16xf32> to vector<1x1x1x16xf32>
          tpu.vector_store %arg5[%swap3A_466, %swap3A_467, %swap3A_468, %swap3A_469], %swap3A_472 {strides = array<i32>} : memref<2x16x8x128xf32, #tpu.memory_space<vmem>>, vector<1x1x1x16xf32>,
          %get3A_473 = arith.constant 1 : i32
          %get3A_474 = arith.constant 4 : i32
          %get3A_475 = arith.index_cast %get3A_473 : i32 to index
          %get3A_476 = arith.index_cast %scan3A_151 : i32 to index
          %get3A_477 = arith.index_cast %get3A_474 : i32 to index
          %get3A_478 = arith.constant 48 : index
          %get3A_479 = tpu.vector_load %arg4[%get3A_475, %get3A_476, %get3A_477, %get3A_478] {strides = array<i32>} : memref<2x16x8x64xf32, #tpu.memory_space<vmem>>, vector<1x1x1x16xf32>,
          %get3A_480 = vector.shape_cast %get3A_479 : vector<1x1x1x16xf32> to vector<16xf32>
          %swap3A_481 = arith.constant 1 : i32
          %swap3A_482 = arith.constant 4 : i32
          %swap3A_483 = arith.index_cast %swap3A_481 : i32 to index
          %swap3A_484 = arith.index_cast %scan3A_151 : i32 to index
          %swap3A_485 = arith.index_cast %swap3A_482 : i32 to index
          %swap3A_486 = arith.constant 48 : index
          %swap3A_487 = tpu.vector_load %arg5[%swap3A_483, %swap3A_484, %swap3A_485, %swap3A_486] {strides = array<i32>} : memref<2x16x8x128xf32, #tpu.memory_space<vmem>>, vector<1x1x1x16xf32>,
          %swap3A_488 = vector.shape_cast %swap3A_487 : vector<1x1x1x16xf32> to vector<16xf32>
          %swap3A_489 = vector.shape_cast %get3A_480 : vector<16xf32> to vector<1x1x1x16xf32>
          tpu.vector_store %arg5[%swap3A_483, %swap3A_484, %swap3A_485, %swap3A_486], %swap3A_489 {strides = array<i32>} : memref<2x16x8x128xf32, #tpu.memory_space<vmem>>, vector<1x1x1x16xf32>,
          %get3A_490 = arith.constant 1 : i32
          %get3A_491 = arith.constant 5 : i32
          %get3A_492 = arith.index_cast %get3A_490 : i32 to index
          %get3A_493 = arith.index_cast %scan3A_151 : i32 to index
          %get3A_494 = arith.index_cast %get3A_491 : i32 to index
          %get3A_495 = arith.constant 0 : index
          %get3A_496 = tpu.vector_load %arg4[%get3A_492, %get3A_493, %get3A_494, %get3A_495] {strides = array<i32>} : memref<2x16x8x64xf32, #tpu.memory_space<vmem>>, vector<1x1x1x16xf32>,
          %get3A_497 = vector.shape_cast %get3A_496 : vector<1x1x1x16xf32> to vector<16xf32>
          %swap3A_498 = arith.constant 1 : i32
          %swap3A_499 = arith.constant 5 : i32
          %swap3A_500 = arith.index_cast %swap3A_498 : i32 to index
          %swap3A_501 = arith.index_cast %scan3A_151 : i32 to index
          %swap3A_502 = arith.index_cast %swap3A_499 : i32 to index
          %swap3A_503 = arith.constant 0 : index
          %swap3A_504 = tpu.vector_load %arg5[%swap3A_500, %swap3A_501, %swap3A_502, %swap3A_503] {strides = array<i32>} : memref<2x16x8x128xf32, #tpu.memory_space<vmem>>, vector<1x1x1x16xf32>,
          %swap3A_505 = vector.shape_cast %swap3A_504 : vector<1x1x1x16xf32> to vector<16xf32>
          %swap3A_506 = vector.shape_cast %get3A_497 : vector<16xf32> to vector<1x1x1x16xf32>
          tpu.vector_store %arg5[%swap3A_500, %swap3A_501, %swap3A_502, %swap3A_503], %swap3A_506 {strides = array<i32>} : memref<2x16x8x128xf32, #tpu.memory_space<vmem>>, vector<1x1x1x16xf32>,
          %get3A_507 = arith.constant 1 : i32
          %get3A_508 = arith.constant 5 : i32
          %get3A_509 = arith.index_cast %get3A_507 : i32 to index
          %get3A_510 = arith.index_cast %scan3A_151 : i32 to index
          %get3A_511 = arith.index_cast %get3A_508 : i32 to index
          %get3A_512 = arith.constant 16 : index
          %get3A_513 = tpu.vector_load %arg4[%get3A_509, %get3A_510, %get3A_511, %get3A_512] {strides = array<i32>} : memref<2x16x8x64xf32, #tpu.memory_space<vmem>>, vector<1x1x1x16xf32>,
          %get3A_514 = vector.shape_cast %get3A_513 : vector<1x1x1x16xf32> to vector<16xf32>
          %swap3A_515 = arith.constant 1 : i32
          %swap3A_516 = arith.constant 5 : i32
          %swap3A_517 = arith.index_cast %swap3A_515 : i32 to index
          %swap3A_518 = arith.index_cast %scan3A_151 : i32 to index
          %swap3A_519 = arith.index_cast %swap3A_516 : i32 to index
          %swap3A_520 = arith.constant 16 : index
          %swap3A_521 = tpu.vector_load %arg5[%swap3A_517, %swap3A_518, %swap3A_519, %swap3A_520] {strides = array<i32>} : memref<2x16x8x128xf32, #tpu.memory_space<vmem>>, vector<1x1x1x16xf32>,
          %swap3A_522 = vector.shape_cast %swap3A_521 : vector<1x1x1x16xf32> to vector<16xf32>
          %swap3A_523 = vector.shape_cast %get3A_514 : vector<16xf32> to vector<1x1x1x16xf32>
          tpu.vector_store %arg5[%swap3A_517, %swap3A_518, %swap3A_519, %swap3A_520], %swap3A_523 {strides = array<i32>} : memref<2x16x8x128xf32, #tpu.memory_space<vmem>>, vector<1x1x1x16xf32>,
          %get3A_524 = arith.constant 1 : i32
          %get3A_525 = arith.constant 5 : i32
          %get3A_526 = arith.index_cast %get3A_524 : i32 to index
          %get3A_527 = arith.index_cast %scan3A_151 : i32 to index
          %get3A_528 = arith.index_cast %get3A_525 : i32 to index
          %get3A_529 = arith.constant 32 : index
          %get3A_530 = tpu.vector_load %arg4[%get3A_526, %get3A_527, %get3A_528, %get3A_529] {strides = array<i32>} : memref<2x16x8x64xf32, #tpu.memory_space<vmem>>, vector<1x1x1x16xf32>,
          %get3A_531 = vector.shape_cast %get3A_530 : vector<1x1x1x16xf32> to vector<16xf32>
          %swap3A_532 = arith.constant 1 : i32
          %swap3A_533 = arith.constant 5 : i32
          %swap3A_534 = arith.index_cast %swap3A_532 : i32 to index
          %swap3A_535 = arith.index_cast %scan3A_151 : i32 to index
          %swap3A_536 = arith.index_cast %swap3A_533 : i32 to index
          %swap3A_537 = arith.constant 32 : index
          %swap3A_538 = tpu.vector_load %arg5[%swap3A_534, %swap3A_535, %swap3A_536, %swap3A_537] {strides = array<i32>} : memref<2x16x8x128xf32, #tpu.memory_space<vmem>>, vector<1x1x1x16xf32>,
          %swap3A_539 = vector.shape_cast %swap3A_538 : vector<1x1x1x16xf32> to vector<16xf32>
          %swap3A_540 = vector.shape_cast %get3A_531 : vector<16xf32> to vector<1x1x1x16xf32>
          tpu.vector_store %arg5[%swap3A_534, %swap3A_535, %swap3A_536, %swap3A_537], %swap3A_540 {strides = array<i32>} : memref<2x16x8x128xf32, #tpu.memory_space<vmem>>, vector<1x1x1x16xf32>,
          %get3A_541 = arith.constant 1 : i32
          %get3A_542 = arith.constant 5 : i32
          %get3A_543 = arith.index_cast %get3A_541 : i32 to index
          %get3A_544 = arith.index_cast %scan3A_151 : i32 to index
          %get3A_545 = arith.index_cast %get3A_542 : i32 to index
          %get3A_546 = arith.constant 48 : index
          %get3A_547 = tpu.vector_load %arg4[%get3A_543, %get3A_544, %get3A_545, %get3A_546] {strides = array<i32>} : memref<2x16x8x64xf32, #tpu.memory_space<vmem>>, vector<1x1x1x16xf32>,
          %get3A_548 = vector.shape_cast %get3A_547 : vector<1x1x1x16xf32> to vector<16xf32>
          %swap3A_549 = arith.constant 1 : i32
          %swap3A_550 = arith.constant 5 : i32
          %swap3A_551 = arith.index_cast %swap3A_549 : i32 to index
          %swap3A_552 = arith.index_cast %scan3A_151 : i32 to index
          %swap3A_553 = arith.index_cast %swap3A_550 : i32 to index
          %swap3A_554 = arith.constant 48 : index
          %swap3A_555 = tpu.vector_load %arg5[%swap3A_551, %swap3A_552, %swap3A_553, %swap3A_554] {strides = array<i32>} : memref<2x16x8x128xf32, #tpu.memory_space<vmem>>, vector<1x1x1x16xf32>,
          %swap3A_556 = vector.shape_cast %swap3A_555 : vector<1x1x1x16xf32> to vector<16xf32>
          %swap3A_557 = vector.shape_cast %get3A_548 : vector<16xf32> to vector<1x1x1x16xf32>
          tpu.vector_store %arg5[%swap3A_551, %swap3A_552, %swap3A_553, %swap3A_554], %swap3A_557 {strides = array<i32>} : memref<2x16x8x128xf32, #tpu.memory_space<vmem>>, vector<1x1x1x16xf32>,
          %get3A_558 = arith.constant 1 : i32
          %get3A_559 = arith.constant 6 : i32
          %get3A_560 = arith.index_cast %get3A_558 : i32 to index
          %get3A_561 = arith.index_cast %scan3A_151 : i32 to index
          %get3A_562 = arith.index_cast %get3A_559 : i32 to index
          %get3A_563 = arith.constant 0 : index
          %get3A_564 = tpu.vector_load %arg4[%get3A_560, %get3A_561, %get3A_562, %get3A_563] {strides = array<i32>} : memref<2x16x8x64xf32, #tpu.memory_space<vmem>>, vector<1x1x1x16xf32>,
          %get3A_565 = vector.shape_cast %get3A_564 : vector<1x1x1x16xf32> to vector<16xf32>
          %swap3A_566 = arith.constant 1 : i32
          %swap3A_567 = arith.constant 6 : i32
          %swap3A_568 = arith.index_cast %swap3A_566 : i32 to index
          %swap3A_569 = arith.index_cast %scan3A_151 : i32 to index
          %swap3A_570 = arith.index_cast %swap3A_567 : i32 to index
          %swap3A_571 = arith.constant 0 : index
          %swap3A_572 = tpu.vector_load %arg5[%swap3A_568, %swap3A_569, %swap3A_570, %swap3A_571] {strides = array<i32>} : memref<2x16x8x128xf32, #tpu.memory_space<vmem>>, vector<1x1x1x16xf32>,
          %swap3A_573 = vector.shape_cast %swap3A_572 : vector<1x1x1x16xf32> to vector<16xf32>
          %swap3A_574 = vector.shape_cast %get3A_565 : vector<16xf32> to vector<1x1x1x16xf32>
          tpu.vector_store %arg5[%swap3A_568, %swap3A_569, %swap3A_570, %swap3A_571], %swap3A_574 {strides = array<i32>} : memref<2x16x8x128xf32, #tpu.memory_space<vmem>>, vector<1x1x1x16xf32>,
          %get3A_575 = arith.constant 1 : i32
          %get3A_576 = arith.constant 6 : i32
          %get3A_577 = arith.index_cast %get3A_575 : i32 to index
          %get3A_578 = arith.index_cast %scan3A_151 : i32 to index
          %get3A_579 = arith.index_cast %get3A_576 : i32 to index
          %get3A_580 = arith.constant 16 : index
          %get3A_581 = tpu.vector_load %arg4[%get3A_577, %get3A_578, %get3A_579, %get3A_580] {strides = array<i32>} : memref<2x16x8x64xf32, #tpu.memory_space<vmem>>, vector<1x1x1x16xf32>,
          %get3A_582 = vector.shape_cast %get3A_581 : vector<1x1x1x16xf32> to vector<16xf32>
          %swap3A_583 = arith.constant 1 : i32
          %swap3A_584 = arith.constant 6 : i32
          %swap3A_585 = arith.index_cast %swap3A_583 : i32 to index
          %swap3A_586 = arith.index_cast %scan3A_151 : i32 to index
          %swap3A_587 = arith.index_cast %swap3A_584 : i32 to index
          %swap3A_588 = arith.constant 16 : index
          %swap3A_589 = tpu.vector_load %arg5[%swap3A_585, %swap3A_586, %swap3A_587, %swap3A_588] {strides = array<i32>} : memref<2x16x8x128xf32, #tpu.memory_space<vmem>>, vector<1x1x1x16xf32>,
          %swap3A_590 = vector.shape_cast %swap3A_589 : vector<1x1x1x16xf32> to vector<16xf32>
          %swap3A_591 = vector.shape_cast %get3A_582 : vector<16xf32> to vector<1x1x1x16xf32>
          tpu.vector_store %arg5[%swap3A_585, %swap3A_586, %swap3A_587, %swap3A_588], %swap3A_591 {strides = array<i32>} : memref<2x16x8x128xf32, #tpu.memory_space<vmem>>, vector<1x1x1x16xf32>,
          %get3A_592 = arith.constant 1 : i32
          %get3A_593 = arith.constant 6 : i32
          %get3A_594 = arith.index_cast %get3A_592 : i32 to index
          %get3A_595 = arith.index_cast %scan3A_151 : i32 to index
          %get3A_596 = arith.index_cast %get3A_593 : i32 to index
          %get3A_597 = arith.constant 32 : index
          %get3A_598 = tpu.vector_load %arg4[%get3A_594, %get3A_595, %get3A_596, %get3A_597] {strides = array<i32>} : memref<2x16x8x64xf32, #tpu.memory_space<vmem>>, vector<1x1x1x16xf32>,
          %get3A_599 = vector.shape_cast %get3A_598 : vector<1x1x1x16xf32> to vector<16xf32>
          %swap3A_600 = arith.constant 1 : i32
          %swap3A_601 = arith.constant 6 : i32
          %swap3A_602 = arith.index_cast %swap3A_600 : i32 to index
          %swap3A_603 = arith.index_cast %scan3A_151 : i32 to index
          %swap3A_604 = arith.index_cast %swap3A_601 : i32 to index
          %swap3A_605 = arith.constant 32 : index
          %swap3A_606 = tpu.vector_load %arg5[%swap3A_602, %swap3A_603, %swap3A_604, %swap3A_605] {strides = array<i32>} : memref<2x16x8x128xf32, #tpu.memory_space<vmem>>, vector<1x1x1x16xf32>,
          %swap3A_607 = vector.shape_cast %swap3A_606 : vector<1x1x1x16xf32> to vector<16xf32>
          %swap3A_608 = vector.shape_cast %get3A_599 : vector<16xf32> to vector<1x1x1x16xf32>
          tpu.vector_store %arg5[%swap3A_602, %swap3A_603, %swap3A_604, %swap3A_605], %swap3A_608 {strides = array<i32>} : memref<2x16x8x128xf32, #tpu.memory_space<vmem>>, vector<1x1x1x16xf32>,
          %get3A_609 = arith.constant 1 : i32
          %get3A_610 = arith.constant 6 : i32
          %get3A_611 = arith.index_cast %get3A_609 : i32 to index
          %get3A_612 = arith.index_cast %scan3A_151 : i32 to index
          %get3A_613 = arith.index_cast %get3A_610 : i32 to index
          %get3A_614 = arith.constant 48 : index
          %get3A_615 = tpu.vector_load %arg4[%get3A_611, %get3A_612, %get3A_613, %get3A_614] {strides = array<i32>} : memref<2x16x8x64xf32, #tpu.memory_space<vmem>>, vector<1x1x1x16xf32>,
          %get3A_616 = vector.shape_cast %get3A_615 : vector<1x1x1x16xf32> to vector<16xf32>
          %swap3A_617 = arith.constant 1 : i32
          %swap3A_618 = arith.constant 6 : i32
          %swap3A_619 = arith.index_cast %swap3A_617 : i32 to index
          %swap3A_620 = arith.index_cast %scan3A_151 : i32 to index
          %swap3A_621 = arith.index_cast %swap3A_618 : i32 to index
          %swap3A_622 = arith.constant 48 : index
          %swap3A_623 = tpu.vector_load %arg5[%swap3A_619, %swap3A_620, %swap3A_621, %swap3A_622] {strides = array<i32>} : memref<2x16x8x128xf32, #tpu.memory_space<vmem>>, vector<1x1x1x16xf32>,
          %swap3A_624 = vector.shape_cast %swap3A_623 : vector<1x1x1x16xf32> to vector<16xf32>
          %swap3A_625 = vector.shape_cast %get3A_616 : vector<16xf32> to vector<1x1x1x16xf32>
          tpu.vector_store %arg5[%swap3A_619, %swap3A_620, %swap3A_621, %swap3A_622], %swap3A_625 {strides = array<i32>} : memref<2x16x8x128xf32, #tpu.memory_space<vmem>>, vector<1x1x1x16xf32>,
          %get3A_626 = arith.constant 1 : i32
          %get3A_627 = arith.constant 7 : i32
          %get3A_628 = arith.index_cast %get3A_626 : i32 to index
          %get3A_629 = arith.index_cast %scan3A_151 : i32 to index
          %get3A_630 = arith.index_cast %get3A_627 : i32 to index
          %get3A_631 = arith.constant 0 : index
          %get3A_632 = tpu.vector_load %arg4[%get3A_628, %get3A_629, %get3A_630, %get3A_631] {strides = array<i32>} : memref<2x16x8x64xf32, #tpu.memory_space<vmem>>, vector<1x1x1x16xf32>,
          %get3A_633 = vector.shape_cast %get3A_632 : vector<1x1x1x16xf32> to vector<16xf32>
          %swap3A_634 = arith.constant 1 : i32
          %swap3A_635 = arith.constant 7 : i32
          %swap3A_636 = arith.index_cast %swap3A_634 : i32 to index
          %swap3A_637 = arith.index_cast %scan3A_151 : i32 to index
          %swap3A_638 = arith.index_cast %swap3A_635 : i32 to index
          %swap3A_639 = arith.constant 0 : index
          %swap3A_640 = tpu.vector_load %arg5[%swap3A_636, %swap3A_637, %swap3A_638, %swap3A_639] {strides = array<i32>} : memref<2x16x8x128xf32, #tpu.memory_space<vmem>>, vector<1x1x1x16xf32>,
          %swap3A_641 = vector.shape_cast %swap3A_640 : vector<1x1x1x16xf32> to vector<16xf32>
          %swap3A_642 = vector.shape_cast %get3A_633 : vector<16xf32> to vector<1x1x1x16xf32>
          tpu.vector_store %arg5[%swap3A_636, %swap3A_637, %swap3A_638, %swap3A_639], %swap3A_642 {strides = array<i32>} : memref<2x16x8x128xf32, #tpu.memory_space<vmem>>, vector<1x1x1x16xf32>,
          %get3A_643 = arith.constant 1 : i32
          %get3A_644 = arith.constant 7 : i32
          %get3A_645 = arith.index_cast %get3A_643 : i32 to index
          %get3A_646 = arith.index_cast %scan3A_151 : i32 to index
          %get3A_647 = arith.index_cast %get3A_644 : i32 to index
          %get3A_648 = arith.constant 16 : index
          %get3A_649 = tpu.vector_load %arg4[%get3A_645, %get3A_646, %get3A_647, %get3A_648] {strides = array<i32>} : memref<2x16x8x64xf32, #tpu.memory_space<vmem>>, vector<1x1x1x16xf32>,
          %get3A_650 = vector.shape_cast %get3A_649 : vector<1x1x1x16xf32> to vector<16xf32>
          %swap3A_651 = arith.constant 1 : i32
          %swap3A_652 = arith.constant 7 : i32
          %swap3A_653 = arith.index_cast %swap3A_651 : i32 to index
          %swap3A_654 = arith.index_cast %scan3A_151 : i32 to index
          %swap3A_655 = arith.index_cast %swap3A_652 : i32 to index
          %swap3A_656 = arith.constant 16 : index
          %swap3A_657 = tpu.vector_load %arg5[%swap3A_653, %swap3A_654, %swap3A_655, %swap3A_656] {strides = array<i32>} : memref<2x16x8x128xf32, #tpu.memory_space<vmem>>, vector<1x1x1x16xf32>,
          %swap3A_658 = vector.shape_cast %swap3A_657 : vector<1x1x1x16xf32> to vector<16xf32>
          %swap3A_659 = vector.shape_cast %get3A_650 : vector<16xf32> to vector<1x1x1x16xf32>
          tpu.vector_store %arg5[%swap3A_653, %swap3A_654, %swap3A_655, %swap3A_656], %swap3A_659 {strides = array<i32>} : memref<2x16x8x128xf32, #tpu.memory_space<vmem>>, vector<1x1x1x16xf32>,
          %get3A_660 = arith.constant 1 : i32
          %get3A_661 = arith.constant 7 : i32
          %get3A_662 = arith.index_cast %get3A_660 : i32 to index
          %get3A_663 = arith.index_cast %scan3A_151 : i32 to index
          %get3A_664 = arith.index_cast %get3A_661 : i32 to index
          %get3A_665 = arith.constant 32 : index
          %get3A_666 = tpu.vector_load %arg4[%get3A_662, %get3A_663, %get3A_664, %get3A_665] {strides = array<i32>} : memref<2x16x8x64xf32, #tpu.memory_space<vmem>>, vector<1x1x1x16xf32>,
          %get3A_667 = vector.shape_cast %get3A_666 : vector<1x1x1x16xf32> to vector<16xf32>
          %swap3A_668 = arith.constant 1 : i32
          %swap3A_669 = arith.constant 7 : i32
          %swap3A_670 = arith.index_cast %swap3A_668 : i32 to index
          %swap3A_671 = arith.index_cast %scan3A_151 : i32 to index
          %swap3A_672 = arith.index_cast %swap3A_669 : i32 to index
          %swap3A_673 = arith.constant 32 : index
          %swap3A_674 = tpu.vector_load %arg5[%swap3A_670, %swap3A_671, %swap3A_672, %swap3A_673] {strides = array<i32>} : memref<2x16x8x128xf32, #tpu.memory_space<vmem>>, vector<1x1x1x16xf32>,
          %swap3A_675 = vector.shape_cast %swap3A_674 : vector<1x1x1x16xf32> to vector<16xf32>
          %swap3A_676 = vector.shape_cast %get3A_667 : vector<16xf32> to vector<1x1x1x16xf32>
          tpu.vector_store %arg5[%swap3A_670, %swap3A_671, %swap3A_672, %swap3A_673], %swap3A_676 {strides = array<i32>} : memref<2x16x8x128xf32, #tpu.memory_space<vmem>>, vector<1x1x1x16xf32>,
          %get3A_677 = arith.constant 1 : i32
          %get3A_678 = arith.constant 7 : i32
          %get3A_679 = arith.index_cast %get3A_677 : i32 to index
          %get3A_680 = arith.index_cast %scan3A_151 : i32 to index
          %get3A_681 = arith.index_cast %get3A_678 : i32 to index
          %get3A_682 = arith.constant 48 : index
          %get3A_683 = tpu.vector_load %arg4[%get3A_679, %get3A_680, %get3A_681, %get3A_682] {strides = array<i32>} : memref<2x16x8x64xf32, #tpu.memory_space<vmem>>, vector<1x1x1x16xf32>,
          %get3A_684 = vector.shape_cast %get3A_683 : vector<1x1x1x16xf32> to vector<16xf32>
          %swap3A_685 = arith.constant 1 : i32
          %swap3A_686 = arith.constant 7 : i32
          %swap3A_687 = arith.index_cast %swap3A_685 : i32 to index
          %swap3A_688 = arith.index_cast %scan3A_151 : i32 to index
          %swap3A_689 = arith.index_cast %swap3A_686 : i32 to index
          %swap3A_690 = arith.constant 48 : index
          %swap3A_691 = tpu.vector_load %arg5[%swap3A_687, %swap3A_688, %swap3A_689, %swap3A_690] {strides = array<i32>} : memref<2x16x8x128xf32, #tpu.memory_space<vmem>>, vector<1x1x1x16xf32>,
          %swap3A_692 = vector.shape_cast %swap3A_691 : vector<1x1x1x16xf32> to vector<16xf32>
          %swap3A_693 = vector.shape_cast %get3A_684 : vector<16xf32> to vector<1x1x1x16xf32>
          tpu.vector_store %arg5[%swap3A_687, %swap3A_688, %swap3A_689, %swap3A_690], %swap3A_693 {strides = array<i32>} : memref<2x16x8x128xf32, #tpu.memory_space<vmem>>, vector<1x1x1x16xf32>,
        }
        %scan3A_107 = arith.constant 16 : i32
        %mul3A_108 = arith.constant 16 : i32
        %mul3A_109 = arith.muli %add3A_80, %mul3A_108 : i32
        %dma_start3A = arith.constant 1 : i32
        %dma_start3A_110 = arith.constant 1 : i32
        %dma_start3A_111 = arith.constant 0 : i32
        %dma_start3A_112 = arith.constant 0 : i32
        %dma_start3A_113 = arith.constant 0 : i32
        %dma_start3A_114 = tpu.memref_slice %arg5[%dma_start3A, %dma_start3A_111, %dma_start3A_112, %dma_start3A_113] : memref<2x16x8x128xf32, #tpu.memory_space<vmem>> -> memref<1x16x8x128xf32, #tpu.memory_space<vmem>>
        %dma_start3A_115 = tpu.memref_squeeze %dma_start3A_114 : memref<1x16x8x128xf32, #tpu.memory_space<vmem>> -> memref<16x8x128xf32, #tpu.memory_space<vmem>>
        %dma_start3A_116 = arith.constant 0 : i32
        %dma_start3A_117 = arith.constant 0 : i32
        %dma_start3A_118 = tpu.memref_slice %arg3[%mul3A_109, %dma_start3A_116, %dma_start3A_117] : memref<125000x8x128xf32, #tpu.memory_space<hbm>> -> memref<16x8x128xf32, #tpu.memory_space<hbm>>
        %dma_start3A_119 = tpu.memref_slice %arg7[%dma_start3A_110] : memref<2x!tpu.dma_semaphore, #tpu.memory_space<semaphore_mem>> -> memref<1x!tpu.dma_semaphore, #tpu.memory_space<semaphore_mem>>
        %dma_start3A_120 = tpu.memref_squeeze %dma_start3A_119 : memref<1x!tpu.dma_semaphore, #tpu.memory_space<semaphore_mem>> -> memref<!tpu.dma_semaphore, #tpu.memory_space<semaphore_mem>>
        %dma_start3A_121 = arith.constant 0 : i32
        %dma_start3A_122 = arith.constant 0 : i32
        %dma_start3A_123 = tpu.memref_slice %arg3[%mul3A_109, %dma_start3A_121, %dma_start3A_122] : memref<125000x8x128xf32, #tpu.memory_space<hbm>> -> memref<16x8x128xf32, #tpu.memory_space<hbm>>
        %dma_start3A_124 = arith.constant 0 : i32
        %dma_start3A_125 = arith.constant 0 : i32
        %dma_start3A_126 = arith.constant 0 : i32
        %dma_start3A_127 = tpu.memref_slice %arg5[%dma_start3A, %dma_start3A_124, %dma_start3A_125, %dma_start3A_126] : memref<2x16x8x128xf32, #tpu.memory_space<vmem>> -> memref<1x16x8x128xf32, #tpu.memory_space<vmem>>
        %dma_start3A_128 = tpu.memref_squeeze %dma_start3A_127 : memref<1x16x8x128xf32, #tpu.memory_space<vmem>> -> memref<16x8x128xf32, #tpu.memory_space<vmem>>
        tpu.enqueue_dma source(%dma_start3A_128 : memref<16x8x128xf32, #tpu.memory_space<vmem>>) target(%dma_start3A_123 : memref<16x8x128xf32, #tpu.memory_space<hbm>>) target_semaphore(%dma_start3A_120 : memref<!tpu.dma_semaphore, #tpu.memory_space<semaphore_mem>>)
        %mul3A_129 = arith.constant 16 : i32
        %mul3A_130 = arith.muli %add3A_80, %mul3A_129 : i32
        %dma_wait3A_131 = arith.constant 1 : i32
        %dma_wait3A_132 = arith.constant 1 : i32
        %dma_wait3A_133 = arith.constant 0 : i32
        %dma_wait3A_134 = arith.constant 0 : i32
        %dma_wait3A_135 = arith.constant 0 : i32
        %dma_wait3A_136 = tpu.memref_slice %arg5[%dma_wait3A_131, %dma_wait3A_133, %dma_wait3A_134, %dma_wait3A_135] : memref<2x16x8x128xf32, #tpu.memory_space<vmem>> -> memref<1x16x8x128xf32, #tpu.memory_space<vmem>>
        %dma_wait3A_137 = tpu.memref_squeeze %dma_wait3A_136 : memref<1x16x8x128xf32, #tpu.memory_space<vmem>> -> memref<16x8x128xf32, #tpu.memory_space<vmem>>
        %dma_wait3A_138 = arith.constant 0 : i32
        %dma_wait3A_139 = arith.constant 0 : i32
        %dma_wait3A_140 = tpu.memref_slice %arg3[%mul3A_130, %dma_wait3A_138, %dma_wait3A_139] : memref<125000x8x128xf32, #tpu.memory_space<hbm>> -> memref<16x8x128xf32, #tpu.memory_space<hbm>>
        %dma_wait3A_141 = tpu.memref_slice %arg7[%dma_wait3A_132] : memref<2x!tpu.dma_semaphore, #tpu.memory_space<semaphore_mem>> -> memref<1x!tpu.dma_semaphore, #tpu.memory_space<semaphore_mem>>
        %dma_wait3A_142 = tpu.memref_squeeze %dma_wait3A_141 : memref<1x!tpu.dma_semaphore, #tpu.memory_space<semaphore_mem>> -> memref<!tpu.dma_semaphore, #tpu.memory_space<semaphore_mem>>
        %dma_wait3A_143 = arith.constant 0 : i32
        %dma_wait3A_144 = arith.constant 0 : i32
        %dma_wait3A_145 = tpu.memref_slice %arg3[%mul3A_130, %dma_wait3A_143, %dma_wait3A_144] : memref<125000x8x128xf32, #tpu.memory_space<hbm>> -> memref<16x8x128xf32, #tpu.memory_space<hbm>>
        %dma_wait3A_146 = arith.constant 0 : i32
        %dma_wait3A_147 = arith.constant 0 : i32
        %dma_wait3A_148 = arith.constant 0 : i32
        %dma_wait3A_149 = tpu.memref_slice %arg5[%dma_wait3A_131, %dma_wait3A_146, %dma_wait3A_147, %dma_wait3A_148] : memref<2x16x8x128xf32, #tpu.memory_space<vmem>> -> memref<1x16x8x128xf32, #tpu.memory_space<vmem>>
        %dma_wait3A_150 = tpu.memref_squeeze %dma_wait3A_149 : memref<1x16x8x128xf32, #tpu.memory_space<vmem>> -> memref<16x8x128xf32, #tpu.memory_space<vmem>>
        tpu.wait_dma2 semaphore(%dma_wait3A_142 : memref<!tpu.dma_semaphore, #tpu.memory_space<semaphore_mem>>) src(%dma_wait3A_150 : memref<16x8x128xf32, #tpu.memory_space<vmem>>) dst(%dma_wait3A_145 : memref<16x8x128xf32, #tpu.memory_space<hbm>>)
      } else {
      }
      %add3A_68 = arith.constant 2 : i32
      %add3A_69 = arith.addi %add3A_59, %add3A_68 : i32
      %mul3A_70 = arith.constant 32 : i32
      %mul3A_71 = arith.muli %add3A_69, %mul3A_70 : i32
      %add3A_72 = arith.addi %mul3A_71, %add3A : i32
      %lt3A_73 = arith.constant 7812 : i32
      %lt3A_74 = arith.cmpi slt, %add3A_72, %lt3A_73 : i32
      %convert_element_type3A_75 = arith.extui %lt3A_74 : i1 to i32
      %cond3A_76 = arith.constant 0 : i32
      %cond3A_77 = arith.cmpi ne, %convert_element_type3A_75, %cond3A_76 : i32
      scf.if %cond3A_77 {
        %mul3A_78 = arith.constant 32 : i32
        %mul3A_79 = arith.muli %add3A_69, %mul3A_78 : i32
        %add3A_80 = arith.addi %mul3A_79, %add3A : i32
        %mul3A_81 = arith.constant 16 : i32
        %mul3A_82 = arith.muli %add3A_80, %mul3A_81 : i32
        %dma_start3A = arith.constant 1 : i32
        %dma_start3A_83 = arith.constant 1 : i32
        %dma_start3A_84 = arith.constant 0 : i32
        %dma_start3A_85 = arith.constant 0 : i32
        %dma_start3A_86 = arith.constant 0 : i32
        %dma_start3A_87 = tpu.memref_slice %arg4[%dma_start3A, %dma_start3A_84, %dma_start3A_85, %dma_start3A_86] : memref<2x16x8x64xf32, #tpu.memory_space<vmem>> -> memref<1x16x8x64xf32, #tpu.memory_space<vmem>>
        %dma_start3A_88 = tpu.memref_squeeze %dma_start3A_87 : memref<1x16x8x64xf32, #tpu.memory_space<vmem>> -> memref<16x8x64xf32, #tpu.memory_space<vmem>>
        %dma_start3A_89 = arith.constant 0 : i32
        %dma_start3A_90 = arith.constant 0 : i32
        %dma_start3A_91 = tpu.memref_slice %arg2[%mul3A_82, %dma_start3A_89, %dma_start3A_90] : memref<125000x8x64xf32, #tpu.memory_space<hbm>> -> memref<16x8x64xf32, #tpu.memory_space<hbm>>
        %dma_start3A_92 = tpu.memref_slice %arg6[%dma_start3A_83] : memref<2x!tpu.dma_semaphore, #tpu.memory_space<semaphore_mem>> -> memref<1x!tpu.dma_semaphore, #tpu.memory_space<semaphore_mem>>
        %dma_start3A_93 = tpu.memref_squeeze %dma_start3A_92 : memref<1x!tpu.dma_semaphore, #tpu.memory_space<semaphore_mem>> -> memref<!tpu.dma_semaphore, #tpu.memory_space<semaphore_mem>>
        %dma_start3A_94 = arith.constant 0 : i32
        %dma_start3A_95 = arith.constant 0 : i32
        %dma_start3A_96 = arith.constant 0 : i32
        %dma_start3A_97 = tpu.memref_slice %arg4[%dma_start3A, %dma_start3A_94, %dma_start3A_95, %dma_start3A_96] : memref<2x16x8x64xf32, #tpu.memory_space<vmem>> -> memref<1x16x8x64xf32, #tpu.memory_space<vmem>>
        %dma_start3A_98 = tpu.memref_squeeze %dma_start3A_97 : memref<1x16x8x64xf32, #tpu.memory_space<vmem>> -> memref<16x8x64xf32, #tpu.memory_space<vmem>>
        %dma_start3A_99 = arith.constant 0 : i32
        %dma_start3A_100 = arith.constant 0 : i32
        %dma_start3A_101 = tpu.memref_slice %arg2[%mul3A_82, %dma_start3A_99, %dma_start3A_100] : memref<125000x8x64xf32, #tpu.memory_space<hbm>> -> memref<16x8x64xf32, #tpu.memory_space<hbm>>
        tpu.enqueue_dma source(%dma_start3A_101 : memref<16x8x64xf32, #tpu.memory_space<hbm>>) target(%dma_start3A_98 : memref<16x8x64xf32, #tpu.memory_space<vmem>>) target_semaphore(%dma_start3A_93 : memref<!tpu.dma_semaphore, #tpu.memory_space<semaphore_mem>>)
      } else {
      }
    }
    %scan3A_16 = arith.constant 122 : i32
    %add3A_17 = arith.constant 7808 : i32
    %add3A_18 = arith.addi %add3A_17, %add3A : i32
    %lt3A_19 = arith.constant 7812 : i32
    %lt3A_20 = arith.cmpi slt, %add3A_18, %lt3A_19 : i32
    %convert_element_type3A_21 = arith.extui %lt3A_20 : i1 to i32
    %cond3A_22 = arith.constant 0 : i32
    %cond3A_23 = arith.cmpi ne, %convert_element_type3A_21, %cond3A_22 : i32
    scf.if %cond3A_23 {
      %add3A_35 = arith.constant 7808 : i32
      %add3A_36 = arith.addi %add3A_35, %add3A : i32
      %mul3A_37 = arith.constant 16 : i32
      %mul3A_38 = arith.muli %add3A_36, %mul3A_37 : i32
      %dma_wait3A = arith.constant 0 : i32
      %dma_wait3A_39 = arith.constant 0 : i32
      %dma_wait3A_40 = arith.constant 0 : i32
      %dma_wait3A_41 = arith.constant 0 : i32
      %dma_wait3A_42 = arith.constant 0 : i32
      %dma_wait3A_43 = tpu.memref_slice %arg4[%dma_wait3A, %dma_wait3A_40, %dma_wait3A_41, %dma_wait3A_42] : memref<2x16x8x64xf32, #tpu.memory_space<vmem>> -> memref<1x16x8x64xf32, #tpu.memory_space<vmem>>
      %dma_wait3A_44 = tpu.memref_squeeze %dma_wait3A_43 : memref<1x16x8x64xf32, #tpu.memory_space<vmem>> -> memref<16x8x64xf32, #tpu.memory_space<vmem>>
      %dma_wait3A_45 = arith.constant 0 : i32
      %dma_wait3A_46 = arith.constant 0 : i32
      %dma_wait3A_47 = tpu.memref_slice %arg2[%mul3A_38, %dma_wait3A_45, %dma_wait3A_46] : memref<125000x8x64xf32, #tpu.memory_space<hbm>> -> memref<16x8x64xf32, #tpu.memory_space<hbm>>
      %dma_wait3A_48 = tpu.memref_slice %arg6[%dma_wait3A_39] : memref<2x!tpu.dma_semaphore, #tpu.memory_space<semaphore_mem>> -> memref<1x!tpu.dma_semaphore, #tpu.memory_space<semaphore_mem>>
      %dma_wait3A_49 = tpu.memref_squeeze %dma_wait3A_48 : memref<1x!tpu.dma_semaphore, #tpu.memory_space<semaphore_mem>> -> memref<!tpu.dma_semaphore, #tpu.memory_space<semaphore_mem>>
      %dma_wait3A_50 = arith.constant 0 : i32
      %dma_wait3A_51 = arith.constant 0 : i32
      %dma_wait3A_52 = arith.constant 0 : i32
      %dma_wait3A_53 = tpu.memref_slice %arg4[%dma_wait3A, %dma_wait3A_50, %dma_wait3A_51, %dma_wait3A_52] : memref<2x16x8x64xf32, #tpu.memory_space<vmem>> -> memref<1x16x8x64xf32, #tpu.memory_space<vmem>>
      %dma_wait3A_54 = tpu.memref_squeeze %dma_wait3A_53 : memref<1x16x8x64xf32, #tpu.memory_space<vmem>> -> memref<16x8x64xf32, #tpu.memory_space<vmem>>
      %dma_wait3A_55 = arith.constant 0 : i32
      %dma_wait3A_56 = arith.constant 0 : i32
      %dma_wait3A_57 = tpu.memref_slice %arg2[%mul3A_38, %dma_wait3A_55, %dma_wait3A_56] : memref<125000x8x64xf32, #tpu.memory_space<hbm>> -> memref<16x8x64xf32, #tpu.memory_space<hbm>>
      tpu.wait_dma2 semaphore(%dma_wait3A_49 : memref<!tpu.dma_semaphore, #tpu.memory_space<semaphore_mem>>) src(%dma_wait3A_57 : memref<16x8x64xf32, #tpu.memory_space<hbm>>) dst(%dma_wait3A_54 : memref<16x8x64xf32, #tpu.memory_space<vmem>>)
      %scan3A_58 = arith.constant 0 : i32
      %scan3A_59 = arith.constant 0 : i32
      %scan3A_60 = arith.constant 16 : i32
      %scan3A_61 = arith.addi %scan3A_59, %scan3A_60 : i32
      %scan3A_62 = arith.constant 1 : i32
      scf.for %scan3A_107 = %scan3A_59 to %scan3A_61 step %scan3A_62  : i32 {
        %get3A = arith.constant 0 : i32
        %get3A_108 = arith.constant 0 : i32
        %get3A_109 = arith.index_cast %get3A : i32 to index
        %get3A_110 = arith.index_cast %scan3A_107 : i32 to index
        %get3A_111 = arith.index_cast %get3A_108 : i32 to index
        %get3A_112 = arith.constant 0 : index
        %get3A_113 = tpu.vector_load %arg4[%get3A_109, %get3A_110, %get3A_111, %get3A_112] {strides = array<i32>} : memref<2x16x8x64xf32, #tpu.memory_space<vmem>>, vector<1x1x1x16xf32>,
        %get3A_114 = vector.shape_cast %get3A_113 : vector<1x1x1x16xf32> to vector<16xf32>
        %swap3A = arith.constant 0 : i32
        %swap3A_115 = arith.constant 0 : i32
        %swap3A_116 = arith.index_cast %swap3A : i32 to index
        %swap3A_117 = arith.index_cast %scan3A_107 : i32 to index
        %swap3A_118 = arith.index_cast %swap3A_115 : i32 to index
        %swap3A_119 = arith.constant 0 : index
        %swap3A_120 = tpu.vector_load %arg5[%swap3A_116, %swap3A_117, %swap3A_118, %swap3A_119] {strides = array<i32>} : memref<2x16x8x128xf32, #tpu.memory_space<vmem>>, vector<1x1x1x16xf32>,
        %swap3A_121 = vector.shape_cast %swap3A_120 : vector<1x1x1x16xf32> to vector<16xf32>
        %swap3A_122 = vector.shape_cast %get3A_114 : vector<16xf32> to vector<1x1x1x16xf32>
        tpu.vector_store %arg5[%swap3A_116, %swap3A_117, %swap3A_118, %swap3A_119], %swap3A_122 {strides = array<i32>} : memref<2x16x8x128xf32, #tpu.memory_space<vmem>>, vector<1x1x1x16xf32>,
        %get3A_123 = arith.constant 0 : i32
        %get3A_124 = arith.constant 0 : i32
        %get3A_125 = arith.index_cast %get3A_123 : i32 to index
        %get3A_126 = arith.index_cast %scan3A_107 : i32 to index
        %get3A_127 = arith.index_cast %get3A_124 : i32 to index
        %get3A_128 = arith.constant 16 : index
        %get3A_129 = tpu.vector_load %arg4[%get3A_125, %get3A_126, %get3A_127, %get3A_128] {strides = array<i32>} : memref<2x16x8x64xf32, #tpu.memory_space<vmem>>, vector<1x1x1x16xf32>,
        %get3A_130 = vector.shape_cast %get3A_129 : vector<1x1x1x16xf32> to vector<16xf32>
        %swap3A_131 = arith.constant 0 : i32
        %swap3A_132 = arith.constant 0 : i32
        %swap3A_133 = arith.index_cast %swap3A_131 : i32 to index
        %swap3A_134 = arith.index_cast %scan3A_107 : i32 to index
        %swap3A_135 = arith.index_cast %swap3A_132 : i32 to index
        %swap3A_136 = arith.constant 16 : index
        %swap3A_137 = tpu.vector_load %arg5[%swap3A_133, %swap3A_134, %swap3A_135, %swap3A_136] {strides = array<i32>} : memref<2x16x8x128xf32, #tpu.memory_space<vmem>>, vector<1x1x1x16xf32>,
        %swap3A_138 = vector.shape_cast %swap3A_137 : vector<1x1x1x16xf32> to vector<16xf32>
        %swap3A_139 = vector.shape_cast %get3A_130 : vector<16xf32> to vector<1x1x1x16xf32>
        tpu.vector_store %arg5[%swap3A_133, %swap3A_134, %swap3A_135, %swap3A_136], %swap3A_139 {strides = array<i32>} : memref<2x16x8x128xf32, #tpu.memory_space<vmem>>, vector<1x1x1x16xf32>,
        %get3A_140 = arith.constant 0 : i32
        %get3A_141 = arith.constant 0 : i32
        %get3A_142 = arith.index_cast %get3A_140 : i32 to index
        %get3A_143 = arith.index_cast %scan3A_107 : i32 to index
        %get3A_144 = arith.index_cast %get3A_141 : i32 to index
        %get3A_145 = arith.constant 32 : index
        %get3A_146 = tpu.vector_load %arg4[%get3A_142, %get3A_143, %get3A_144, %get3A_145] {strides = array<i32>} : memref<2x16x8x64xf32, #tpu.memory_space<vmem>>, vector<1x1x1x16xf32>,
        %get3A_147 = vector.shape_cast %get3A_146 : vector<1x1x1x16xf32> to vector<16xf32>
        %swap3A_148 = arith.constant 0 : i32
        %swap3A_149 = arith.constant 0 : i32
        %swap3A_150 = arith.index_cast %swap3A_148 : i32 to index
        %swap3A_151 = arith.index_cast %scan3A_107 : i32 to index
        %swap3A_152 = arith.index_cast %swap3A_149 : i32 to index
        %swap3A_153 = arith.constant 32 : index
        %swap3A_154 = tpu.vector_load %arg5[%swap3A_150, %swap3A_151, %swap3A_152, %swap3A_153] {strides = array<i32>} : memref<2x16x8x128xf32, #tpu.memory_space<vmem>>, vector<1x1x1x16xf32>,
        %swap3A_155 = vector.shape_cast %swap3A_154 : vector<1x1x1x16xf32> to vector<16xf32>
        %swap3A_156 = vector.shape_cast %get3A_147 : vector<16xf32> to vector<1x1x1x16xf32>
        tpu.vector_store %arg5[%swap3A_150, %swap3A_151, %swap3A_152, %swap3A_153], %swap3A_156 {strides = array<i32>} : memref<2x16x8x128xf32, #tpu.memory_space<vmem>>, vector<1x1x1x16xf32>,
        %get3A_157 = arith.constant 0 : i32
        %get3A_158 = arith.constant 0 : i32
        %get3A_159 = arith.index_cast %get3A_157 : i32 to index
        %get3A_160 = arith.index_cast %scan3A_107 : i32 to index
        %get3A_161 = arith.index_cast %get3A_158 : i32 to index
        %get3A_162 = arith.constant 48 : index
        %get3A_163 = tpu.vector_load %arg4[%get3A_159, %get3A_160, %get3A_161, %get3A_162] {strides = array<i32>} : memref<2x16x8x64xf32, #tpu.memory_space<vmem>>, vector<1x1x1x16xf32>,
        %get3A_164 = vector.shape_cast %get3A_163 : vector<1x1x1x16xf32> to vector<16xf32>
        %swap3A_165 = arith.constant 0 : i32
        %swap3A_166 = arith.constant 0 : i32
        %swap3A_167 = arith.index_cast %swap3A_165 : i32 to index
        %swap3A_168 = arith.index_cast %scan3A_107 : i32 to index
        %swap3A_169 = arith.index_cast %swap3A_166 : i32 to index
        %swap3A_170 = arith.constant 48 : index
        %swap3A_171 = tpu.vector_load %arg5[%swap3A_167, %swap3A_168, %swap3A_169, %swap3A_170] {strides = array<i32>} : memref<2x16x8x128xf32, #tpu.memory_space<vmem>>, vector<1x1x1x16xf32>,
        %swap3A_172 = vector.shape_cast %swap3A_171 : vector<1x1x1x16xf32> to vector<16xf32>
        %swap3A_173 = vector.shape_cast %get3A_164 : vector<16xf32> to vector<1x1x1x16xf32>
        tpu.vector_store %arg5[%swap3A_167, %swap3A_168, %swap3A_169, %swap3A_170], %swap3A_173 {strides = array<i32>} : memref<2x16x8x128xf32, #tpu.memory_space<vmem>>, vector<1x1x1x16xf32>,
        %get3A_174 = arith.constant 0 : i32
        %get3A_175 = arith.constant 1 : i32
        %get3A_176 = arith.index_cast %get3A_174 : i32 to index
        %get3A_177 = arith.index_cast %scan3A_107 : i32 to index
        %get3A_178 = arith.index_cast %get3A_175 : i32 to index
        %get3A_179 = arith.constant 0 : index
        %get3A_180 = tpu.vector_load %arg4[%get3A_176, %get3A_177, %get3A_178, %get3A_179] {strides = array<i32>} : memref<2x16x8x64xf32, #tpu.memory_space<vmem>>, vector<1x1x1x16xf32>,
        %get3A_181 = vector.shape_cast %get3A_180 : vector<1x1x1x16xf32> to vector<16xf32>
        %swap3A_182 = arith.constant 0 : i32
        %swap3A_183 = arith.constant 1 : i32
        %swap3A_184 = arith.index_cast %swap3A_182 : i32 to index
        %swap3A_185 = arith.index_cast %scan3A_107 : i32 to index
        %swap3A_186 = arith.index_cast %swap3A_183 : i32 to index
        %swap3A_187 = arith.constant 0 : index
        %swap3A_188 = tpu.vector_load %arg5[%swap3A_184, %swap3A_185, %swap3A_186, %swap3A_187] {strides = array<i32>} : memref<2x16x8x128xf32, #tpu.memory_space<vmem>>, vector<1x1x1x16xf32>,
        %swap3A_189 = vector.shape_cast %swap3A_188 : vector<1x1x1x16xf32> to vector<16xf32>
        %swap3A_190 = vector.shape_cast %get3A_181 : vector<16xf32> to vector<1x1x1x16xf32>
        tpu.vector_store %arg5[%swap3A_184, %swap3A_185, %swap3A_186, %swap3A_187], %swap3A_190 {strides = array<i32>} : memref<2x16x8x128xf32, #tpu.memory_space<vmem>>, vector<1x1x1x16xf32>,
        %get3A_191 = arith.constant 0 : i32
        %get3A_192 = arith.constant 1 : i32
        %get3A_193 = arith.index_cast %get3A_191 : i32 to index
        %get3A_194 = arith.index_cast %scan3A_107 : i32 to index
        %get3A_195 = arith.index_cast %get3A_192 : i32 to index
        %get3A_196 = arith.constant 16 : index
        %get3A_197 = tpu.vector_load %arg4[%get3A_193, %get3A_194, %get3A_195, %get3A_196] {strides = array<i32>} : memref<2x16x8x64xf32, #tpu.memory_space<vmem>>, vector<1x1x1x16xf32>,
        %get3A_198 = vector.shape_cast %get3A_197 : vector<1x1x1x16xf32> to vector<16xf32>
        %swap3A_199 = arith.constant 0 : i32
        %swap3A_200 = arith.constant 1 : i32
        %swap3A_201 = arith.index_cast %swap3A_199 : i32 to index
        %swap3A_202 = arith.index_cast %scan3A_107 : i32 to index
        %swap3A_203 = arith.index_cast %swap3A_200 : i32 to index
        %swap3A_204 = arith.constant 16 : index
        %swap3A_205 = tpu.vector_load %arg5[%swap3A_201, %swap3A_202, %swap3A_203, %swap3A_204] {strides = array<i32>} : memref<2x16x8x128xf32, #tpu.memory_space<vmem>>, vector<1x1x1x16xf32>,
        %swap3A_206 = vector.shape_cast %swap3A_205 : vector<1x1x1x16xf32> to vector<16xf32>
        %swap3A_207 = vector.shape_cast %get3A_198 : vector<16xf32> to vector<1x1x1x16xf32>
        tpu.vector_store %arg5[%swap3A_201, %swap3A_202, %swap3A_203, %swap3A_204], %swap3A_207 {strides = array<i32>} : memref<2x16x8x128xf32, #tpu.memory_space<vmem>>, vector<1x1x1x16xf32>,
        %get3A_208 = arith.constant 0 : i32
        %get3A_209 = arith.constant 1 : i32
        %get3A_210 = arith.index_cast %get3A_208 : i32 to index
        %get3A_211 = arith.index_cast %scan3A_107 : i32 to index
        %get3A_212 = arith.index_cast %get3A_209 : i32 to index
        %get3A_213 = arith.constant 32 : index
        %get3A_214 = tpu.vector_load %arg4[%get3A_210, %get3A_211, %get3A_212, %get3A_213] {strides = array<i32>} : memref<2x16x8x64xf32, #tpu.memory_space<vmem>>, vector<1x1x1x16xf32>,
        %get3A_215 = vector.shape_cast %get3A_214 : vector<1x1x1x16xf32> to vector<16xf32>
        %swap3A_216 = arith.constant 0 : i32
        %swap3A_217 = arith.constant 1 : i32
        %swap3A_218 = arith.index_cast %swap3A_216 : i32 to index
        %swap3A_219 = arith.index_cast %scan3A_107 : i32 to index
        %swap3A_220 = arith.index_cast %swap3A_217 : i32 to index
        %swap3A_221 = arith.constant 32 : index
        %swap3A_222 = tpu.vector_load %arg5[%swap3A_218, %swap3A_219, %swap3A_220, %swap3A_221] {strides = array<i32>} : memref<2x16x8x128xf32, #tpu.memory_space<vmem>>, vector<1x1x1x16xf32>,
        %swap3A_223 = vector.shape_cast %swap3A_222 : vector<1x1x1x16xf32> to vector<16xf32>
        %swap3A_224 = vector.shape_cast %get3A_215 : vector<16xf32> to vector<1x1x1x16xf32>
        tpu.vector_store %arg5[%swap3A_218, %swap3A_219, %swap3A_220, %swap3A_221], %swap3A_224 {strides = array<i32>} : memref<2x16x8x128xf32, #tpu.memory_space<vmem>>, vector<1x1x1x16xf32>,
        %get3A_225 = arith.constant 0 : i32
        %get3A_226 = arith.constant 1 : i32
        %get3A_227 = arith.index_cast %get3A_225 : i32 to index
        %get3A_228 = arith.index_cast %scan3A_107 : i32 to index
        %get3A_229 = arith.index_cast %get3A_226 : i32 to index
        %get3A_230 = arith.constant 48 : index
        %get3A_231 = tpu.vector_load %arg4[%get3A_227, %get3A_228, %get3A_229, %get3A_230] {strides = array<i32>} : memref<2x16x8x64xf32, #tpu.memory_space<vmem>>, vector<1x1x1x16xf32>,
        %get3A_232 = vector.shape_cast %get3A_231 : vector<1x1x1x16xf32> to vector<16xf32>
        %swap3A_233 = arith.constant 0 : i32
        %swap3A_234 = arith.constant 1 : i32
        %swap3A_235 = arith.index_cast %swap3A_233 : i32 to index
        %swap3A_236 = arith.index_cast %scan3A_107 : i32 to index
        %swap3A_237 = arith.index_cast %swap3A_234 : i32 to index
        %swap3A_238 = arith.constant 48 : index
        %swap3A_239 = tpu.vector_load %arg5[%swap3A_235, %swap3A_236, %swap3A_237, %swap3A_238] {strides = array<i32>} : memref<2x16x8x128xf32, #tpu.memory_space<vmem>>, vector<1x1x1x16xf32>,
        %swap3A_240 = vector.shape_cast %swap3A_239 : vector<1x1x1x16xf32> to vector<16xf32>
        %swap3A_241 = vector.shape_cast %get3A_232 : vector<16xf32> to vector<1x1x1x16xf32>
        tpu.vector_store %arg5[%swap3A_235, %swap3A_236, %swap3A_237, %swap3A_238], %swap3A_241 {strides = array<i32>} : memref<2x16x8x128xf32, #tpu.memory_space<vmem>>, vector<1x1x1x16xf32>,
        %get3A_242 = arith.constant 0 : i32
        %get3A_243 = arith.constant 2 : i32
        %get3A_244 = arith.index_cast %get3A_242 : i32 to index
        %get3A_245 = arith.index_cast %scan3A_107 : i32 to index
        %get3A_246 = arith.index_cast %get3A_243 : i32 to index
        %get3A_247 = arith.constant 0 : index
        %get3A_248 = tpu.vector_load %arg4[%get3A_244, %get3A_245, %get3A_246, %get3A_247] {strides = array<i32>} : memref<2x16x8x64xf32, #tpu.memory_space<vmem>>, vector<1x1x1x16xf32>,
        %get3A_249 = vector.shape_cast %get3A_248 : vector<1x1x1x16xf32> to vector<16xf32>
        %swap3A_250 = arith.constant 0 : i32
        %swap3A_251 = arith.constant 2 : i32
        %swap3A_252 = arith.index_cast %swap3A_250 : i32 to index
        %swap3A_253 = arith.index_cast %scan3A_107 : i32 to index
        %swap3A_254 = arith.index_cast %swap3A_251 : i32 to index
        %swap3A_255 = arith.constant 0 : index
        %swap3A_256 = tpu.vector_load %arg5[%swap3A_252, %swap3A_253, %swap3A_254, %swap3A_255] {strides = array<i32>} : memref<2x16x8x128xf32, #tpu.memory_space<vmem>>, vector<1x1x1x16xf32>,
        %swap3A_257 = vector.shape_cast %swap3A_256 : vector<1x1x1x16xf32> to vector<16xf32>
        %swap3A_258 = vector.shape_cast %get3A_249 : vector<16xf32> to vector<1x1x1x16xf32>
        tpu.vector_store %arg5[%swap3A_252, %swap3A_253, %swap3A_254, %swap3A_255], %swap3A_258 {strides = array<i32>} : memref<2x16x8x128xf32, #tpu.memory_space<vmem>>, vector<1x1x1x16xf32>,
        %get3A_259 = arith.constant 0 : i32
        %get3A_260 = arith.constant 2 : i32
        %get3A_261 = arith.index_cast %get3A_259 : i32 to index
        %get3A_262 = arith.index_cast %scan3A_107 : i32 to index
        %get3A_263 = arith.index_cast %get3A_260 : i32 to index
        %get3A_264 = arith.constant 16 : index
        %get3A_265 = tpu.vector_load %arg4[%get3A_261, %get3A_262, %get3A_263, %get3A_264] {strides = array<i32>} : memref<2x16x8x64xf32, #tpu.memory_space<vmem>>, vector<1x1x1x16xf32>,
        %get3A_266 = vector.shape_cast %get3A_265 : vector<1x1x1x16xf32> to vector<16xf32>
        %swap3A_267 = arith.constant 0 : i32
        %swap3A_268 = arith.constant 2 : i32
        %swap3A_269 = arith.index_cast %swap3A_267 : i32 to index
        %swap3A_270 = arith.index_cast %scan3A_107 : i32 to index
        %swap3A_271 = arith.index_cast %swap3A_268 : i32 to index
        %swap3A_272 = arith.constant 16 : index
        %swap3A_273 = tpu.vector_load %arg5[%swap3A_269, %swap3A_270, %swap3A_271, %swap3A_272] {strides = array<i32>} : memref<2x16x8x128xf32, #tpu.memory_space<vmem>>, vector<1x1x1x16xf32>,
        %swap3A_274 = vector.shape_cast %swap3A_273 : vector<1x1x1x16xf32> to vector<16xf32>
        %swap3A_275 = vector.shape_cast %get3A_266 : vector<16xf32> to vector<1x1x1x16xf32>
        tpu.vector_store %arg5[%swap3A_269, %swap3A_270, %swap3A_271, %swap3A_272], %swap3A_275 {strides = array<i32>} : memref<2x16x8x128xf32, #tpu.memory_space<vmem>>, vector<1x1x1x16xf32>,
        %get3A_276 = arith.constant 0 : i32
        %get3A_277 = arith.constant 2 : i32
        %get3A_278 = arith.index_cast %get3A_276 : i32 to index
        %get3A_279 = arith.index_cast %scan3A_107 : i32 to index
        %get3A_280 = arith.index_cast %get3A_277 : i32 to index
        %get3A_281 = arith.constant 32 : index
        %get3A_282 = tpu.vector_load %arg4[%get3A_278, %get3A_279, %get3A_280, %get3A_281] {strides = array<i32>} : memref<2x16x8x64xf32, #tpu.memory_space<vmem>>, vector<1x1x1x16xf32>,
        %get3A_283 = vector.shape_cast %get3A_282 : vector<1x1x1x16xf32> to vector<16xf32>
        %swap3A_284 = arith.constant 0 : i32
        %swap3A_285 = arith.constant 2 : i32
        %swap3A_286 = arith.index_cast %swap3A_284 : i32 to index
        %swap3A_287 = arith.index_cast %scan3A_107 : i32 to index
        %swap3A_288 = arith.index_cast %swap3A_285 : i32 to index
        %swap3A_289 = arith.constant 32 : index
        %swap3A_290 = tpu.vector_load %arg5[%swap3A_286, %swap3A_287, %swap3A_288, %swap3A_289] {strides = array<i32>} : memref<2x16x8x128xf32, #tpu.memory_space<vmem>>, vector<1x1x1x16xf32>,
        %swap3A_291 = vector.shape_cast %swap3A_290 : vector<1x1x1x16xf32> to vector<16xf32>
        %swap3A_292 = vector.shape_cast %get3A_283 : vector<16xf32> to vector<1x1x1x16xf32>
        tpu.vector_store %arg5[%swap3A_286, %swap3A_287, %swap3A_288, %swap3A_289], %swap3A_292 {strides = array<i32>} : memref<2x16x8x128xf32, #tpu.memory_space<vmem>>, vector<1x1x1x16xf32>,
        %get3A_293 = arith.constant 0 : i32
        %get3A_294 = arith.constant 2 : i32
        %get3A_295 = arith.index_cast %get3A_293 : i32 to index
        %get3A_296 = arith.index_cast %scan3A_107 : i32 to index
        %get3A_297 = arith.index_cast %get3A_294 : i32 to index
        %get3A_298 = arith.constant 48 : index
        %get3A_299 = tpu.vector_load %arg4[%get3A_295, %get3A_296, %get3A_297, %get3A_298] {strides = array<i32>} : memref<2x16x8x64xf32, #tpu.memory_space<vmem>>, vector<1x1x1x16xf32>,
        %get3A_300 = vector.shape_cast %get3A_299 : vector<1x1x1x16xf32> to vector<16xf32>
        %swap3A_301 = arith.constant 0 : i32
        %swap3A_302 = arith.constant 2 : i32
        %swap3A_303 = arith.index_cast %swap3A_301 : i32 to index
        %swap3A_304 = arith.index_cast %scan3A_107 : i32 to index
        %swap3A_305 = arith.index_cast %swap3A_302 : i32 to index
        %swap3A_306 = arith.constant 48 : index
        %swap3A_307 = tpu.vector_load %arg5[%swap3A_303, %swap3A_304, %swap3A_305, %swap3A_306] {strides = array<i32>} : memref<2x16x8x128xf32, #tpu.memory_space<vmem>>, vector<1x1x1x16xf32>,
        %swap3A_308 = vector.shape_cast %swap3A_307 : vector<1x1x1x16xf32> to vector<16xf32>
        %swap3A_309 = vector.shape_cast %get3A_300 : vector<16xf32> to vector<1x1x1x16xf32>
        tpu.vector_store %arg5[%swap3A_303, %swap3A_304, %swap3A_305, %swap3A_306], %swap3A_309 {strides = array<i32>} : memref<2x16x8x128xf32, #tpu.memory_space<vmem>>, vector<1x1x1x16xf32>,
        %get3A_310 = arith.constant 0 : i32
        %get3A_311 = arith.constant 3 : i32
        %get3A_312 = arith.index_cast %get3A_310 : i32 to index
        %get3A_313 = arith.index_cast %scan3A_107 : i32 to index
        %get3A_314 = arith.index_cast %get3A_311 : i32 to index
        %get3A_315 = arith.constant 0 : index
        %get3A_316 = tpu.vector_load %arg4[%get3A_312, %get3A_313, %get3A_314, %get3A_315] {strides = array<i32>} : memref<2x16x8x64xf32, #tpu.memory_space<vmem>>, vector<1x1x1x16xf32>,
        %get3A_317 = vector.shape_cast %get3A_316 : vector<1x1x1x16xf32> to vector<16xf32>
        %swap3A_318 = arith.constant 0 : i32
        %swap3A_319 = arith.constant 3 : i32
        %swap3A_320 = arith.index_cast %swap3A_318 : i32 to index
        %swap3A_321 = arith.index_cast %scan3A_107 : i32 to index
        %swap3A_322 = arith.index_cast %swap3A_319 : i32 to index
        %swap3A_323 = arith.constant 0 : index
        %swap3A_324 = tpu.vector_load %arg5[%swap3A_320, %swap3A_321, %swap3A_322, %swap3A_323] {strides = array<i32>} : memref<2x16x8x128xf32, #tpu.memory_space<vmem>>, vector<1x1x1x16xf32>,
        %swap3A_325 = vector.shape_cast %swap3A_324 : vector<1x1x1x16xf32> to vector<16xf32>
        %swap3A_326 = vector.shape_cast %get3A_317 : vector<16xf32> to vector<1x1x1x16xf32>
        tpu.vector_store %arg5[%swap3A_320, %swap3A_321, %swap3A_322, %swap3A_323], %swap3A_326 {strides = array<i32>} : memref<2x16x8x128xf32, #tpu.memory_space<vmem>>, vector<1x1x1x16xf32>,
        %get3A_327 = arith.constant 0 : i32
        %get3A_328 = arith.constant 3 : i32
        %get3A_329 = arith.index_cast %get3A_327 : i32 to index
        %get3A_330 = arith.index_cast %scan3A_107 : i32 to index
        %get3A_331 = arith.index_cast %get3A_328 : i32 to index
        %get3A_332 = arith.constant 16 : index
        %get3A_333 = tpu.vector_load %arg4[%get3A_329, %get3A_330, %get3A_331, %get3A_332] {strides = array<i32>} : memref<2x16x8x64xf32, #tpu.memory_space<vmem>>, vector<1x1x1x16xf32>,
        %get3A_334 = vector.shape_cast %get3A_333 : vector<1x1x1x16xf32> to vector<16xf32>
        %swap3A_335 = arith.constant 0 : i32
        %swap3A_336 = arith.constant 3 : i32
        %swap3A_337 = arith.index_cast %swap3A_335 : i32 to index
        %swap3A_338 = arith.index_cast %scan3A_107 : i32 to index
        %swap3A_339 = arith.index_cast %swap3A_336 : i32 to index
        %swap3A_340 = arith.constant 16 : index
        %swap3A_341 = tpu.vector_load %arg5[%swap3A_337, %swap3A_338, %swap3A_339, %swap3A_340] {strides = array<i32>} : memref<2x16x8x128xf32, #tpu.memory_space<vmem>>, vector<1x1x1x16xf32>,
        %swap3A_342 = vector.shape_cast %swap3A_341 : vector<1x1x1x16xf32> to vector<16xf32>
        %swap3A_343 = vector.shape_cast %get3A_334 : vector<16xf32> to vector<1x1x1x16xf32>
        tpu.vector_store %arg5[%swap3A_337, %swap3A_338, %swap3A_339, %swap3A_340], %swap3A_343 {strides = array<i32>} : memref<2x16x8x128xf32, #tpu.memory_space<vmem>>, vector<1x1x1x16xf32>,
        %get3A_344 = arith.constant 0 : i32
        %get3A_345 = arith.constant 3 : i32
        %get3A_346 = arith.index_cast %get3A_344 : i32 to index
        %get3A_347 = arith.index_cast %scan3A_107 : i32 to index
        %get3A_348 = arith.index_cast %get3A_345 : i32 to index
        %get3A_349 = arith.constant 32 : index
        %get3A_350 = tpu.vector_load %arg4[%get3A_346, %get3A_347, %get3A_348, %get3A_349] {strides = array<i32>} : memref<2x16x8x64xf32, #tpu.memory_space<vmem>>, vector<1x1x1x16xf32>,
        %get3A_351 = vector.shape_cast %get3A_350 : vector<1x1x1x16xf32> to vector<16xf32>
        %swap3A_352 = arith.constant 0 : i32
        %swap3A_353 = arith.constant 3 : i32
        %swap3A_354 = arith.index_cast %swap3A_352 : i32 to index
        %swap3A_355 = arith.index_cast %scan3A_107 : i32 to index
        %swap3A_356 = arith.index_cast %swap3A_353 : i32 to index
        %swap3A_357 = arith.constant 32 : index
        %swap3A_358 = tpu.vector_load %arg5[%swap3A_354, %swap3A_355, %swap3A_356, %swap3A_357] {strides = array<i32>} : memref<2x16x8x128xf32, #tpu.memory_space<vmem>>, vector<1x1x1x16xf32>,
        %swap3A_359 = vector.shape_cast %swap3A_358 : vector<1x1x1x16xf32> to vector<16xf32>
        %swap3A_360 = vector.shape_cast %get3A_351 : vector<16xf32> to vector<1x1x1x16xf32>
        tpu.vector_store %arg5[%swap3A_354, %swap3A_355, %swap3A_356, %swap3A_357], %swap3A_360 {strides = array<i32>} : memref<2x16x8x128xf32, #tpu.memory_space<vmem>>, vector<1x1x1x16xf32>,
        %get3A_361 = arith.constant 0 : i32
        %get3A_362 = arith.constant 3 : i32
        %get3A_363 = arith.index_cast %get3A_361 : i32 to index
        %get3A_364 = arith.index_cast %scan3A_107 : i32 to index
        %get3A_365 = arith.index_cast %get3A_362 : i32 to index
        %get3A_366 = arith.constant 48 : index
        %get3A_367 = tpu.vector_load %arg4[%get3A_363, %get3A_364, %get3A_365, %get3A_366] {strides = array<i32>} : memref<2x16x8x64xf32, #tpu.memory_space<vmem>>, vector<1x1x1x16xf32>,
        %get3A_368 = vector.shape_cast %get3A_367 : vector<1x1x1x16xf32> to vector<16xf32>
        %swap3A_369 = arith.constant 0 : i32
        %swap3A_370 = arith.constant 3 : i32
        %swap3A_371 = arith.index_cast %swap3A_369 : i32 to index
        %swap3A_372 = arith.index_cast %scan3A_107 : i32 to index
        %swap3A_373 = arith.index_cast %swap3A_370 : i32 to index
        %swap3A_374 = arith.constant 48 : index
        %swap3A_375 = tpu.vector_load %arg5[%swap3A_371, %swap3A_372, %swap3A_373, %swap3A_374] {strides = array<i32>} : memref<2x16x8x128xf32, #tpu.memory_space<vmem>>, vector<1x1x1x16xf32>,
        %swap3A_376 = vector.shape_cast %swap3A_375 : vector<1x1x1x16xf32> to vector<16xf32>
        %swap3A_377 = vector.shape_cast %get3A_368 : vector<16xf32> to vector<1x1x1x16xf32>
        tpu.vector_store %arg5[%swap3A_371, %swap3A_372, %swap3A_373, %swap3A_374], %swap3A_377 {strides = array<i32>} : memref<2x16x8x128xf32, #tpu.memory_space<vmem>>, vector<1x1x1x16xf32>,
        %get3A_378 = arith.constant 0 : i32
        %get3A_379 = arith.constant 4 : i32
        %get3A_380 = arith.index_cast %get3A_378 : i32 to index
        %get3A_381 = arith.index_cast %scan3A_107 : i32 to index
        %get3A_382 = arith.index_cast %get3A_379 : i32 to index
        %get3A_383 = arith.constant 0 : index
        %get3A_384 = tpu.vector_load %arg4[%get3A_380, %get3A_381, %get3A_382, %get3A_383] {strides = array<i32>} : memref<2x16x8x64xf32, #tpu.memory_space<vmem>>, vector<1x1x1x16xf32>,
        %get3A_385 = vector.shape_cast %get3A_384 : vector<1x1x1x16xf32> to vector<16xf32>
        %swap3A_386 = arith.constant 0 : i32
        %swap3A_387 = arith.constant 4 : i32
        %swap3A_388 = arith.index_cast %swap3A_386 : i32 to index
        %swap3A_389 = arith.index_cast %scan3A_107 : i32 to index
        %swap3A_390 = arith.index_cast %swap3A_387 : i32 to index
        %swap3A_391 = arith.constant 0 : index
        %swap3A_392 = tpu.vector_load %arg5[%swap3A_388, %swap3A_389, %swap3A_390, %swap3A_391] {strides = array<i32>} : memref<2x16x8x128xf32, #tpu.memory_space<vmem>>, vector<1x1x1x16xf32>,
        %swap3A_393 = vector.shape_cast %swap3A_392 : vector<1x1x1x16xf32> to vector<16xf32>
        %swap3A_394 = vector.shape_cast %get3A_385 : vector<16xf32> to vector<1x1x1x16xf32>
        tpu.vector_store %arg5[%swap3A_388, %swap3A_389, %swap3A_390, %swap3A_391], %swap3A_394 {strides = array<i32>} : memref<2x16x8x128xf32, #tpu.memory_space<vmem>>, vector<1x1x1x16xf32>,
        %get3A_395 = arith.constant 0 : i32
        %get3A_396 = arith.constant 4 : i32
        %get3A_397 = arith.index_cast %get3A_395 : i32 to index
        %get3A_398 = arith.index_cast %scan3A_107 : i32 to index
        %get3A_399 = arith.index_cast %get3A_396 : i32 to index
        %get3A_400 = arith.constant 16 : index
        %get3A_401 = tpu.vector_load %arg4[%get3A_397, %get3A_398, %get3A_399, %get3A_400] {strides = array<i32>} : memref<2x16x8x64xf32, #tpu.memory_space<vmem>>, vector<1x1x1x16xf32>,
        %get3A_402 = vector.shape_cast %get3A_401 : vector<1x1x1x16xf32> to vector<16xf32>
        %swap3A_403 = arith.constant 0 : i32
        %swap3A_404 = arith.constant 4 : i32
        %swap3A_405 = arith.index_cast %swap3A_403 : i32 to index
        %swap3A_406 = arith.index_cast %scan3A_107 : i32 to index
        %swap3A_407 = arith.index_cast %swap3A_404 : i32 to index
        %swap3A_408 = arith.constant 16 : index
        %swap3A_409 = tpu.vector_load %arg5[%swap3A_405, %swap3A_406, %swap3A_407, %swap3A_408] {strides = array<i32>} : memref<2x16x8x128xf32, #tpu.memory_space<vmem>>, vector<1x1x1x16xf32>,
        %swap3A_410 = vector.shape_cast %swap3A_409 : vector<1x1x1x16xf32> to vector<16xf32>
        %swap3A_411 = vector.shape_cast %get3A_402 : vector<16xf32> to vector<1x1x1x16xf32>
        tpu.vector_store %arg5[%swap3A_405, %swap3A_406, %swap3A_407, %swap3A_408], %swap3A_411 {strides = array<i32>} : memref<2x16x8x128xf32, #tpu.memory_space<vmem>>, vector<1x1x1x16xf32>,
        %get3A_412 = arith.constant 0 : i32
        %get3A_413 = arith.constant 4 : i32
        %get3A_414 = arith.index_cast %get3A_412 : i32 to index
        %get3A_415 = arith.index_cast %scan3A_107 : i32 to index
        %get3A_416 = arith.index_cast %get3A_413 : i32 to index
        %get3A_417 = arith.constant 32 : index
        %get3A_418 = tpu.vector_load %arg4[%get3A_414, %get3A_415, %get3A_416, %get3A_417] {strides = array<i32>} : memref<2x16x8x64xf32, #tpu.memory_space<vmem>>, vector<1x1x1x16xf32>,
        %get3A_419 = vector.shape_cast %get3A_418 : vector<1x1x1x16xf32> to vector<16xf32>
        %swap3A_420 = arith.constant 0 : i32
        %swap3A_421 = arith.constant 4 : i32
        %swap3A_422 = arith.index_cast %swap3A_420 : i32 to index
        %swap3A_423 = arith.index_cast %scan3A_107 : i32 to index
        %swap3A_424 = arith.index_cast %swap3A_421 : i32 to index
        %swap3A_425 = arith.constant 32 : index
        %swap3A_426 = tpu.vector_load %arg5[%swap3A_422, %swap3A_423, %swap3A_424, %swap3A_425] {strides = array<i32>} : memref<2x16x8x128xf32, #tpu.memory_space<vmem>>, vector<1x1x1x16xf32>,
        %swap3A_427 = vector.shape_cast %swap3A_426 : vector<1x1x1x16xf32> to vector<16xf32>
        %swap3A_428 = vector.shape_cast %get3A_419 : vector<16xf32> to vector<1x1x1x16xf32>
        tpu.vector_store %arg5[%swap3A_422, %swap3A_423, %swap3A_424, %swap3A_425], %swap3A_428 {strides = array<i32>} : memref<2x16x8x128xf32, #tpu.memory_space<vmem>>, vector<1x1x1x16xf32>,
        %get3A_429 = arith.constant 0 : i32
        %get3A_430 = arith.constant 4 : i32
        %get3A_431 = arith.index_cast %get3A_429 : i32 to index
        %get3A_432 = arith.index_cast %scan3A_107 : i32 to index
        %get3A_433 = arith.index_cast %get3A_430 : i32 to index
        %get3A_434 = arith.constant 48 : index
        %get3A_435 = tpu.vector_load %arg4[%get3A_431, %get3A_432, %get3A_433, %get3A_434] {strides = array<i32>} : memref<2x16x8x64xf32, #tpu.memory_space<vmem>>, vector<1x1x1x16xf32>,
        %get3A_436 = vector.shape_cast %get3A_435 : vector<1x1x1x16xf32> to vector<16xf32>
        %swap3A_437 = arith.constant 0 : i32
        %swap3A_438 = arith.constant 4 : i32
        %swap3A_439 = arith.index_cast %swap3A_437 : i32 to index
        %swap3A_440 = arith.index_cast %scan3A_107 : i32 to index
        %swap3A_441 = arith.index_cast %swap3A_438 : i32 to index
        %swap3A_442 = arith.constant 48 : index
        %swap3A_443 = tpu.vector_load %arg5[%swap3A_439, %swap3A_440, %swap3A_441, %swap3A_442] {strides = array<i32>} : memref<2x16x8x128xf32, #tpu.memory_space<vmem>>, vector<1x1x1x16xf32>,
        %swap3A_444 = vector.shape_cast %swap3A_443 : vector<1x1x1x16xf32> to vector<16xf32>
        %swap3A_445 = vector.shape_cast %get3A_436 : vector<16xf32> to vector<1x1x1x16xf32>
        tpu.vector_store %arg5[%swap3A_439, %swap3A_440, %swap3A_441, %swap3A_442], %swap3A_445 {strides = array<i32>} : memref<2x16x8x128xf32, #tpu.memory_space<vmem>>, vector<1x1x1x16xf32>,
        %get3A_446 = arith.constant 0 : i32
        %get3A_447 = arith.constant 5 : i32
        %get3A_448 = arith.index_cast %get3A_446 : i32 to index
        %get3A_449 = arith.index_cast %scan3A_107 : i32 to index
        %get3A_450 = arith.index_cast %get3A_447 : i32 to index
        %get3A_451 = arith.constant 0 : index
        %get3A_452 = tpu.vector_load %arg4[%get3A_448, %get3A_449, %get3A_450, %get3A_451] {strides = array<i32>} : memref<2x16x8x64xf32, #tpu.memory_space<vmem>>, vector<1x1x1x16xf32>,
        %get3A_453 = vector.shape_cast %get3A_452 : vector<1x1x1x16xf32> to vector<16xf32>
        %swap3A_454 = arith.constant 0 : i32
        %swap3A_455 = arith.constant 5 : i32
        %swap3A_456 = arith.index_cast %swap3A_454 : i32 to index
        %swap3A_457 = arith.index_cast %scan3A_107 : i32 to index
        %swap3A_458 = arith.index_cast %swap3A_455 : i32 to index
        %swap3A_459 = arith.constant 0 : index
        %swap3A_460 = tpu.vector_load %arg5[%swap3A_456, %swap3A_457, %swap3A_458, %swap3A_459] {strides = array<i32>} : memref<2x16x8x128xf32, #tpu.memory_space<vmem>>, vector<1x1x1x16xf32>,
        %swap3A_461 = vector.shape_cast %swap3A_460 : vector<1x1x1x16xf32> to vector<16xf32>
        %swap3A_462 = vector.shape_cast %get3A_453 : vector<16xf32> to vector<1x1x1x16xf32>
        tpu.vector_store %arg5[%swap3A_456, %swap3A_457, %swap3A_458, %swap3A_459], %swap3A_462 {strides = array<i32>} : memref<2x16x8x128xf32, #tpu.memory_space<vmem>>, vector<1x1x1x16xf32>,
        %get3A_463 = arith.constant 0 : i32
        %get3A_464 = arith.constant 5 : i32
        %get3A_465 = arith.index_cast %get3A_463 : i32 to index
        %get3A_466 = arith.index_cast %scan3A_107 : i32 to index
        %get3A_467 = arith.index_cast %get3A_464 : i32 to index
        %get3A_468 = arith.constant 16 : index
        %get3A_469 = tpu.vector_load %arg4[%get3A_465, %get3A_466, %get3A_467, %get3A_468] {strides = array<i32>} : memref<2x16x8x64xf32, #tpu.memory_space<vmem>>, vector<1x1x1x16xf32>,
        %get3A_470 = vector.shape_cast %get3A_469 : vector<1x1x1x16xf32> to vector<16xf32>
        %swap3A_471 = arith.constant 0 : i32
        %swap3A_472 = arith.constant 5 : i32
        %swap3A_473 = arith.index_cast %swap3A_471 : i32 to index
        %swap3A_474 = arith.index_cast %scan3A_107 : i32 to index
        %swap3A_475 = arith.index_cast %swap3A_472 : i32 to index
        %swap3A_476 = arith.constant 16 : index
        %swap3A_477 = tpu.vector_load %arg5[%swap3A_473, %swap3A_474, %swap3A_475, %swap3A_476] {strides = array<i32>} : memref<2x16x8x128xf32, #tpu.memory_space<vmem>>, vector<1x1x1x16xf32>,
        %swap3A_478 = vector.shape_cast %swap3A_477 : vector<1x1x1x16xf32> to vector<16xf32>
        %swap3A_479 = vector.shape_cast %get3A_470 : vector<16xf32> to vector<1x1x1x16xf32>
        tpu.vector_store %arg5[%swap3A_473, %swap3A_474, %swap3A_475, %swap3A_476], %swap3A_479 {strides = array<i32>} : memref<2x16x8x128xf32, #tpu.memory_space<vmem>>, vector<1x1x1x16xf32>,
        %get3A_480 = arith.constant 0 : i32
        %get3A_481 = arith.constant 5 : i32
        %get3A_482 = arith.index_cast %get3A_480 : i32 to index
        %get3A_483 = arith.index_cast %scan3A_107 : i32 to index
        %get3A_484 = arith.index_cast %get3A_481 : i32 to index
        %get3A_485 = arith.constant 32 : index
        %get3A_486 = tpu.vector_load %arg4[%get3A_482, %get3A_483, %get3A_484, %get3A_485] {strides = array<i32>} : memref<2x16x8x64xf32, #tpu.memory_space<vmem>>, vector<1x1x1x16xf32>,
        %get3A_487 = vector.shape_cast %get3A_486 : vector<1x1x1x16xf32> to vector<16xf32>
        %swap3A_488 = arith.constant 0 : i32
        %swap3A_489 = arith.constant 5 : i32
        %swap3A_490 = arith.index_cast %swap3A_488 : i32 to index
        %swap3A_491 = arith.index_cast %scan3A_107 : i32 to index
        %swap3A_492 = arith.index_cast %swap3A_489 : i32 to index
        %swap3A_493 = arith.constant 32 : index
        %swap3A_494 = tpu.vector_load %arg5[%swap3A_490, %swap3A_491, %swap3A_492, %swap3A_493] {strides = array<i32>} : memref<2x16x8x128xf32, #tpu.memory_space<vmem>>, vector<1x1x1x16xf32>,
        %swap3A_495 = vector.shape_cast %swap3A_494 : vector<1x1x1x16xf32> to vector<16xf32>
        %swap3A_496 = vector.shape_cast %get3A_487 : vector<16xf32> to vector<1x1x1x16xf32>
        tpu.vector_store %arg5[%swap3A_490, %swap3A_491, %swap3A_492, %swap3A_493], %swap3A_496 {strides = array<i32>} : memref<2x16x8x128xf32, #tpu.memory_space<vmem>>, vector<1x1x1x16xf32>,
        %get3A_497 = arith.constant 0 : i32
        %get3A_498 = arith.constant 5 : i32
        %get3A_499 = arith.index_cast %get3A_497 : i32 to index
        %get3A_500 = arith.index_cast %scan3A_107 : i32 to index
        %get3A_501 = arith.index_cast %get3A_498 : i32 to index
        %get3A_502 = arith.constant 48 : index
        %get3A_503 = tpu.vector_load %arg4[%get3A_499, %get3A_500, %get3A_501, %get3A_502] {strides = array<i32>} : memref<2x16x8x64xf32, #tpu.memory_space<vmem>>, vector<1x1x1x16xf32>,
        %get3A_504 = vector.shape_cast %get3A_503 : vector<1x1x1x16xf32> to vector<16xf32>
        %swap3A_505 = arith.constant 0 : i32
        %swap3A_506 = arith.constant 5 : i32
        %swap3A_507 = arith.index_cast %swap3A_505 : i32 to index
        %swap3A_508 = arith.index_cast %scan3A_107 : i32 to index
        %swap3A_509 = arith.index_cast %swap3A_506 : i32 to index
        %swap3A_510 = arith.constant 48 : index
        %swap3A_511 = tpu.vector_load %arg5[%swap3A_507, %swap3A_508, %swap3A_509, %swap3A_510] {strides = array<i32>} : memref<2x16x8x128xf32, #tpu.memory_space<vmem>>, vector<1x1x1x16xf32>,
        %swap3A_512 = vector.shape_cast %swap3A_511 : vector<1x1x1x16xf32> to vector<16xf32>
        %swap3A_513 = vector.shape_cast %get3A_504 : vector<16xf32> to vector<1x1x1x16xf32>
        tpu.vector_store %arg5[%swap3A_507, %swap3A_508, %swap3A_509, %swap3A_510], %swap3A_513 {strides = array<i32>} : memref<2x16x8x128xf32, #tpu.memory_space<vmem>>, vector<1x1x1x16xf32>,
        %get3A_514 = arith.constant 0 : i32
        %get3A_515 = arith.constant 6 : i32
        %get3A_516 = arith.index_cast %get3A_514 : i32 to index
        %get3A_517 = arith.index_cast %scan3A_107 : i32 to index
        %get3A_518 = arith.index_cast %get3A_515 : i32 to index
        %get3A_519 = arith.constant 0 : index
        %get3A_520 = tpu.vector_load %arg4[%get3A_516, %get3A_517, %get3A_518, %get3A_519] {strides = array<i32>} : memref<2x16x8x64xf32, #tpu.memory_space<vmem>>, vector<1x1x1x16xf32>,
        %get3A_521 = vector.shape_cast %get3A_520 : vector<1x1x1x16xf32> to vector<16xf32>
        %swap3A_522 = arith.constant 0 : i32
        %swap3A_523 = arith.constant 6 : i32
        %swap3A_524 = arith.index_cast %swap3A_522 : i32 to index
        %swap3A_525 = arith.index_cast %scan3A_107 : i32 to index
        %swap3A_526 = arith.index_cast %swap3A_523 : i32 to index
        %swap3A_527 = arith.constant 0 : index
        %swap3A_528 = tpu.vector_load %arg5[%swap3A_524, %swap3A_525, %swap3A_526, %swap3A_527] {strides = array<i32>} : memref<2x16x8x128xf32, #tpu.memory_space<vmem>>, vector<1x1x1x16xf32>,
        %swap3A_529 = vector.shape_cast %swap3A_528 : vector<1x1x1x16xf32> to vector<16xf32>
        %swap3A_530 = vector.shape_cast %get3A_521 : vector<16xf32> to vector<1x1x1x16xf32>
        tpu.vector_store %arg5[%swap3A_524, %swap3A_525, %swap3A_526, %swap3A_527], %swap3A_530 {strides = array<i32>} : memref<2x16x8x128xf32, #tpu.memory_space<vmem>>, vector<1x1x1x16xf32>,
        %get3A_531 = arith.constant 0 : i32
        %get3A_532 = arith.constant 6 : i32
        %get3A_533 = arith.index_cast %get3A_531 : i32 to index
        %get3A_534 = arith.index_cast %scan3A_107 : i32 to index
        %get3A_535 = arith.index_cast %get3A_532 : i32 to index
        %get3A_536 = arith.constant 16 : index
        %get3A_537 = tpu.vector_load %arg4[%get3A_533, %get3A_534, %get3A_535, %get3A_536] {strides = array<i32>} : memref<2x16x8x64xf32, #tpu.memory_space<vmem>>, vector<1x1x1x16xf32>,
        %get3A_538 = vector.shape_cast %get3A_537 : vector<1x1x1x16xf32> to vector<16xf32>
        %swap3A_539 = arith.constant 0 : i32
        %swap3A_540 = arith.constant 6 : i32
        %swap3A_541 = arith.index_cast %swap3A_539 : i32 to index
        %swap3A_542 = arith.index_cast %scan3A_107 : i32 to index
        %swap3A_543 = arith.index_cast %swap3A_540 : i32 to index
        %swap3A_544 = arith.constant 16 : index
        %swap3A_545 = tpu.vector_load %arg5[%swap3A_541, %swap3A_542, %swap3A_543, %swap3A_544] {strides = array<i32>} : memref<2x16x8x128xf32, #tpu.memory_space<vmem>>, vector<1x1x1x16xf32>,
        %swap3A_546 = vector.shape_cast %swap3A_545 : vector<1x1x1x16xf32> to vector<16xf32>
        %swap3A_547 = vector.shape_cast %get3A_538 : vector<16xf32> to vector<1x1x1x16xf32>
        tpu.vector_store %arg5[%swap3A_541, %swap3A_542, %swap3A_543, %swap3A_544], %swap3A_547 {strides = array<i32>} : memref<2x16x8x128xf32, #tpu.memory_space<vmem>>, vector<1x1x1x16xf32>,
        %get3A_548 = arith.constant 0 : i32
        %get3A_549 = arith.constant 6 : i32
        %get3A_550 = arith.index_cast %get3A_548 : i32 to index
        %get3A_551 = arith.index_cast %scan3A_107 : i32 to index
        %get3A_552 = arith.index_cast %get3A_549 : i32 to index
        %get3A_553 = arith.constant 32 : index
        %get3A_554 = tpu.vector_load %arg4[%get3A_550, %get3A_551, %get3A_552, %get3A_553] {strides = array<i32>} : memref<2x16x8x64xf32, #tpu.memory_space<vmem>>, vector<1x1x1x16xf32>,
        %get3A_555 = vector.shape_cast %get3A_554 : vector<1x1x1x16xf32> to vector<16xf32>
        %swap3A_556 = arith.constant 0 : i32
        %swap3A_557 = arith.constant 6 : i32
        %swap3A_558 = arith.index_cast %swap3A_556 : i32 to index
        %swap3A_559 = arith.index_cast %scan3A_107 : i32 to index
        %swap3A_560 = arith.index_cast %swap3A_557 : i32 to index
        %swap3A_561 = arith.constant 32 : index
        %swap3A_562 = tpu.vector_load %arg5[%swap3A_558, %swap3A_559, %swap3A_560, %swap3A_561] {strides = array<i32>} : memref<2x16x8x128xf32, #tpu.memory_space<vmem>>, vector<1x1x1x16xf32>,
        %swap3A_563 = vector.shape_cast %swap3A_562 : vector<1x1x1x16xf32> to vector<16xf32>
        %swap3A_564 = vector.shape_cast %get3A_555 : vector<16xf32> to vector<1x1x1x16xf32>
        tpu.vector_store %arg5[%swap3A_558, %swap3A_559, %swap3A_560, %swap3A_561], %swap3A_564 {strides = array<i32>} : memref<2x16x8x128xf32, #tpu.memory_space<vmem>>, vector<1x1x1x16xf32>,
        %get3A_565 = arith.constant 0 : i32
        %get3A_566 = arith.constant 6 : i32
        %get3A_567 = arith.index_cast %get3A_565 : i32 to index
        %get3A_568 = arith.index_cast %scan3A_107 : i32 to index
        %get3A_569 = arith.index_cast %get3A_566 : i32 to index
        %get3A_570 = arith.constant 48 : index
        %get3A_571 = tpu.vector_load %arg4[%get3A_567, %get3A_568, %get3A_569, %get3A_570] {strides = array<i32>} : memref<2x16x8x64xf32, #tpu.memory_space<vmem>>, vector<1x1x1x16xf32>,
        %get3A_572 = vector.shape_cast %get3A_571 : vector<1x1x1x16xf32> to vector<16xf32>
        %swap3A_573 = arith.constant 0 : i32
        %swap3A_574 = arith.constant 6 : i32
        %swap3A_575 = arith.index_cast %swap3A_573 : i32 to index
        %swap3A_576 = arith.index_cast %scan3A_107 : i32 to index
        %swap3A_577 = arith.index_cast %swap3A_574 : i32 to index
        %swap3A_578 = arith.constant 48 : index
        %swap3A_579 = tpu.vector_load %arg5[%swap3A_575, %swap3A_576, %swap3A_577, %swap3A_578] {strides = array<i32>} : memref<2x16x8x128xf32, #tpu.memory_space<vmem>>, vector<1x1x1x16xf32>,
        %swap3A_580 = vector.shape_cast %swap3A_579 : vector<1x1x1x16xf32> to vector<16xf32>
        %swap3A_581 = vector.shape_cast %get3A_572 : vector<16xf32> to vector<1x1x1x16xf32>
        tpu.vector_store %arg5[%swap3A_575, %swap3A_576, %swap3A_577, %swap3A_578], %swap3A_581 {strides = array<i32>} : memref<2x16x8x128xf32, #tpu.memory_space<vmem>>, vector<1x1x1x16xf32>,
        %get3A_582 = arith.constant 0 : i32
        %get3A_583 = arith.constant 7 : i32
        %get3A_584 = arith.index_cast %get3A_582 : i32 to index
        %get3A_585 = arith.index_cast %scan3A_107 : i32 to index
        %get3A_586 = arith.index_cast %get3A_583 : i32 to index
        %get3A_587 = arith.constant 0 : index
        %get3A_588 = tpu.vector_load %arg4[%get3A_584, %get3A_585, %get3A_586, %get3A_587] {strides = array<i32>} : memref<2x16x8x64xf32, #tpu.memory_space<vmem>>, vector<1x1x1x16xf32>,
        %get3A_589 = vector.shape_cast %get3A_588 : vector<1x1x1x16xf32> to vector<16xf32>
        %swap3A_590 = arith.constant 0 : i32
        %swap3A_591 = arith.constant 7 : i32
        %swap3A_592 = arith.index_cast %swap3A_590 : i32 to index
        %swap3A_593 = arith.index_cast %scan3A_107 : i32 to index
        %swap3A_594 = arith.index_cast %swap3A_591 : i32 to index
        %swap3A_595 = arith.constant 0 : index
        %swap3A_596 = tpu.vector_load %arg5[%swap3A_592, %swap3A_593, %swap3A_594, %swap3A_595] {strides = array<i32>} : memref<2x16x8x128xf32, #tpu.memory_space<vmem>>, vector<1x1x1x16xf32>,
        %swap3A_597 = vector.shape_cast %swap3A_596 : vector<1x1x1x16xf32> to vector<16xf32>
        %swap3A_598 = vector.shape_cast %get3A_589 : vector<16xf32> to vector<1x1x1x16xf32>
        tpu.vector_store %arg5[%swap3A_592, %swap3A_593, %swap3A_594, %swap3A_595], %swap3A_598 {strides = array<i32>} : memref<2x16x8x128xf32, #tpu.memory_space<vmem>>, vector<1x1x1x16xf32>,
        %get3A_599 = arith.constant 0 : i32
        %get3A_600 = arith.constant 7 : i32
        %get3A_601 = arith.index_cast %get3A_599 : i32 to index
        %get3A_602 = arith.index_cast %scan3A_107 : i32 to index
        %get3A_603 = arith.index_cast %get3A_600 : i32 to index
        %get3A_604 = arith.constant 16 : index
        %get3A_605 = tpu.vector_load %arg4[%get3A_601, %get3A_602, %get3A_603, %get3A_604] {strides = array<i32>} : memref<2x16x8x64xf32, #tpu.memory_space<vmem>>, vector<1x1x1x16xf32>,
        %get3A_606 = vector.shape_cast %get3A_605 : vector<1x1x1x16xf32> to vector<16xf32>
        %swap3A_607 = arith.constant 0 : i32
        %swap3A_608 = arith.constant 7 : i32
        %swap3A_609 = arith.index_cast %swap3A_607 : i32 to index
        %swap3A_610 = arith.index_cast %scan3A_107 : i32 to index
        %swap3A_611 = arith.index_cast %swap3A_608 : i32 to index
        %swap3A_612 = arith.constant 16 : index
        %swap3A_613 = tpu.vector_load %arg5[%swap3A_609, %swap3A_610, %swap3A_611, %swap3A_612] {strides = array<i32>} : memref<2x16x8x128xf32, #tpu.memory_space<vmem>>, vector<1x1x1x16xf32>,
        %swap3A_614 = vector.shape_cast %swap3A_613 : vector<1x1x1x16xf32> to vector<16xf32>
        %swap3A_615 = vector.shape_cast %get3A_606 : vector<16xf32> to vector<1x1x1x16xf32>
        tpu.vector_store %arg5[%swap3A_609, %swap3A_610, %swap3A_611, %swap3A_612], %swap3A_615 {strides = array<i32>} : memref<2x16x8x128xf32, #tpu.memory_space<vmem>>, vector<1x1x1x16xf32>,
        %get3A_616 = arith.constant 0 : i32
        %get3A_617 = arith.constant 7 : i32
        %get3A_618 = arith.index_cast %get3A_616 : i32 to index
        %get3A_619 = arith.index_cast %scan3A_107 : i32 to index
        %get3A_620 = arith.index_cast %get3A_617 : i32 to index
        %get3A_621 = arith.constant 32 : index
        %get3A_622 = tpu.vector_load %arg4[%get3A_618, %get3A_619, %get3A_620, %get3A_621] {strides = array<i32>} : memref<2x16x8x64xf32, #tpu.memory_space<vmem>>, vector<1x1x1x16xf32>,
        %get3A_623 = vector.shape_cast %get3A_622 : vector<1x1x1x16xf32> to vector<16xf32>
        %swap3A_624 = arith.constant 0 : i32
        %swap3A_625 = arith.constant 7 : i32
        %swap3A_626 = arith.index_cast %swap3A_624 : i32 to index
        %swap3A_627 = arith.index_cast %scan3A_107 : i32 to index
        %swap3A_628 = arith.index_cast %swap3A_625 : i32 to index
        %swap3A_629 = arith.constant 32 : index
        %swap3A_630 = tpu.vector_load %arg5[%swap3A_626, %swap3A_627, %swap3A_628, %swap3A_629] {strides = array<i32>} : memref<2x16x8x128xf32, #tpu.memory_space<vmem>>, vector<1x1x1x16xf32>,
        %swap3A_631 = vector.shape_cast %swap3A_630 : vector<1x1x1x16xf32> to vector<16xf32>
        %swap3A_632 = vector.shape_cast %get3A_623 : vector<16xf32> to vector<1x1x1x16xf32>
        tpu.vector_store %arg5[%swap3A_626, %swap3A_627, %swap3A_628, %swap3A_629], %swap3A_632 {strides = array<i32>} : memref<2x16x8x128xf32, #tpu.memory_space<vmem>>, vector<1x1x1x16xf32>,
        %get3A_633 = arith.constant 0 : i32
        %get3A_634 = arith.constant 7 : i32
        %get3A_635 = arith.index_cast %get3A_633 : i32 to index
        %get3A_636 = arith.index_cast %scan3A_107 : i32 to index
        %get3A_637 = arith.index_cast %get3A_634 : i32 to index
        %get3A_638 = arith.constant 48 : index
        %get3A_639 = tpu.vector_load %arg4[%get3A_635, %get3A_636, %get3A_637, %get3A_638] {strides = array<i32>} : memref<2x16x8x64xf32, #tpu.memory_space<vmem>>, vector<1x1x1x16xf32>,
        %get3A_640 = vector.shape_cast %get3A_639 : vector<1x1x1x16xf32> to vector<16xf32>
        %swap3A_641 = arith.constant 0 : i32
        %swap3A_642 = arith.constant 7 : i32
        %swap3A_643 = arith.index_cast %swap3A_641 : i32 to index
        %swap3A_644 = arith.index_cast %scan3A_107 : i32 to index
        %swap3A_645 = arith.index_cast %swap3A_642 : i32 to index
        %swap3A_646 = arith.constant 48 : index
        %swap3A_647 = tpu.vector_load %arg5[%swap3A_643, %swap3A_644, %swap3A_645, %swap3A_646] {strides = array<i32>} : memref<2x16x8x128xf32, #tpu.memory_space<vmem>>, vector<1x1x1x16xf32>,
        %swap3A_648 = vector.shape_cast %swap3A_647 : vector<1x1x1x16xf32> to vector<16xf32>
        %swap3A_649 = vector.shape_cast %get3A_640 : vector<16xf32> to vector<1x1x1x16xf32>
        tpu.vector_store %arg5[%swap3A_643, %swap3A_644, %swap3A_645, %swap3A_646], %swap3A_649 {strides = array<i32>} : memref<2x16x8x128xf32, #tpu.memory_space<vmem>>, vector<1x1x1x16xf32>,
      }
      %scan3A_63 = arith.constant 16 : i32
      %mul3A_64 = arith.constant 16 : i32
      %mul3A_65 = arith.muli %add3A_36, %mul3A_64 : i32
      %dma_start3A = arith.constant 0 : i32
      %dma_start3A_66 = arith.constant 0 : i32
      %dma_start3A_67 = arith.constant 0 : i32
      %dma_start3A_68 = arith.constant 0 : i32
      %dma_start3A_69 = arith.constant 0 : i32
      %dma_start3A_70 = tpu.memref_slice %arg5[%dma_start3A, %dma_start3A_67, %dma_start3A_68, %dma_start3A_69] : memref<2x16x8x128xf32, #tpu.memory_space<vmem>> -> memref<1x16x8x128xf32, #tpu.memory_space<vmem>>
      %dma_start3A_71 = tpu.memref_squeeze %dma_start3A_70 : memref<1x16x8x128xf32, #tpu.memory_space<vmem>> -> memref<16x8x128xf32, #tpu.memory_space<vmem>>
      %dma_start3A_72 = arith.constant 0 : i32
      %dma_start3A_73 = arith.constant 0 : i32
      %dma_start3A_74 = tpu.memref_slice %arg3[%mul3A_65, %dma_start3A_72, %dma_start3A_73] : memref<125000x8x128xf32, #tpu.memory_space<hbm>> -> memref<16x8x128xf32, #tpu.memory_space<hbm>>
      %dma_start3A_75 = tpu.memref_slice %arg7[%dma_start3A_66] : memref<2x!tpu.dma_semaphore, #tpu.memory_space<semaphore_mem>> -> memref<1x!tpu.dma_semaphore, #tpu.memory_space<semaphore_mem>>
      %dma_start3A_76 = tpu.memref_squeeze %dma_start3A_75 : memref<1x!tpu.dma_semaphore, #tpu.memory_space<semaphore_mem>> -> memref<!tpu.dma_semaphore, #tpu.memory_space<semaphore_mem>>
      %dma_start3A_77 = arith.constant 0 : i32
      %dma_start3A_78 = arith.constant 0 : i32
      %dma_start3A_79 = tpu.memref_slice %arg3[%mul3A_65, %dma_start3A_77, %dma_start3A_78] : memref<125000x8x128xf32, #tpu.memory_space<hbm>> -> memref<16x8x128xf32, #tpu.memory_space<hbm>>
      %dma_start3A_80 = arith.constant 0 : i32
      %dma_start3A_81 = arith.constant 0 : i32
      %dma_start3A_82 = arith.constant 0 : i32
      %dma_start3A_83 = tpu.memref_slice %arg5[%dma_start3A, %dma_start3A_80, %dma_start3A_81, %dma_start3A_82] : memref<2x16x8x128xf32, #tpu.memory_space<vmem>> -> memref<1x16x8x128xf32, #tpu.memory_space<vmem>>
      %dma_start3A_84 = tpu.memref_squeeze %dma_start3A_83 : memref<1x16x8x128xf32, #tpu.memory_space<vmem>> -> memref<16x8x128xf32, #tpu.memory_space<vmem>>
      tpu.enqueue_dma source(%dma_start3A_84 : memref<16x8x128xf32, #tpu.memory_space<vmem>>) target(%dma_start3A_79 : memref<16x8x128xf32, #tpu.memory_space<hbm>>) target_semaphore(%dma_start3A_76 : memref<!tpu.dma_semaphore, #tpu.memory_space<semaphore_mem>>)
      %mul3A_85 = arith.constant 16 : i32
      %mul3A_86 = arith.muli %add3A_36, %mul3A_85 : i32
      %dma_wait3A_87 = arith.constant 0 : i32
      %dma_wait3A_88 = arith.constant 0 : i32
      %dma_wait3A_89 = arith.constant 0 : i32
      %dma_wait3A_90 = arith.constant 0 : i32
      %dma_wait3A_91 = arith.constant 0 : i32
      %dma_wait3A_92 = tpu.memref_slice %arg5[%dma_wait3A_87, %dma_wait3A_89, %dma_wait3A_90, %dma_wait3A_91] : memref<2x16x8x128xf32, #tpu.memory_space<vmem>> -> memref<1x16x8x128xf32, #tpu.memory_space<vmem>>
      %dma_wait3A_93 = tpu.memref_squeeze %dma_wait3A_92 : memref<1x16x8x128xf32, #tpu.memory_space<vmem>> -> memref<16x8x128xf32, #tpu.memory_space<vmem>>
      %dma_wait3A_94 = arith.constant 0 : i32
      %dma_wait3A_95 = arith.constant 0 : i32
      %dma_wait3A_96 = tpu.memref_slice %arg3[%mul3A_86, %dma_wait3A_94, %dma_wait3A_95] : memref<125000x8x128xf32, #tpu.memory_space<hbm>> -> memref<16x8x128xf32, #tpu.memory_space<hbm>>
      %dma_wait3A_97 = tpu.memref_slice %arg7[%dma_wait3A_88] : memref<2x!tpu.dma_semaphore, #tpu.memory_space<semaphore_mem>> -> memref<1x!tpu.dma_semaphore, #tpu.memory_space<semaphore_mem>>
      %dma_wait3A_98 = tpu.memref_squeeze %dma_wait3A_97 : memref<1x!tpu.dma_semaphore, #tpu.memory_space<semaphore_mem>> -> memref<!tpu.dma_semaphore, #tpu.memory_space<semaphore_mem>>
      %dma_wait3A_99 = arith.constant 0 : i32
      %dma_wait3A_100 = arith.constant 0 : i32
      %dma_wait3A_101 = tpu.memref_slice %arg3[%mul3A_86, %dma_wait3A_99, %dma_wait3A_100] : memref<125000x8x128xf32, #tpu.memory_space<hbm>> -> memref<16x8x128xf32, #tpu.memory_space<hbm>>
      %dma_wait3A_102 = arith.constant 0 : i32
      %dma_wait3A_103 = arith.constant 0 : i32
      %dma_wait3A_104 = arith.constant 0 : i32
      %dma_wait3A_105 = tpu.memref_slice %arg5[%dma_wait3A_87, %dma_wait3A_102, %dma_wait3A_103, %dma_wait3A_104] : memref<2x16x8x128xf32, #tpu.memory_space<vmem>> -> memref<1x16x8x128xf32, #tpu.memory_space<vmem>>
      %dma_wait3A_106 = tpu.memref_squeeze %dma_wait3A_105 : memref<1x16x8x128xf32, #tpu.memory_space<vmem>> -> memref<16x8x128xf32, #tpu.memory_space<vmem>>
      tpu.wait_dma2 semaphore(%dma_wait3A_98 : memref<!tpu.dma_semaphore, #tpu.memory_space<semaphore_mem>>) src(%dma_wait3A_106 : memref<16x8x128xf32, #tpu.memory_space<vmem>>) dst(%dma_wait3A_101 : memref<16x8x128xf32, #tpu.memory_space<hbm>>)
    } else {
    }
    %add3A_24 = arith.constant 7872 : i32
    %add3A_25 = arith.addi %add3A_24, %add3A : i32
    %lt3A_26 = arith.constant 7812 : i32
    %lt3A_27 = arith.cmpi slt, %add3A_25, %lt3A_26 : i32
    %convert_element_type3A_28 = arith.extui %lt3A_27 : i1 to i32
    %cond3A_29 = arith.constant 0 : i32
    %cond3A_30 = arith.cmpi ne, %convert_element_type3A_28, %cond3A_29 : i32
    scf.if %cond3A_30 {
      %add3A_35 = arith.constant 7872 : i32
      %add3A_36 = arith.addi %add3A_35, %add3A : i32
      %mul3A_37 = arith.constant 16 : i32
      %mul3A_38 = arith.muli %add3A_36, %mul3A_37 : i32
      %dma_start3A = arith.constant 0 : i32
      %dma_start3A_39 = arith.constant 0 : i32
      %dma_start3A_40 = arith.constant 0 : i32
      %dma_start3A_41 = arith.constant 0 : i32
      %dma_start3A_42 = arith.constant 0 : i32
      %dma_start3A_43 = tpu.memref_slice %arg4[%dma_start3A, %dma_start3A_40, %dma_start3A_41, %dma_start3A_42] : memref<2x16x8x64xf32, #tpu.memory_space<vmem>> -> memref<1x16x8x64xf32, #tpu.memory_space<vmem>>
      %dma_start3A_44 = tpu.memref_squeeze %dma_start3A_43 : memref<1x16x8x64xf32, #tpu.memory_space<vmem>> -> memref<16x8x64xf32, #tpu.memory_space<vmem>>
      %dma_start3A_45 = arith.constant 0 : i32
      %dma_start3A_46 = arith.constant 0 : i32
      %dma_start3A_47 = tpu.memref_slice %arg2[%mul3A_38, %dma_start3A_45, %dma_start3A_46] : memref<125000x8x64xf32, #tpu.memory_space<hbm>> -> memref<16x8x64xf32, #tpu.memory_space<hbm>>
      %dma_start3A_48 = tpu.memref_slice %arg6[%dma_start3A_39] : memref<2x!tpu.dma_semaphore, #tpu.memory_space<semaphore_mem>> -> memref<1x!tpu.dma_semaphore, #tpu.memory_space<semaphore_mem>>
      %dma_start3A_49 = tpu.memref_squeeze %dma_start3A_48 : memref<1x!tpu.dma_semaphore, #tpu.memory_space<semaphore_mem>> -> memref<!tpu.dma_semaphore, #tpu.memory_space<semaphore_mem>>
      %dma_start3A_50 = arith.constant 0 : i32
      %dma_start3A_51 = arith.constant 0 : i32
      %dma_start3A_52 = arith.constant 0 : i32
      %dma_start3A_53 = tpu.memref_slice %arg4[%dma_start3A, %dma_start3A_50, %dma_start3A_51, %dma_start3A_52] : memref<2x16x8x64xf32, #tpu.memory_space<vmem>> -> memref<1x16x8x64xf32, #tpu.memory_space<vmem>>
      %dma_start3A_54 = tpu.memref_squeeze %dma_start3A_53 : memref<1x16x8x64xf32, #tpu.memory_space<vmem>> -> memref<16x8x64xf32, #tpu.memory_space<vmem>>
      %dma_start3A_55 = arith.constant 0 : i32
      %dma_start3A_56 = arith.constant 0 : i32
      %dma_start3A_57 = tpu.memref_slice %arg2[%mul3A_38, %dma_start3A_55, %dma_start3A_56] : memref<125000x8x64xf32, #tpu.memory_space<hbm>> -> memref<16x8x64xf32, #tpu.memory_space<hbm>>
      tpu.enqueue_dma source(%dma_start3A_57 : memref<16x8x64xf32, #tpu.memory_space<hbm>>) target(%dma_start3A_54 : memref<16x8x64xf32, #tpu.memory_space<vmem>>) target_semaphore(%dma_start3A_49 : memref<!tpu.dma_semaphore, #tpu.memory_space<semaphore_mem>>)
    } else {
    }
    %eq3A = arith.constant 0 : i32
    %eq3A_31 = arith.cmpi eq, %add3A, %eq3A : i32
    %convert_element_type3A_32 = arith.extui %eq3A_31 : i1 to i32
    %cond3A_33 = arith.constant 0 : i32
    %cond3A_34 = arith.cmpi ne, %convert_element_type3A_32, %cond3A_33 : i32
    scf.if %cond3A_34 {
      %run_scoped3A = arith.constant 0 : i32
      "tpu.region"() ({
        %run_scoped3A_42 = tpu.sem_alloc : memref<!tpu.dma_semaphore, #tpu.memory_space<semaphore_mem>>
        %dma_start3A = arith.constant 0 : i32
        %dma_start3A_43 = arith.constant 0 : i32
        %dma_start3A_44 = arith.constant 0 : i32
        %dma_start3A_45 = tpu.memref_slice %arg4[%run_scoped3A, %dma_start3A, %dma_start3A_43, %dma_start3A_44] : memref<2x16x8x64xf32, #tpu.memory_space<vmem>> -> memref<1x8x8x64xf32, #tpu.memory_space<vmem>>
        %dma_start3A_46 = tpu.memref_squeeze %dma_start3A_45 : memref<1x8x8x64xf32, #tpu.memory_space<vmem>> -> memref<8x8x64xf32, #tpu.memory_space<vmem>>
        %dma_start3A_47 = arith.constant 124992 : i32
        %dma_start3A_48 = arith.constant 0 : i32
        %dma_start3A_49 = arith.constant 0 : i32
        %dma_start3A_50 = tpu.memref_slice %arg2[%dma_start3A_47, %dma_start3A_48, %dma_start3A_49] : memref<125000x8x64xf32, #tpu.memory_space<hbm>> -> memref<8x8x64xf32, #tpu.memory_space<hbm>>
        %dma_start3A_51 = arith.constant 0 : i32
        %dma_start3A_52 = arith.constant 0 : i32
        %dma_start3A_53 = arith.constant 0 : i32
        %dma_start3A_54 = tpu.memref_slice %arg4[%run_scoped3A, %dma_start3A_51, %dma_start3A_52, %dma_start3A_53] : memref<2x16x8x64xf32, #tpu.memory_space<vmem>> -> memref<1x8x8x64xf32, #tpu.memory_space<vmem>>
        %dma_start3A_55 = tpu.memref_squeeze %dma_start3A_54 : memref<1x8x8x64xf32, #tpu.memory_space<vmem>> -> memref<8x8x64xf32, #tpu.memory_space<vmem>>
        %dma_start3A_56 = arith.constant 124992 : i32
        %dma_start3A_57 = arith.constant 0 : i32
        %dma_start3A_58 = arith.constant 0 : i32
        %dma_start3A_59 = tpu.memref_slice %arg2[%dma_start3A_56, %dma_start3A_57, %dma_start3A_58] : memref<125000x8x64xf32, #tpu.memory_space<hbm>> -> memref<8x8x64xf32, #tpu.memory_space<hbm>>
        tpu.enqueue_dma source(%dma_start3A_59 : memref<8x8x64xf32, #tpu.memory_space<hbm>>) target(%dma_start3A_55 : memref<8x8x64xf32, #tpu.memory_space<vmem>>) target_semaphore(%run_scoped3A_42 : memref<!tpu.dma_semaphore, #tpu.memory_space<semaphore_mem>>)
        %dma_wait3A = arith.constant 0 : i32
        %dma_wait3A_60 = arith.constant 0 : i32
        %dma_wait3A_61 = arith.constant 0 : i32
        %dma_wait3A_62 = tpu.memref_slice %arg4[%run_scoped3A, %dma_wait3A, %dma_wait3A_60, %dma_wait3A_61] : memref<2x16x8x64xf32, #tpu.memory_space<vmem>> -> memref<1x8x8x64xf32, #tpu.memory_space<vmem>>
        %dma_wait3A_63 = tpu.memref_squeeze %dma_wait3A_62 : memref<1x8x8x64xf32, #tpu.memory_space<vmem>> -> memref<8x8x64xf32, #tpu.memory_space<vmem>>
        %dma_wait3A_64 = arith.constant 124992 : i32
        %dma_wait3A_65 = arith.constant 0 : i32
        %dma_wait3A_66 = arith.constant 0 : i32
        %dma_wait3A_67 = tpu.memref_slice %arg2[%dma_wait3A_64, %dma_wait3A_65, %dma_wait3A_66] : memref<125000x8x64xf32, #tpu.memory_space<hbm>> -> memref<8x8x64xf32, #tpu.memory_space<hbm>>
        %dma_wait3A_68 = arith.constant 0 : i32
        %dma_wait3A_69 = arith.constant 0 : i32
        %dma_wait3A_70 = arith.constant 0 : i32
        %dma_wait3A_71 = tpu.memref_slice %arg4[%run_scoped3A, %dma_wait3A_68, %dma_wait3A_69, %dma_wait3A_70] : memref<2x16x8x64xf32, #tpu.memory_space<vmem>> -> memref<1x8x8x64xf32, #tpu.memory_space<vmem>>
        %dma_wait3A_72 = tpu.memref_squeeze %dma_wait3A_71 : memref<1x8x8x64xf32, #tpu.memory_space<vmem>> -> memref<8x8x64xf32, #tpu.memory_space<vmem>>
        %dma_wait3A_73 = arith.constant 124992 : i32
        %dma_wait3A_74 = arith.constant 0 : i32
        %dma_wait3A_75 = arith.constant 0 : i32
        %dma_wait3A_76 = tpu.memref_slice %arg2[%dma_wait3A_73, %dma_wait3A_74, %dma_wait3A_75] : memref<125000x8x64xf32, #tpu.memory_space<hbm>> -> memref<8x8x64xf32, #tpu.memory_space<hbm>>
        tpu.wait_dma2 semaphore(%run_scoped3A_42 : memref<!tpu.dma_semaphore, #tpu.memory_space<semaphore_mem>>) src(%dma_wait3A_76 : memref<8x8x64xf32, #tpu.memory_space<hbm>>) dst(%dma_wait3A_72 : memref<8x8x64xf32, #tpu.memory_space<vmem>>)
        tpu.yield
      }) : () -> ()
      %scan3A_35 = arith.constant 0 : i32
      %scan3A_36 = arith.constant 0 : i32
      %scan3A_37 = arith.constant 8 : i32
      %scan3A_38 = arith.addi %scan3A_36, %scan3A_37 : i32
      %scan3A_39 = arith.constant 1 : i32
      scf.for %scan3A_42 = %scan3A_36 to %scan3A_38 step %scan3A_39  : i32 {
        %get3A = arith.constant 0 : i32
        %get3A_43 = arith.constant 0 : i32
        %get3A_44 = arith.index_cast %get3A : i32 to index
        %get3A_45 = arith.index_cast %scan3A_42 : i32 to index
        %get3A_46 = arith.index_cast %get3A_43 : i32 to index
        %get3A_47 = arith.constant 0 : index
        %get3A_48 = tpu.vector_load %arg4[%get3A_44, %get3A_45, %get3A_46, %get3A_47] {strides = array<i32>} : memref<2x16x8x64xf32, #tpu.memory_space<vmem>>, vector<1x1x1x16xf32>,
        %get3A_49 = vector.shape_cast %get3A_48 : vector<1x1x1x16xf32> to vector<16xf32>
        %swap3A = arith.constant 0 : i32
        %swap3A_50 = arith.constant 0 : i32
        %swap3A_51 = arith.index_cast %swap3A : i32 to index
        %swap3A_52 = arith.index_cast %scan3A_42 : i32 to index
        %swap3A_53 = arith.index_cast %swap3A_50 : i32 to index
        %swap3A_54 = arith.constant 0 : index
        %swap3A_55 = tpu.vector_load %arg5[%swap3A_51, %swap3A_52, %swap3A_53, %swap3A_54] {strides = array<i32>} : memref<2x16x8x128xf32, #tpu.memory_space<vmem>>, vector<1x1x1x16xf32>,
        %swap3A_56 = vector.shape_cast %swap3A_55 : vector<1x1x1x16xf32> to vector<16xf32>
        %swap3A_57 = vector.shape_cast %get3A_49 : vector<16xf32> to vector<1x1x1x16xf32>
        tpu.vector_store %arg5[%swap3A_51, %swap3A_52, %swap3A_53, %swap3A_54], %swap3A_57 {strides = array<i32>} : memref<2x16x8x128xf32, #tpu.memory_space<vmem>>, vector<1x1x1x16xf32>,
        %get3A_58 = arith.constant 0 : i32
        %get3A_59 = arith.constant 0 : i32
        %get3A_60 = arith.index_cast %get3A_58 : i32 to index
        %get3A_61 = arith.index_cast %scan3A_42 : i32 to index
        %get3A_62 = arith.index_cast %get3A_59 : i32 to index
        %get3A_63 = arith.constant 16 : index
        %get3A_64 = tpu.vector_load %arg4[%get3A_60, %get3A_61, %get3A_62, %get3A_63] {strides = array<i32>} : memref<2x16x8x64xf32, #tpu.memory_space<vmem>>, vector<1x1x1x16xf32>,
        %get3A_65 = vector.shape_cast %get3A_64 : vector<1x1x1x16xf32> to vector<16xf32>
        %swap3A_66 = arith.constant 0 : i32
        %swap3A_67 = arith.constant 0 : i32
        %swap3A_68 = arith.index_cast %swap3A_66 : i32 to index
        %swap3A_69 = arith.index_cast %scan3A_42 : i32 to index
        %swap3A_70 = arith.index_cast %swap3A_67 : i32 to index
        %swap3A_71 = arith.constant 16 : index
        %swap3A_72 = tpu.vector_load %arg5[%swap3A_68, %swap3A_69, %swap3A_70, %swap3A_71] {strides = array<i32>} : memref<2x16x8x128xf32, #tpu.memory_space<vmem>>, vector<1x1x1x16xf32>,
        %swap3A_73 = vector.shape_cast %swap3A_72 : vector<1x1x1x16xf32> to vector<16xf32>
        %swap3A_74 = vector.shape_cast %get3A_65 : vector<16xf32> to vector<1x1x1x16xf32>
        tpu.vector_store %arg5[%swap3A_68, %swap3A_69, %swap3A_70, %swap3A_71], %swap3A_74 {strides = array<i32>} : memref<2x16x8x128xf32, #tpu.memory_space<vmem>>, vector<1x1x1x16xf32>,
        %get3A_75 = arith.constant 0 : i32
        %get3A_76 = arith.constant 0 : i32
        %get3A_77 = arith.index_cast %get3A_75 : i32 to index
        %get3A_78 = arith.index_cast %scan3A_42 : i32 to index
        %get3A_79 = arith.index_cast %get3A_76 : i32 to index
        %get3A_80 = arith.constant 32 : index
        %get3A_81 = tpu.vector_load %arg4[%get3A_77, %get3A_78, %get3A_79, %get3A_80] {strides = array<i32>} : memref<2x16x8x64xf32, #tpu.memory_space<vmem>>, vector<1x1x1x16xf32>,
        %get3A_82 = vector.shape_cast %get3A_81 : vector<1x1x1x16xf32> to vector<16xf32>
        %swap3A_83 = arith.constant 0 : i32
        %swap3A_84 = arith.constant 0 : i32
        %swap3A_85 = arith.index_cast %swap3A_83 : i32 to index
        %swap3A_86 = arith.index_cast %scan3A_42 : i32 to index
        %swap3A_87 = arith.index_cast %swap3A_84 : i32 to index
        %swap3A_88 = arith.constant 32 : index
        %swap3A_89 = tpu.vector_load %arg5[%swap3A_85, %swap3A_86, %swap3A_87, %swap3A_88] {strides = array<i32>} : memref<2x16x8x128xf32, #tpu.memory_space<vmem>>, vector<1x1x1x16xf32>,
        %swap3A_90 = vector.shape_cast %swap3A_89 : vector<1x1x1x16xf32> to vector<16xf32>
        %swap3A_91 = vector.shape_cast %get3A_82 : vector<16xf32> to vector<1x1x1x16xf32>
        tpu.vector_store %arg5[%swap3A_85, %swap3A_86, %swap3A_87, %swap3A_88], %swap3A_91 {strides = array<i32>} : memref<2x16x8x128xf32, #tpu.memory_space<vmem>>, vector<1x1x1x16xf32>,
        %get3A_92 = arith.constant 0 : i32
        %get3A_93 = arith.constant 0 : i32
        %get3A_94 = arith.index_cast %get3A_92 : i32 to index
        %get3A_95 = arith.index_cast %scan3A_42 : i32 to index
        %get3A_96 = arith.index_cast %get3A_93 : i32 to index
        %get3A_97 = arith.constant 48 : index
        %get3A_98 = tpu.vector_load %arg4[%get3A_94, %get3A_95, %get3A_96, %get3A_97] {strides = array<i32>} : memref<2x16x8x64xf32, #tpu.memory_space<vmem>>, vector<1x1x1x16xf32>,
        %get3A_99 = vector.shape_cast %get3A_98 : vector<1x1x1x16xf32> to vector<16xf32>
        %swap3A_100 = arith.constant 0 : i32
        %swap3A_101 = arith.constant 0 : i32
        %swap3A_102 = arith.index_cast %swap3A_100 : i32 to index
        %swap3A_103 = arith.index_cast %scan3A_42 : i32 to index
        %swap3A_104 = arith.index_cast %swap3A_101 : i32 to index
        %swap3A_105 = arith.constant 48 : index
        %swap3A_106 = tpu.vector_load %arg5[%swap3A_102, %swap3A_103, %swap3A_104, %swap3A_105] {strides = array<i32>} : memref<2x16x8x128xf32, #tpu.memory_space<vmem>>, vector<1x1x1x16xf32>,
        %swap3A_107 = vector.shape_cast %swap3A_106 : vector<1x1x1x16xf32> to vector<16xf32>
        %swap3A_108 = vector.shape_cast %get3A_99 : vector<16xf32> to vector<1x1x1x16xf32>
        tpu.vector_store %arg5[%swap3A_102, %swap3A_103, %swap3A_104, %swap3A_105], %swap3A_108 {strides = array<i32>} : memref<2x16x8x128xf32, #tpu.memory_space<vmem>>, vector<1x1x1x16xf32>,
        %get3A_109 = arith.constant 0 : i32
        %get3A_110 = arith.constant 1 : i32
        %get3A_111 = arith.index_cast %get3A_109 : i32 to index
        %get3A_112 = arith.index_cast %scan3A_42 : i32 to index
        %get3A_113 = arith.index_cast %get3A_110 : i32 to index
        %get3A_114 = arith.constant 0 : index
        %get3A_115 = tpu.vector_load %arg4[%get3A_111, %get3A_112, %get3A_113, %get3A_114] {strides = array<i32>} : memref<2x16x8x64xf32, #tpu.memory_space<vmem>>, vector<1x1x1x16xf32>,
        %get3A_116 = vector.shape_cast %get3A_115 : vector<1x1x1x16xf32> to vector<16xf32>
        %swap3A_117 = arith.constant 0 : i32
        %swap3A_118 = arith.constant 1 : i32
        %swap3A_119 = arith.index_cast %swap3A_117 : i32 to index
        %swap3A_120 = arith.index_cast %scan3A_42 : i32 to index
        %swap3A_121 = arith.index_cast %swap3A_118 : i32 to index
        %swap3A_122 = arith.constant 0 : index
        %swap3A_123 = tpu.vector_load %arg5[%swap3A_119, %swap3A_120, %swap3A_121, %swap3A_122] {strides = array<i32>} : memref<2x16x8x128xf32, #tpu.memory_space<vmem>>, vector<1x1x1x16xf32>,
        %swap3A_124 = vector.shape_cast %swap3A_123 : vector<1x1x1x16xf32> to vector<16xf32>
        %swap3A_125 = vector.shape_cast %get3A_116 : vector<16xf32> to vector<1x1x1x16xf32>
        tpu.vector_store %arg5[%swap3A_119, %swap3A_120, %swap3A_121, %swap3A_122], %swap3A_125 {strides = array<i32>} : memref<2x16x8x128xf32, #tpu.memory_space<vmem>>, vector<1x1x1x16xf32>,
        %get3A_126 = arith.constant 0 : i32
        %get3A_127 = arith.constant 1 : i32
        %get3A_128 = arith.index_cast %get3A_126 : i32 to index
        %get3A_129 = arith.index_cast %scan3A_42 : i32 to index
        %get3A_130 = arith.index_cast %get3A_127 : i32 to index
        %get3A_131 = arith.constant 16 : index
        %get3A_132 = tpu.vector_load %arg4[%get3A_128, %get3A_129, %get3A_130, %get3A_131] {strides = array<i32>} : memref<2x16x8x64xf32, #tpu.memory_space<vmem>>, vector<1x1x1x16xf32>,
        %get3A_133 = vector.shape_cast %get3A_132 : vector<1x1x1x16xf32> to vector<16xf32>
        %swap3A_134 = arith.constant 0 : i32
        %swap3A_135 = arith.constant 1 : i32
        %swap3A_136 = arith.index_cast %swap3A_134 : i32 to index
        %swap3A_137 = arith.index_cast %scan3A_42 : i32 to index
        %swap3A_138 = arith.index_cast %swap3A_135 : i32 to index
        %swap3A_139 = arith.constant 16 : index
        %swap3A_140 = tpu.vector_load %arg5[%swap3A_136, %swap3A_137, %swap3A_138, %swap3A_139] {strides = array<i32>} : memref<2x16x8x128xf32, #tpu.memory_space<vmem>>, vector<1x1x1x16xf32>,
        %swap3A_141 = vector.shape_cast %swap3A_140 : vector<1x1x1x16xf32> to vector<16xf32>
        %swap3A_142 = vector.shape_cast %get3A_133 : vector<16xf32> to vector<1x1x1x16xf32>
        tpu.vector_store %arg5[%swap3A_136, %swap3A_137, %swap3A_138, %swap3A_139], %swap3A_142 {strides = array<i32>} : memref<2x16x8x128xf32, #tpu.memory_space<vmem>>, vector<1x1x1x16xf32>,
        %get3A_143 = arith.constant 0 : i32
        %get3A_144 = arith.constant 1 : i32
        %get3A_145 = arith.index_cast %get3A_143 : i32 to index
        %get3A_146 = arith.index_cast %scan3A_42 : i32 to index
        %get3A_147 = arith.index_cast %get3A_144 : i32 to index
        %get3A_148 = arith.constant 32 : index
        %get3A_149 = tpu.vector_load %arg4[%get3A_145, %get3A_146, %get3A_147, %get3A_148] {strides = array<i32>} : memref<2x16x8x64xf32, #tpu.memory_space<vmem>>, vector<1x1x1x16xf32>,
        %get3A_150 = vector.shape_cast %get3A_149 : vector<1x1x1x16xf32> to vector<16xf32>
        %swap3A_151 = arith.constant 0 : i32
        %swap3A_152 = arith.constant 1 : i32
        %swap3A_153 = arith.index_cast %swap3A_151 : i32 to index
        %swap3A_154 = arith.index_cast %scan3A_42 : i32 to index
        %swap3A_155 = arith.index_cast %swap3A_152 : i32 to index
        %swap3A_156 = arith.constant 32 : index
        %swap3A_157 = tpu.vector_load %arg5[%swap3A_153, %swap3A_154, %swap3A_155, %swap3A_156] {strides = array<i32>} : memref<2x16x8x128xf32, #tpu.memory_space<vmem>>, vector<1x1x1x16xf32>,
        %swap3A_158 = vector.shape_cast %swap3A_157 : vector<1x1x1x16xf32> to vector<16xf32>
        %swap3A_159 = vector.shape_cast %get3A_150 : vector<16xf32> to vector<1x1x1x16xf32>
        tpu.vector_store %arg5[%swap3A_153, %swap3A_154, %swap3A_155, %swap3A_156], %swap3A_159 {strides = array<i32>} : memref<2x16x8x128xf32, #tpu.memory_space<vmem>>, vector<1x1x1x16xf32>,
        %get3A_160 = arith.constant 0 : i32
        %get3A_161 = arith.constant 1 : i32
        %get3A_162 = arith.index_cast %get3A_160 : i32 to index
        %get3A_163 = arith.index_cast %scan3A_42 : i32 to index
        %get3A_164 = arith.index_cast %get3A_161 : i32 to index
        %get3A_165 = arith.constant 48 : index
        %get3A_166 = tpu.vector_load %arg4[%get3A_162, %get3A_163, %get3A_164, %get3A_165] {strides = array<i32>} : memref<2x16x8x64xf32, #tpu.memory_space<vmem>>, vector<1x1x1x16xf32>,
        %get3A_167 = vector.shape_cast %get3A_166 : vector<1x1x1x16xf32> to vector<16xf32>
        %swap3A_168 = arith.constant 0 : i32
        %swap3A_169 = arith.constant 1 : i32
        %swap3A_170 = arith.index_cast %swap3A_168 : i32 to index
        %swap3A_171 = arith.index_cast %scan3A_42 : i32 to index
        %swap3A_172 = arith.index_cast %swap3A_169 : i32 to index
        %swap3A_173 = arith.constant 48 : index
        %swap3A_174 = tpu.vector_load %arg5[%swap3A_170, %swap3A_171, %swap3A_172, %swap3A_173] {strides = array<i32>} : memref<2x16x8x128xf32, #tpu.memory_space<vmem>>, vector<1x1x1x16xf32>,
        %swap3A_175 = vector.shape_cast %swap3A_174 : vector<1x1x1x16xf32> to vector<16xf32>
        %swap3A_176 = vector.shape_cast %get3A_167 : vector<16xf32> to vector<1x1x1x16xf32>
        tpu.vector_store %arg5[%swap3A_170, %swap3A_171, %swap3A_172, %swap3A_173], %swap3A_176 {strides = array<i32>} : memref<2x16x8x128xf32, #tpu.memory_space<vmem>>, vector<1x1x1x16xf32>,
        %get3A_177 = arith.constant 0 : i32
        %get3A_178 = arith.constant 2 : i32
        %get3A_179 = arith.index_cast %get3A_177 : i32 to index
        %get3A_180 = arith.index_cast %scan3A_42 : i32 to index
        %get3A_181 = arith.index_cast %get3A_178 : i32 to index
        %get3A_182 = arith.constant 0 : index
        %get3A_183 = tpu.vector_load %arg4[%get3A_179, %get3A_180, %get3A_181, %get3A_182] {strides = array<i32>} : memref<2x16x8x64xf32, #tpu.memory_space<vmem>>, vector<1x1x1x16xf32>,
        %get3A_184 = vector.shape_cast %get3A_183 : vector<1x1x1x16xf32> to vector<16xf32>
        %swap3A_185 = arith.constant 0 : i32
        %swap3A_186 = arith.constant 2 : i32
        %swap3A_187 = arith.index_cast %swap3A_185 : i32 to index
        %swap3A_188 = arith.index_cast %scan3A_42 : i32 to index
        %swap3A_189 = arith.index_cast %swap3A_186 : i32 to index
        %swap3A_190 = arith.constant 0 : index
        %swap3A_191 = tpu.vector_load %arg5[%swap3A_187, %swap3A_188, %swap3A_189, %swap3A_190] {strides = array<i32>} : memref<2x16x8x128xf32, #tpu.memory_space<vmem>>, vector<1x1x1x16xf32>,
        %swap3A_192 = vector.shape_cast %swap3A_191 : vector<1x1x1x16xf32> to vector<16xf32>
        %swap3A_193 = vector.shape_cast %get3A_184 : vector<16xf32> to vector<1x1x1x16xf32>
        tpu.vector_store %arg5[%swap3A_187, %swap3A_188, %swap3A_189, %swap3A_190], %swap3A_193 {strides = array<i32>} : memref<2x16x8x128xf32, #tpu.memory_space<vmem>>, vector<1x1x1x16xf32>,
        %get3A_194 = arith.constant 0 : i32
        %get3A_195 = arith.constant 2 : i32
        %get3A_196 = arith.index_cast %get3A_194 : i32 to index
        %get3A_197 = arith.index_cast %scan3A_42 : i32 to index
        %get3A_198 = arith.index_cast %get3A_195 : i32 to index
        %get3A_199 = arith.constant 16 : index
        %get3A_200 = tpu.vector_load %arg4[%get3A_196, %get3A_197, %get3A_198, %get3A_199] {strides = array<i32>} : memref<2x16x8x64xf32, #tpu.memory_space<vmem>>, vector<1x1x1x16xf32>,
        %get3A_201 = vector.shape_cast %get3A_200 : vector<1x1x1x16xf32> to vector<16xf32>
        %swap3A_202 = arith.constant 0 : i32
        %swap3A_203 = arith.constant 2 : i32
        %swap3A_204 = arith.index_cast %swap3A_202 : i32 to index
        %swap3A_205 = arith.index_cast %scan3A_42 : i32 to index
        %swap3A_206 = arith.index_cast %swap3A_203 : i32 to index
        %swap3A_207 = arith.constant 16 : index
        %swap3A_208 = tpu.vector_load %arg5[%swap3A_204, %swap3A_205, %swap3A_206, %swap3A_207] {strides = array<i32>} : memref<2x16x8x128xf32, #tpu.memory_space<vmem>>, vector<1x1x1x16xf32>,
        %swap3A_209 = vector.shape_cast %swap3A_208 : vector<1x1x1x16xf32> to vector<16xf32>
        %swap3A_210 = vector.shape_cast %get3A_201 : vector<16xf32> to vector<1x1x1x16xf32>
        tpu.vector_store %arg5[%swap3A_204, %swap3A_205, %swap3A_206, %swap3A_207], %swap3A_210 {strides = array<i32>} : memref<2x16x8x128xf32, #tpu.memory_space<vmem>>, vector<1x1x1x16xf32>,
        %get3A_211 = arith.constant 0 : i32
        %get3A_212 = arith.constant 2 : i32
        %get3A_213 = arith.index_cast %get3A_211 : i32 to index
        %get3A_214 = arith.index_cast %scan3A_42 : i32 to index
        %get3A_215 = arith.index_cast %get3A_212 : i32 to index
        %get3A_216 = arith.constant 32 : index
        %get3A_217 = tpu.vector_load %arg4[%get3A_213, %get3A_214, %get3A_215, %get3A_216] {strides = array<i32>} : memref<2x16x8x64xf32, #tpu.memory_space<vmem>>, vector<1x1x1x16xf32>,
        %get3A_218 = vector.shape_cast %get3A_217 : vector<1x1x1x16xf32> to vector<16xf32>
        %swap3A_219 = arith.constant 0 : i32
        %swap3A_220 = arith.constant 2 : i32
        %swap3A_221 = arith.index_cast %swap3A_219 : i32 to index
        %swap3A_222 = arith.index_cast %scan3A_42 : i32 to index
        %swap3A_223 = arith.index_cast %swap3A_220 : i32 to index
        %swap3A_224 = arith.constant 32 : index
        %swap3A_225 = tpu.vector_load %arg5[%swap3A_221, %swap3A_222, %swap3A_223, %swap3A_224] {strides = array<i32>} : memref<2x16x8x128xf32, #tpu.memory_space<vmem>>, vector<1x1x1x16xf32>,
        %swap3A_226 = vector.shape_cast %swap3A_225 : vector<1x1x1x16xf32> to vector<16xf32>
        %swap3A_227 = vector.shape_cast %get3A_218 : vector<16xf32> to vector<1x1x1x16xf32>
        tpu.vector_store %arg5[%swap3A_221, %swap3A_222, %swap3A_223, %swap3A_224], %swap3A_227 {strides = array<i32>} : memref<2x16x8x128xf32, #tpu.memory_space<vmem>>, vector<1x1x1x16xf32>,
        %get3A_228 = arith.constant 0 : i32
        %get3A_229 = arith.constant 2 : i32
        %get3A_230 = arith.index_cast %get3A_228 : i32 to index
        %get3A_231 = arith.index_cast %scan3A_42 : i32 to index
        %get3A_232 = arith.index_cast %get3A_229 : i32 to index
        %get3A_233 = arith.constant 48 : index
        %get3A_234 = tpu.vector_load %arg4[%get3A_230, %get3A_231, %get3A_232, %get3A_233] {strides = array<i32>} : memref<2x16x8x64xf32, #tpu.memory_space<vmem>>, vector<1x1x1x16xf32>,
        %get3A_235 = vector.shape_cast %get3A_234 : vector<1x1x1x16xf32> to vector<16xf32>
        %swap3A_236 = arith.constant 0 : i32
        %swap3A_237 = arith.constant 2 : i32
        %swap3A_238 = arith.index_cast %swap3A_236 : i32 to index
        %swap3A_239 = arith.index_cast %scan3A_42 : i32 to index
        %swap3A_240 = arith.index_cast %swap3A_237 : i32 to index
        %swap3A_241 = arith.constant 48 : index
        %swap3A_242 = tpu.vector_load %arg5[%swap3A_238, %swap3A_239, %swap3A_240, %swap3A_241] {strides = array<i32>} : memref<2x16x8x128xf32, #tpu.memory_space<vmem>>, vector<1x1x1x16xf32>,
        %swap3A_243 = vector.shape_cast %swap3A_242 : vector<1x1x1x16xf32> to vector<16xf32>
        %swap3A_244 = vector.shape_cast %get3A_235 : vector<16xf32> to vector<1x1x1x16xf32>
        tpu.vector_store %arg5[%swap3A_238, %swap3A_239, %swap3A_240, %swap3A_241], %swap3A_244 {strides = array<i32>} : memref<2x16x8x128xf32, #tpu.memory_space<vmem>>, vector<1x1x1x16xf32>,
        %get3A_245 = arith.constant 0 : i32
        %get3A_246 = arith.constant 3 : i32
        %get3A_247 = arith.index_cast %get3A_245 : i32 to index
        %get3A_248 = arith.index_cast %scan3A_42 : i32 to index
        %get3A_249 = arith.index_cast %get3A_246 : i32 to index
        %get3A_250 = arith.constant 0 : index
        %get3A_251 = tpu.vector_load %arg4[%get3A_247, %get3A_248, %get3A_249, %get3A_250] {strides = array<i32>} : memref<2x16x8x64xf32, #tpu.memory_space<vmem>>, vector<1x1x1x16xf32>,
        %get3A_252 = vector.shape_cast %get3A_251 : vector<1x1x1x16xf32> to vector<16xf32>
        %swap3A_253 = arith.constant 0 : i32
        %swap3A_254 = arith.constant 3 : i32
        %swap3A_255 = arith.index_cast %swap3A_253 : i32 to index
        %swap3A_256 = arith.index_cast %scan3A_42 : i32 to index
        %swap3A_257 = arith.index_cast %swap3A_254 : i32 to index
        %swap3A_258 = arith.constant 0 : index
        %swap3A_259 = tpu.vector_load %arg5[%swap3A_255, %swap3A_256, %swap3A_257, %swap3A_258] {strides = array<i32>} : memref<2x16x8x128xf32, #tpu.memory_space<vmem>>, vector<1x1x1x16xf32>,
        %swap3A_260 = vector.shape_cast %swap3A_259 : vector<1x1x1x16xf32> to vector<16xf32>
        %swap3A_261 = vector.shape_cast %get3A_252 : vector<16xf32> to vector<1x1x1x16xf32>
        tpu.vector_store %arg5[%swap3A_255, %swap3A_256, %swap3A_257, %swap3A_258], %swap3A_261 {strides = array<i32>} : memref<2x16x8x128xf32, #tpu.memory_space<vmem>>, vector<1x1x1x16xf32>,
        %get3A_262 = arith.constant 0 : i32
        %get3A_263 = arith.constant 3 : i32
        %get3A_264 = arith.index_cast %get3A_262 : i32 to index
        %get3A_265 = arith.index_cast %scan3A_42 : i32 to index
        %get3A_266 = arith.index_cast %get3A_263 : i32 to index
        %get3A_267 = arith.constant 16 : index
        %get3A_268 = tpu.vector_load %arg4[%get3A_264, %get3A_265, %get3A_266, %get3A_267] {strides = array<i32>} : memref<2x16x8x64xf32, #tpu.memory_space<vmem>>, vector<1x1x1x16xf32>,
        %get3A_269 = vector.shape_cast %get3A_268 : vector<1x1x1x16xf32> to vector<16xf32>
        %swap3A_270 = arith.constant 0 : i32
        %swap3A_271 = arith.constant 3 : i32
        %swap3A_272 = arith.index_cast %swap3A_270 : i32 to index
        %swap3A_273 = arith.index_cast %scan3A_42 : i32 to index
        %swap3A_274 = arith.index_cast %swap3A_271 : i32 to index
        %swap3A_275 = arith.constant 16 : index
        %swap3A_276 = tpu.vector_load %arg5[%swap3A_272, %swap3A_273, %swap3A_274, %swap3A_275] {strides = array<i32>} : memref<2x16x8x128xf32, #tpu.memory_space<vmem>>, vector<1x1x1x16xf32>,
        %swap3A_277 = vector.shape_cast %swap3A_276 : vector<1x1x1x16xf32> to vector<16xf32>
        %swap3A_278 = vector.shape_cast %get3A_269 : vector<16xf32> to vector<1x1x1x16xf32>
        tpu.vector_store %arg5[%swap3A_272, %swap3A_273, %swap3A_274, %swap3A_275], %swap3A_278 {strides = array<i32>} : memref<2x16x8x128xf32, #tpu.memory_space<vmem>>, vector<1x1x1x16xf32>,
        %get3A_279 = arith.constant 0 : i32
        %get3A_280 = arith.constant 3 : i32
        %get3A_281 = arith.index_cast %get3A_279 : i32 to index
        %get3A_282 = arith.index_cast %scan3A_42 : i32 to index
        %get3A_283 = arith.index_cast %get3A_280 : i32 to index
        %get3A_284 = arith.constant 32 : index
        %get3A_285 = tpu.vector_load %arg4[%get3A_281, %get3A_282, %get3A_283, %get3A_284] {strides = array<i32>} : memref<2x16x8x64xf32, #tpu.memory_space<vmem>>, vector<1x1x1x16xf32>,
        %get3A_286 = vector.shape_cast %get3A_285 : vector<1x1x1x16xf32> to vector<16xf32>
        %swap3A_287 = arith.constant 0 : i32
        %swap3A_288 = arith.constant 3 : i32
        %swap3A_289 = arith.index_cast %swap3A_287 : i32 to index
        %swap3A_290 = arith.index_cast %scan3A_42 : i32 to index
        %swap3A_291 = arith.index_cast %swap3A_288 : i32 to index
        %swap3A_292 = arith.constant 32 : index
        %swap3A_293 = tpu.vector_load %arg5[%swap3A_289, %swap3A_290, %swap3A_291, %swap3A_292] {strides = array<i32>} : memref<2x16x8x128xf32, #tpu.memory_space<vmem>>, vector<1x1x1x16xf32>,
        %swap3A_294 = vector.shape_cast %swap3A_293 : vector<1x1x1x16xf32> to vector<16xf32>
        %swap3A_295 = vector.shape_cast %get3A_286 : vector<16xf32> to vector<1x1x1x16xf32>
        tpu.vector_store %arg5[%swap3A_289, %swap3A_290, %swap3A_291, %swap3A_292], %swap3A_295 {strides = array<i32>} : memref<2x16x8x128xf32, #tpu.memory_space<vmem>>, vector<1x1x1x16xf32>,
        %get3A_296 = arith.constant 0 : i32
        %get3A_297 = arith.constant 3 : i32
        %get3A_298 = arith.index_cast %get3A_296 : i32 to index
        %get3A_299 = arith.index_cast %scan3A_42 : i32 to index
        %get3A_300 = arith.index_cast %get3A_297 : i32 to index
        %get3A_301 = arith.constant 48 : index
        %get3A_302 = tpu.vector_load %arg4[%get3A_298, %get3A_299, %get3A_300, %get3A_301] {strides = array<i32>} : memref<2x16x8x64xf32, #tpu.memory_space<vmem>>, vector<1x1x1x16xf32>,
        %get3A_303 = vector.shape_cast %get3A_302 : vector<1x1x1x16xf32> to vector<16xf32>
        %swap3A_304 = arith.constant 0 : i32
        %swap3A_305 = arith.constant 3 : i32
        %swap3A_306 = arith.index_cast %swap3A_304 : i32 to index
        %swap3A_307 = arith.index_cast %scan3A_42 : i32 to index
        %swap3A_308 = arith.index_cast %swap3A_305 : i32 to index
        %swap3A_309 = arith.constant 48 : index
        %swap3A_310 = tpu.vector_load %arg5[%swap3A_306, %swap3A_307, %swap3A_308, %swap3A_309] {strides = array<i32>} : memref<2x16x8x128xf32, #tpu.memory_space<vmem>>, vector<1x1x1x16xf32>,
        %swap3A_311 = vector.shape_cast %swap3A_310 : vector<1x1x1x16xf32> to vector<16xf32>
        %swap3A_312 = vector.shape_cast %get3A_303 : vector<16xf32> to vector<1x1x1x16xf32>
        tpu.vector_store %arg5[%swap3A_306, %swap3A_307, %swap3A_308, %swap3A_309], %swap3A_312 {strides = array<i32>} : memref<2x16x8x128xf32, #tpu.memory_space<vmem>>, vector<1x1x1x16xf32>,
        %get3A_313 = arith.constant 0 : i32
        %get3A_314 = arith.constant 4 : i32
        %get3A_315 = arith.index_cast %get3A_313 : i32 to index
        %get3A_316 = arith.index_cast %scan3A_42 : i32 to index
        %get3A_317 = arith.index_cast %get3A_314 : i32 to index
        %get3A_318 = arith.constant 0 : index
        %get3A_319 = tpu.vector_load %arg4[%get3A_315, %get3A_316, %get3A_317, %get3A_318] {strides = array<i32>} : memref<2x16x8x64xf32, #tpu.memory_space<vmem>>, vector<1x1x1x16xf32>,
        %get3A_320 = vector.shape_cast %get3A_319 : vector<1x1x1x16xf32> to vector<16xf32>
        %swap3A_321 = arith.constant 0 : i32
        %swap3A_322 = arith.constant 4 : i32
        %swap3A_323 = arith.index_cast %swap3A_321 : i32 to index
        %swap3A_324 = arith.index_cast %scan3A_42 : i32 to index
        %swap3A_325 = arith.index_cast %swap3A_322 : i32 to index
        %swap3A_326 = arith.constant 0 : index
        %swap3A_327 = tpu.vector_load %arg5[%swap3A_323, %swap3A_324, %swap3A_325, %swap3A_326] {strides = array<i32>} : memref<2x16x8x128xf32, #tpu.memory_space<vmem>>, vector<1x1x1x16xf32>,
        %swap3A_328 = vector.shape_cast %swap3A_327 : vector<1x1x1x16xf32> to vector<16xf32>
        %swap3A_329 = vector.shape_cast %get3A_320 : vector<16xf32> to vector<1x1x1x16xf32>
        tpu.vector_store %arg5[%swap3A_323, %swap3A_324, %swap3A_325, %swap3A_326], %swap3A_329 {strides = array<i32>} : memref<2x16x8x128xf32, #tpu.memory_space<vmem>>, vector<1x1x1x16xf32>,
        %get3A_330 = arith.constant 0 : i32
        %get3A_331 = arith.constant 4 : i32
        %get3A_332 = arith.index_cast %get3A_330 : i32 to index
        %get3A_333 = arith.index_cast %scan3A_42 : i32 to index
        %get3A_334 = arith.index_cast %get3A_331 : i32 to index
        %get3A_335 = arith.constant 16 : index
        %get3A_336 = tpu.vector_load %arg4[%get3A_332, %get3A_333, %get3A_334, %get3A_335] {strides = array<i32>} : memref<2x16x8x64xf32, #tpu.memory_space<vmem>>, vector<1x1x1x16xf32>,
        %get3A_337 = vector.shape_cast %get3A_336 : vector<1x1x1x16xf32> to vector<16xf32>
        %swap3A_338 = arith.constant 0 : i32
        %swap3A_339 = arith.constant 4 : i32
        %swap3A_340 = arith.index_cast %swap3A_338 : i32 to index
        %swap3A_341 = arith.index_cast %scan3A_42 : i32 to index
        %swap3A_342 = arith.index_cast %swap3A_339 : i32 to index
        %swap3A_343 = arith.constant 16 : index
        %swap3A_344 = tpu.vector_load %arg5[%swap3A_340, %swap3A_341, %swap3A_342, %swap3A_343] {strides = array<i32>} : memref<2x16x8x128xf32, #tpu.memory_space<vmem>>, vector<1x1x1x16xf32>,
        %swap3A_345 = vector.shape_cast %swap3A_344 : vector<1x1x1x16xf32> to vector<16xf32>
        %swap3A_346 = vector.shape_cast %get3A_337 : vector<16xf32> to vector<1x1x1x16xf32>
        tpu.vector_store %arg5[%swap3A_340, %swap3A_341, %swap3A_342, %swap3A_343], %swap3A_346 {strides = array<i32>} : memref<2x16x8x128xf32, #tpu.memory_space<vmem>>, vector<1x1x1x16xf32>,
        %get3A_347 = arith.constant 0 : i32
        %get3A_348 = arith.constant 4 : i32
        %get3A_349 = arith.index_cast %get3A_347 : i32 to index
        %get3A_350 = arith.index_cast %scan3A_42 : i32 to index
        %get3A_351 = arith.index_cast %get3A_348 : i32 to index
        %get3A_352 = arith.constant 32 : index
        %get3A_353 = tpu.vector_load %arg4[%get3A_349, %get3A_350, %get3A_351, %get3A_352] {strides = array<i32>} : memref<2x16x8x64xf32, #tpu.memory_space<vmem>>, vector<1x1x1x16xf32>,
        %get3A_354 = vector.shape_cast %get3A_353 : vector<1x1x1x16xf32> to vector<16xf32>
        %swap3A_355 = arith.constant 0 : i32
        %swap3A_356 = arith.constant 4 : i32
        %swap3A_357 = arith.index_cast %swap3A_355 : i32 to index
        %swap3A_358 = arith.index_cast %scan3A_42 : i32 to index
        %swap3A_359 = arith.index_cast %swap3A_356 : i32 to index
        %swap3A_360 = arith.constant 32 : index
        %swap3A_361 = tpu.vector_load %arg5[%swap3A_357, %swap3A_358, %swap3A_359, %swap3A_360] {strides = array<i32>} : memref<2x16x8x128xf32, #tpu.memory_space<vmem>>, vector<1x1x1x16xf32>,
        %swap3A_362 = vector.shape_cast %swap3A_361 : vector<1x1x1x16xf32> to vector<16xf32>
        %swap3A_363 = vector.shape_cast %get3A_354 : vector<16xf32> to vector<1x1x1x16xf32>
        tpu.vector_store %arg5[%swap3A_357, %swap3A_358, %swap3A_359, %swap3A_360], %swap3A_363 {strides = array<i32>} : memref<2x16x8x128xf32, #tpu.memory_space<vmem>>, vector<1x1x1x16xf32>,
        %get3A_364 = arith.constant 0 : i32
        %get3A_365 = arith.constant 4 : i32
        %get3A_366 = arith.index_cast %get3A_364 : i32 to index
        %get3A_367 = arith.index_cast %scan3A_42 : i32 to index
        %get3A_368 = arith.index_cast %get3A_365 : i32 to index
        %get3A_369 = arith.constant 48 : index
        %get3A_370 = tpu.vector_load %arg4[%get3A_366, %get3A_367, %get3A_368, %get3A_369] {strides = array<i32>} : memref<2x16x8x64xf32, #tpu.memory_space<vmem>>, vector<1x1x1x16xf32>,
        %get3A_371 = vector.shape_cast %get3A_370 : vector<1x1x1x16xf32> to vector<16xf32>
        %swap3A_372 = arith.constant 0 : i32
        %swap3A_373 = arith.constant 4 : i32
        %swap3A_374 = arith.index_cast %swap3A_372 : i32 to index
        %swap3A_375 = arith.index_cast %scan3A_42 : i32 to index
        %swap3A_376 = arith.index_cast %swap3A_373 : i32 to index
        %swap3A_377 = arith.constant 48 : index
        %swap3A_378 = tpu.vector_load %arg5[%swap3A_374, %swap3A_375, %swap3A_376, %swap3A_377] {strides = array<i32>} : memref<2x16x8x128xf32, #tpu.memory_space<vmem>>, vector<1x1x1x16xf32>,
        %swap3A_379 = vector.shape_cast %swap3A_378 : vector<1x1x1x16xf32> to vector<16xf32>
        %swap3A_380 = vector.shape_cast %get3A_371 : vector<16xf32> to vector<1x1x1x16xf32>
        tpu.vector_store %arg5[%swap3A_374, %swap3A_375, %swap3A_376, %swap3A_377], %swap3A_380 {strides = array<i32>} : memref<2x16x8x128xf32, #tpu.memory_space<vmem>>, vector<1x1x1x16xf32>,
        %get3A_381 = arith.constant 0 : i32
        %get3A_382 = arith.constant 5 : i32
        %get3A_383 = arith.index_cast %get3A_381 : i32 to index
        %get3A_384 = arith.index_cast %scan3A_42 : i32 to index
        %get3A_385 = arith.index_cast %get3A_382 : i32 to index
        %get3A_386 = arith.constant 0 : index
        %get3A_387 = tpu.vector_load %arg4[%get3A_383, %get3A_384, %get3A_385, %get3A_386] {strides = array<i32>} : memref<2x16x8x64xf32, #tpu.memory_space<vmem>>, vector<1x1x1x16xf32>,
        %get3A_388 = vector.shape_cast %get3A_387 : vector<1x1x1x16xf32> to vector<16xf32>
        %swap3A_389 = arith.constant 0 : i32
        %swap3A_390 = arith.constant 5 : i32
        %swap3A_391 = arith.index_cast %swap3A_389 : i32 to index
        %swap3A_392 = arith.index_cast %scan3A_42 : i32 to index
        %swap3A_393 = arith.index_cast %swap3A_390 : i32 to index
        %swap3A_394 = arith.constant 0 : index
        %swap3A_395 = tpu.vector_load %arg5[%swap3A_391, %swap3A_392, %swap3A_393, %swap3A_394] {strides = array<i32>} : memref<2x16x8x128xf32, #tpu.memory_space<vmem>>, vector<1x1x1x16xf32>,
        %swap3A_396 = vector.shape_cast %swap3A_395 : vector<1x1x1x16xf32> to vector<16xf32>
        %swap3A_397 = vector.shape_cast %get3A_388 : vector<16xf32> to vector<1x1x1x16xf32>
        tpu.vector_store %arg5[%swap3A_391, %swap3A_392, %swap3A_393, %swap3A_394], %swap3A_397 {strides = array<i32>} : memref<2x16x8x128xf32, #tpu.memory_space<vmem>>, vector<1x1x1x16xf32>,
        %get3A_398 = arith.constant 0 : i32
        %get3A_399 = arith.constant 5 : i32
        %get3A_400 = arith.index_cast %get3A_398 : i32 to index
        %get3A_401 = arith.index_cast %scan3A_42 : i32 to index
        %get3A_402 = arith.index_cast %get3A_399 : i32 to index
        %get3A_403 = arith.constant 16 : index
        %get3A_404 = tpu.vector_load %arg4[%get3A_400, %get3A_401, %get3A_402, %get3A_403] {strides = array<i32>} : memref<2x16x8x64xf32, #tpu.memory_space<vmem>>, vector<1x1x1x16xf32>,
        %get3A_405 = vector.shape_cast %get3A_404 : vector<1x1x1x16xf32> to vector<16xf32>
        %swap3A_406 = arith.constant 0 : i32
        %swap3A_407 = arith.constant 5 : i32
        %swap3A_408 = arith.index_cast %swap3A_406 : i32 to index
        %swap3A_409 = arith.index_cast %scan3A_42 : i32 to index
        %swap3A_410 = arith.index_cast %swap3A_407 : i32 to index
        %swap3A_411 = arith.constant 16 : index
        %swap3A_412 = tpu.vector_load %arg5[%swap3A_408, %swap3A_409, %swap3A_410, %swap3A_411] {strides = array<i32>} : memref<2x16x8x128xf32, #tpu.memory_space<vmem>>, vector<1x1x1x16xf32>,
        %swap3A_413 = vector.shape_cast %swap3A_412 : vector<1x1x1x16xf32> to vector<16xf32>
        %swap3A_414 = vector.shape_cast %get3A_405 : vector<16xf32> to vector<1x1x1x16xf32>
        tpu.vector_store %arg5[%swap3A_408, %swap3A_409, %swap3A_410, %swap3A_411], %swap3A_414 {strides = array<i32>} : memref<2x16x8x128xf32, #tpu.memory_space<vmem>>, vector<1x1x1x16xf32>,
        %get3A_415 = arith.constant 0 : i32
        %get3A_416 = arith.constant 5 : i32
        %get3A_417 = arith.index_cast %get3A_415 : i32 to index
        %get3A_418 = arith.index_cast %scan3A_42 : i32 to index
        %get3A_419 = arith.index_cast %get3A_416 : i32 to index
        %get3A_420 = arith.constant 32 : index
        %get3A_421 = tpu.vector_load %arg4[%get3A_417, %get3A_418, %get3A_419, %get3A_420] {strides = array<i32>} : memref<2x16x8x64xf32, #tpu.memory_space<vmem>>, vector<1x1x1x16xf32>,
        %get3A_422 = vector.shape_cast %get3A_421 : vector<1x1x1x16xf32> to vector<16xf32>
        %swap3A_423 = arith.constant 0 : i32
        %swap3A_424 = arith.constant 5 : i32
        %swap3A_425 = arith.index_cast %swap3A_423 : i32 to index
        %swap3A_426 = arith.index_cast %scan3A_42 : i32 to index
        %swap3A_427 = arith.index_cast %swap3A_424 : i32 to index
        %swap3A_428 = arith.constant 32 : index
        %swap3A_429 = tpu.vector_load %arg5[%swap3A_425, %swap3A_426, %swap3A_427, %swap3A_428] {strides = array<i32>} : memref<2x16x8x128xf32, #tpu.memory_space<vmem>>, vector<1x1x1x16xf32>,
        %swap3A_430 = vector.shape_cast %swap3A_429 : vector<1x1x1x16xf32> to vector<16xf32>
        %swap3A_431 = vector.shape_cast %get3A_422 : vector<16xf32> to vector<1x1x1x16xf32>
        tpu.vector_store %arg5[%swap3A_425, %swap3A_426, %swap3A_427, %swap3A_428], %swap3A_431 {strides = array<i32>} : memref<2x16x8x128xf32, #tpu.memory_space<vmem>>, vector<1x1x1x16xf32>,
        %get3A_432 = arith.constant 0 : i32
        %get3A_433 = arith.constant 5 : i32
        %get3A_434 = arith.index_cast %get3A_432 : i32 to index
        %get3A_435 = arith.index_cast %scan3A_42 : i32 to index
        %get3A_436 = arith.index_cast %get3A_433 : i32 to index
        %get3A_437 = arith.constant 48 : index
        %get3A_438 = tpu.vector_load %arg4[%get3A_434, %get3A_435, %get3A_436, %get3A_437] {strides = array<i32>} : memref<2x16x8x64xf32, #tpu.memory_space<vmem>>, vector<1x1x1x16xf32>,
        %get3A_439 = vector.shape_cast %get3A_438 : vector<1x1x1x16xf32> to vector<16xf32>
        %swap3A_440 = arith.constant 0 : i32
        %swap3A_441 = arith.constant 5 : i32
        %swap3A_442 = arith.index_cast %swap3A_440 : i32 to index
        %swap3A_443 = arith.index_cast %scan3A_42 : i32 to index
        %swap3A_444 = arith.index_cast %swap3A_441 : i32 to index
        %swap3A_445 = arith.constant 48 : index
        %swap3A_446 = tpu.vector_load %arg5[%swap3A_442, %swap3A_443, %swap3A_444, %swap3A_445] {strides = array<i32>} : memref<2x16x8x128xf32, #tpu.memory_space<vmem>>, vector<1x1x1x16xf32>,
        %swap3A_447 = vector.shape_cast %swap3A_446 : vector<1x1x1x16xf32> to vector<16xf32>
        %swap3A_448 = vector.shape_cast %get3A_439 : vector<16xf32> to vector<1x1x1x16xf32>
        tpu.vector_store %arg5[%swap3A_442, %swap3A_443, %swap3A_444, %swap3A_445], %swap3A_448 {strides = array<i32>} : memref<2x16x8x128xf32, #tpu.memory_space<vmem>>, vector<1x1x1x16xf32>,
        %get3A_449 = arith.constant 0 : i32
        %get3A_450 = arith.constant 6 : i32
        %get3A_451 = arith.index_cast %get3A_449 : i32 to index
        %get3A_452 = arith.index_cast %scan3A_42 : i32 to index
        %get3A_453 = arith.index_cast %get3A_450 : i32 to index
        %get3A_454 = arith.constant 0 : index
        %get3A_455 = tpu.vector_load %arg4[%get3A_451, %get3A_452, %get3A_453, %get3A_454] {strides = array<i32>} : memref<2x16x8x64xf32, #tpu.memory_space<vmem>>, vector<1x1x1x16xf32>,
        %get3A_456 = vector.shape_cast %get3A_455 : vector<1x1x1x16xf32> to vector<16xf32>
        %swap3A_457 = arith.constant 0 : i32
        %swap3A_458 = arith.constant 6 : i32
        %swap3A_459 = arith.index_cast %swap3A_457 : i32 to index
        %swap3A_460 = arith.index_cast %scan3A_42 : i32 to index
        %swap3A_461 = arith.index_cast %swap3A_458 : i32 to index
        %swap3A_462 = arith.constant 0 : index
        %swap3A_463 = tpu.vector_load %arg5[%swap3A_459, %swap3A_460, %swap3A_461, %swap3A_462] {strides = array<i32>} : memref<2x16x8x128xf32, #tpu.memory_space<vmem>>, vector<1x1x1x16xf32>,
        %swap3A_464 = vector.shape_cast %swap3A_463 : vector<1x1x1x16xf32> to vector<16xf32>
        %swap3A_465 = vector.shape_cast %get3A_456 : vector<16xf32> to vector<1x1x1x16xf32>
        tpu.vector_store %arg5[%swap3A_459, %swap3A_460, %swap3A_461, %swap3A_462], %swap3A_465 {strides = array<i32>} : memref<2x16x8x128xf32, #tpu.memory_space<vmem>>, vector<1x1x1x16xf32>,
        %get3A_466 = arith.constant 0 : i32
        %get3A_467 = arith.constant 6 : i32
        %get3A_468 = arith.index_cast %get3A_466 : i32 to index
        %get3A_469 = arith.index_cast %scan3A_42 : i32 to index
        %get3A_470 = arith.index_cast %get3A_467 : i32 to index
        %get3A_471 = arith.constant 16 : index
        %get3A_472 = tpu.vector_load %arg4[%get3A_468, %get3A_469, %get3A_470, %get3A_471] {strides = array<i32>} : memref<2x16x8x64xf32, #tpu.memory_space<vmem>>, vector<1x1x1x16xf32>,
        %get3A_473 = vector.shape_cast %get3A_472 : vector<1x1x1x16xf32> to vector<16xf32>
        %swap3A_474 = arith.constant 0 : i32
        %swap3A_475 = arith.constant 6 : i32
        %swap3A_476 = arith.index_cast %swap3A_474 : i32 to index
        %swap3A_477 = arith.index_cast %scan3A_42 : i32 to index
        %swap3A_478 = arith.index_cast %swap3A_475 : i32 to index
        %swap3A_479 = arith.constant 16 : index
        %swap3A_480 = tpu.vector_load %arg5[%swap3A_476, %swap3A_477, %swap3A_478, %swap3A_479] {strides = array<i32>} : memref<2x16x8x128xf32, #tpu.memory_space<vmem>>, vector<1x1x1x16xf32>,
        %swap3A_481 = vector.shape_cast %swap3A_480 : vector<1x1x1x16xf32> to vector<16xf32>
        %swap3A_482 = vector.shape_cast %get3A_473 : vector<16xf32> to vector<1x1x1x16xf32>
        tpu.vector_store %arg5[%swap3A_476, %swap3A_477, %swap3A_478, %swap3A_479], %swap3A_482 {strides = array<i32>} : memref<2x16x8x128xf32, #tpu.memory_space<vmem>>, vector<1x1x1x16xf32>,
        %get3A_483 = arith.constant 0 : i32
        %get3A_484 = arith.constant 6 : i32
        %get3A_485 = arith.index_cast %get3A_483 : i32 to index
        %get3A_486 = arith.index_cast %scan3A_42 : i32 to index
        %get3A_487 = arith.index_cast %get3A_484 : i32 to index
        %get3A_488 = arith.constant 32 : index
        %get3A_489 = tpu.vector_load %arg4[%get3A_485, %get3A_486, %get3A_487, %get3A_488] {strides = array<i32>} : memref<2x16x8x64xf32, #tpu.memory_space<vmem>>, vector<1x1x1x16xf32>,
        %get3A_490 = vector.shape_cast %get3A_489 : vector<1x1x1x16xf32> to vector<16xf32>
        %swap3A_491 = arith.constant 0 : i32
        %swap3A_492 = arith.constant 6 : i32
        %swap3A_493 = arith.index_cast %swap3A_491 : i32 to index
        %swap3A_494 = arith.index_cast %scan3A_42 : i32 to index
        %swap3A_495 = arith.index_cast %swap3A_492 : i32 to index
        %swap3A_496 = arith.constant 32 : index
        %swap3A_497 = tpu.vector_load %arg5[%swap3A_493, %swap3A_494, %swap3A_495, %swap3A_496] {strides = array<i32>} : memref<2x16x8x128xf32, #tpu.memory_space<vmem>>, vector<1x1x1x16xf32>,
        %swap3A_498 = vector.shape_cast %swap3A_497 : vector<1x1x1x16xf32> to vector<16xf32>
        %swap3A_499 = vector.shape_cast %get3A_490 : vector<16xf32> to vector<1x1x1x16xf32>
        tpu.vector_store %arg5[%swap3A_493, %swap3A_494, %swap3A_495, %swap3A_496], %swap3A_499 {strides = array<i32>} : memref<2x16x8x128xf32, #tpu.memory_space<vmem>>, vector<1x1x1x16xf32>,
        %get3A_500 = arith.constant 0 : i32
        %get3A_501 = arith.constant 6 : i32
        %get3A_502 = arith.index_cast %get3A_500 : i32 to index
        %get3A_503 = arith.index_cast %scan3A_42 : i32 to index
        %get3A_504 = arith.index_cast %get3A_501 : i32 to index
        %get3A_505 = arith.constant 48 : index
        %get3A_506 = tpu.vector_load %arg4[%get3A_502, %get3A_503, %get3A_504, %get3A_505] {strides = array<i32>} : memref<2x16x8x64xf32, #tpu.memory_space<vmem>>, vector<1x1x1x16xf32>,
        %get3A_507 = vector.shape_cast %get3A_506 : vector<1x1x1x16xf32> to vector<16xf32>
        %swap3A_508 = arith.constant 0 : i32
        %swap3A_509 = arith.constant 6 : i32
        %swap3A_510 = arith.index_cast %swap3A_508 : i32 to index
        %swap3A_511 = arith.index_cast %scan3A_42 : i32 to index
        %swap3A_512 = arith.index_cast %swap3A_509 : i32 to index
        %swap3A_513 = arith.constant 48 : index
        %swap3A_514 = tpu.vector_load %arg5[%swap3A_510, %swap3A_511, %swap3A_512, %swap3A_513] {strides = array<i32>} : memref<2x16x8x128xf32, #tpu.memory_space<vmem>>, vector<1x1x1x16xf32>,
        %swap3A_515 = vector.shape_cast %swap3A_514 : vector<1x1x1x16xf32> to vector<16xf32>
        %swap3A_516 = vector.shape_cast %get3A_507 : vector<16xf32> to vector<1x1x1x16xf32>
        tpu.vector_store %arg5[%swap3A_510, %swap3A_511, %swap3A_512, %swap3A_513], %swap3A_516 {strides = array<i32>} : memref<2x16x8x128xf32, #tpu.memory_space<vmem>>, vector<1x1x1x16xf32>,
        %get3A_517 = arith.constant 0 : i32
        %get3A_518 = arith.constant 7 : i32
        %get3A_519 = arith.index_cast %get3A_517 : i32 to index
        %get3A_520 = arith.index_cast %scan3A_42 : i32 to index
        %get3A_521 = arith.index_cast %get3A_518 : i32 to index
        %get3A_522 = arith.constant 0 : index
        %get3A_523 = tpu.vector_load %arg4[%get3A_519, %get3A_520, %get3A_521, %get3A_522] {strides = array<i32>} : memref<2x16x8x64xf32, #tpu.memory_space<vmem>>, vector<1x1x1x16xf32>,
        %get3A_524 = vector.shape_cast %get3A_523 : vector<1x1x1x16xf32> to vector<16xf32>
        %swap3A_525 = arith.constant 0 : i32
        %swap3A_526 = arith.constant 7 : i32
        %swap3A_527 = arith.index_cast %swap3A_525 : i32 to index
        %swap3A_528 = arith.index_cast %scan3A_42 : i32 to index
        %swap3A_529 = arith.index_cast %swap3A_526 : i32 to index
        %swap3A_530 = arith.constant 0 : index
        %swap3A_531 = tpu.vector_load %arg5[%swap3A_527, %swap3A_528, %swap3A_529, %swap3A_530] {strides = array<i32>} : memref<2x16x8x128xf32, #tpu.memory_space<vmem>>, vector<1x1x1x16xf32>,
        %swap3A_532 = vector.shape_cast %swap3A_531 : vector<1x1x1x16xf32> to vector<16xf32>
        %swap3A_533 = vector.shape_cast %get3A_524 : vector<16xf32> to vector<1x1x1x16xf32>
        tpu.vector_store %arg5[%swap3A_527, %swap3A_528, %swap3A_529, %swap3A_530], %swap3A_533 {strides = array<i32>} : memref<2x16x8x128xf32, #tpu.memory_space<vmem>>, vector<1x1x1x16xf32>,
        %get3A_534 = arith.constant 0 : i32
        %get3A_535 = arith.constant 7 : i32
        %get3A_536 = arith.index_cast %get3A_534 : i32 to index
        %get3A_537 = arith.index_cast %scan3A_42 : i32 to index
        %get3A_538 = arith.index_cast %get3A_535 : i32 to index
        %get3A_539 = arith.constant 16 : index
        %get3A_540 = tpu.vector_load %arg4[%get3A_536, %get3A_537, %get3A_538, %get3A_539] {strides = array<i32>} : memref<2x16x8x64xf32, #tpu.memory_space<vmem>>, vector<1x1x1x16xf32>,
        %get3A_541 = vector.shape_cast %get3A_540 : vector<1x1x1x16xf32> to vector<16xf32>
        %swap3A_542 = arith.constant 0 : i32
        %swap3A_543 = arith.constant 7 : i32
        %swap3A_544 = arith.index_cast %swap3A_542 : i32 to index
        %swap3A_545 = arith.index_cast %scan3A_42 : i32 to index
        %swap3A_546 = arith.index_cast %swap3A_543 : i32 to index
        %swap3A_547 = arith.constant 16 : index
        %swap3A_548 = tpu.vector_load %arg5[%swap3A_544, %swap3A_545, %swap3A_546, %swap3A_547] {strides = array<i32>} : memref<2x16x8x128xf32, #tpu.memory_space<vmem>>, vector<1x1x1x16xf32>,
        %swap3A_549 = vector.shape_cast %swap3A_548 : vector<1x1x1x16xf32> to vector<16xf32>
        %swap3A_550 = vector.shape_cast %get3A_541 : vector<16xf32> to vector<1x1x1x16xf32>
        tpu.vector_store %arg5[%swap3A_544, %swap3A_545, %swap3A_546, %swap3A_547], %swap3A_550 {strides = array<i32>} : memref<2x16x8x128xf32, #tpu.memory_space<vmem>>, vector<1x1x1x16xf32>,
        %get3A_551 = arith.constant 0 : i32
        %get3A_552 = arith.constant 7 : i32
        %get3A_553 = arith.index_cast %get3A_551 : i32 to index
        %get3A_554 = arith.index_cast %scan3A_42 : i32 to index
        %get3A_555 = arith.index_cast %get3A_552 : i32 to index
        %get3A_556 = arith.constant 32 : index
        %get3A_557 = tpu.vector_load %arg4[%get3A_553, %get3A_554, %get3A_555, %get3A_556] {strides = array<i32>} : memref<2x16x8x64xf32, #tpu.memory_space<vmem>>, vector<1x1x1x16xf32>,
        %get3A_558 = vector.shape_cast %get3A_557 : vector<1x1x1x16xf32> to vector<16xf32>
        %swap3A_559 = arith.constant 0 : i32
        %swap3A_560 = arith.constant 7 : i32
        %swap3A_561 = arith.index_cast %swap3A_559 : i32 to index
        %swap3A_562 = arith.index_cast %scan3A_42 : i32 to index
        %swap3A_563 = arith.index_cast %swap3A_560 : i32 to index
        %swap3A_564 = arith.constant 32 : index
        %swap3A_565 = tpu.vector_load %arg5[%swap3A_561, %swap3A_562, %swap3A_563, %swap3A_564] {strides = array<i32>} : memref<2x16x8x128xf32, #tpu.memory_space<vmem>>, vector<1x1x1x16xf32>,
        %swap3A_566 = vector.shape_cast %swap3A_565 : vector<1x1x1x16xf32> to vector<16xf32>
        %swap3A_567 = vector.shape_cast %get3A_558 : vector<16xf32> to vector<1x1x1x16xf32>
        tpu.vector_store %arg5[%swap3A_561, %swap3A_562, %swap3A_563, %swap3A_564], %swap3A_567 {strides = array<i32>} : memref<2x16x8x128xf32, #tpu.memory_space<vmem>>, vector<1x1x1x16xf32>,
        %get3A_568 = arith.constant 0 : i32
        %get3A_569 = arith.constant 7 : i32
        %get3A_570 = arith.index_cast %get3A_568 : i32 to index
        %get3A_571 = arith.index_cast %scan3A_42 : i32 to index
        %get3A_572 = arith.index_cast %get3A_569 : i32 to index
        %get3A_573 = arith.constant 48 : index
        %get3A_574 = tpu.vector_load %arg4[%get3A_570, %get3A_571, %get3A_572, %get3A_573] {strides = array<i32>} : memref<2x16x8x64xf32, #tpu.memory_space<vmem>>, vector<1x1x1x16xf32>,
        %get3A_575 = vector.shape_cast %get3A_574 : vector<1x1x1x16xf32> to vector<16xf32>
        %swap3A_576 = arith.constant 0 : i32
        %swap3A_577 = arith.constant 7 : i32
        %swap3A_578 = arith.index_cast %swap3A_576 : i32 to index
        %swap3A_579 = arith.index_cast %scan3A_42 : i32 to index
        %swap3A_580 = arith.index_cast %swap3A_577 : i32 to index
        %swap3A_581 = arith.constant 48 : index
        %swap3A_582 = tpu.vector_load %arg5[%swap3A_578, %swap3A_579, %swap3A_580, %swap3A_581] {strides = array<i32>} : memref<2x16x8x128xf32, #tpu.memory_space<vmem>>, vector<1x1x1x16xf32>,
        %swap3A_583 = vector.shape_cast %swap3A_582 : vector<1x1x1x16xf32> to vector<16xf32>
        %swap3A_584 = vector.shape_cast %get3A_575 : vector<16xf32> to vector<1x1x1x16xf32>
        tpu.vector_store %arg5[%swap3A_578, %swap3A_579, %swap3A_580, %swap3A_581], %swap3A_584 {strides = array<i32>} : memref<2x16x8x128xf32, #tpu.memory_space<vmem>>, vector<1x1x1x16xf32>,
      }
      %scan3A_40 = arith.constant 8 : i32
      %run_scoped3A_41 = arith.constant 0 : i32
      "tpu.region"() ({
        %run_scoped3A_42 = tpu.sem_alloc : memref<!tpu.dma_semaphore, #tpu.memory_space<semaphore_mem>>
        %dma_start3A = arith.constant 0 : i32
        %dma_start3A_43 = arith.constant 0 : i32
        %dma_start3A_44 = arith.constant 0 : i32
        %dma_start3A_45 = tpu.memref_slice %arg5[%run_scoped3A_41, %dma_start3A, %dma_start3A_43, %dma_start3A_44] : memref<2x16x8x128xf32, #tpu.memory_space<vmem>> -> memref<1x8x8x128xf32, #tpu.memory_space<vmem>>
        %dma_start3A_46 = tpu.memref_squeeze %dma_start3A_45 : memref<1x8x8x128xf32, #tpu.memory_space<vmem>> -> memref<8x8x128xf32, #tpu.memory_space<vmem>>
        %dma_start3A_47 = arith.constant 124992 : i32
        %dma_start3A_48 = arith.constant 0 : i32
        %dma_start3A_49 = arith.constant 0 : i32
        %dma_start3A_50 = tpu.memref_slice %arg3[%dma_start3A_47, %dma_start3A_48, %dma_start3A_49] : memref<125000x8x128xf32, #tpu.memory_space<hbm>> -> memref<8x8x128xf32, #tpu.memory_space<hbm>>
        %dma_start3A_51 = arith.constant 124992 : i32
        %dma_start3A_52 = arith.constant 0 : i32
        %dma_start3A_53 = arith.constant 0 : i32
        %dma_start3A_54 = tpu.memref_slice %arg3[%dma_start3A_51, %dma_start3A_52, %dma_start3A_53] : memref<125000x8x128xf32, #tpu.memory_space<hbm>> -> memref<8x8x128xf32, #tpu.memory_space<hbm>>
        %dma_start3A_55 = arith.constant 0 : i32
        %dma_start3A_56 = arith.constant 0 : i32
        %dma_start3A_57 = arith.constant 0 : i32
        %dma_start3A_58 = tpu.memref_slice %arg5[%run_scoped3A_41, %dma_start3A_55, %dma_start3A_56, %dma_start3A_57] : memref<2x16x8x128xf32, #tpu.memory_space<vmem>> -> memref<1x8x8x128xf32, #tpu.memory_space<vmem>>
        %dma_start3A_59 = tpu.memref_squeeze %dma_start3A_58 : memref<1x8x8x128xf32, #tpu.memory_space<vmem>> -> memref<8x8x128xf32, #tpu.memory_space<vmem>>
        tpu.enqueue_dma source(%dma_start3A_59 : memref<8x8x128xf32, #tpu.memory_space<vmem>>) target(%dma_start3A_54 : memref<8x8x128xf32, #tpu.memory_space<hbm>>) target_semaphore(%run_scoped3A_42 : memref<!tpu.dma_semaphore, #tpu.memory_space<semaphore_mem>>)
        %dma_wait3A = arith.constant 0 : i32
        %dma_wait3A_60 = arith.constant 0 : i32
        %dma_wait3A_61 = arith.constant 0 : i32
        %dma_wait3A_62 = tpu.memref_slice %arg5[%run_scoped3A_41, %dma_wait3A, %dma_wait3A_60, %dma_wait3A_61] : memref<2x16x8x128xf32, #tpu.memory_space<vmem>> -> memref<1x8x8x128xf32, #tpu.memory_space<vmem>>
        %dma_wait3A_63 = tpu.memref_squeeze %dma_wait3A_62 : memref<1x8x8x128xf32, #tpu.memory_space<vmem>> -> memref<8x8x128xf32, #tpu.memory_space<vmem>>
        %dma_wait3A_64 = arith.constant 124992 : i32
        %dma_wait3A_65 = arith.constant 0 : i32
        %dma_wait3A_66 = arith.constant 0 : i32
        %dma_wait3A_67 = tpu.memref_slice %arg3[%dma_wait3A_64, %dma_wait3A_65, %dma_wait3A_66] : memref<125000x8x128xf32, #tpu.memory_space<hbm>> -> memref<8x8x128xf32, #tpu.memory_space<hbm>>
        %dma_wait3A_68 = arith.constant 124992 : i32
        %dma_wait3A_69 = arith.constant 0 : i32
        %dma_wait3A_70 = arith.constant 0 : i32
        %dma_wait3A_71 = tpu.memref_slice %arg3[%dma_wait3A_68, %dma_wait3A_69, %dma_wait3A_70] : memref<125000x8x128xf32, #tpu.memory_space<hbm>> -> memref<8x8x128xf32, #tpu.memory_space<hbm>>
        %dma_wait3A_72 = arith.constant 0 : i32
        %dma_wait3A_73 = arith.constant 0 : i32
        %dma_wait3A_74 = arith.constant 0 : i32
        %dma_wait3A_75 = tpu.memref_slice %arg5[%run_scoped3A_41, %dma_wait3A_72, %dma_wait3A_73, %dma_wait3A_74] : memref<2x16x8x128xf32, #tpu.memory_space<vmem>> -> memref<1x8x8x128xf32, #tpu.memory_space<vmem>>
        %dma_wait3A_76 = tpu.memref_squeeze %dma_wait3A_75 : memref<1x8x8x128xf32, #tpu.memory_space<vmem>> -> memref<8x8x128xf32, #tpu.memory_space<vmem>>
        tpu.wait_dma2 semaphore(%run_scoped3A_42 : memref<!tpu.dma_semaphore, #tpu.memory_space<semaphore_mem>>) src(%dma_wait3A_76 : memref<8x8x128xf32, #tpu.memory_space<vmem>>) dst(%dma_wait3A_71 : memref<8x8x128xf32, #tpu.memory_space<hbm>>)
        tpu.yield
      }) : () -> ()
    } else {
    }
    return
  }
}

#map = affine_map<(d0, d1) -> (0, 0, 0)>
#map1 = affine_map<(d0, d1) -> (0, 0)>
module attributes {stable_mosaic.version = 14 : i64} {
  func.func @_emb_kernel(%arg0: i32, %arg1: i32, %arg2: memref<32x200x128xi32, #tpu.memory_space<hbm>>, %arg3: memref<2000000x64xf32, #tpu.memory_space<hbm>>, %arg4: memref<819200x128xf32, #tpu.memory_space<hbm>>, %arg5: memref<200x128xi32, #tpu.memory_space<vmem>>, %arg6: memref<8x128x64xf32, #tpu.memory_space<vmem>>, %arg7: memref<8x!tpu.dma_semaphore, #tpu.memory_space<semaphore_mem>>, %arg8: memref<8x!tpu.dma_semaphore, #tpu.memory_space<semaphore_mem>>) attributes {dimension_semantics = [#tpu.dimension_semantics<core_parallel>, #tpu.dimension_semantics<subcore_parallel>], iteration_bounds = array<i64: 2, 16>, scalar_prefetch = 0 : i64, scratch_operands = 4 : i64, tpu.core_type = #tpu.core_type<sc_vector_subcore>, window_params = [{transform_indices = #map}, {transform_indices = #map1}, {transform_indices = #map1}]} {
    %mul3A = arith.constant 2 : i32
    %mul3A_0 = arith.muli %arg1, %mul3A : i32
    %add3A = arith.addi %mul3A_0, %arg0 : i32
    %mul3A_1 = arith.constant 25600 : i32
    %mul3A_2 = arith.muli %add3A, %mul3A_1 : i32
    "tpu.region"() ({
      %run_scoped3A = tpu.sem_alloc : memref<!tpu.dma_semaphore, #tpu.memory_space<semaphore_mem>>
      %dma_start3A_534 = arith.constant 0 : i32
      %dma_start3A_535 = arith.constant 0 : i32
      %dma_start3A_536 = tpu.memref_slice %arg2[%add3A, %dma_start3A_534, %dma_start3A_535] : memref<32x200x128xi32, #tpu.memory_space<hbm>> -> memref<1x200x128xi32, #tpu.memory_space<hbm>>
      %dma_start3A_537 = tpu.memref_squeeze %dma_start3A_536 : memref<1x200x128xi32, #tpu.memory_space<hbm>> -> memref<200x128xi32, #tpu.memory_space<hbm>>
      %dma_start3A_538 = arith.constant 0 : i32
      %dma_start3A_539 = arith.constant 0 : i32
      %dma_start3A_540 = tpu.memref_slice %arg2[%add3A, %dma_start3A_538, %dma_start3A_539] : memref<32x200x128xi32, #tpu.memory_space<hbm>> -> memref<1x200x128xi32, #tpu.memory_space<hbm>>
      %dma_start3A_541 = tpu.memref_squeeze %dma_start3A_540 : memref<1x200x128xi32, #tpu.memory_space<hbm>> -> memref<200x128xi32, #tpu.memory_space<hbm>>
      tpu.enqueue_dma source(%dma_start3A_541 : memref<200x128xi32, #tpu.memory_space<hbm>>) target(%arg5 : memref<200x128xi32, #tpu.memory_space<vmem>>) target_semaphore(%run_scoped3A : memref<!tpu.dma_semaphore, #tpu.memory_space<semaphore_mem>>)
      %dma_wait3A_542 = arith.constant 0 : i32
      %dma_wait3A_543 = arith.constant 0 : i32
      %dma_wait3A_544 = tpu.memref_slice %arg2[%add3A, %dma_wait3A_542, %dma_wait3A_543] : memref<32x200x128xi32, #tpu.memory_space<hbm>> -> memref<1x200x128xi32, #tpu.memory_space<hbm>>
      %dma_wait3A_545 = tpu.memref_squeeze %dma_wait3A_544 : memref<1x200x128xi32, #tpu.memory_space<hbm>> -> memref<200x128xi32, #tpu.memory_space<hbm>>
      %dma_wait3A_546 = arith.constant 0 : i32
      %dma_wait3A_547 = arith.constant 0 : i32
      %dma_wait3A_548 = tpu.memref_slice %arg2[%add3A, %dma_wait3A_546, %dma_wait3A_547] : memref<32x200x128xi32, #tpu.memory_space<hbm>> -> memref<1x200x128xi32, #tpu.memory_space<hbm>>
      %dma_wait3A_549 = tpu.memref_squeeze %dma_wait3A_548 : memref<1x200x128xi32, #tpu.memory_space<hbm>> -> memref<200x128xi32, #tpu.memory_space<hbm>>
      tpu.wait_dma2 semaphore(%run_scoped3A : memref<!tpu.dma_semaphore, #tpu.memory_space<semaphore_mem>>) src(%dma_wait3A_549 : memref<200x128xi32, #tpu.memory_space<hbm>>) dst(%arg5 : memref<200x128xi32, #tpu.memory_space<vmem>>)
      tpu.yield
    }) : () -> ()
    %dma_start3A = arith.constant 0 : i32
    %dma_start3A_3 = arith.constant 0 : i32
    %dma_start3A_4 = arith.constant 0 : i32
    %dma_start3A_5 = arith.constant 0 : i32
    %dma_start3A_6 = arith.constant 0 : i32
    %dma_start3A_7 = tpu.memref_slice %arg6[%dma_start3A_3, %dma_start3A_5, %dma_start3A_6] : memref<8x128x64xf32, #tpu.memory_space<vmem>> -> memref<1x128x64xf32, #tpu.memory_space<vmem>>
    %dma_start3A_8 = tpu.memref_squeeze %dma_start3A_7 : memref<1x128x64xf32, #tpu.memory_space<vmem>> -> memref<128x64xf32, #tpu.memory_space<vmem>>
    %dma_start3A_9 = arith.constant 0 : i32
    %dma_start3A_10 = tpu.memref_slice %arg5[%dma_start3A, %dma_start3A_9] : memref<200x128xi32, #tpu.memory_space<vmem>> -> memref<1x128xi32, #tpu.memory_space<vmem>>
    %dma_start3A_11 = tpu.memref_squeeze %dma_start3A_10 : memref<1x128xi32, #tpu.memory_space<vmem>> -> memref<128xi32, #tpu.memory_space<vmem>>
    %dma_start3A_12 = arith.constant 0 : i32
    %dma_start3A_13 = arith.constant 0 : i32
    %dma_start3A_14 = tpu.memref_slice %arg3[%dma_start3A_12, %dma_start3A_13] : memref<2000000x64xf32, #tpu.memory_space<hbm>> -> memref<2000000x64xf32, #tpu.memory_space<hbm>>
    %dma_start3A_15 = tpu.memref_slice %arg7[%dma_start3A_4] : memref<8x!tpu.dma_semaphore, #tpu.memory_space<semaphore_mem>> -> memref<1x!tpu.dma_semaphore, #tpu.memory_space<semaphore_mem>>
    %dma_start3A_16 = tpu.memref_squeeze %dma_start3A_15 : memref<1x!tpu.dma_semaphore, #tpu.memory_space<semaphore_mem>> -> memref<!tpu.dma_semaphore, #tpu.memory_space<semaphore_mem>>
    tpu.enqueue_indirect_dma source(%dma_start3A_14 : memref<2000000x64xf32, #tpu.memory_space<hbm>>) target(%dma_start3A_8 : memref<128x64xf32, #tpu.memory_space<vmem>>) offsets(%dma_start3A_11 : memref<128xi32, #tpu.memory_space<vmem>>) semaphore(%dma_start3A_16 : memref<!tpu.dma_semaphore, #tpu.memory_space<semaphore_mem>>)
    %dma_start3A_17 = arith.constant 1 : i32
    %dma_start3A_18 = arith.constant 1 : i32
    %dma_start3A_19 = arith.constant 1 : i32
    %dma_start3A_20 = arith.constant 0 : i32
    %dma_start3A_21 = arith.constant 0 : i32
    %dma_start3A_22 = tpu.memref_slice %arg6[%dma_start3A_18, %dma_start3A_20, %dma_start3A_21] : memref<8x128x64xf32, #tpu.memory_space<vmem>> -> memref<1x128x64xf32, #tpu.memory_space<vmem>>
    %dma_start3A_23 = tpu.memref_squeeze %dma_start3A_22 : memref<1x128x64xf32, #tpu.memory_space<vmem>> -> memref<128x64xf32, #tpu.memory_space<vmem>>
    %dma_start3A_24 = arith.constant 0 : i32
    %dma_start3A_25 = tpu.memref_slice %arg5[%dma_start3A_17, %dma_start3A_24] : memref<200x128xi32, #tpu.memory_space<vmem>> -> memref<1x128xi32, #tpu.memory_space<vmem>>
    %dma_start3A_26 = tpu.memref_squeeze %dma_start3A_25 : memref<1x128xi32, #tpu.memory_space<vmem>> -> memref<128xi32, #tpu.memory_space<vmem>>
    %dma_start3A_27 = arith.constant 0 : i32
    %dma_start3A_28 = arith.constant 0 : i32
    %dma_start3A_29 = tpu.memref_slice %arg3[%dma_start3A_27, %dma_start3A_28] : memref<2000000x64xf32, #tpu.memory_space<hbm>> -> memref<2000000x64xf32, #tpu.memory_space<hbm>>
    %dma_start3A_30 = tpu.memref_slice %arg7[%dma_start3A_19] : memref<8x!tpu.dma_semaphore, #tpu.memory_space<semaphore_mem>> -> memref<1x!tpu.dma_semaphore, #tpu.memory_space<semaphore_mem>>
    %dma_start3A_31 = tpu.memref_squeeze %dma_start3A_30 : memref<1x!tpu.dma_semaphore, #tpu.memory_space<semaphore_mem>> -> memref<!tpu.dma_semaphore, #tpu.memory_space<semaphore_mem>>
    tpu.enqueue_indirect_dma source(%dma_start3A_29 : memref<2000000x64xf32, #tpu.memory_space<hbm>>) target(%dma_start3A_23 : memref<128x64xf32, #tpu.memory_space<vmem>>) offsets(%dma_start3A_26 : memref<128xi32, #tpu.memory_space<vmem>>) semaphore(%dma_start3A_31 : memref<!tpu.dma_semaphore, #tpu.memory_space<semaphore_mem>>)
    %dma_start3A_32 = arith.constant 2 : i32
    %dma_start3A_33 = arith.constant 2 : i32
    %dma_start3A_34 = arith.constant 2 : i32
    %dma_start3A_35 = arith.constant 0 : i32
    %dma_start3A_36 = arith.constant 0 : i32
    %dma_start3A_37 = tpu.memref_slice %arg6[%dma_start3A_33, %dma_start3A_35, %dma_start3A_36] : memref<8x128x64xf32, #tpu.memory_space<vmem>> -> memref<1x128x64xf32, #tpu.memory_space<vmem>>
    %dma_start3A_38 = tpu.memref_squeeze %dma_start3A_37 : memref<1x128x64xf32, #tpu.memory_space<vmem>> -> memref<128x64xf32, #tpu.memory_space<vmem>>
    %dma_start3A_39 = arith.constant 0 : i32
    %dma_start3A_40 = tpu.memref_slice %arg5[%dma_start3A_32, %dma_start3A_39] : memref<200x128xi32, #tpu.memory_space<vmem>> -> memref<1x128xi32, #tpu.memory_space<vmem>>
    %dma_start3A_41 = tpu.memref_squeeze %dma_start3A_40 : memref<1x128xi32, #tpu.memory_space<vmem>> -> memref<128xi32, #tpu.memory_space<vmem>>
    %dma_start3A_42 = arith.constant 0 : i32
    %dma_start3A_43 = arith.constant 0 : i32
    %dma_start3A_44 = tpu.memref_slice %arg3[%dma_start3A_42, %dma_start3A_43] : memref<2000000x64xf32, #tpu.memory_space<hbm>> -> memref<2000000x64xf32, #tpu.memory_space<hbm>>
    %dma_start3A_45 = tpu.memref_slice %arg7[%dma_start3A_34] : memref<8x!tpu.dma_semaphore, #tpu.memory_space<semaphore_mem>> -> memref<1x!tpu.dma_semaphore, #tpu.memory_space<semaphore_mem>>
    %dma_start3A_46 = tpu.memref_squeeze %dma_start3A_45 : memref<1x!tpu.dma_semaphore, #tpu.memory_space<semaphore_mem>> -> memref<!tpu.dma_semaphore, #tpu.memory_space<semaphore_mem>>
    tpu.enqueue_indirect_dma source(%dma_start3A_44 : memref<2000000x64xf32, #tpu.memory_space<hbm>>) target(%dma_start3A_38 : memref<128x64xf32, #tpu.memory_space<vmem>>) offsets(%dma_start3A_41 : memref<128xi32, #tpu.memory_space<vmem>>) semaphore(%dma_start3A_46 : memref<!tpu.dma_semaphore, #tpu.memory_space<semaphore_mem>>)
    %dma_start3A_47 = arith.constant 3 : i32
    %dma_start3A_48 = arith.constant 3 : i32
    %dma_start3A_49 = arith.constant 3 : i32
    %dma_start3A_50 = arith.constant 0 : i32
    %dma_start3A_51 = arith.constant 0 : i32
    %dma_start3A_52 = tpu.memref_slice %arg6[%dma_start3A_48, %dma_start3A_50, %dma_start3A_51] : memref<8x128x64xf32, #tpu.memory_space<vmem>> -> memref<1x128x64xf32, #tpu.memory_space<vmem>>
    %dma_start3A_53 = tpu.memref_squeeze %dma_start3A_52 : memref<1x128x64xf32, #tpu.memory_space<vmem>> -> memref<128x64xf32, #tpu.memory_space<vmem>>
    %dma_start3A_54 = arith.constant 0 : i32
    %dma_start3A_55 = tpu.memref_slice %arg5[%dma_start3A_47, %dma_start3A_54] : memref<200x128xi32, #tpu.memory_space<vmem>> -> memref<1x128xi32, #tpu.memory_space<vmem>>
    %dma_start3A_56 = tpu.memref_squeeze %dma_start3A_55 : memref<1x128xi32, #tpu.memory_space<vmem>> -> memref<128xi32, #tpu.memory_space<vmem>>
    %dma_start3A_57 = arith.constant 0 : i32
    %dma_start3A_58 = arith.constant 0 : i32
    %dma_start3A_59 = tpu.memref_slice %arg3[%dma_start3A_57, %dma_start3A_58] : memref<2000000x64xf32, #tpu.memory_space<hbm>> -> memref<2000000x64xf32, #tpu.memory_space<hbm>>
    %dma_start3A_60 = tpu.memref_slice %arg7[%dma_start3A_49] : memref<8x!tpu.dma_semaphore, #tpu.memory_space<semaphore_mem>> -> memref<1x!tpu.dma_semaphore, #tpu.memory_space<semaphore_mem>>
    %dma_start3A_61 = tpu.memref_squeeze %dma_start3A_60 : memref<1x!tpu.dma_semaphore, #tpu.memory_space<semaphore_mem>> -> memref<!tpu.dma_semaphore, #tpu.memory_space<semaphore_mem>>
    tpu.enqueue_indirect_dma source(%dma_start3A_59 : memref<2000000x64xf32, #tpu.memory_space<hbm>>) target(%dma_start3A_53 : memref<128x64xf32, #tpu.memory_space<vmem>>) offsets(%dma_start3A_56 : memref<128xi32, #tpu.memory_space<vmem>>) semaphore(%dma_start3A_61 : memref<!tpu.dma_semaphore, #tpu.memory_space<semaphore_mem>>)
    %dma_start3A_62 = arith.constant 4 : i32
    %dma_start3A_63 = arith.constant 4 : i32
    %dma_start3A_64 = arith.constant 4 : i32
    %dma_start3A_65 = arith.constant 0 : i32
    %dma_start3A_66 = arith.constant 0 : i32
    %dma_start3A_67 = tpu.memref_slice %arg6[%dma_start3A_63, %dma_start3A_65, %dma_start3A_66] : memref<8x128x64xf32, #tpu.memory_space<vmem>> -> memref<1x128x64xf32, #tpu.memory_space<vmem>>
    %dma_start3A_68 = tpu.memref_squeeze %dma_start3A_67 : memref<1x128x64xf32, #tpu.memory_space<vmem>> -> memref<128x64xf32, #tpu.memory_space<vmem>>
    %dma_start3A_69 = arith.constant 0 : i32
    %dma_start3A_70 = tpu.memref_slice %arg5[%dma_start3A_62, %dma_start3A_69] : memref<200x128xi32, #tpu.memory_space<vmem>> -> memref<1x128xi32, #tpu.memory_space<vmem>>
    %dma_start3A_71 = tpu.memref_squeeze %dma_start3A_70 : memref<1x128xi32, #tpu.memory_space<vmem>> -> memref<128xi32, #tpu.memory_space<vmem>>
    %dma_start3A_72 = arith.constant 0 : i32
    %dma_start3A_73 = arith.constant 0 : i32
    %dma_start3A_74 = tpu.memref_slice %arg3[%dma_start3A_72, %dma_start3A_73] : memref<2000000x64xf32, #tpu.memory_space<hbm>> -> memref<2000000x64xf32, #tpu.memory_space<hbm>>
    %dma_start3A_75 = tpu.memref_slice %arg7[%dma_start3A_64] : memref<8x!tpu.dma_semaphore, #tpu.memory_space<semaphore_mem>> -> memref<1x!tpu.dma_semaphore, #tpu.memory_space<semaphore_mem>>
    %dma_start3A_76 = tpu.memref_squeeze %dma_start3A_75 : memref<1x!tpu.dma_semaphore, #tpu.memory_space<semaphore_mem>> -> memref<!tpu.dma_semaphore, #tpu.memory_space<semaphore_mem>>
    tpu.enqueue_indirect_dma source(%dma_start3A_74 : memref<2000000x64xf32, #tpu.memory_space<hbm>>) target(%dma_start3A_68 : memref<128x64xf32, #tpu.memory_space<vmem>>) offsets(%dma_start3A_71 : memref<128xi32, #tpu.memory_space<vmem>>) semaphore(%dma_start3A_76 : memref<!tpu.dma_semaphore, #tpu.memory_space<semaphore_mem>>)
    %dma_start3A_77 = arith.constant 5 : i32
    %dma_start3A_78 = arith.constant 5 : i32
    %dma_start3A_79 = arith.constant 5 : i32
    %dma_start3A_80 = arith.constant 0 : i32
    %dma_start3A_81 = arith.constant 0 : i32
    %dma_start3A_82 = tpu.memref_slice %arg6[%dma_start3A_78, %dma_start3A_80, %dma_start3A_81] : memref<8x128x64xf32, #tpu.memory_space<vmem>> -> memref<1x128x64xf32, #tpu.memory_space<vmem>>
    %dma_start3A_83 = tpu.memref_squeeze %dma_start3A_82 : memref<1x128x64xf32, #tpu.memory_space<vmem>> -> memref<128x64xf32, #tpu.memory_space<vmem>>
    %dma_start3A_84 = arith.constant 0 : i32
    %dma_start3A_85 = tpu.memref_slice %arg5[%dma_start3A_77, %dma_start3A_84] : memref<200x128xi32, #tpu.memory_space<vmem>> -> memref<1x128xi32, #tpu.memory_space<vmem>>
    %dma_start3A_86 = tpu.memref_squeeze %dma_start3A_85 : memref<1x128xi32, #tpu.memory_space<vmem>> -> memref<128xi32, #tpu.memory_space<vmem>>
    %dma_start3A_87 = arith.constant 0 : i32
    %dma_start3A_88 = arith.constant 0 : i32
    %dma_start3A_89 = tpu.memref_slice %arg3[%dma_start3A_87, %dma_start3A_88] : memref<2000000x64xf32, #tpu.memory_space<hbm>> -> memref<2000000x64xf32, #tpu.memory_space<hbm>>
    %dma_start3A_90 = tpu.memref_slice %arg7[%dma_start3A_79] : memref<8x!tpu.dma_semaphore, #tpu.memory_space<semaphore_mem>> -> memref<1x!tpu.dma_semaphore, #tpu.memory_space<semaphore_mem>>
    %dma_start3A_91 = tpu.memref_squeeze %dma_start3A_90 : memref<1x!tpu.dma_semaphore, #tpu.memory_space<semaphore_mem>> -> memref<!tpu.dma_semaphore, #tpu.memory_space<semaphore_mem>>
    tpu.enqueue_indirect_dma source(%dma_start3A_89 : memref<2000000x64xf32, #tpu.memory_space<hbm>>) target(%dma_start3A_83 : memref<128x64xf32, #tpu.memory_space<vmem>>) offsets(%dma_start3A_86 : memref<128xi32, #tpu.memory_space<vmem>>) semaphore(%dma_start3A_91 : memref<!tpu.dma_semaphore, #tpu.memory_space<semaphore_mem>>)
    %dma_wait3A = arith.constant 0 : i32
    %dma_wait3A_92 = arith.constant 0 : i32
    %dma_wait3A_93 = arith.constant 0 : i32
    %dma_wait3A_94 = arith.constant 0 : i32
    %dma_wait3A_95 = arith.constant 0 : i32
    %dma_wait3A_96 = tpu.memref_slice %arg6[%dma_wait3A_92, %dma_wait3A_94, %dma_wait3A_95] : memref<8x128x64xf32, #tpu.memory_space<vmem>> -> memref<1x128x64xf32, #tpu.memory_space<vmem>>
    %dma_wait3A_97 = tpu.memref_squeeze %dma_wait3A_96 : memref<1x128x64xf32, #tpu.memory_space<vmem>> -> memref<128x64xf32, #tpu.memory_space<vmem>>
    %dma_wait3A_98 = arith.constant 0 : i32
    %dma_wait3A_99 = tpu.memref_slice %arg5[%dma_wait3A, %dma_wait3A_98] : memref<200x128xi32, #tpu.memory_space<vmem>> -> memref<1x128xi32, #tpu.memory_space<vmem>>
    %dma_wait3A_100 = tpu.memref_squeeze %dma_wait3A_99 : memref<1x128xi32, #tpu.memory_space<vmem>> -> memref<128xi32, #tpu.memory_space<vmem>>
    %dma_wait3A_101 = arith.constant 0 : i32
    %dma_wait3A_102 = arith.constant 0 : i32
    %dma_wait3A_103 = tpu.memref_slice %arg3[%dma_wait3A_101, %dma_wait3A_102] : memref<2000000x64xf32, #tpu.memory_space<hbm>> -> memref<2000000x64xf32, #tpu.memory_space<hbm>>
    %dma_wait3A_104 = tpu.memref_slice %arg7[%dma_wait3A_93] : memref<8x!tpu.dma_semaphore, #tpu.memory_space<semaphore_mem>> -> memref<1x!tpu.dma_semaphore, #tpu.memory_space<semaphore_mem>>
    %dma_wait3A_105 = tpu.memref_squeeze %dma_wait3A_104 : memref<1x!tpu.dma_semaphore, #tpu.memory_space<semaphore_mem>> -> memref<!tpu.dma_semaphore, #tpu.memory_space<semaphore_mem>>
    tpu.wait_indirect_dma semaphore(%dma_wait3A_105 : memref<!tpu.dma_semaphore, #tpu.memory_space<semaphore_mem>>) src(%dma_wait3A_103 : memref<2000000x64xf32, #tpu.memory_space<hbm>>) dst(%dma_wait3A_97 : memref<128x64xf32, #tpu.memory_space<vmem>>)
    %add3A_106 = arith.constant 0 : i32
    %add3A_107 = arith.addi %mul3A_2, %add3A_106 : i32
    %dma_start3A_108 = arith.constant 0 : i32
    %dma_start3A_109 = arith.constant 0 : i32
    %dma_start3A_110 = arith.constant 0 : i32
    %dma_start3A_111 = arith.constant 0 : i32
    %dma_start3A_112 = tpu.memref_slice %arg6[%dma_start3A_108, %dma_start3A_110, %dma_start3A_111] : memref<8x128x64xf32, #tpu.memory_space<vmem>> -> memref<1x128x64xf32, #tpu.memory_space<vmem>>
    %dma_start3A_113 = tpu.memref_squeeze %dma_start3A_112 : memref<1x128x64xf32, #tpu.memory_space<vmem>> -> memref<128x64xf32, #tpu.memory_space<vmem>>
    %dma_start3A_114 = arith.constant 0 : i32
    %dma_start3A_115 = tpu.memref_slice %arg4[%add3A_107, %dma_start3A_114] : memref<819200x128xf32, #tpu.memory_space<hbm>> -> memref<128x64xf32, #tpu.memory_space<hbm>>
    %dma_start3A_116 = tpu.memref_slice %arg8[%dma_start3A_109] : memref<8x!tpu.dma_semaphore, #tpu.memory_space<semaphore_mem>> -> memref<1x!tpu.dma_semaphore, #tpu.memory_space<semaphore_mem>>
    %dma_start3A_117 = tpu.memref_squeeze %dma_start3A_116 : memref<1x!tpu.dma_semaphore, #tpu.memory_space<semaphore_mem>> -> memref<!tpu.dma_semaphore, #tpu.memory_space<semaphore_mem>>
    %dma_start3A_118 = arith.constant 0 : i32
    %dma_start3A_119 = tpu.memref_slice %arg4[%add3A_107, %dma_start3A_118] : memref<819200x128xf32, #tpu.memory_space<hbm>> -> memref<128x64xf32, #tpu.memory_space<hbm>>
    %dma_start3A_120 = arith.constant 0 : i32
    %dma_start3A_121 = arith.constant 0 : i32
    %dma_start3A_122 = tpu.memref_slice %arg6[%dma_start3A_108, %dma_start3A_120, %dma_start3A_121] : memref<8x128x64xf32, #tpu.memory_space<vmem>> -> memref<1x128x64xf32, #tpu.memory_space<vmem>>
    %dma_start3A_123 = tpu.memref_squeeze %dma_start3A_122 : memref<1x128x64xf32, #tpu.memory_space<vmem>> -> memref<128x64xf32, #tpu.memory_space<vmem>>
    tpu.enqueue_dma source(%dma_start3A_123 : memref<128x64xf32, #tpu.memory_space<vmem>>) target(%dma_start3A_119 : memref<128x64xf32, #tpu.memory_space<hbm>>) target_semaphore(%dma_start3A_117 : memref<!tpu.dma_semaphore, #tpu.memory_space<semaphore_mem>>)
    %dma_start3A_124 = arith.constant 6 : i32
    %dma_start3A_125 = arith.constant 6 : i32
    %dma_start3A_126 = arith.constant 6 : i32
    %dma_start3A_127 = arith.constant 0 : i32
    %dma_start3A_128 = arith.constant 0 : i32
    %dma_start3A_129 = tpu.memref_slice %arg6[%dma_start3A_125, %dma_start3A_127, %dma_start3A_128] : memref<8x128x64xf32, #tpu.memory_space<vmem>> -> memref<1x128x64xf32, #tpu.memory_space<vmem>>
    %dma_start3A_130 = tpu.memref_squeeze %dma_start3A_129 : memref<1x128x64xf32, #tpu.memory_space<vmem>> -> memref<128x64xf32, #tpu.memory_space<vmem>>
    %dma_start3A_131 = arith.constant 0 : i32
    %dma_start3A_132 = tpu.memref_slice %arg5[%dma_start3A_124, %dma_start3A_131] : memref<200x128xi32, #tpu.memory_space<vmem>> -> memref<1x128xi32, #tpu.memory_space<vmem>>
    %dma_start3A_133 = tpu.memref_squeeze %dma_start3A_132 : memref<1x128xi32, #tpu.memory_space<vmem>> -> memref<128xi32, #tpu.memory_space<vmem>>
    %dma_start3A_134 = arith.constant 0 : i32
    %dma_start3A_135 = arith.constant 0 : i32
    %dma_start3A_136 = tpu.memref_slice %arg3[%dma_start3A_134, %dma_start3A_135] : memref<2000000x64xf32, #tpu.memory_space<hbm>> -> memref<2000000x64xf32, #tpu.memory_space<hbm>>
    %dma_start3A_137 = tpu.memref_slice %arg7[%dma_start3A_126] : memref<8x!tpu.dma_semaphore, #tpu.memory_space<semaphore_mem>> -> memref<1x!tpu.dma_semaphore, #tpu.memory_space<semaphore_mem>>
    %dma_start3A_138 = tpu.memref_squeeze %dma_start3A_137 : memref<1x!tpu.dma_semaphore, #tpu.memory_space<semaphore_mem>> -> memref<!tpu.dma_semaphore, #tpu.memory_space<semaphore_mem>>
    tpu.enqueue_indirect_dma source(%dma_start3A_136 : memref<2000000x64xf32, #tpu.memory_space<hbm>>) target(%dma_start3A_130 : memref<128x64xf32, #tpu.memory_space<vmem>>) offsets(%dma_start3A_133 : memref<128xi32, #tpu.memory_space<vmem>>) semaphore(%dma_start3A_138 : memref<!tpu.dma_semaphore, #tpu.memory_space<semaphore_mem>>)
    %dma_wait3A_139 = arith.constant 1 : i32
    %dma_wait3A_140 = arith.constant 1 : i32
    %dma_wait3A_141 = arith.constant 1 : i32
    %dma_wait3A_142 = arith.constant 0 : i32
    %dma_wait3A_143 = arith.constant 0 : i32
    %dma_wait3A_144 = tpu.memref_slice %arg6[%dma_wait3A_140, %dma_wait3A_142, %dma_wait3A_143] : memref<8x128x64xf32, #tpu.memory_space<vmem>> -> memref<1x128x64xf32, #tpu.memory_space<vmem>>
    %dma_wait3A_145 = tpu.memref_squeeze %dma_wait3A_144 : memref<1x128x64xf32, #tpu.memory_space<vmem>> -> memref<128x64xf32, #tpu.memory_space<vmem>>
    %dma_wait3A_146 = arith.constant 0 : i32
    %dma_wait3A_147 = tpu.memref_slice %arg5[%dma_wait3A_139, %dma_wait3A_146] : memref<200x128xi32, #tpu.memory_space<vmem>> -> memref<1x128xi32, #tpu.memory_space<vmem>>
    %dma_wait3A_148 = tpu.memref_squeeze %dma_wait3A_147 : memref<1x128xi32, #tpu.memory_space<vmem>> -> memref<128xi32, #tpu.memory_space<vmem>>
    %dma_wait3A_149 = arith.constant 0 : i32
    %dma_wait3A_150 = arith.constant 0 : i32
    %dma_wait3A_151 = tpu.memref_slice %arg3[%dma_wait3A_149, %dma_wait3A_150] : memref<2000000x64xf32, #tpu.memory_space<hbm>> -> memref<2000000x64xf32, #tpu.memory_space<hbm>>
    %dma_wait3A_152 = tpu.memref_slice %arg7[%dma_wait3A_141] : memref<8x!tpu.dma_semaphore, #tpu.memory_space<semaphore_mem>> -> memref<1x!tpu.dma_semaphore, #tpu.memory_space<semaphore_mem>>
    %dma_wait3A_153 = tpu.memref_squeeze %dma_wait3A_152 : memref<1x!tpu.dma_semaphore, #tpu.memory_space<semaphore_mem>> -> memref<!tpu.dma_semaphore, #tpu.memory_space<semaphore_mem>>
    tpu.wait_indirect_dma semaphore(%dma_wait3A_153 : memref<!tpu.dma_semaphore, #tpu.memory_space<semaphore_mem>>) src(%dma_wait3A_151 : memref<2000000x64xf32, #tpu.memory_space<hbm>>) dst(%dma_wait3A_145 : memref<128x64xf32, #tpu.memory_space<vmem>>)
    %add3A_154 = arith.constant 128 : i32
    %add3A_155 = arith.addi %mul3A_2, %add3A_154 : i32
    %dma_start3A_156 = arith.constant 1 : i32
    %dma_start3A_157 = arith.constant 1 : i32
    %dma_start3A_158 = arith.constant 0 : i32
    %dma_start3A_159 = arith.constant 0 : i32
    %dma_start3A_160 = tpu.memref_slice %arg6[%dma_start3A_156, %dma_start3A_158, %dma_start3A_159] : memref<8x128x64xf32, #tpu.memory_space<vmem>> -> memref<1x128x64xf32, #tpu.memory_space<vmem>>
    %dma_start3A_161 = tpu.memref_squeeze %dma_start3A_160 : memref<1x128x64xf32, #tpu.memory_space<vmem>> -> memref<128x64xf32, #tpu.memory_space<vmem>>
    %dma_start3A_162 = arith.constant 0 : i32
    %dma_start3A_163 = tpu.memref_slice %arg4[%add3A_155, %dma_start3A_162] : memref<819200x128xf32, #tpu.memory_space<hbm>> -> memref<128x64xf32, #tpu.memory_space<hbm>>
    %dma_start3A_164 = tpu.memref_slice %arg8[%dma_start3A_157] : memref<8x!tpu.dma_semaphore, #tpu.memory_space<semaphore_mem>> -> memref<1x!tpu.dma_semaphore, #tpu.memory_space<semaphore_mem>>
    %dma_start3A_165 = tpu.memref_squeeze %dma_start3A_164 : memref<1x!tpu.dma_semaphore, #tpu.memory_space<semaphore_mem>> -> memref<!tpu.dma_semaphore, #tpu.memory_space<semaphore_mem>>
    %dma_start3A_166 = arith.constant 0 : i32
    %dma_start3A_167 = tpu.memref_slice %arg4[%add3A_155, %dma_start3A_166] : memref<819200x128xf32, #tpu.memory_space<hbm>> -> memref<128x64xf32, #tpu.memory_space<hbm>>
    %dma_start3A_168 = arith.constant 0 : i32
    %dma_start3A_169 = arith.constant 0 : i32
    %dma_start3A_170 = tpu.memref_slice %arg6[%dma_start3A_156, %dma_start3A_168, %dma_start3A_169] : memref<8x128x64xf32, #tpu.memory_space<vmem>> -> memref<1x128x64xf32, #tpu.memory_space<vmem>>
    %dma_start3A_171 = tpu.memref_squeeze %dma_start3A_170 : memref<1x128x64xf32, #tpu.memory_space<vmem>> -> memref<128x64xf32, #tpu.memory_space<vmem>>
    tpu.enqueue_dma source(%dma_start3A_171 : memref<128x64xf32, #tpu.memory_space<vmem>>) target(%dma_start3A_167 : memref<128x64xf32, #tpu.memory_space<hbm>>) target_semaphore(%dma_start3A_165 : memref<!tpu.dma_semaphore, #tpu.memory_space<semaphore_mem>>)
    %dma_start3A_172 = arith.constant 7 : i32
    %dma_start3A_173 = arith.constant 7 : i32
    %dma_start3A_174 = arith.constant 7 : i32
    %dma_start3A_175 = arith.constant 0 : i32
    %dma_start3A_176 = arith.constant 0 : i32
    %dma_start3A_177 = tpu.memref_slice %arg6[%dma_start3A_173, %dma_start3A_175, %dma_start3A_176] : memref<8x128x64xf32, #tpu.memory_space<vmem>> -> memref<1x128x64xf32, #tpu.memory_space<vmem>>
    %dma_start3A_178 = tpu.memref_squeeze %dma_start3A_177 : memref<1x128x64xf32, #tpu.memory_space<vmem>> -> memref<128x64xf32, #tpu.memory_space<vmem>>
    %dma_start3A_179 = arith.constant 0 : i32
    %dma_start3A_180 = tpu.memref_slice %arg5[%dma_start3A_172, %dma_start3A_179] : memref<200x128xi32, #tpu.memory_space<vmem>> -> memref<1x128xi32, #tpu.memory_space<vmem>>
    %dma_start3A_181 = tpu.memref_squeeze %dma_start3A_180 : memref<1x128xi32, #tpu.memory_space<vmem>> -> memref<128xi32, #tpu.memory_space<vmem>>
    %dma_start3A_182 = arith.constant 0 : i32
    %dma_start3A_183 = arith.constant 0 : i32
    %dma_start3A_184 = tpu.memref_slice %arg3[%dma_start3A_182, %dma_start3A_183] : memref<2000000x64xf32, #tpu.memory_space<hbm>> -> memref<2000000x64xf32, #tpu.memory_space<hbm>>
    %dma_start3A_185 = tpu.memref_slice %arg7[%dma_start3A_174] : memref<8x!tpu.dma_semaphore, #tpu.memory_space<semaphore_mem>> -> memref<1x!tpu.dma_semaphore, #tpu.memory_space<semaphore_mem>>
    %dma_start3A_186 = tpu.memref_squeeze %dma_start3A_185 : memref<1x!tpu.dma_semaphore, #tpu.memory_space<semaphore_mem>> -> memref<!tpu.dma_semaphore, #tpu.memory_space<semaphore_mem>>
    tpu.enqueue_indirect_dma source(%dma_start3A_184 : memref<2000000x64xf32, #tpu.memory_space<hbm>>) target(%dma_start3A_178 : memref<128x64xf32, #tpu.memory_space<vmem>>) offsets(%dma_start3A_181 : memref<128xi32, #tpu.memory_space<vmem>>) semaphore(%dma_start3A_186 : memref<!tpu.dma_semaphore, #tpu.memory_space<semaphore_mem>>)
    %scan3A = arith.constant 0 : i32
    %scan3A_187 = arith.constant 0 : i32
    %scan3A_188 = arith.constant 24 : i32
    %scan3A_189 = arith.addi %scan3A_187, %scan3A_188 : i32
    %scan3A_190 = arith.constant 1 : i32
    scf.for %scan3A_534 = %scan3A_187 to %scan3A_189 step %scan3A_190  : i32 {
      %mul3A_535 = arith.constant 8 : i32
      %mul3A_536 = arith.muli %scan3A_534, %mul3A_535 : i32
      %add3A_537 = arith.constant 2 : i32
      %add3A_538 = arith.addi %add3A_537, %mul3A_536 : i32
      %add3A_539 = arith.constant 0 : i32
      %add3A_540 = arith.addi %add3A_538, %add3A_539 : i32
      %dma_wait3A_541 = arith.constant 2 : i32
      %dma_wait3A_542 = arith.constant 2 : i32
      %dma_wait3A_543 = arith.constant 0 : i32
      %dma_wait3A_544 = arith.constant 0 : i32
      %dma_wait3A_545 = tpu.memref_slice %arg6[%dma_wait3A_541, %dma_wait3A_543, %dma_wait3A_544] : memref<8x128x64xf32, #tpu.memory_space<vmem>> -> memref<1x128x64xf32, #tpu.memory_space<vmem>>
      %dma_wait3A_546 = tpu.memref_squeeze %dma_wait3A_545 : memref<1x128x64xf32, #tpu.memory_space<vmem>> -> memref<128x64xf32, #tpu.memory_space<vmem>>
      %dma_wait3A_547 = arith.constant 0 : i32
      %dma_wait3A_548 = tpu.memref_slice %arg5[%add3A_540, %dma_wait3A_547] : memref<200x128xi32, #tpu.memory_space<vmem>> -> memref<1x128xi32, #tpu.memory_space<vmem>>
      %dma_wait3A_549 = tpu.memref_squeeze %dma_wait3A_548 : memref<1x128xi32, #tpu.memory_space<vmem>> -> memref<128xi32, #tpu.memory_space<vmem>>
      %dma_wait3A_550 = arith.constant 0 : i32
      %dma_wait3A_551 = arith.constant 0 : i32
      %dma_wait3A_552 = tpu.memref_slice %arg3[%dma_wait3A_550, %dma_wait3A_551] : memref<2000000x64xf32, #tpu.memory_space<hbm>> -> memref<2000000x64xf32, #tpu.memory_space<hbm>>
      %dma_wait3A_553 = tpu.memref_slice %arg7[%dma_wait3A_542] : memref<8x!tpu.dma_semaphore, #tpu.memory_space<semaphore_mem>> -> memref<1x!tpu.dma_semaphore, #tpu.memory_space<semaphore_mem>>
      %dma_wait3A_554 = tpu.memref_squeeze %dma_wait3A_553 : memref<1x!tpu.dma_semaphore, #tpu.memory_space<semaphore_mem>> -> memref<!tpu.dma_semaphore, #tpu.memory_space<semaphore_mem>>
      tpu.wait_indirect_dma semaphore(%dma_wait3A_554 : memref<!tpu.dma_semaphore, #tpu.memory_space<semaphore_mem>>) src(%dma_wait3A_552 : memref<2000000x64xf32, #tpu.memory_space<hbm>>) dst(%dma_wait3A_546 : memref<128x64xf32, #tpu.memory_space<vmem>>)
      %mul3A_555 = arith.constant 128 : i32
      %mul3A_556 = arith.muli %add3A_540, %mul3A_555 : i32
      %add3A_557 = arith.addi %mul3A_2, %mul3A_556 : i32
      %dma_start3A_558 = arith.constant 2 : i32
      %dma_start3A_559 = arith.constant 2 : i32
      %dma_start3A_560 = arith.constant 0 : i32
      %dma_start3A_561 = arith.constant 0 : i32
      %dma_start3A_562 = tpu.memref_slice %arg6[%dma_start3A_558, %dma_start3A_560, %dma_start3A_561] : memref<8x128x64xf32, #tpu.memory_space<vmem>> -> memref<1x128x64xf32, #tpu.memory_space<vmem>>
      %dma_start3A_563 = tpu.memref_squeeze %dma_start3A_562 : memref<1x128x64xf32, #tpu.memory_space<vmem>> -> memref<128x64xf32, #tpu.memory_space<vmem>>
      %dma_start3A_564 = arith.constant 0 : i32
      %dma_start3A_565 = tpu.memref_slice %arg4[%add3A_557, %dma_start3A_564] : memref<819200x128xf32, #tpu.memory_space<hbm>> -> memref<128x64xf32, #tpu.memory_space<hbm>>
      %dma_start3A_566 = tpu.memref_slice %arg8[%dma_start3A_559] : memref<8x!tpu.dma_semaphore, #tpu.memory_space<semaphore_mem>> -> memref<1x!tpu.dma_semaphore, #tpu.memory_space<semaphore_mem>>
      %dma_start3A_567 = tpu.memref_squeeze %dma_start3A_566 : memref<1x!tpu.dma_semaphore, #tpu.memory_space<semaphore_mem>> -> memref<!tpu.dma_semaphore, #tpu.memory_space<semaphore_mem>>
      %dma_start3A_568 = arith.constant 0 : i32
      %dma_start3A_569 = tpu.memref_slice %arg4[%add3A_557, %dma_start3A_568] : memref<819200x128xf32, #tpu.memory_space<hbm>> -> memref<128x64xf32, #tpu.memory_space<hbm>>
      %dma_start3A_570 = arith.constant 0 : i32
      %dma_start3A_571 = arith.constant 0 : i32
      %dma_start3A_572 = tpu.memref_slice %arg6[%dma_start3A_558, %dma_start3A_570, %dma_start3A_571] : memref<8x128x64xf32, #tpu.memory_space<vmem>> -> memref<1x128x64xf32, #tpu.memory_space<vmem>>
      %dma_start3A_573 = tpu.memref_squeeze %dma_start3A_572 : memref<1x128x64xf32, #tpu.memory_space<vmem>> -> memref<128x64xf32, #tpu.memory_space<vmem>>
      tpu.enqueue_dma source(%dma_start3A_573 : memref<128x64xf32, #tpu.memory_space<vmem>>) target(%dma_start3A_569 : memref<128x64xf32, #tpu.memory_space<hbm>>) target_semaphore(%dma_start3A_567 : memref<!tpu.dma_semaphore, #tpu.memory_space<semaphore_mem>>)
      %sub3A = arith.constant 2 : i32
      %sub3A_574 = arith.subi %add3A_540, %sub3A : i32
      %mul3A_575 = arith.constant 128 : i32
      %mul3A_576 = arith.muli %sub3A_574, %mul3A_575 : i32
      %add3A_577 = arith.addi %mul3A_2, %mul3A_576 : i32
      %dma_wait3A_578 = arith.constant 0 : i32
      %dma_wait3A_579 = arith.constant 0 : i32
      %dma_wait3A_580 = arith.constant 0 : i32
      %dma_wait3A_581 = arith.constant 0 : i32
      %dma_wait3A_582 = tpu.memref_slice %arg6[%dma_wait3A_578, %dma_wait3A_580, %dma_wait3A_581] : memref<8x128x64xf32, #tpu.memory_space<vmem>> -> memref<1x128x64xf32, #tpu.memory_space<vmem>>
      %dma_wait3A_583 = tpu.memref_squeeze %dma_wait3A_582 : memref<1x128x64xf32, #tpu.memory_space<vmem>> -> memref<128x64xf32, #tpu.memory_space<vmem>>
      %dma_wait3A_584 = arith.constant 0 : i32
      %dma_wait3A_585 = tpu.memref_slice %arg4[%add3A_577, %dma_wait3A_584] : memref<819200x128xf32, #tpu.memory_space<hbm>> -> memref<128x64xf32, #tpu.memory_space<hbm>>
      %dma_wait3A_586 = tpu.memref_slice %arg8[%dma_wait3A_579] : memref<8x!tpu.dma_semaphore, #tpu.memory_space<semaphore_mem>> -> memref<1x!tpu.dma_semaphore, #tpu.memory_space<semaphore_mem>>
      %dma_wait3A_587 = tpu.memref_squeeze %dma_wait3A_586 : memref<1x!tpu.dma_semaphore, #tpu.memory_space<semaphore_mem>> -> memref<!tpu.dma_semaphore, #tpu.memory_space<semaphore_mem>>
      %dma_wait3A_588 = arith.constant 0 : i32
      %dma_wait3A_589 = tpu.memref_slice %arg4[%add3A_577, %dma_wait3A_588] : memref<819200x128xf32, #tpu.memory_space<hbm>> -> memref<128x64xf32, #tpu.memory_space<hbm>>
      %dma_wait3A_590 = arith.constant 0 : i32
      %dma_wait3A_591 = arith.constant 0 : i32
      %dma_wait3A_592 = tpu.memref_slice %arg6[%dma_wait3A_578, %dma_wait3A_590, %dma_wait3A_591] : memref<8x128x64xf32, #tpu.memory_space<vmem>> -> memref<1x128x64xf32, #tpu.memory_space<vmem>>
      %dma_wait3A_593 = tpu.memref_squeeze %dma_wait3A_592 : memref<1x128x64xf32, #tpu.memory_space<vmem>> -> memref<128x64xf32, #tpu.memory_space<vmem>>
      tpu.wait_dma2 semaphore(%dma_wait3A_587 : memref<!tpu.dma_semaphore, #tpu.memory_space<semaphore_mem>>) src(%dma_wait3A_593 : memref<128x64xf32, #tpu.memory_space<vmem>>) dst(%dma_wait3A_589 : memref<128x64xf32, #tpu.memory_space<hbm>>)
      %add3A_594 = arith.constant 6 : i32
      %add3A_595 = arith.addi %add3A_540, %add3A_594 : i32
      %dma_start3A_596 = arith.constant 0 : i32
      %dma_start3A_597 = arith.constant 0 : i32
      %dma_start3A_598 = arith.constant 0 : i32
      %dma_start3A_599 = arith.constant 0 : i32
      %dma_start3A_600 = tpu.memref_slice %arg6[%dma_start3A_596, %dma_start3A_598, %dma_start3A_599] : memref<8x128x64xf32, #tpu.memory_space<vmem>> -> memref<1x128x64xf32, #tpu.memory_space<vmem>>
      %dma_start3A_601 = tpu.memref_squeeze %dma_start3A_600 : memref<1x128x64xf32, #tpu.memory_space<vmem>> -> memref<128x64xf32, #tpu.memory_space<vmem>>
      %dma_start3A_602 = arith.constant 0 : i32
      %dma_start3A_603 = tpu.memref_slice %arg5[%add3A_595, %dma_start3A_602] : memref<200x128xi32, #tpu.memory_space<vmem>> -> memref<1x128xi32, #tpu.memory_space<vmem>>
      %dma_start3A_604 = tpu.memref_squeeze %dma_start3A_603 : memref<1x128xi32, #tpu.memory_space<vmem>> -> memref<128xi32, #tpu.memory_space<vmem>>
      %dma_start3A_605 = arith.constant 0 : i32
      %dma_start3A_606 = arith.constant 0 : i32
      %dma_start3A_607 = tpu.memref_slice %arg3[%dma_start3A_605, %dma_start3A_606] : memref<2000000x64xf32, #tpu.memory_space<hbm>> -> memref<2000000x64xf32, #tpu.memory_space<hbm>>
      %dma_start3A_608 = tpu.memref_slice %arg7[%dma_start3A_597] : memref<8x!tpu.dma_semaphore, #tpu.memory_space<semaphore_mem>> -> memref<1x!tpu.dma_semaphore, #tpu.memory_space<semaphore_mem>>
      %dma_start3A_609 = tpu.memref_squeeze %dma_start3A_608 : memref<1x!tpu.dma_semaphore, #tpu.memory_space<semaphore_mem>> -> memref<!tpu.dma_semaphore, #tpu.memory_space<semaphore_mem>>
      tpu.enqueue_indirect_dma source(%dma_start3A_607 : memref<2000000x64xf32, #tpu.memory_space<hbm>>) target(%dma_start3A_601 : memref<128x64xf32, #tpu.memory_space<vmem>>) offsets(%dma_start3A_604 : memref<128xi32, #tpu.memory_space<vmem>>) semaphore(%dma_start3A_609 : memref<!tpu.dma_semaphore, #tpu.memory_space<semaphore_mem>>)
      %add3A_610 = arith.constant 1 : i32
      %add3A_611 = arith.addi %add3A_538, %add3A_610 : i32
      %dma_wait3A_612 = arith.constant 3 : i32
      %dma_wait3A_613 = arith.constant 3 : i32
      %dma_wait3A_614 = arith.constant 0 : i32
      %dma_wait3A_615 = arith.constant 0 : i32
      %dma_wait3A_616 = tpu.memref_slice %arg6[%dma_wait3A_612, %dma_wait3A_614, %dma_wait3A_615] : memref<8x128x64xf32, #tpu.memory_space<vmem>> -> memref<1x128x64xf32, #tpu.memory_space<vmem>>
      %dma_wait3A_617 = tpu.memref_squeeze %dma_wait3A_616 : memref<1x128x64xf32, #tpu.memory_space<vmem>> -> memref<128x64xf32, #tpu.memory_space<vmem>>
      %dma_wait3A_618 = arith.constant 0 : i32
      %dma_wait3A_619 = tpu.memref_slice %arg5[%add3A_611, %dma_wait3A_618] : memref<200x128xi32, #tpu.memory_space<vmem>> -> memref<1x128xi32, #tpu.memory_space<vmem>>
      %dma_wait3A_620 = tpu.memref_squeeze %dma_wait3A_619 : memref<1x128xi32, #tpu.memory_space<vmem>> -> memref<128xi32, #tpu.memory_space<vmem>>
      %dma_wait3A_621 = arith.constant 0 : i32
      %dma_wait3A_622 = arith.constant 0 : i32
      %dma_wait3A_623 = tpu.memref_slice %arg3[%dma_wait3A_621, %dma_wait3A_622] : memref<2000000x64xf32, #tpu.memory_space<hbm>> -> memref<2000000x64xf32, #tpu.memory_space<hbm>>
      %dma_wait3A_624 = tpu.memref_slice %arg7[%dma_wait3A_613] : memref<8x!tpu.dma_semaphore, #tpu.memory_space<semaphore_mem>> -> memref<1x!tpu.dma_semaphore, #tpu.memory_space<semaphore_mem>>
      %dma_wait3A_625 = tpu.memref_squeeze %dma_wait3A_624 : memref<1x!tpu.dma_semaphore, #tpu.memory_space<semaphore_mem>> -> memref<!tpu.dma_semaphore, #tpu.memory_space<semaphore_mem>>
      tpu.wait_indirect_dma semaphore(%dma_wait3A_625 : memref<!tpu.dma_semaphore, #tpu.memory_space<semaphore_mem>>) src(%dma_wait3A_623 : memref<2000000x64xf32, #tpu.memory_space<hbm>>) dst(%dma_wait3A_617 : memref<128x64xf32, #tpu.memory_space<vmem>>)
      %mul3A_626 = arith.constant 128 : i32
      %mul3A_627 = arith.muli %add3A_611, %mul3A_626 : i32
      %add3A_628 = arith.addi %mul3A_2, %mul3A_627 : i32
      %dma_start3A_629 = arith.constant 3 : i32
      %dma_start3A_630 = arith.constant 3 : i32
      %dma_start3A_631 = arith.constant 0 : i32
      %dma_start3A_632 = arith.constant 0 : i32
      %dma_start3A_633 = tpu.memref_slice %arg6[%dma_start3A_629, %dma_start3A_631, %dma_start3A_632] : memref<8x128x64xf32, #tpu.memory_space<vmem>> -> memref<1x128x64xf32, #tpu.memory_space<vmem>>
      %dma_start3A_634 = tpu.memref_squeeze %dma_start3A_633 : memref<1x128x64xf32, #tpu.memory_space<vmem>> -> memref<128x64xf32, #tpu.memory_space<vmem>>
      %dma_start3A_635 = arith.constant 0 : i32
      %dma_start3A_636 = tpu.memref_slice %arg4[%add3A_628, %dma_start3A_635] : memref<819200x128xf32, #tpu.memory_space<hbm>> -> memref<128x64xf32, #tpu.memory_space<hbm>>
      %dma_start3A_637 = tpu.memref_slice %arg8[%dma_start3A_630] : memref<8x!tpu.dma_semaphore, #tpu.memory_space<semaphore_mem>> -> memref<1x!tpu.dma_semaphore, #tpu.memory_space<semaphore_mem>>
      %dma_start3A_638 = tpu.memref_squeeze %dma_start3A_637 : memref<1x!tpu.dma_semaphore, #tpu.memory_space<semaphore_mem>> -> memref<!tpu.dma_semaphore, #tpu.memory_space<semaphore_mem>>
      %dma_start3A_639 = arith.constant 0 : i32
      %dma_start3A_640 = tpu.memref_slice %arg4[%add3A_628, %dma_start3A_639] : memref<819200x128xf32, #tpu.memory_space<hbm>> -> memref<128x64xf32, #tpu.memory_space<hbm>>
      %dma_start3A_641 = arith.constant 0 : i32
      %dma_start3A_642 = arith.constant 0 : i32
      %dma_start3A_643 = tpu.memref_slice %arg6[%dma_start3A_629, %dma_start3A_641, %dma_start3A_642] : memref<8x128x64xf32, #tpu.memory_space<vmem>> -> memref<1x128x64xf32, #tpu.memory_space<vmem>>
      %dma_start3A_644 = tpu.memref_squeeze %dma_start3A_643 : memref<1x128x64xf32, #tpu.memory_space<vmem>> -> memref<128x64xf32, #tpu.memory_space<vmem>>
      tpu.enqueue_dma source(%dma_start3A_644 : memref<128x64xf32, #tpu.memory_space<vmem>>) target(%dma_start3A_640 : memref<128x64xf32, #tpu.memory_space<hbm>>) target_semaphore(%dma_start3A_638 : memref<!tpu.dma_semaphore, #tpu.memory_space<semaphore_mem>>)
      %sub3A_645 = arith.constant 2 : i32
      %sub3A_646 = arith.subi %add3A_611, %sub3A_645 : i32
      %mul3A_647 = arith.constant 128 : i32
      %mul3A_648 = arith.muli %sub3A_646, %mul3A_647 : i32
      %add3A_649 = arith.addi %mul3A_2, %mul3A_648 : i32
      %dma_wait3A_650 = arith.constant 1 : i32
      %dma_wait3A_651 = arith.constant 1 : i32
      %dma_wait3A_652 = arith.constant 0 : i32
      %dma_wait3A_653 = arith.constant 0 : i32
      %dma_wait3A_654 = tpu.memref_slice %arg6[%dma_wait3A_650, %dma_wait3A_652, %dma_wait3A_653] : memref<8x128x64xf32, #tpu.memory_space<vmem>> -> memref<1x128x64xf32, #tpu.memory_space<vmem>>
      %dma_wait3A_655 = tpu.memref_squeeze %dma_wait3A_654 : memref<1x128x64xf32, #tpu.memory_space<vmem>> -> memref<128x64xf32, #tpu.memory_space<vmem>>
      %dma_wait3A_656 = arith.constant 0 : i32
      %dma_wait3A_657 = tpu.memref_slice %arg4[%add3A_649, %dma_wait3A_656] : memref<819200x128xf32, #tpu.memory_space<hbm>> -> memref<128x64xf32, #tpu.memory_space<hbm>>
      %dma_wait3A_658 = tpu.memref_slice %arg8[%dma_wait3A_651] : memref<8x!tpu.dma_semaphore, #tpu.memory_space<semaphore_mem>> -> memref<1x!tpu.dma_semaphore, #tpu.memory_space<semaphore_mem>>
      %dma_wait3A_659 = tpu.memref_squeeze %dma_wait3A_658 : memref<1x!tpu.dma_semaphore, #tpu.memory_space<semaphore_mem>> -> memref<!tpu.dma_semaphore, #tpu.memory_space<semaphore_mem>>
      %dma_wait3A_660 = arith.constant 0 : i32
      %dma_wait3A_661 = tpu.memref_slice %arg4[%add3A_649, %dma_wait3A_660] : memref<819200x128xf32, #tpu.memory_space<hbm>> -> memref<128x64xf32, #tpu.memory_space<hbm>>
      %dma_wait3A_662 = arith.constant 0 : i32
      %dma_wait3A_663 = arith.constant 0 : i32
      %dma_wait3A_664 = tpu.memref_slice %arg6[%dma_wait3A_650, %dma_wait3A_662, %dma_wait3A_663] : memref<8x128x64xf32, #tpu.memory_space<vmem>> -> memref<1x128x64xf32, #tpu.memory_space<vmem>>
      %dma_wait3A_665 = tpu.memref_squeeze %dma_wait3A_664 : memref<1x128x64xf32, #tpu.memory_space<vmem>> -> memref<128x64xf32, #tpu.memory_space<vmem>>
      tpu.wait_dma2 semaphore(%dma_wait3A_659 : memref<!tpu.dma_semaphore, #tpu.memory_space<semaphore_mem>>) src(%dma_wait3A_665 : memref<128x64xf32, #tpu.memory_space<vmem>>) dst(%dma_wait3A_661 : memref<128x64xf32, #tpu.memory_space<hbm>>)
      %add3A_666 = arith.constant 6 : i32
      %add3A_667 = arith.addi %add3A_611, %add3A_666 : i32
      %dma_start3A_668 = arith.constant 1 : i32
      %dma_start3A_669 = arith.constant 1 : i32
      %dma_start3A_670 = arith.constant 0 : i32
      %dma_start3A_671 = arith.constant 0 : i32
      %dma_start3A_672 = tpu.memref_slice %arg6[%dma_start3A_668, %dma_start3A_670, %dma_start3A_671] : memref<8x128x64xf32, #tpu.memory_space<vmem>> -> memref<1x128x64xf32, #tpu.memory_space<vmem>>
      %dma_start3A_673 = tpu.memref_squeeze %dma_start3A_672 : memref<1x128x64xf32, #tpu.memory_space<vmem>> -> memref<128x64xf32, #tpu.memory_space<vmem>>
      %dma_start3A_674 = arith.constant 0 : i32
      %dma_start3A_675 = tpu.memref_slice %arg5[%add3A_667, %dma_start3A_674] : memref<200x128xi32, #tpu.memory_space<vmem>> -> memref<1x128xi32, #tpu.memory_space<vmem>>
      %dma_start3A_676 = tpu.memref_squeeze %dma_start3A_675 : memref<1x128xi32, #tpu.memory_space<vmem>> -> memref<128xi32, #tpu.memory_space<vmem>>
      %dma_start3A_677 = arith.constant 0 : i32
      %dma_start3A_678 = arith.constant 0 : i32
      %dma_start3A_679 = tpu.memref_slice %arg3[%dma_start3A_677, %dma_start3A_678] : memref<2000000x64xf32, #tpu.memory_space<hbm>> -> memref<2000000x64xf32, #tpu.memory_space<hbm>>
      %dma_start3A_680 = tpu.memref_slice %arg7[%dma_start3A_669] : memref<8x!tpu.dma_semaphore, #tpu.memory_space<semaphore_mem>> -> memref<1x!tpu.dma_semaphore, #tpu.memory_space<semaphore_mem>>
      %dma_start3A_681 = tpu.memref_squeeze %dma_start3A_680 : memref<1x!tpu.dma_semaphore, #tpu.memory_space<semaphore_mem>> -> memref<!tpu.dma_semaphore, #tpu.memory_space<semaphore_mem>>
      tpu.enqueue_indirect_dma source(%dma_start3A_679 : memref<2000000x64xf32, #tpu.memory_space<hbm>>) target(%dma_start3A_673 : memref<128x64xf32, #tpu.memory_space<vmem>>) offsets(%dma_start3A_676 : memref<128xi32, #tpu.memory_space<vmem>>) semaphore(%dma_start3A_681 : memref<!tpu.dma_semaphore, #tpu.memory_space<semaphore_mem>>)
      %add3A_682 = arith.constant 2 : i32
      %add3A_683 = arith.addi %add3A_538, %add3A_682 : i32
      %dma_wait3A_684 = arith.constant 4 : i32
      %dma_wait3A_685 = arith.constant 4 : i32
      %dma_wait3A_686 = arith.constant 0 : i32
      %dma_wait3A_687 = arith.constant 0 : i32
      %dma_wait3A_688 = tpu.memref_slice %arg6[%dma_wait3A_684, %dma_wait3A_686, %dma_wait3A_687] : memref<8x128x64xf32, #tpu.memory_space<vmem>> -> memref<1x128x64xf32, #tpu.memory_space<vmem>>
      %dma_wait3A_689 = tpu.memref_squeeze %dma_wait3A_688 : memref<1x128x64xf32, #tpu.memory_space<vmem>> -> memref<128x64xf32, #tpu.memory_space<vmem>>
      %dma_wait3A_690 = arith.constant 0 : i32
      %dma_wait3A_691 = tpu.memref_slice %arg5[%add3A_683, %dma_wait3A_690] : memref<200x128xi32, #tpu.memory_space<vmem>> -> memref<1x128xi32, #tpu.memory_space<vmem>>
      %dma_wait3A_692 = tpu.memref_squeeze %dma_wait3A_691 : memref<1x128xi32, #tpu.memory_space<vmem>> -> memref<128xi32, #tpu.memory_space<vmem>>
      %dma_wait3A_693 = arith.constant 0 : i32
      %dma_wait3A_694 = arith.constant 0 : i32
      %dma_wait3A_695 = tpu.memref_slice %arg3[%dma_wait3A_693, %dma_wait3A_694] : memref<2000000x64xf32, #tpu.memory_space<hbm>> -> memref<2000000x64xf32, #tpu.memory_space<hbm>>
      %dma_wait3A_696 = tpu.memref_slice %arg7[%dma_wait3A_685] : memref<8x!tpu.dma_semaphore, #tpu.memory_space<semaphore_mem>> -> memref<1x!tpu.dma_semaphore, #tpu.memory_space<semaphore_mem>>
      %dma_wait3A_697 = tpu.memref_squeeze %dma_wait3A_696 : memref<1x!tpu.dma_semaphore, #tpu.memory_space<semaphore_mem>> -> memref<!tpu.dma_semaphore, #tpu.memory_space<semaphore_mem>>
      tpu.wait_indirect_dma semaphore(%dma_wait3A_697 : memref<!tpu.dma_semaphore, #tpu.memory_space<semaphore_mem>>) src(%dma_wait3A_695 : memref<2000000x64xf32, #tpu.memory_space<hbm>>) dst(%dma_wait3A_689 : memref<128x64xf32, #tpu.memory_space<vmem>>)
      %mul3A_698 = arith.constant 128 : i32
      %mul3A_699 = arith.muli %add3A_683, %mul3A_698 : i32
      %add3A_700 = arith.addi %mul3A_2, %mul3A_699 : i32
      %dma_start3A_701 = arith.constant 4 : i32
      %dma_start3A_702 = arith.constant 4 : i32
      %dma_start3A_703 = arith.constant 0 : i32
      %dma_start3A_704 = arith.constant 0 : i32
      %dma_start3A_705 = tpu.memref_slice %arg6[%dma_start3A_701, %dma_start3A_703, %dma_start3A_704] : memref<8x128x64xf32, #tpu.memory_space<vmem>> -> memref<1x128x64xf32, #tpu.memory_space<vmem>>
      %dma_start3A_706 = tpu.memref_squeeze %dma_start3A_705 : memref<1x128x64xf32, #tpu.memory_space<vmem>> -> memref<128x64xf32, #tpu.memory_space<vmem>>
      %dma_start3A_707 = arith.constant 0 : i32
      %dma_start3A_708 = tpu.memref_slice %arg4[%add3A_700, %dma_start3A_707] : memref<819200x128xf32, #tpu.memory_space<hbm>> -> memref<128x64xf32, #tpu.memory_space<hbm>>
      %dma_start3A_709 = tpu.memref_slice %arg8[%dma_start3A_702] : memref<8x!tpu.dma_semaphore, #tpu.memory_space<semaphore_mem>> -> memref<1x!tpu.dma_semaphore, #tpu.memory_space<semaphore_mem>>
      %dma_start3A_710 = tpu.memref_squeeze %dma_start3A_709 : memref<1x!tpu.dma_semaphore, #tpu.memory_space<semaphore_mem>> -> memref<!tpu.dma_semaphore, #tpu.memory_space<semaphore_mem>>
      %dma_start3A_711 = arith.constant 0 : i32
      %dma_start3A_712 = tpu.memref_slice %arg4[%add3A_700, %dma_start3A_711] : memref<819200x128xf32, #tpu.memory_space<hbm>> -> memref<128x64xf32, #tpu.memory_space<hbm>>
      %dma_start3A_713 = arith.constant 0 : i32
      %dma_start3A_714 = arith.constant 0 : i32
      %dma_start3A_715 = tpu.memref_slice %arg6[%dma_start3A_701, %dma_start3A_713, %dma_start3A_714] : memref<8x128x64xf32, #tpu.memory_space<vmem>> -> memref<1x128x64xf32, #tpu.memory_space<vmem>>
      %dma_start3A_716 = tpu.memref_squeeze %dma_start3A_715 : memref<1x128x64xf32, #tpu.memory_space<vmem>> -> memref<128x64xf32, #tpu.memory_space<vmem>>
      tpu.enqueue_dma source(%dma_start3A_716 : memref<128x64xf32, #tpu.memory_space<vmem>>) target(%dma_start3A_712 : memref<128x64xf32, #tpu.memory_space<hbm>>) target_semaphore(%dma_start3A_710 : memref<!tpu.dma_semaphore, #tpu.memory_space<semaphore_mem>>)
      %sub3A_717 = arith.constant 2 : i32
      %sub3A_718 = arith.subi %add3A_683, %sub3A_717 : i32
      %mul3A_719 = arith.constant 128 : i32
      %mul3A_720 = arith.muli %sub3A_718, %mul3A_719 : i32
      %add3A_721 = arith.addi %mul3A_2, %mul3A_720 : i32
      %dma_wait3A_722 = arith.constant 2 : i32
      %dma_wait3A_723 = arith.constant 2 : i32
      %dma_wait3A_724 = arith.constant 0 : i32
      %dma_wait3A_725 = arith.constant 0 : i32
      %dma_wait3A_726 = tpu.memref_slice %arg6[%dma_wait3A_722, %dma_wait3A_724, %dma_wait3A_725] : memref<8x128x64xf32, #tpu.memory_space<vmem>> -> memref<1x128x64xf32, #tpu.memory_space<vmem>>
      %dma_wait3A_727 = tpu.memref_squeeze %dma_wait3A_726 : memref<1x128x64xf32, #tpu.memory_space<vmem>> -> memref<128x64xf32, #tpu.memory_space<vmem>>
      %dma_wait3A_728 = arith.constant 0 : i32
      %dma_wait3A_729 = tpu.memref_slice %arg4[%add3A_721, %dma_wait3A_728] : memref<819200x128xf32, #tpu.memory_space<hbm>> -> memref<128x64xf32, #tpu.memory_space<hbm>>
      %dma_wait3A_730 = tpu.memref_slice %arg8[%dma_wait3A_723] : memref<8x!tpu.dma_semaphore, #tpu.memory_space<semaphore_mem>> -> memref<1x!tpu.dma_semaphore, #tpu.memory_space<semaphore_mem>>
      %dma_wait3A_731 = tpu.memref_squeeze %dma_wait3A_730 : memref<1x!tpu.dma_semaphore, #tpu.memory_space<semaphore_mem>> -> memref<!tpu.dma_semaphore, #tpu.memory_space<semaphore_mem>>
      %dma_wait3A_732 = arith.constant 0 : i32
      %dma_wait3A_733 = tpu.memref_slice %arg4[%add3A_721, %dma_wait3A_732] : memref<819200x128xf32, #tpu.memory_space<hbm>> -> memref<128x64xf32, #tpu.memory_space<hbm>>
      %dma_wait3A_734 = arith.constant 0 : i32
      %dma_wait3A_735 = arith.constant 0 : i32
      %dma_wait3A_736 = tpu.memref_slice %arg6[%dma_wait3A_722, %dma_wait3A_734, %dma_wait3A_735] : memref<8x128x64xf32, #tpu.memory_space<vmem>> -> memref<1x128x64xf32, #tpu.memory_space<vmem>>
      %dma_wait3A_737 = tpu.memref_squeeze %dma_wait3A_736 : memref<1x128x64xf32, #tpu.memory_space<vmem>> -> memref<128x64xf32, #tpu.memory_space<vmem>>
      tpu.wait_dma2 semaphore(%dma_wait3A_731 : memref<!tpu.dma_semaphore, #tpu.memory_space<semaphore_mem>>) src(%dma_wait3A_737 : memref<128x64xf32, #tpu.memory_space<vmem>>) dst(%dma_wait3A_733 : memref<128x64xf32, #tpu.memory_space<hbm>>)
      %add3A_738 = arith.constant 6 : i32
      %add3A_739 = arith.addi %add3A_683, %add3A_738 : i32
      %dma_start3A_740 = arith.constant 2 : i32
      %dma_start3A_741 = arith.constant 2 : i32
      %dma_start3A_742 = arith.constant 0 : i32
      %dma_start3A_743 = arith.constant 0 : i32
      %dma_start3A_744 = tpu.memref_slice %arg6[%dma_start3A_740, %dma_start3A_742, %dma_start3A_743] : memref<8x128x64xf32, #tpu.memory_space<vmem>> -> memref<1x128x64xf32, #tpu.memory_space<vmem>>
      %dma_start3A_745 = tpu.memref_squeeze %dma_start3A_744 : memref<1x128x64xf32, #tpu.memory_space<vmem>> -> memref<128x64xf32, #tpu.memory_space<vmem>>
      %dma_start3A_746 = arith.constant 0 : i32
      %dma_start3A_747 = tpu.memref_slice %arg5[%add3A_739, %dma_start3A_746] : memref<200x128xi32, #tpu.memory_space<vmem>> -> memref<1x128xi32, #tpu.memory_space<vmem>>
      %dma_start3A_748 = tpu.memref_squeeze %dma_start3A_747 : memref<1x128xi32, #tpu.memory_space<vmem>> -> memref<128xi32, #tpu.memory_space<vmem>>
      %dma_start3A_749 = arith.constant 0 : i32
      %dma_start3A_750 = arith.constant 0 : i32
      %dma_start3A_751 = tpu.memref_slice %arg3[%dma_start3A_749, %dma_start3A_750] : memref<2000000x64xf32, #tpu.memory_space<hbm>> -> memref<2000000x64xf32, #tpu.memory_space<hbm>>
      %dma_start3A_752 = tpu.memref_slice %arg7[%dma_start3A_741] : memref<8x!tpu.dma_semaphore, #tpu.memory_space<semaphore_mem>> -> memref<1x!tpu.dma_semaphore, #tpu.memory_space<semaphore_mem>>
      %dma_start3A_753 = tpu.memref_squeeze %dma_start3A_752 : memref<1x!tpu.dma_semaphore, #tpu.memory_space<semaphore_mem>> -> memref<!tpu.dma_semaphore, #tpu.memory_space<semaphore_mem>>
      tpu.enqueue_indirect_dma source(%dma_start3A_751 : memref<2000000x64xf32, #tpu.memory_space<hbm>>) target(%dma_start3A_745 : memref<128x64xf32, #tpu.memory_space<vmem>>) offsets(%dma_start3A_748 : memref<128xi32, #tpu.memory_space<vmem>>) semaphore(%dma_start3A_753 : memref<!tpu.dma_semaphore, #tpu.memory_space<semaphore_mem>>)
      %add3A_754 = arith.constant 3 : i32
      %add3A_755 = arith.addi %add3A_538, %add3A_754 : i32
      %dma_wait3A_756 = arith.constant 5 : i32
      %dma_wait3A_757 = arith.constant 5 : i32
      %dma_wait3A_758 = arith.constant 0 : i32
      %dma_wait3A_759 = arith.constant 0 : i32
      %dma_wait3A_760 = tpu.memref_slice %arg6[%dma_wait3A_756, %dma_wait3A_758, %dma_wait3A_759] : memref<8x128x64xf32, #tpu.memory_space<vmem>> -> memref<1x128x64xf32, #tpu.memory_space<vmem>>
      %dma_wait3A_761 = tpu.memref_squeeze %dma_wait3A_760 : memref<1x128x64xf32, #tpu.memory_space<vmem>> -> memref<128x64xf32, #tpu.memory_space<vmem>>
      %dma_wait3A_762 = arith.constant 0 : i32
      %dma_wait3A_763 = tpu.memref_slice %arg5[%add3A_755, %dma_wait3A_762] : memref<200x128xi32, #tpu.memory_space<vmem>> -> memref<1x128xi32, #tpu.memory_space<vmem>>
      %dma_wait3A_764 = tpu.memref_squeeze %dma_wait3A_763 : memref<1x128xi32, #tpu.memory_space<vmem>> -> memref<128xi32, #tpu.memory_space<vmem>>
      %dma_wait3A_765 = arith.constant 0 : i32
      %dma_wait3A_766 = arith.constant 0 : i32
      %dma_wait3A_767 = tpu.memref_slice %arg3[%dma_wait3A_765, %dma_wait3A_766] : memref<2000000x64xf32, #tpu.memory_space<hbm>> -> memref<2000000x64xf32, #tpu.memory_space<hbm>>
      %dma_wait3A_768 = tpu.memref_slice %arg7[%dma_wait3A_757] : memref<8x!tpu.dma_semaphore, #tpu.memory_space<semaphore_mem>> -> memref<1x!tpu.dma_semaphore, #tpu.memory_space<semaphore_mem>>
      %dma_wait3A_769 = tpu.memref_squeeze %dma_wait3A_768 : memref<1x!tpu.dma_semaphore, #tpu.memory_space<semaphore_mem>> -> memref<!tpu.dma_semaphore, #tpu.memory_space<semaphore_mem>>
      tpu.wait_indirect_dma semaphore(%dma_wait3A_769 : memref<!tpu.dma_semaphore, #tpu.memory_space<semaphore_mem>>) src(%dma_wait3A_767 : memref<2000000x64xf32, #tpu.memory_space<hbm>>) dst(%dma_wait3A_761 : memref<128x64xf32, #tpu.memory_space<vmem>>)
      %mul3A_770 = arith.constant 128 : i32
      %mul3A_771 = arith.muli %add3A_755, %mul3A_770 : i32
      %add3A_772 = arith.addi %mul3A_2, %mul3A_771 : i32
      %dma_start3A_773 = arith.constant 5 : i32
      %dma_start3A_774 = arith.constant 5 : i32
      %dma_start3A_775 = arith.constant 0 : i32
      %dma_start3A_776 = arith.constant 0 : i32
      %dma_start3A_777 = tpu.memref_slice %arg6[%dma_start3A_773, %dma_start3A_775, %dma_start3A_776] : memref<8x128x64xf32, #tpu.memory_space<vmem>> -> memref<1x128x64xf32, #tpu.memory_space<vmem>>
      %dma_start3A_778 = tpu.memref_squeeze %dma_start3A_777 : memref<1x128x64xf32, #tpu.memory_space<vmem>> -> memref<128x64xf32, #tpu.memory_space<vmem>>
      %dma_start3A_779 = arith.constant 0 : i32
      %dma_start3A_780 = tpu.memref_slice %arg4[%add3A_772, %dma_start3A_779] : memref<819200x128xf32, #tpu.memory_space<hbm>> -> memref<128x64xf32, #tpu.memory_space<hbm>>
      %dma_start3A_781 = tpu.memref_slice %arg8[%dma_start3A_774] : memref<8x!tpu.dma_semaphore, #tpu.memory_space<semaphore_mem>> -> memref<1x!tpu.dma_semaphore, #tpu.memory_space<semaphore_mem>>
      %dma_start3A_782 = tpu.memref_squeeze %dma_start3A_781 : memref<1x!tpu.dma_semaphore, #tpu.memory_space<semaphore_mem>> -> memref<!tpu.dma_semaphore, #tpu.memory_space<semaphore_mem>>
      %dma_start3A_783 = arith.constant 0 : i32
      %dma_start3A_784 = tpu.memref_slice %arg4[%add3A_772, %dma_start3A_783] : memref<819200x128xf32, #tpu.memory_space<hbm>> -> memref<128x64xf32, #tpu.memory_space<hbm>>
      %dma_start3A_785 = arith.constant 0 : i32
      %dma_start3A_786 = arith.constant 0 : i32
      %dma_start3A_787 = tpu.memref_slice %arg6[%dma_start3A_773, %dma_start3A_785, %dma_start3A_786] : memref<8x128x64xf32, #tpu.memory_space<vmem>> -> memref<1x128x64xf32, #tpu.memory_space<vmem>>
      %dma_start3A_788 = tpu.memref_squeeze %dma_start3A_787 : memref<1x128x64xf32, #tpu.memory_space<vmem>> -> memref<128x64xf32, #tpu.memory_space<vmem>>
      tpu.enqueue_dma source(%dma_start3A_788 : memref<128x64xf32, #tpu.memory_space<vmem>>) target(%dma_start3A_784 : memref<128x64xf32, #tpu.memory_space<hbm>>) target_semaphore(%dma_start3A_782 : memref<!tpu.dma_semaphore, #tpu.memory_space<semaphore_mem>>)
      %sub3A_789 = arith.constant 2 : i32
      %sub3A_790 = arith.subi %add3A_755, %sub3A_789 : i32
      %mul3A_791 = arith.constant 128 : i32
      %mul3A_792 = arith.muli %sub3A_790, %mul3A_791 : i32
      %add3A_793 = arith.addi %mul3A_2, %mul3A_792 : i32
      %dma_wait3A_794 = arith.constant 3 : i32
      %dma_wait3A_795 = arith.constant 3 : i32
      %dma_wait3A_796 = arith.constant 0 : i32
      %dma_wait3A_797 = arith.constant 0 : i32
      %dma_wait3A_798 = tpu.memref_slice %arg6[%dma_wait3A_794, %dma_wait3A_796, %dma_wait3A_797] : memref<8x128x64xf32, #tpu.memory_space<vmem>> -> memref<1x128x64xf32, #tpu.memory_space<vmem>>
      %dma_wait3A_799 = tpu.memref_squeeze %dma_wait3A_798 : memref<1x128x64xf32, #tpu.memory_space<vmem>> -> memref<128x64xf32, #tpu.memory_space<vmem>>
      %dma_wait3A_800 = arith.constant 0 : i32
      %dma_wait3A_801 = tpu.memref_slice %arg4[%add3A_793, %dma_wait3A_800] : memref<819200x128xf32, #tpu.memory_space<hbm>> -> memref<128x64xf32, #tpu.memory_space<hbm>>
      %dma_wait3A_802 = tpu.memref_slice %arg8[%dma_wait3A_795] : memref<8x!tpu.dma_semaphore, #tpu.memory_space<semaphore_mem>> -> memref<1x!tpu.dma_semaphore, #tpu.memory_space<semaphore_mem>>
      %dma_wait3A_803 = tpu.memref_squeeze %dma_wait3A_802 : memref<1x!tpu.dma_semaphore, #tpu.memory_space<semaphore_mem>> -> memref<!tpu.dma_semaphore, #tpu.memory_space<semaphore_mem>>
      %dma_wait3A_804 = arith.constant 0 : i32
      %dma_wait3A_805 = tpu.memref_slice %arg4[%add3A_793, %dma_wait3A_804] : memref<819200x128xf32, #tpu.memory_space<hbm>> -> memref<128x64xf32, #tpu.memory_space<hbm>>
      %dma_wait3A_806 = arith.constant 0 : i32
      %dma_wait3A_807 = arith.constant 0 : i32
      %dma_wait3A_808 = tpu.memref_slice %arg6[%dma_wait3A_794, %dma_wait3A_806, %dma_wait3A_807] : memref<8x128x64xf32, #tpu.memory_space<vmem>> -> memref<1x128x64xf32, #tpu.memory_space<vmem>>
      %dma_wait3A_809 = tpu.memref_squeeze %dma_wait3A_808 : memref<1x128x64xf32, #tpu.memory_space<vmem>> -> memref<128x64xf32, #tpu.memory_space<vmem>>
      tpu.wait_dma2 semaphore(%dma_wait3A_803 : memref<!tpu.dma_semaphore, #tpu.memory_space<semaphore_mem>>) src(%dma_wait3A_809 : memref<128x64xf32, #tpu.memory_space<vmem>>) dst(%dma_wait3A_805 : memref<128x64xf32, #tpu.memory_space<hbm>>)
      %add3A_810 = arith.constant 6 : i32
      %add3A_811 = arith.addi %add3A_755, %add3A_810 : i32
      %dma_start3A_812 = arith.constant 3 : i32
      %dma_start3A_813 = arith.constant 3 : i32
      %dma_start3A_814 = arith.constant 0 : i32
      %dma_start3A_815 = arith.constant 0 : i32
      %dma_start3A_816 = tpu.memref_slice %arg6[%dma_start3A_812, %dma_start3A_814, %dma_start3A_815] : memref<8x128x64xf32, #tpu.memory_space<vmem>> -> memref<1x128x64xf32, #tpu.memory_space<vmem>>
      %dma_start3A_817 = tpu.memref_squeeze %dma_start3A_816 : memref<1x128x64xf32, #tpu.memory_space<vmem>> -> memref<128x64xf32, #tpu.memory_space<vmem>>
      %dma_start3A_818 = arith.constant 0 : i32
      %dma_start3A_819 = tpu.memref_slice %arg5[%add3A_811, %dma_start3A_818] : memref<200x128xi32, #tpu.memory_space<vmem>> -> memref<1x128xi32, #tpu.memory_space<vmem>>
      %dma_start3A_820 = tpu.memref_squeeze %dma_start3A_819 : memref<1x128xi32, #tpu.memory_space<vmem>> -> memref<128xi32, #tpu.memory_space<vmem>>
      %dma_start3A_821 = arith.constant 0 : i32
      %dma_start3A_822 = arith.constant 0 : i32
      %dma_start3A_823 = tpu.memref_slice %arg3[%dma_start3A_821, %dma_start3A_822] : memref<2000000x64xf32, #tpu.memory_space<hbm>> -> memref<2000000x64xf32, #tpu.memory_space<hbm>>
      %dma_start3A_824 = tpu.memref_slice %arg7[%dma_start3A_813] : memref<8x!tpu.dma_semaphore, #tpu.memory_space<semaphore_mem>> -> memref<1x!tpu.dma_semaphore, #tpu.memory_space<semaphore_mem>>
      %dma_start3A_825 = tpu.memref_squeeze %dma_start3A_824 : memref<1x!tpu.dma_semaphore, #tpu.memory_space<semaphore_mem>> -> memref<!tpu.dma_semaphore, #tpu.memory_space<semaphore_mem>>
      tpu.enqueue_indirect_dma source(%dma_start3A_823 : memref<2000000x64xf32, #tpu.memory_space<hbm>>) target(%dma_start3A_817 : memref<128x64xf32, #tpu.memory_space<vmem>>) offsets(%dma_start3A_820 : memref<128xi32, #tpu.memory_space<vmem>>) semaphore(%dma_start3A_825 : memref<!tpu.dma_semaphore, #tpu.memory_space<semaphore_mem>>)
      %add3A_826 = arith.constant 4 : i32
      %add3A_827 = arith.addi %add3A_538, %add3A_826 : i32
      %dma_wait3A_828 = arith.constant 6 : i32
      %dma_wait3A_829 = arith.constant 6 : i32
      %dma_wait3A_830 = arith.constant 0 : i32
      %dma_wait3A_831 = arith.constant 0 : i32
      %dma_wait3A_832 = tpu.memref_slice %arg6[%dma_wait3A_828, %dma_wait3A_830, %dma_wait3A_831] : memref<8x128x64xf32, #tpu.memory_space<vmem>> -> memref<1x128x64xf32, #tpu.memory_space<vmem>>
      %dma_wait3A_833 = tpu.memref_squeeze %dma_wait3A_832 : memref<1x128x64xf32, #tpu.memory_space<vmem>> -> memref<128x64xf32, #tpu.memory_space<vmem>>
      %dma_wait3A_834 = arith.constant 0 : i32
      %dma_wait3A_835 = tpu.memref_slice %arg5[%add3A_827, %dma_wait3A_834] : memref<200x128xi32, #tpu.memory_space<vmem>> -> memref<1x128xi32, #tpu.memory_space<vmem>>
      %dma_wait3A_836 = tpu.memref_squeeze %dma_wait3A_835 : memref<1x128xi32, #tpu.memory_space<vmem>> -> memref<128xi32, #tpu.memory_space<vmem>>
      %dma_wait3A_837 = arith.constant 0 : i32
      %dma_wait3A_838 = arith.constant 0 : i32
      %dma_wait3A_839 = tpu.memref_slice %arg3[%dma_wait3A_837, %dma_wait3A_838] : memref<2000000x64xf32, #tpu.memory_space<hbm>> -> memref<2000000x64xf32, #tpu.memory_space<hbm>>
      %dma_wait3A_840 = tpu.memref_slice %arg7[%dma_wait3A_829] : memref<8x!tpu.dma_semaphore, #tpu.memory_space<semaphore_mem>> -> memref<1x!tpu.dma_semaphore, #tpu.memory_space<semaphore_mem>>
      %dma_wait3A_841 = tpu.memref_squeeze %dma_wait3A_840 : memref<1x!tpu.dma_semaphore, #tpu.memory_space<semaphore_mem>> -> memref<!tpu.dma_semaphore, #tpu.memory_space<semaphore_mem>>
      tpu.wait_indirect_dma semaphore(%dma_wait3A_841 : memref<!tpu.dma_semaphore, #tpu.memory_space<semaphore_mem>>) src(%dma_wait3A_839 : memref<2000000x64xf32, #tpu.memory_space<hbm>>) dst(%dma_wait3A_833 : memref<128x64xf32, #tpu.memory_space<vmem>>)
      %mul3A_842 = arith.constant 128 : i32
      %mul3A_843 = arith.muli %add3A_827, %mul3A_842 : i32
      %add3A_844 = arith.addi %mul3A_2, %mul3A_843 : i32
      %dma_start3A_845 = arith.constant 6 : i32
      %dma_start3A_846 = arith.constant 6 : i32
      %dma_start3A_847 = arith.constant 0 : i32
      %dma_start3A_848 = arith.constant 0 : i32
      %dma_start3A_849 = tpu.memref_slice %arg6[%dma_start3A_845, %dma_start3A_847, %dma_start3A_848] : memref<8x128x64xf32, #tpu.memory_space<vmem>> -> memref<1x128x64xf32, #tpu.memory_space<vmem>>
      %dma_start3A_850 = tpu.memref_squeeze %dma_start3A_849 : memref<1x128x64xf32, #tpu.memory_space<vmem>> -> memref<128x64xf32, #tpu.memory_space<vmem>>
      %dma_start3A_851 = arith.constant 0 : i32
      %dma_start3A_852 = tpu.memref_slice %arg4[%add3A_844, %dma_start3A_851] : memref<819200x128xf32, #tpu.memory_space<hbm>> -> memref<128x64xf32, #tpu.memory_space<hbm>>
      %dma_start3A_853 = tpu.memref_slice %arg8[%dma_start3A_846] : memref<8x!tpu.dma_semaphore, #tpu.memory_space<semaphore_mem>> -> memref<1x!tpu.dma_semaphore, #tpu.memory_space<semaphore_mem>>
      %dma_start3A_854 = tpu.memref_squeeze %dma_start3A_853 : memref<1x!tpu.dma_semaphore, #tpu.memory_space<semaphore_mem>> -> memref<!tpu.dma_semaphore, #tpu.memory_space<semaphore_mem>>
      %dma_start3A_855 = arith.constant 0 : i32
      %dma_start3A_856 = tpu.memref_slice %arg4[%add3A_844, %dma_start3A_855] : memref<819200x128xf32, #tpu.memory_space<hbm>> -> memref<128x64xf32, #tpu.memory_space<hbm>>
      %dma_start3A_857 = arith.constant 0 : i32
      %dma_start3A_858 = arith.constant 0 : i32
      %dma_start3A_859 = tpu.memref_slice %arg6[%dma_start3A_845, %dma_start3A_857, %dma_start3A_858] : memref<8x128x64xf32, #tpu.memory_space<vmem>> -> memref<1x128x64xf32, #tpu.memory_space<vmem>>
      %dma_start3A_860 = tpu.memref_squeeze %dma_start3A_859 : memref<1x128x64xf32, #tpu.memory_space<vmem>> -> memref<128x64xf32, #tpu.memory_space<vmem>>
      tpu.enqueue_dma source(%dma_start3A_860 : memref<128x64xf32, #tpu.memory_space<vmem>>) target(%dma_start3A_856 : memref<128x64xf32, #tpu.memory_space<hbm>>) target_semaphore(%dma_start3A_854 : memref<!tpu.dma_semaphore, #tpu.memory_space<semaphore_mem>>)
      %sub3A_861 = arith.constant 2 : i32
      %sub3A_862 = arith.subi %add3A_827, %sub3A_861 : i32
      %mul3A_863 = arith.constant 128 : i32
      %mul3A_864 = arith.muli %sub3A_862, %mul3A_863 : i32
      %add3A_865 = arith.addi %mul3A_2, %mul3A_864 : i32
      %dma_wait3A_866 = arith.constant 4 : i32
      %dma_wait3A_867 = arith.constant 4 : i32
      %dma_wait3A_868 = arith.constant 0 : i32
      %dma_wait3A_869 = arith.constant 0 : i32
      %dma_wait3A_870 = tpu.memref_slice %arg6[%dma_wait3A_866, %dma_wait3A_868, %dma_wait3A_869] : memref<8x128x64xf32, #tpu.memory_space<vmem>> -> memref<1x128x64xf32, #tpu.memory_space<vmem>>
      %dma_wait3A_871 = tpu.memref_squeeze %dma_wait3A_870 : memref<1x128x64xf32, #tpu.memory_space<vmem>> -> memref<128x64xf32, #tpu.memory_space<vmem>>
      %dma_wait3A_872 = arith.constant 0 : i32
      %dma_wait3A_873 = tpu.memref_slice %arg4[%add3A_865, %dma_wait3A_872] : memref<819200x128xf32, #tpu.memory_space<hbm>> -> memref<128x64xf32, #tpu.memory_space<hbm>>
      %dma_wait3A_874 = tpu.memref_slice %arg8[%dma_wait3A_867] : memref<8x!tpu.dma_semaphore, #tpu.memory_space<semaphore_mem>> -> memref<1x!tpu.dma_semaphore, #tpu.memory_space<semaphore_mem>>
      %dma_wait3A_875 = tpu.memref_squeeze %dma_wait3A_874 : memref<1x!tpu.dma_semaphore, #tpu.memory_space<semaphore_mem>> -> memref<!tpu.dma_semaphore, #tpu.memory_space<semaphore_mem>>
      %dma_wait3A_876 = arith.constant 0 : i32
      %dma_wait3A_877 = tpu.memref_slice %arg4[%add3A_865, %dma_wait3A_876] : memref<819200x128xf32, #tpu.memory_space<hbm>> -> memref<128x64xf32, #tpu.memory_space<hbm>>
      %dma_wait3A_878 = arith.constant 0 : i32
      %dma_wait3A_879 = arith.constant 0 : i32
      %dma_wait3A_880 = tpu.memref_slice %arg6[%dma_wait3A_866, %dma_wait3A_878, %dma_wait3A_879] : memref<8x128x64xf32, #tpu.memory_space<vmem>> -> memref<1x128x64xf32, #tpu.memory_space<vmem>>
      %dma_wait3A_881 = tpu.memref_squeeze %dma_wait3A_880 : memref<1x128x64xf32, #tpu.memory_space<vmem>> -> memref<128x64xf32, #tpu.memory_space<vmem>>
      tpu.wait_dma2 semaphore(%dma_wait3A_875 : memref<!tpu.dma_semaphore, #tpu.memory_space<semaphore_mem>>) src(%dma_wait3A_881 : memref<128x64xf32, #tpu.memory_space<vmem>>) dst(%dma_wait3A_877 : memref<128x64xf32, #tpu.memory_space<hbm>>)
      %add3A_882 = arith.constant 6 : i32
      %add3A_883 = arith.addi %add3A_827, %add3A_882 : i32
      %dma_start3A_884 = arith.constant 4 : i32
      %dma_start3A_885 = arith.constant 4 : i32
      %dma_start3A_886 = arith.constant 0 : i32
      %dma_start3A_887 = arith.constant 0 : i32
      %dma_start3A_888 = tpu.memref_slice %arg6[%dma_start3A_884, %dma_start3A_886, %dma_start3A_887] : memref<8x128x64xf32, #tpu.memory_space<vmem>> -> memref<1x128x64xf32, #tpu.memory_space<vmem>>
      %dma_start3A_889 = tpu.memref_squeeze %dma_start3A_888 : memref<1x128x64xf32, #tpu.memory_space<vmem>> -> memref<128x64xf32, #tpu.memory_space<vmem>>
      %dma_start3A_890 = arith.constant 0 : i32
      %dma_start3A_891 = tpu.memref_slice %arg5[%add3A_883, %dma_start3A_890] : memref<200x128xi32, #tpu.memory_space<vmem>> -> memref<1x128xi32, #tpu.memory_space<vmem>>
      %dma_start3A_892 = tpu.memref_squeeze %dma_start3A_891 : memref<1x128xi32, #tpu.memory_space<vmem>> -> memref<128xi32, #tpu.memory_space<vmem>>
      %dma_start3A_893 = arith.constant 0 : i32
      %dma_start3A_894 = arith.constant 0 : i32
      %dma_start3A_895 = tpu.memref_slice %arg3[%dma_start3A_893, %dma_start3A_894] : memref<2000000x64xf32, #tpu.memory_space<hbm>> -> memref<2000000x64xf32, #tpu.memory_space<hbm>>
      %dma_start3A_896 = tpu.memref_slice %arg7[%dma_start3A_885] : memref<8x!tpu.dma_semaphore, #tpu.memory_space<semaphore_mem>> -> memref<1x!tpu.dma_semaphore, #tpu.memory_space<semaphore_mem>>
      %dma_start3A_897 = tpu.memref_squeeze %dma_start3A_896 : memref<1x!tpu.dma_semaphore, #tpu.memory_space<semaphore_mem>> -> memref<!tpu.dma_semaphore, #tpu.memory_space<semaphore_mem>>
      tpu.enqueue_indirect_dma source(%dma_start3A_895 : memref<2000000x64xf32, #tpu.memory_space<hbm>>) target(%dma_start3A_889 : memref<128x64xf32, #tpu.memory_space<vmem>>) offsets(%dma_start3A_892 : memref<128xi32, #tpu.memory_space<vmem>>) semaphore(%dma_start3A_897 : memref<!tpu.dma_semaphore, #tpu.memory_space<semaphore_mem>>)
      %add3A_898 = arith.constant 5 : i32
      %add3A_899 = arith.addi %add3A_538, %add3A_898 : i32
      %dma_wait3A_900 = arith.constant 7 : i32
      %dma_wait3A_901 = arith.constant 7 : i32
      %dma_wait3A_902 = arith.constant 0 : i32
      %dma_wait3A_903 = arith.constant 0 : i32
      %dma_wait3A_904 = tpu.memref_slice %arg6[%dma_wait3A_900, %dma_wait3A_902, %dma_wait3A_903] : memref<8x128x64xf32, #tpu.memory_space<vmem>> -> memref<1x128x64xf32, #tpu.memory_space<vmem>>
      %dma_wait3A_905 = tpu.memref_squeeze %dma_wait3A_904 : memref<1x128x64xf32, #tpu.memory_space<vmem>> -> memref<128x64xf32, #tpu.memory_space<vmem>>
      %dma_wait3A_906 = arith.constant 0 : i32
      %dma_wait3A_907 = tpu.memref_slice %arg5[%add3A_899, %dma_wait3A_906] : memref<200x128xi32, #tpu.memory_space<vmem>> -> memref<1x128xi32, #tpu.memory_space<vmem>>
      %dma_wait3A_908 = tpu.memref_squeeze %dma_wait3A_907 : memref<1x128xi32, #tpu.memory_space<vmem>> -> memref<128xi32, #tpu.memory_space<vmem>>
      %dma_wait3A_909 = arith.constant 0 : i32
      %dma_wait3A_910 = arith.constant 0 : i32
      %dma_wait3A_911 = tpu.memref_slice %arg3[%dma_wait3A_909, %dma_wait3A_910] : memref<2000000x64xf32, #tpu.memory_space<hbm>> -> memref<2000000x64xf32, #tpu.memory_space<hbm>>
      %dma_wait3A_912 = tpu.memref_slice %arg7[%dma_wait3A_901] : memref<8x!tpu.dma_semaphore, #tpu.memory_space<semaphore_mem>> -> memref<1x!tpu.dma_semaphore, #tpu.memory_space<semaphore_mem>>
      %dma_wait3A_913 = tpu.memref_squeeze %dma_wait3A_912 : memref<1x!tpu.dma_semaphore, #tpu.memory_space<semaphore_mem>> -> memref<!tpu.dma_semaphore, #tpu.memory_space<semaphore_mem>>
      tpu.wait_indirect_dma semaphore(%dma_wait3A_913 : memref<!tpu.dma_semaphore, #tpu.memory_space<semaphore_mem>>) src(%dma_wait3A_911 : memref<2000000x64xf32, #tpu.memory_space<hbm>>) dst(%dma_wait3A_905 : memref<128x64xf32, #tpu.memory_space<vmem>>)
      %mul3A_914 = arith.constant 128 : i32
      %mul3A_915 = arith.muli %add3A_899, %mul3A_914 : i32
      %add3A_916 = arith.addi %mul3A_2, %mul3A_915 : i32
      %dma_start3A_917 = arith.constant 7 : i32
      %dma_start3A_918 = arith.constant 7 : i32
      %dma_start3A_919 = arith.constant 0 : i32
      %dma_start3A_920 = arith.constant 0 : i32
      %dma_start3A_921 = tpu.memref_slice %arg6[%dma_start3A_917, %dma_start3A_919, %dma_start3A_920] : memref<8x128x64xf32, #tpu.memory_space<vmem>> -> memref<1x128x64xf32, #tpu.memory_space<vmem>>
      %dma_start3A_922 = tpu.memref_squeeze %dma_start3A_921 : memref<1x128x64xf32, #tpu.memory_space<vmem>> -> memref<128x64xf32, #tpu.memory_space<vmem>>
      %dma_start3A_923 = arith.constant 0 : i32
      %dma_start3A_924 = tpu.memref_slice %arg4[%add3A_916, %dma_start3A_923] : memref<819200x128xf32, #tpu.memory_space<hbm>> -> memref<128x64xf32, #tpu.memory_space<hbm>>
      %dma_start3A_925 = tpu.memref_slice %arg8[%dma_start3A_918] : memref<8x!tpu.dma_semaphore, #tpu.memory_space<semaphore_mem>> -> memref<1x!tpu.dma_semaphore, #tpu.memory_space<semaphore_mem>>
      %dma_start3A_926 = tpu.memref_squeeze %dma_start3A_925 : memref<1x!tpu.dma_semaphore, #tpu.memory_space<semaphore_mem>> -> memref<!tpu.dma_semaphore, #tpu.memory_space<semaphore_mem>>
      %dma_start3A_927 = arith.constant 0 : i32
      %dma_start3A_928 = tpu.memref_slice %arg4[%add3A_916, %dma_start3A_927] : memref<819200x128xf32, #tpu.memory_space<hbm>> -> memref<128x64xf32, #tpu.memory_space<hbm>>
      %dma_start3A_929 = arith.constant 0 : i32
      %dma_start3A_930 = arith.constant 0 : i32
      %dma_start3A_931 = tpu.memref_slice %arg6[%dma_start3A_917, %dma_start3A_929, %dma_start3A_930] : memref<8x128x64xf32, #tpu.memory_space<vmem>> -> memref<1x128x64xf32, #tpu.memory_space<vmem>>
      %dma_start3A_932 = tpu.memref_squeeze %dma_start3A_931 : memref<1x128x64xf32, #tpu.memory_space<vmem>> -> memref<128x64xf32, #tpu.memory_space<vmem>>
      tpu.enqueue_dma source(%dma_start3A_932 : memref<128x64xf32, #tpu.memory_space<vmem>>) target(%dma_start3A_928 : memref<128x64xf32, #tpu.memory_space<hbm>>) target_semaphore(%dma_start3A_926 : memref<!tpu.dma_semaphore, #tpu.memory_space<semaphore_mem>>)
      %sub3A_933 = arith.constant 2 : i32
      %sub3A_934 = arith.subi %add3A_899, %sub3A_933 : i32
      %mul3A_935 = arith.constant 128 : i32
      %mul3A_936 = arith.muli %sub3A_934, %mul3A_935 : i32
      %add3A_937 = arith.addi %mul3A_2, %mul3A_936 : i32
      %dma_wait3A_938 = arith.constant 5 : i32
      %dma_wait3A_939 = arith.constant 5 : i32
      %dma_wait3A_940 = arith.constant 0 : i32
      %dma_wait3A_941 = arith.constant 0 : i32
      %dma_wait3A_942 = tpu.memref_slice %arg6[%dma_wait3A_938, %dma_wait3A_940, %dma_wait3A_941] : memref<8x128x64xf32, #tpu.memory_space<vmem>> -> memref<1x128x64xf32, #tpu.memory_space<vmem>>
      %dma_wait3A_943 = tpu.memref_squeeze %dma_wait3A_942 : memref<1x128x64xf32, #tpu.memory_space<vmem>> -> memref<128x64xf32, #tpu.memory_space<vmem>>
      %dma_wait3A_944 = arith.constant 0 : i32
      %dma_wait3A_945 = tpu.memref_slice %arg4[%add3A_937, %dma_wait3A_944] : memref<819200x128xf32, #tpu.memory_space<hbm>> -> memref<128x64xf32, #tpu.memory_space<hbm>>
      %dma_wait3A_946 = tpu.memref_slice %arg8[%dma_wait3A_939] : memref<8x!tpu.dma_semaphore, #tpu.memory_space<semaphore_mem>> -> memref<1x!tpu.dma_semaphore, #tpu.memory_space<semaphore_mem>>
      %dma_wait3A_947 = tpu.memref_squeeze %dma_wait3A_946 : memref<1x!tpu.dma_semaphore, #tpu.memory_space<semaphore_mem>> -> memref<!tpu.dma_semaphore, #tpu.memory_space<semaphore_mem>>
      %dma_wait3A_948 = arith.constant 0 : i32
      %dma_wait3A_949 = tpu.memref_slice %arg4[%add3A_937, %dma_wait3A_948] : memref<819200x128xf32, #tpu.memory_space<hbm>> -> memref<128x64xf32, #tpu.memory_space<hbm>>
      %dma_wait3A_950 = arith.constant 0 : i32
      %dma_wait3A_951 = arith.constant 0 : i32
      %dma_wait3A_952 = tpu.memref_slice %arg6[%dma_wait3A_938, %dma_wait3A_950, %dma_wait3A_951] : memref<8x128x64xf32, #tpu.memory_space<vmem>> -> memref<1x128x64xf32, #tpu.memory_space<vmem>>
      %dma_wait3A_953 = tpu.memref_squeeze %dma_wait3A_952 : memref<1x128x64xf32, #tpu.memory_space<vmem>> -> memref<128x64xf32, #tpu.memory_space<vmem>>
      tpu.wait_dma2 semaphore(%dma_wait3A_947 : memref<!tpu.dma_semaphore, #tpu.memory_space<semaphore_mem>>) src(%dma_wait3A_953 : memref<128x64xf32, #tpu.memory_space<vmem>>) dst(%dma_wait3A_949 : memref<128x64xf32, #tpu.memory_space<hbm>>)
      %add3A_954 = arith.constant 6 : i32
      %add3A_955 = arith.addi %add3A_899, %add3A_954 : i32
      %dma_start3A_956 = arith.constant 5 : i32
      %dma_start3A_957 = arith.constant 5 : i32
      %dma_start3A_958 = arith.constant 0 : i32
      %dma_start3A_959 = arith.constant 0 : i32
      %dma_start3A_960 = tpu.memref_slice %arg6[%dma_start3A_956, %dma_start3A_958, %dma_start3A_959] : memref<8x128x64xf32, #tpu.memory_space<vmem>> -> memref<1x128x64xf32, #tpu.memory_space<vmem>>
      %dma_start3A_961 = tpu.memref_squeeze %dma_start3A_960 : memref<1x128x64xf32, #tpu.memory_space<vmem>> -> memref<128x64xf32, #tpu.memory_space<vmem>>
      %dma_start3A_962 = arith.constant 0 : i32
      %dma_start3A_963 = tpu.memref_slice %arg5[%add3A_955, %dma_start3A_962] : memref<200x128xi32, #tpu.memory_space<vmem>> -> memref<1x128xi32, #tpu.memory_space<vmem>>
      %dma_start3A_964 = tpu.memref_squeeze %dma_start3A_963 : memref<1x128xi32, #tpu.memory_space<vmem>> -> memref<128xi32, #tpu.memory_space<vmem>>
      %dma_start3A_965 = arith.constant 0 : i32
      %dma_start3A_966 = arith.constant 0 : i32
      %dma_start3A_967 = tpu.memref_slice %arg3[%dma_start3A_965, %dma_start3A_966] : memref<2000000x64xf32, #tpu.memory_space<hbm>> -> memref<2000000x64xf32, #tpu.memory_space<hbm>>
      %dma_start3A_968 = tpu.memref_slice %arg7[%dma_start3A_957] : memref<8x!tpu.dma_semaphore, #tpu.memory_space<semaphore_mem>> -> memref<1x!tpu.dma_semaphore, #tpu.memory_space<semaphore_mem>>
      %dma_start3A_969 = tpu.memref_squeeze %dma_start3A_968 : memref<1x!tpu.dma_semaphore, #tpu.memory_space<semaphore_mem>> -> memref<!tpu.dma_semaphore, #tpu.memory_space<semaphore_mem>>
      tpu.enqueue_indirect_dma source(%dma_start3A_967 : memref<2000000x64xf32, #tpu.memory_space<hbm>>) target(%dma_start3A_961 : memref<128x64xf32, #tpu.memory_space<vmem>>) offsets(%dma_start3A_964 : memref<128xi32, #tpu.memory_space<vmem>>) semaphore(%dma_start3A_969 : memref<!tpu.dma_semaphore, #tpu.memory_space<semaphore_mem>>)
      %add3A_970 = arith.constant 6 : i32
      %add3A_971 = arith.addi %add3A_538, %add3A_970 : i32
      %dma_wait3A_972 = arith.constant 0 : i32
      %dma_wait3A_973 = arith.constant 0 : i32
      %dma_wait3A_974 = arith.constant 0 : i32
      %dma_wait3A_975 = arith.constant 0 : i32
      %dma_wait3A_976 = tpu.memref_slice %arg6[%dma_wait3A_972, %dma_wait3A_974, %dma_wait3A_975] : memref<8x128x64xf32, #tpu.memory_space<vmem>> -> memref<1x128x64xf32, #tpu.memory_space<vmem>>
      %dma_wait3A_977 = tpu.memref_squeeze %dma_wait3A_976 : memref<1x128x64xf32, #tpu.memory_space<vmem>> -> memref<128x64xf32, #tpu.memory_space<vmem>>
      %dma_wait3A_978 = arith.constant 0 : i32
      %dma_wait3A_979 = tpu.memref_slice %arg5[%add3A_971, %dma_wait3A_978] : memref<200x128xi32, #tpu.memory_space<vmem>> -> memref<1x128xi32, #tpu.memory_space<vmem>>
      %dma_wait3A_980 = tpu.memref_squeeze %dma_wait3A_979 : memref<1x128xi32, #tpu.memory_space<vmem>> -> memref<128xi32, #tpu.memory_space<vmem>>
      %dma_wait3A_981 = arith.constant 0 : i32
      %dma_wait3A_982 = arith.constant 0 : i32
      %dma_wait3A_983 = tpu.memref_slice %arg3[%dma_wait3A_981, %dma_wait3A_982] : memref<2000000x64xf32, #tpu.memory_space<hbm>> -> memref<2000000x64xf32, #tpu.memory_space<hbm>>
      %dma_wait3A_984 = tpu.memref_slice %arg7[%dma_wait3A_973] : memref<8x!tpu.dma_semaphore, #tpu.memory_space<semaphore_mem>> -> memref<1x!tpu.dma_semaphore, #tpu.memory_space<semaphore_mem>>
      %dma_wait3A_985 = tpu.memref_squeeze %dma_wait3A_984 : memref<1x!tpu.dma_semaphore, #tpu.memory_space<semaphore_mem>> -> memref<!tpu.dma_semaphore, #tpu.memory_space<semaphore_mem>>
      tpu.wait_indirect_dma semaphore(%dma_wait3A_985 : memref<!tpu.dma_semaphore, #tpu.memory_space<semaphore_mem>>) src(%dma_wait3A_983 : memref<2000000x64xf32, #tpu.memory_space<hbm>>) dst(%dma_wait3A_977 : memref<128x64xf32, #tpu.memory_space<vmem>>)
      %mul3A_986 = arith.constant 128 : i32
      %mul3A_987 = arith.muli %add3A_971, %mul3A_986 : i32
      %add3A_988 = arith.addi %mul3A_2, %mul3A_987 : i32
      %dma_start3A_989 = arith.constant 0 : i32
      %dma_start3A_990 = arith.constant 0 : i32
      %dma_start3A_991 = arith.constant 0 : i32
      %dma_start3A_992 = arith.constant 0 : i32
      %dma_start3A_993 = tpu.memref_slice %arg6[%dma_start3A_989, %dma_start3A_991, %dma_start3A_992] : memref<8x128x64xf32, #tpu.memory_space<vmem>> -> memref<1x128x64xf32, #tpu.memory_space<vmem>>
      %dma_start3A_994 = tpu.memref_squeeze %dma_start3A_993 : memref<1x128x64xf32, #tpu.memory_space<vmem>> -> memref<128x64xf32, #tpu.memory_space<vmem>>
      %dma_start3A_995 = arith.constant 0 : i32
      %dma_start3A_996 = tpu.memref_slice %arg4[%add3A_988, %dma_start3A_995] : memref<819200x128xf32, #tpu.memory_space<hbm>> -> memref<128x64xf32, #tpu.memory_space<hbm>>
      %dma_start3A_997 = tpu.memref_slice %arg8[%dma_start3A_990] : memref<8x!tpu.dma_semaphore, #tpu.memory_space<semaphore_mem>> -> memref<1x!tpu.dma_semaphore, #tpu.memory_space<semaphore_mem>>
      %dma_start3A_998 = tpu.memref_squeeze %dma_start3A_997 : memref<1x!tpu.dma_semaphore, #tpu.memory_space<semaphore_mem>> -> memref<!tpu.dma_semaphore, #tpu.memory_space<semaphore_mem>>
      %dma_start3A_999 = arith.constant 0 : i32
      %dma_start3A_1000 = tpu.memref_slice %arg4[%add3A_988, %dma_start3A_999] : memref<819200x128xf32, #tpu.memory_space<hbm>> -> memref<128x64xf32, #tpu.memory_space<hbm>>
      %dma_start3A_1001 = arith.constant 0 : i32
      %dma_start3A_1002 = arith.constant 0 : i32
      %dma_start3A_1003 = tpu.memref_slice %arg6[%dma_start3A_989, %dma_start3A_1001, %dma_start3A_1002] : memref<8x128x64xf32, #tpu.memory_space<vmem>> -> memref<1x128x64xf32, #tpu.memory_space<vmem>>
      %dma_start3A_1004 = tpu.memref_squeeze %dma_start3A_1003 : memref<1x128x64xf32, #tpu.memory_space<vmem>> -> memref<128x64xf32, #tpu.memory_space<vmem>>
      tpu.enqueue_dma source(%dma_start3A_1004 : memref<128x64xf32, #tpu.memory_space<vmem>>) target(%dma_start3A_1000 : memref<128x64xf32, #tpu.memory_space<hbm>>) target_semaphore(%dma_start3A_998 : memref<!tpu.dma_semaphore, #tpu.memory_space<semaphore_mem>>)
      %sub3A_1005 = arith.constant 2 : i32
      %sub3A_1006 = arith.subi %add3A_971, %sub3A_1005 : i32
      %mul3A_1007 = arith.constant 128 : i32
      %mul3A_1008 = arith.muli %sub3A_1006, %mul3A_1007 : i32
      %add3A_1009 = arith.addi %mul3A_2, %mul3A_1008 : i32
      %dma_wait3A_1010 = arith.constant 6 : i32
      %dma_wait3A_1011 = arith.constant 6 : i32
      %dma_wait3A_1012 = arith.constant 0 : i32
      %dma_wait3A_1013 = arith.constant 0 : i32
      %dma_wait3A_1014 = tpu.memref_slice %arg6[%dma_wait3A_1010, %dma_wait3A_1012, %dma_wait3A_1013] : memref<8x128x64xf32, #tpu.memory_space<vmem>> -> memref<1x128x64xf32, #tpu.memory_space<vmem>>
      %dma_wait3A_1015 = tpu.memref_squeeze %dma_wait3A_1014 : memref<1x128x64xf32, #tpu.memory_space<vmem>> -> memref<128x64xf32, #tpu.memory_space<vmem>>
      %dma_wait3A_1016 = arith.constant 0 : i32
      %dma_wait3A_1017 = tpu.memref_slice %arg4[%add3A_1009, %dma_wait3A_1016] : memref<819200x128xf32, #tpu.memory_space<hbm>> -> memref<128x64xf32, #tpu.memory_space<hbm>>
      %dma_wait3A_1018 = tpu.memref_slice %arg8[%dma_wait3A_1011] : memref<8x!tpu.dma_semaphore, #tpu.memory_space<semaphore_mem>> -> memref<1x!tpu.dma_semaphore, #tpu.memory_space<semaphore_mem>>
      %dma_wait3A_1019 = tpu.memref_squeeze %dma_wait3A_1018 : memref<1x!tpu.dma_semaphore, #tpu.memory_space<semaphore_mem>> -> memref<!tpu.dma_semaphore, #tpu.memory_space<semaphore_mem>>
      %dma_wait3A_1020 = arith.constant 0 : i32
      %dma_wait3A_1021 = tpu.memref_slice %arg4[%add3A_1009, %dma_wait3A_1020] : memref<819200x128xf32, #tpu.memory_space<hbm>> -> memref<128x64xf32, #tpu.memory_space<hbm>>
      %dma_wait3A_1022 = arith.constant 0 : i32
      %dma_wait3A_1023 = arith.constant 0 : i32
      %dma_wait3A_1024 = tpu.memref_slice %arg6[%dma_wait3A_1010, %dma_wait3A_1022, %dma_wait3A_1023] : memref<8x128x64xf32, #tpu.memory_space<vmem>> -> memref<1x128x64xf32, #tpu.memory_space<vmem>>
      %dma_wait3A_1025 = tpu.memref_squeeze %dma_wait3A_1024 : memref<1x128x64xf32, #tpu.memory_space<vmem>> -> memref<128x64xf32, #tpu.memory_space<vmem>>
      tpu.wait_dma2 semaphore(%dma_wait3A_1019 : memref<!tpu.dma_semaphore, #tpu.memory_space<semaphore_mem>>) src(%dma_wait3A_1025 : memref<128x64xf32, #tpu.memory_space<vmem>>) dst(%dma_wait3A_1021 : memref<128x64xf32, #tpu.memory_space<hbm>>)
      %add3A_1026 = arith.constant 6 : i32
      %add3A_1027 = arith.addi %add3A_971, %add3A_1026 : i32
      %dma_start3A_1028 = arith.constant 6 : i32
      %dma_start3A_1029 = arith.constant 6 : i32
      %dma_start3A_1030 = arith.constant 0 : i32
      %dma_start3A_1031 = arith.constant 0 : i32
      %dma_start3A_1032 = tpu.memref_slice %arg6[%dma_start3A_1028, %dma_start3A_1030, %dma_start3A_1031] : memref<8x128x64xf32, #tpu.memory_space<vmem>> -> memref<1x128x64xf32, #tpu.memory_space<vmem>>
      %dma_start3A_1033 = tpu.memref_squeeze %dma_start3A_1032 : memref<1x128x64xf32, #tpu.memory_space<vmem>> -> memref<128x64xf32, #tpu.memory_space<vmem>>
      %dma_start3A_1034 = arith.constant 0 : i32
      %dma_start3A_1035 = tpu.memref_slice %arg5[%add3A_1027, %dma_start3A_1034] : memref<200x128xi32, #tpu.memory_space<vmem>> -> memref<1x128xi32, #tpu.memory_space<vmem>>
      %dma_start3A_1036 = tpu.memref_squeeze %dma_start3A_1035 : memref<1x128xi32, #tpu.memory_space<vmem>> -> memref<128xi32, #tpu.memory_space<vmem>>
      %dma_start3A_1037 = arith.constant 0 : i32
      %dma_start3A_1038 = arith.constant 0 : i32
      %dma_start3A_1039 = tpu.memref_slice %arg3[%dma_start3A_1037, %dma_start3A_1038] : memref<2000000x64xf32, #tpu.memory_space<hbm>> -> memref<2000000x64xf32, #tpu.memory_space<hbm>>
      %dma_start3A_1040 = tpu.memref_slice %arg7[%dma_start3A_1029] : memref<8x!tpu.dma_semaphore, #tpu.memory_space<semaphore_mem>> -> memref<1x!tpu.dma_semaphore, #tpu.memory_space<semaphore_mem>>
      %dma_start3A_1041 = tpu.memref_squeeze %dma_start3A_1040 : memref<1x!tpu.dma_semaphore, #tpu.memory_space<semaphore_mem>> -> memref<!tpu.dma_semaphore, #tpu.memory_space<semaphore_mem>>
      tpu.enqueue_indirect_dma source(%dma_start3A_1039 : memref<2000000x64xf32, #tpu.memory_space<hbm>>) target(%dma_start3A_1033 : memref<128x64xf32, #tpu.memory_space<vmem>>) offsets(%dma_start3A_1036 : memref<128xi32, #tpu.memory_space<vmem>>) semaphore(%dma_start3A_1041 : memref<!tpu.dma_semaphore, #tpu.memory_space<semaphore_mem>>)
      %add3A_1042 = arith.constant 7 : i32
      %add3A_1043 = arith.addi %add3A_538, %add3A_1042 : i32
      %dma_wait3A_1044 = arith.constant 1 : i32
      %dma_wait3A_1045 = arith.constant 1 : i32
      %dma_wait3A_1046 = arith.constant 0 : i32
      %dma_wait3A_1047 = arith.constant 0 : i32
      %dma_wait3A_1048 = tpu.memref_slice %arg6[%dma_wait3A_1044, %dma_wait3A_1046, %dma_wait3A_1047] : memref<8x128x64xf32, #tpu.memory_space<vmem>> -> memref<1x128x64xf32, #tpu.memory_space<vmem>>
      %dma_wait3A_1049 = tpu.memref_squeeze %dma_wait3A_1048 : memref<1x128x64xf32, #tpu.memory_space<vmem>> -> memref<128x64xf32, #tpu.memory_space<vmem>>
      %dma_wait3A_1050 = arith.constant 0 : i32
      %dma_wait3A_1051 = tpu.memref_slice %arg5[%add3A_1043, %dma_wait3A_1050] : memref<200x128xi32, #tpu.memory_space<vmem>> -> memref<1x128xi32, #tpu.memory_space<vmem>>
      %dma_wait3A_1052 = tpu.memref_squeeze %dma_wait3A_1051 : memref<1x128xi32, #tpu.memory_space<vmem>> -> memref<128xi32, #tpu.memory_space<vmem>>
      %dma_wait3A_1053 = arith.constant 0 : i32
      %dma_wait3A_1054 = arith.constant 0 : i32
      %dma_wait3A_1055 = tpu.memref_slice %arg3[%dma_wait3A_1053, %dma_wait3A_1054] : memref<2000000x64xf32, #tpu.memory_space<hbm>> -> memref<2000000x64xf32, #tpu.memory_space<hbm>>
      %dma_wait3A_1056 = tpu.memref_slice %arg7[%dma_wait3A_1045] : memref<8x!tpu.dma_semaphore, #tpu.memory_space<semaphore_mem>> -> memref<1x!tpu.dma_semaphore, #tpu.memory_space<semaphore_mem>>
      %dma_wait3A_1057 = tpu.memref_squeeze %dma_wait3A_1056 : memref<1x!tpu.dma_semaphore, #tpu.memory_space<semaphore_mem>> -> memref<!tpu.dma_semaphore, #tpu.memory_space<semaphore_mem>>
      tpu.wait_indirect_dma semaphore(%dma_wait3A_1057 : memref<!tpu.dma_semaphore, #tpu.memory_space<semaphore_mem>>) src(%dma_wait3A_1055 : memref<2000000x64xf32, #tpu.memory_space<hbm>>) dst(%dma_wait3A_1049 : memref<128x64xf32, #tpu.memory_space<vmem>>)
      %mul3A_1058 = arith.constant 128 : i32
      %mul3A_1059 = arith.muli %add3A_1043, %mul3A_1058 : i32
      %add3A_1060 = arith.addi %mul3A_2, %mul3A_1059 : i32
      %dma_start3A_1061 = arith.constant 1 : i32
      %dma_start3A_1062 = arith.constant 1 : i32
      %dma_start3A_1063 = arith.constant 0 : i32
      %dma_start3A_1064 = arith.constant 0 : i32
      %dma_start3A_1065 = tpu.memref_slice %arg6[%dma_start3A_1061, %dma_start3A_1063, %dma_start3A_1064] : memref<8x128x64xf32, #tpu.memory_space<vmem>> -> memref<1x128x64xf32, #tpu.memory_space<vmem>>
      %dma_start3A_1066 = tpu.memref_squeeze %dma_start3A_1065 : memref<1x128x64xf32, #tpu.memory_space<vmem>> -> memref<128x64xf32, #tpu.memory_space<vmem>>
      %dma_start3A_1067 = arith.constant 0 : i32
      %dma_start3A_1068 = tpu.memref_slice %arg4[%add3A_1060, %dma_start3A_1067] : memref<819200x128xf32, #tpu.memory_space<hbm>> -> memref<128x64xf32, #tpu.memory_space<hbm>>
      %dma_start3A_1069 = tpu.memref_slice %arg8[%dma_start3A_1062] : memref<8x!tpu.dma_semaphore, #tpu.memory_space<semaphore_mem>> -> memref<1x!tpu.dma_semaphore, #tpu.memory_space<semaphore_mem>>
      %dma_start3A_1070 = tpu.memref_squeeze %dma_start3A_1069 : memref<1x!tpu.dma_semaphore, #tpu.memory_space<semaphore_mem>> -> memref<!tpu.dma_semaphore, #tpu.memory_space<semaphore_mem>>
      %dma_start3A_1071 = arith.constant 0 : i32
      %dma_start3A_1072 = tpu.memref_slice %arg4[%add3A_1060, %dma_start3A_1071] : memref<819200x128xf32, #tpu.memory_space<hbm>> -> memref<128x64xf32, #tpu.memory_space<hbm>>
      %dma_start3A_1073 = arith.constant 0 : i32
      %dma_start3A_1074 = arith.constant 0 : i32
      %dma_start3A_1075 = tpu.memref_slice %arg6[%dma_start3A_1061, %dma_start3A_1073, %dma_start3A_1074] : memref<8x128x64xf32, #tpu.memory_space<vmem>> -> memref<1x128x64xf32, #tpu.memory_space<vmem>>
      %dma_start3A_1076 = tpu.memref_squeeze %dma_start3A_1075 : memref<1x128x64xf32, #tpu.memory_space<vmem>> -> memref<128x64xf32, #tpu.memory_space<vmem>>
      tpu.enqueue_dma source(%dma_start3A_1076 : memref<128x64xf32, #tpu.memory_space<vmem>>) target(%dma_start3A_1072 : memref<128x64xf32, #tpu.memory_space<hbm>>) target_semaphore(%dma_start3A_1070 : memref<!tpu.dma_semaphore, #tpu.memory_space<semaphore_mem>>)
      %sub3A_1077 = arith.constant 2 : i32
      %sub3A_1078 = arith.subi %add3A_1043, %sub3A_1077 : i32
      %mul3A_1079 = arith.constant 128 : i32
      %mul3A_1080 = arith.muli %sub3A_1078, %mul3A_1079 : i32
      %add3A_1081 = arith.addi %mul3A_2, %mul3A_1080 : i32
      %dma_wait3A_1082 = arith.constant 7 : i32
      %dma_wait3A_1083 = arith.constant 7 : i32
      %dma_wait3A_1084 = arith.constant 0 : i32
      %dma_wait3A_1085 = arith.constant 0 : i32
      %dma_wait3A_1086 = tpu.memref_slice %arg6[%dma_wait3A_1082, %dma_wait3A_1084, %dma_wait3A_1085] : memref<8x128x64xf32, #tpu.memory_space<vmem>> -> memref<1x128x64xf32, #tpu.memory_space<vmem>>
      %dma_wait3A_1087 = tpu.memref_squeeze %dma_wait3A_1086 : memref<1x128x64xf32, #tpu.memory_space<vmem>> -> memref<128x64xf32, #tpu.memory_space<vmem>>
      %dma_wait3A_1088 = arith.constant 0 : i32
      %dma_wait3A_1089 = tpu.memref_slice %arg4[%add3A_1081, %dma_wait3A_1088] : memref<819200x128xf32, #tpu.memory_space<hbm>> -> memref<128x64xf32, #tpu.memory_space<hbm>>
      %dma_wait3A_1090 = tpu.memref_slice %arg8[%dma_wait3A_1083] : memref<8x!tpu.dma_semaphore, #tpu.memory_space<semaphore_mem>> -> memref<1x!tpu.dma_semaphore, #tpu.memory_space<semaphore_mem>>
      %dma_wait3A_1091 = tpu.memref_squeeze %dma_wait3A_1090 : memref<1x!tpu.dma_semaphore, #tpu.memory_space<semaphore_mem>> -> memref<!tpu.dma_semaphore, #tpu.memory_space<semaphore_mem>>
      %dma_wait3A_1092 = arith.constant 0 : i32
      %dma_wait3A_1093 = tpu.memref_slice %arg4[%add3A_1081, %dma_wait3A_1092] : memref<819200x128xf32, #tpu.memory_space<hbm>> -> memref<128x64xf32, #tpu.memory_space<hbm>>
      %dma_wait3A_1094 = arith.constant 0 : i32
      %dma_wait3A_1095 = arith.constant 0 : i32
      %dma_wait3A_1096 = tpu.memref_slice %arg6[%dma_wait3A_1082, %dma_wait3A_1094, %dma_wait3A_1095] : memref<8x128x64xf32, #tpu.memory_space<vmem>> -> memref<1x128x64xf32, #tpu.memory_space<vmem>>
      %dma_wait3A_1097 = tpu.memref_squeeze %dma_wait3A_1096 : memref<1x128x64xf32, #tpu.memory_space<vmem>> -> memref<128x64xf32, #tpu.memory_space<vmem>>
      tpu.wait_dma2 semaphore(%dma_wait3A_1091 : memref<!tpu.dma_semaphore, #tpu.memory_space<semaphore_mem>>) src(%dma_wait3A_1097 : memref<128x64xf32, #tpu.memory_space<vmem>>) dst(%dma_wait3A_1093 : memref<128x64xf32, #tpu.memory_space<hbm>>)
      %add3A_1098 = arith.constant 6 : i32
      %add3A_1099 = arith.addi %add3A_1043, %add3A_1098 : i32
      %dma_start3A_1100 = arith.constant 7 : i32
      %dma_start3A_1101 = arith.constant 7 : i32
      %dma_start3A_1102 = arith.constant 0 : i32
      %dma_start3A_1103 = arith.constant 0 : i32
      %dma_start3A_1104 = tpu.memref_slice %arg6[%dma_start3A_1100, %dma_start3A_1102, %dma_start3A_1103] : memref<8x128x64xf32, #tpu.memory_space<vmem>> -> memref<1x128x64xf32, #tpu.memory_space<vmem>>
      %dma_start3A_1105 = tpu.memref_squeeze %dma_start3A_1104 : memref<1x128x64xf32, #tpu.memory_space<vmem>> -> memref<128x64xf32, #tpu.memory_space<vmem>>
      %dma_start3A_1106 = arith.constant 0 : i32
      %dma_start3A_1107 = tpu.memref_slice %arg5[%add3A_1099, %dma_start3A_1106] : memref<200x128xi32, #tpu.memory_space<vmem>> -> memref<1x128xi32, #tpu.memory_space<vmem>>
      %dma_start3A_1108 = tpu.memref_squeeze %dma_start3A_1107 : memref<1x128xi32, #tpu.memory_space<vmem>> -> memref<128xi32, #tpu.memory_space<vmem>>
      %dma_start3A_1109 = arith.constant 0 : i32
      %dma_start3A_1110 = arith.constant 0 : i32
      %dma_start3A_1111 = tpu.memref_slice %arg3[%dma_start3A_1109, %dma_start3A_1110] : memref<2000000x64xf32, #tpu.memory_space<hbm>> -> memref<2000000x64xf32, #tpu.memory_space<hbm>>
      %dma_start3A_1112 = tpu.memref_slice %arg7[%dma_start3A_1101] : memref<8x!tpu.dma_semaphore, #tpu.memory_space<semaphore_mem>> -> memref<1x!tpu.dma_semaphore, #tpu.memory_space<semaphore_mem>>
      %dma_start3A_1113 = tpu.memref_squeeze %dma_start3A_1112 : memref<1x!tpu.dma_semaphore, #tpu.memory_space<semaphore_mem>> -> memref<!tpu.dma_semaphore, #tpu.memory_space<semaphore_mem>>
      tpu.enqueue_indirect_dma source(%dma_start3A_1111 : memref<2000000x64xf32, #tpu.memory_space<hbm>>) target(%dma_start3A_1105 : memref<128x64xf32, #tpu.memory_space<vmem>>) offsets(%dma_start3A_1108 : memref<128xi32, #tpu.memory_space<vmem>>) semaphore(%dma_start3A_1113 : memref<!tpu.dma_semaphore, #tpu.memory_space<semaphore_mem>>)
    }
    %scan3A_191 = arith.constant 24 : i32
    %dma_wait3A_192 = arith.constant 194 : i32
    %dma_wait3A_193 = arith.constant 2 : i32
    %dma_wait3A_194 = arith.constant 2 : i32
    %dma_wait3A_195 = arith.constant 0 : i32
    %dma_wait3A_196 = arith.constant 0 : i32
    %dma_wait3A_197 = tpu.memref_slice %arg6[%dma_wait3A_193, %dma_wait3A_195, %dma_wait3A_196] : memref<8x128x64xf32, #tpu.memory_space<vmem>> -> memref<1x128x64xf32, #tpu.memory_space<vmem>>
    %dma_wait3A_198 = tpu.memref_squeeze %dma_wait3A_197 : memref<1x128x64xf32, #tpu.memory_space<vmem>> -> memref<128x64xf32, #tpu.memory_space<vmem>>
    %dma_wait3A_199 = arith.constant 0 : i32
    %dma_wait3A_200 = tpu.memref_slice %arg5[%dma_wait3A_192, %dma_wait3A_199] : memref<200x128xi32, #tpu.memory_space<vmem>> -> memref<1x128xi32, #tpu.memory_space<vmem>>
    %dma_wait3A_201 = tpu.memref_squeeze %dma_wait3A_200 : memref<1x128xi32, #tpu.memory_space<vmem>> -> memref<128xi32, #tpu.memory_space<vmem>>
    %dma_wait3A_202 = arith.constant 0 : i32
    %dma_wait3A_203 = arith.constant 0 : i32
    %dma_wait3A_204 = tpu.memref_slice %arg3[%dma_wait3A_202, %dma_wait3A_203] : memref<2000000x64xf32, #tpu.memory_space<hbm>> -> memref<2000000x64xf32, #tpu.memory_space<hbm>>
    %dma_wait3A_205 = tpu.memref_slice %arg7[%dma_wait3A_194] : memref<8x!tpu.dma_semaphore, #tpu.memory_space<semaphore_mem>> -> memref<1x!tpu.dma_semaphore, #tpu.memory_space<semaphore_mem>>
    %dma_wait3A_206 = tpu.memref_squeeze %dma_wait3A_205 : memref<1x!tpu.dma_semaphore, #tpu.memory_space<semaphore_mem>> -> memref<!tpu.dma_semaphore, #tpu.memory_space<semaphore_mem>>
    tpu.wait_indirect_dma semaphore(%dma_wait3A_206 : memref<!tpu.dma_semaphore, #tpu.memory_space<semaphore_mem>>) src(%dma_wait3A_204 : memref<2000000x64xf32, #tpu.memory_space<hbm>>) dst(%dma_wait3A_198 : memref<128x64xf32, #tpu.memory_space<vmem>>)
    %add3A_207 = arith.constant 24832 : i32
    %add3A_208 = arith.addi %mul3A_2, %add3A_207 : i32
    %dma_start3A_209 = arith.constant 2 : i32
    %dma_start3A_210 = arith.constant 2 : i32
    %dma_start3A_211 = arith.constant 0 : i32
    %dma_start3A_212 = arith.constant 0 : i32
    %dma_start3A_213 = tpu.memref_slice %arg6[%dma_start3A_209, %dma_start3A_211, %dma_start3A_212] : memref<8x128x64xf32, #tpu.memory_space<vmem>> -> memref<1x128x64xf32, #tpu.memory_space<vmem>>
    %dma_start3A_214 = tpu.memref_squeeze %dma_start3A_213 : memref<1x128x64xf32, #tpu.memory_space<vmem>> -> memref<128x64xf32, #tpu.memory_space<vmem>>
    %dma_start3A_215 = arith.constant 0 : i32
    %dma_start3A_216 = tpu.memref_slice %arg4[%add3A_208, %dma_start3A_215] : memref<819200x128xf32, #tpu.memory_space<hbm>> -> memref<128x64xf32, #tpu.memory_space<hbm>>
    %dma_start3A_217 = tpu.memref_slice %arg8[%dma_start3A_210] : memref<8x!tpu.dma_semaphore, #tpu.memory_space<semaphore_mem>> -> memref<1x!tpu.dma_semaphore, #tpu.memory_space<semaphore_mem>>
    %dma_start3A_218 = tpu.memref_squeeze %dma_start3A_217 : memref<1x!tpu.dma_semaphore, #tpu.memory_space<semaphore_mem>> -> memref<!tpu.dma_semaphore, #tpu.memory_space<semaphore_mem>>
    %dma_start3A_219 = arith.constant 0 : i32
    %dma_start3A_220 = tpu.memref_slice %arg4[%add3A_208, %dma_start3A_219] : memref<819200x128xf32, #tpu.memory_space<hbm>> -> memref<128x64xf32, #tpu.memory_space<hbm>>
    %dma_start3A_221 = arith.constant 0 : i32
    %dma_start3A_222 = arith.constant 0 : i32
    %dma_start3A_223 = tpu.memref_slice %arg6[%dma_start3A_209, %dma_start3A_221, %dma_start3A_222] : memref<8x128x64xf32, #tpu.memory_space<vmem>> -> memref<1x128x64xf32, #tpu.memory_space<vmem>>
    %dma_start3A_224 = tpu.memref_squeeze %dma_start3A_223 : memref<1x128x64xf32, #tpu.memory_space<vmem>> -> memref<128x64xf32, #tpu.memory_space<vmem>>
    tpu.enqueue_dma source(%dma_start3A_224 : memref<128x64xf32, #tpu.memory_space<vmem>>) target(%dma_start3A_220 : memref<128x64xf32, #tpu.memory_space<hbm>>) target_semaphore(%dma_start3A_218 : memref<!tpu.dma_semaphore, #tpu.memory_space<semaphore_mem>>)
    %dma_wait3A_225 = arith.constant 195 : i32
    %dma_wait3A_226 = arith.constant 3 : i32
    %dma_wait3A_227 = arith.constant 3 : i32
    %dma_wait3A_228 = arith.constant 0 : i32
    %dma_wait3A_229 = arith.constant 0 : i32
    %dma_wait3A_230 = tpu.memref_slice %arg6[%dma_wait3A_226, %dma_wait3A_228, %dma_wait3A_229] : memref<8x128x64xf32, #tpu.memory_space<vmem>> -> memref<1x128x64xf32, #tpu.memory_space<vmem>>
    %dma_wait3A_231 = tpu.memref_squeeze %dma_wait3A_230 : memref<1x128x64xf32, #tpu.memory_space<vmem>> -> memref<128x64xf32, #tpu.memory_space<vmem>>
    %dma_wait3A_232 = arith.constant 0 : i32
    %dma_wait3A_233 = tpu.memref_slice %arg5[%dma_wait3A_225, %dma_wait3A_232] : memref<200x128xi32, #tpu.memory_space<vmem>> -> memref<1x128xi32, #tpu.memory_space<vmem>>
    %dma_wait3A_234 = tpu.memref_squeeze %dma_wait3A_233 : memref<1x128xi32, #tpu.memory_space<vmem>> -> memref<128xi32, #tpu.memory_space<vmem>>
    %dma_wait3A_235 = arith.constant 0 : i32
    %dma_wait3A_236 = arith.constant 0 : i32
    %dma_wait3A_237 = tpu.memref_slice %arg3[%dma_wait3A_235, %dma_wait3A_236] : memref<2000000x64xf32, #tpu.memory_space<hbm>> -> memref<2000000x64xf32, #tpu.memory_space<hbm>>
    %dma_wait3A_238 = tpu.memref_slice %arg7[%dma_wait3A_227] : memref<8x!tpu.dma_semaphore, #tpu.memory_space<semaphore_mem>> -> memref<1x!tpu.dma_semaphore, #tpu.memory_space<semaphore_mem>>
    %dma_wait3A_239 = tpu.memref_squeeze %dma_wait3A_238 : memref<1x!tpu.dma_semaphore, #tpu.memory_space<semaphore_mem>> -> memref<!tpu.dma_semaphore, #tpu.memory_space<semaphore_mem>>
    tpu.wait_indirect_dma semaphore(%dma_wait3A_239 : memref<!tpu.dma_semaphore, #tpu.memory_space<semaphore_mem>>) src(%dma_wait3A_237 : memref<2000000x64xf32, #tpu.memory_space<hbm>>) dst(%dma_wait3A_231 : memref<128x64xf32, #tpu.memory_space<vmem>>)
    %add3A_240 = arith.constant 24960 : i32
    %add3A_241 = arith.addi %mul3A_2, %add3A_240 : i32
    %dma_start3A_242 = arith.constant 3 : i32
    %dma_start3A_243 = arith.constant 3 : i32
    %dma_start3A_244 = arith.constant 0 : i32
    %dma_start3A_245 = arith.constant 0 : i32
    %dma_start3A_246 = tpu.memref_slice %arg6[%dma_start3A_242, %dma_start3A_244, %dma_start3A_245] : memref<8x128x64xf32, #tpu.memory_space<vmem>> -> memref<1x128x64xf32, #tpu.memory_space<vmem>>
    %dma_start3A_247 = tpu.memref_squeeze %dma_start3A_246 : memref<1x128x64xf32, #tpu.memory_space<vmem>> -> memref<128x64xf32, #tpu.memory_space<vmem>>
    %dma_start3A_248 = arith.constant 0 : i32
    %dma_start3A_249 = tpu.memref_slice %arg4[%add3A_241, %dma_start3A_248] : memref<819200x128xf32, #tpu.memory_space<hbm>> -> memref<128x64xf32, #tpu.memory_space<hbm>>
    %dma_start3A_250 = tpu.memref_slice %arg8[%dma_start3A_243] : memref<8x!tpu.dma_semaphore, #tpu.memory_space<semaphore_mem>> -> memref<1x!tpu.dma_semaphore, #tpu.memory_space<semaphore_mem>>
    %dma_start3A_251 = tpu.memref_squeeze %dma_start3A_250 : memref<1x!tpu.dma_semaphore, #tpu.memory_space<semaphore_mem>> -> memref<!tpu.dma_semaphore, #tpu.memory_space<semaphore_mem>>
    %dma_start3A_252 = arith.constant 0 : i32
    %dma_start3A_253 = tpu.memref_slice %arg4[%add3A_241, %dma_start3A_252] : memref<819200x128xf32, #tpu.memory_space<hbm>> -> memref<128x64xf32, #tpu.memory_space<hbm>>
    %dma_start3A_254 = arith.constant 0 : i32
    %dma_start3A_255 = arith.constant 0 : i32
    %dma_start3A_256 = tpu.memref_slice %arg6[%dma_start3A_242, %dma_start3A_254, %dma_start3A_255] : memref<8x128x64xf32, #tpu.memory_space<vmem>> -> memref<1x128x64xf32, #tpu.memory_space<vmem>>
    %dma_start3A_257 = tpu.memref_squeeze %dma_start3A_256 : memref<1x128x64xf32, #tpu.memory_space<vmem>> -> memref<128x64xf32, #tpu.memory_space<vmem>>
    tpu.enqueue_dma source(%dma_start3A_257 : memref<128x64xf32, #tpu.memory_space<vmem>>) target(%dma_start3A_253 : memref<128x64xf32, #tpu.memory_space<hbm>>) target_semaphore(%dma_start3A_251 : memref<!tpu.dma_semaphore, #tpu.memory_space<semaphore_mem>>)
    %dma_wait3A_258 = arith.constant 196 : i32
    %dma_wait3A_259 = arith.constant 4 : i32
    %dma_wait3A_260 = arith.constant 4 : i32
    %dma_wait3A_261 = arith.constant 0 : i32
    %dma_wait3A_262 = arith.constant 0 : i32
    %dma_wait3A_263 = tpu.memref_slice %arg6[%dma_wait3A_259, %dma_wait3A_261, %dma_wait3A_262] : memref<8x128x64xf32, #tpu.memory_space<vmem>> -> memref<1x128x64xf32, #tpu.memory_space<vmem>>
    %dma_wait3A_264 = tpu.memref_squeeze %dma_wait3A_263 : memref<1x128x64xf32, #tpu.memory_space<vmem>> -> memref<128x64xf32, #tpu.memory_space<vmem>>
    %dma_wait3A_265 = arith.constant 0 : i32
    %dma_wait3A_266 = tpu.memref_slice %arg5[%dma_wait3A_258, %dma_wait3A_265] : memref<200x128xi32, #tpu.memory_space<vmem>> -> memref<1x128xi32, #tpu.memory_space<vmem>>
    %dma_wait3A_267 = tpu.memref_squeeze %dma_wait3A_266 : memref<1x128xi32, #tpu.memory_space<vmem>> -> memref<128xi32, #tpu.memory_space<vmem>>
    %dma_wait3A_268 = arith.constant 0 : i32
    %dma_wait3A_269 = arith.constant 0 : i32
    %dma_wait3A_270 = tpu.memref_slice %arg3[%dma_wait3A_268, %dma_wait3A_269] : memref<2000000x64xf32, #tpu.memory_space<hbm>> -> memref<2000000x64xf32, #tpu.memory_space<hbm>>
    %dma_wait3A_271 = tpu.memref_slice %arg7[%dma_wait3A_260] : memref<8x!tpu.dma_semaphore, #tpu.memory_space<semaphore_mem>> -> memref<1x!tpu.dma_semaphore, #tpu.memory_space<semaphore_mem>>
    %dma_wait3A_272 = tpu.memref_squeeze %dma_wait3A_271 : memref<1x!tpu.dma_semaphore, #tpu.memory_space<semaphore_mem>> -> memref<!tpu.dma_semaphore, #tpu.memory_space<semaphore_mem>>
    tpu.wait_indirect_dma semaphore(%dma_wait3A_272 : memref<!tpu.dma_semaphore, #tpu.memory_space<semaphore_mem>>) src(%dma_wait3A_270 : memref<2000000x64xf32, #tpu.memory_space<hbm>>) dst(%dma_wait3A_264 : memref<128x64xf32, #tpu.memory_space<vmem>>)
    %add3A_273 = arith.constant 25088 : i32
    %add3A_274 = arith.addi %mul3A_2, %add3A_273 : i32
    %dma_start3A_275 = arith.constant 4 : i32
    %dma_start3A_276 = arith.constant 4 : i32
    %dma_start3A_277 = arith.constant 0 : i32
    %dma_start3A_278 = arith.constant 0 : i32
    %dma_start3A_279 = tpu.memref_slice %arg6[%dma_start3A_275, %dma_start3A_277, %dma_start3A_278] : memref<8x128x64xf32, #tpu.memory_space<vmem>> -> memref<1x128x64xf32, #tpu.memory_space<vmem>>
    %dma_start3A_280 = tpu.memref_squeeze %dma_start3A_279 : memref<1x128x64xf32, #tpu.memory_space<vmem>> -> memref<128x64xf32, #tpu.memory_space<vmem>>
    %dma_start3A_281 = arith.constant 0 : i32
    %dma_start3A_282 = tpu.memref_slice %arg4[%add3A_274, %dma_start3A_281] : memref<819200x128xf32, #tpu.memory_space<hbm>> -> memref<128x64xf32, #tpu.memory_space<hbm>>
    %dma_start3A_283 = tpu.memref_slice %arg8[%dma_start3A_276] : memref<8x!tpu.dma_semaphore, #tpu.memory_space<semaphore_mem>> -> memref<1x!tpu.dma_semaphore, #tpu.memory_space<semaphore_mem>>
    %dma_start3A_284 = tpu.memref_squeeze %dma_start3A_283 : memref<1x!tpu.dma_semaphore, #tpu.memory_space<semaphore_mem>> -> memref<!tpu.dma_semaphore, #tpu.memory_space<semaphore_mem>>
    %dma_start3A_285 = arith.constant 0 : i32
    %dma_start3A_286 = tpu.memref_slice %arg4[%add3A_274, %dma_start3A_285] : memref<819200x128xf32, #tpu.memory_space<hbm>> -> memref<128x64xf32, #tpu.memory_space<hbm>>
    %dma_start3A_287 = arith.constant 0 : i32
    %dma_start3A_288 = arith.constant 0 : i32
    %dma_start3A_289 = tpu.memref_slice %arg6[%dma_start3A_275, %dma_start3A_287, %dma_start3A_288] : memref<8x128x64xf32, #tpu.memory_space<vmem>> -> memref<1x128x64xf32, #tpu.memory_space<vmem>>
    %dma_start3A_290 = tpu.memref_squeeze %dma_start3A_289 : memref<1x128x64xf32, #tpu.memory_space<vmem>> -> memref<128x64xf32, #tpu.memory_space<vmem>>
    tpu.enqueue_dma source(%dma_start3A_290 : memref<128x64xf32, #tpu.memory_space<vmem>>) target(%dma_start3A_286 : memref<128x64xf32, #tpu.memory_space<hbm>>) target_semaphore(%dma_start3A_284 : memref<!tpu.dma_semaphore, #tpu.memory_space<semaphore_mem>>)
    %dma_wait3A_291 = arith.constant 197 : i32
    %dma_wait3A_292 = arith.constant 5 : i32
    %dma_wait3A_293 = arith.constant 5 : i32
    %dma_wait3A_294 = arith.constant 0 : i32
    %dma_wait3A_295 = arith.constant 0 : i32
    %dma_wait3A_296 = tpu.memref_slice %arg6[%dma_wait3A_292, %dma_wait3A_294, %dma_wait3A_295] : memref<8x128x64xf32, #tpu.memory_space<vmem>> -> memref<1x128x64xf32, #tpu.memory_space<vmem>>
    %dma_wait3A_297 = tpu.memref_squeeze %dma_wait3A_296 : memref<1x128x64xf32, #tpu.memory_space<vmem>> -> memref<128x64xf32, #tpu.memory_space<vmem>>
    %dma_wait3A_298 = arith.constant 0 : i32
    %dma_wait3A_299 = tpu.memref_slice %arg5[%dma_wait3A_291, %dma_wait3A_298] : memref<200x128xi32, #tpu.memory_space<vmem>> -> memref<1x128xi32, #tpu.memory_space<vmem>>
    %dma_wait3A_300 = tpu.memref_squeeze %dma_wait3A_299 : memref<1x128xi32, #tpu.memory_space<vmem>> -> memref<128xi32, #tpu.memory_space<vmem>>
    %dma_wait3A_301 = arith.constant 0 : i32
    %dma_wait3A_302 = arith.constant 0 : i32
    %dma_wait3A_303 = tpu.memref_slice %arg3[%dma_wait3A_301, %dma_wait3A_302] : memref<2000000x64xf32, #tpu.memory_space<hbm>> -> memref<2000000x64xf32, #tpu.memory_space<hbm>>
    %dma_wait3A_304 = tpu.memref_slice %arg7[%dma_wait3A_293] : memref<8x!tpu.dma_semaphore, #tpu.memory_space<semaphore_mem>> -> memref<1x!tpu.dma_semaphore, #tpu.memory_space<semaphore_mem>>
    %dma_wait3A_305 = tpu.memref_squeeze %dma_wait3A_304 : memref<1x!tpu.dma_semaphore, #tpu.memory_space<semaphore_mem>> -> memref<!tpu.dma_semaphore, #tpu.memory_space<semaphore_mem>>
    tpu.wait_indirect_dma semaphore(%dma_wait3A_305 : memref<!tpu.dma_semaphore, #tpu.memory_space<semaphore_mem>>) src(%dma_wait3A_303 : memref<2000000x64xf32, #tpu.memory_space<hbm>>) dst(%dma_wait3A_297 : memref<128x64xf32, #tpu.memory_space<vmem>>)
    %add3A_306 = arith.constant 25216 : i32
    %add3A_307 = arith.addi %mul3A_2, %add3A_306 : i32
    %dma_start3A_308 = arith.constant 5 : i32
    %dma_start3A_309 = arith.constant 5 : i32
    %dma_start3A_310 = arith.constant 0 : i32
    %dma_start3A_311 = arith.constant 0 : i32
    %dma_start3A_312 = tpu.memref_slice %arg6[%dma_start3A_308, %dma_start3A_310, %dma_start3A_311] : memref<8x128x64xf32, #tpu.memory_space<vmem>> -> memref<1x128x64xf32, #tpu.memory_space<vmem>>
    %dma_start3A_313 = tpu.memref_squeeze %dma_start3A_312 : memref<1x128x64xf32, #tpu.memory_space<vmem>> -> memref<128x64xf32, #tpu.memory_space<vmem>>
    %dma_start3A_314 = arith.constant 0 : i32
    %dma_start3A_315 = tpu.memref_slice %arg4[%add3A_307, %dma_start3A_314] : memref<819200x128xf32, #tpu.memory_space<hbm>> -> memref<128x64xf32, #tpu.memory_space<hbm>>
    %dma_start3A_316 = tpu.memref_slice %arg8[%dma_start3A_309] : memref<8x!tpu.dma_semaphore, #tpu.memory_space<semaphore_mem>> -> memref<1x!tpu.dma_semaphore, #tpu.memory_space<semaphore_mem>>
    %dma_start3A_317 = tpu.memref_squeeze %dma_start3A_316 : memref<1x!tpu.dma_semaphore, #tpu.memory_space<semaphore_mem>> -> memref<!tpu.dma_semaphore, #tpu.memory_space<semaphore_mem>>
    %dma_start3A_318 = arith.constant 0 : i32
    %dma_start3A_319 = tpu.memref_slice %arg4[%add3A_307, %dma_start3A_318] : memref<819200x128xf32, #tpu.memory_space<hbm>> -> memref<128x64xf32, #tpu.memory_space<hbm>>
    %dma_start3A_320 = arith.constant 0 : i32
    %dma_start3A_321 = arith.constant 0 : i32
    %dma_start3A_322 = tpu.memref_slice %arg6[%dma_start3A_308, %dma_start3A_320, %dma_start3A_321] : memref<8x128x64xf32, #tpu.memory_space<vmem>> -> memref<1x128x64xf32, #tpu.memory_space<vmem>>
    %dma_start3A_323 = tpu.memref_squeeze %dma_start3A_322 : memref<1x128x64xf32, #tpu.memory_space<vmem>> -> memref<128x64xf32, #tpu.memory_space<vmem>>
    tpu.enqueue_dma source(%dma_start3A_323 : memref<128x64xf32, #tpu.memory_space<vmem>>) target(%dma_start3A_319 : memref<128x64xf32, #tpu.memory_space<hbm>>) target_semaphore(%dma_start3A_317 : memref<!tpu.dma_semaphore, #tpu.memory_space<semaphore_mem>>)
    %dma_wait3A_324 = arith.constant 198 : i32
    %dma_wait3A_325 = arith.constant 6 : i32
    %dma_wait3A_326 = arith.constant 6 : i32
    %dma_wait3A_327 = arith.constant 0 : i32
    %dma_wait3A_328 = arith.constant 0 : i32
    %dma_wait3A_329 = tpu.memref_slice %arg6[%dma_wait3A_325, %dma_wait3A_327, %dma_wait3A_328] : memref<8x128x64xf32, #tpu.memory_space<vmem>> -> memref<1x128x64xf32, #tpu.memory_space<vmem>>
    %dma_wait3A_330 = tpu.memref_squeeze %dma_wait3A_329 : memref<1x128x64xf32, #tpu.memory_space<vmem>> -> memref<128x64xf32, #tpu.memory_space<vmem>>
    %dma_wait3A_331 = arith.constant 0 : i32
    %dma_wait3A_332 = tpu.memref_slice %arg5[%dma_wait3A_324, %dma_wait3A_331] : memref<200x128xi32, #tpu.memory_space<vmem>> -> memref<1x128xi32, #tpu.memory_space<vmem>>
    %dma_wait3A_333 = tpu.memref_squeeze %dma_wait3A_332 : memref<1x128xi32, #tpu.memory_space<vmem>> -> memref<128xi32, #tpu.memory_space<vmem>>
    %dma_wait3A_334 = arith.constant 0 : i32
    %dma_wait3A_335 = arith.constant 0 : i32
    %dma_wait3A_336 = tpu.memref_slice %arg3[%dma_wait3A_334, %dma_wait3A_335] : memref<2000000x64xf32, #tpu.memory_space<hbm>> -> memref<2000000x64xf32, #tpu.memory_space<hbm>>
    %dma_wait3A_337 = tpu.memref_slice %arg7[%dma_wait3A_326] : memref<8x!tpu.dma_semaphore, #tpu.memory_space<semaphore_mem>> -> memref<1x!tpu.dma_semaphore, #tpu.memory_space<semaphore_mem>>
    %dma_wait3A_338 = tpu.memref_squeeze %dma_wait3A_337 : memref<1x!tpu.dma_semaphore, #tpu.memory_space<semaphore_mem>> -> memref<!tpu.dma_semaphore, #tpu.memory_space<semaphore_mem>>
    tpu.wait_indirect_dma semaphore(%dma_wait3A_338 : memref<!tpu.dma_semaphore, #tpu.memory_space<semaphore_mem>>) src(%dma_wait3A_336 : memref<2000000x64xf32, #tpu.memory_space<hbm>>) dst(%dma_wait3A_330 : memref<128x64xf32, #tpu.memory_space<vmem>>)
    %add3A_339 = arith.constant 25344 : i32
    %add3A_340 = arith.addi %mul3A_2, %add3A_339 : i32
    %dma_start3A_341 = arith.constant 6 : i32
    %dma_start3A_342 = arith.constant 6 : i32
    %dma_start3A_343 = arith.constant 0 : i32
    %dma_start3A_344 = arith.constant 0 : i32
    %dma_start3A_345 = tpu.memref_slice %arg6[%dma_start3A_341, %dma_start3A_343, %dma_start3A_344] : memref<8x128x64xf32, #tpu.memory_space<vmem>> -> memref<1x128x64xf32, #tpu.memory_space<vmem>>
    %dma_start3A_346 = tpu.memref_squeeze %dma_start3A_345 : memref<1x128x64xf32, #tpu.memory_space<vmem>> -> memref<128x64xf32, #tpu.memory_space<vmem>>
    %dma_start3A_347 = arith.constant 0 : i32
    %dma_start3A_348 = tpu.memref_slice %arg4[%add3A_340, %dma_start3A_347] : memref<819200x128xf32, #tpu.memory_space<hbm>> -> memref<128x64xf32, #tpu.memory_space<hbm>>
    %dma_start3A_349 = tpu.memref_slice %arg8[%dma_start3A_342] : memref<8x!tpu.dma_semaphore, #tpu.memory_space<semaphore_mem>> -> memref<1x!tpu.dma_semaphore, #tpu.memory_space<semaphore_mem>>
    %dma_start3A_350 = tpu.memref_squeeze %dma_start3A_349 : memref<1x!tpu.dma_semaphore, #tpu.memory_space<semaphore_mem>> -> memref<!tpu.dma_semaphore, #tpu.memory_space<semaphore_mem>>
    %dma_start3A_351 = arith.constant 0 : i32
    %dma_start3A_352 = tpu.memref_slice %arg4[%add3A_340, %dma_start3A_351] : memref<819200x128xf32, #tpu.memory_space<hbm>> -> memref<128x64xf32, #tpu.memory_space<hbm>>
    %dma_start3A_353 = arith.constant 0 : i32
    %dma_start3A_354 = arith.constant 0 : i32
    %dma_start3A_355 = tpu.memref_slice %arg6[%dma_start3A_341, %dma_start3A_353, %dma_start3A_354] : memref<8x128x64xf32, #tpu.memory_space<vmem>> -> memref<1x128x64xf32, #tpu.memory_space<vmem>>
    %dma_start3A_356 = tpu.memref_squeeze %dma_start3A_355 : memref<1x128x64xf32, #tpu.memory_space<vmem>> -> memref<128x64xf32, #tpu.memory_space<vmem>>
    tpu.enqueue_dma source(%dma_start3A_356 : memref<128x64xf32, #tpu.memory_space<vmem>>) target(%dma_start3A_352 : memref<128x64xf32, #tpu.memory_space<hbm>>) target_semaphore(%dma_start3A_350 : memref<!tpu.dma_semaphore, #tpu.memory_space<semaphore_mem>>)
    %dma_wait3A_357 = arith.constant 199 : i32
    %dma_wait3A_358 = arith.constant 7 : i32
    %dma_wait3A_359 = arith.constant 7 : i32
    %dma_wait3A_360 = arith.constant 0 : i32
    %dma_wait3A_361 = arith.constant 0 : i32
    %dma_wait3A_362 = tpu.memref_slice %arg6[%dma_wait3A_358, %dma_wait3A_360, %dma_wait3A_361] : memref<8x128x64xf32, #tpu.memory_space<vmem>> -> memref<1x128x64xf32, #tpu.memory_space<vmem>>
    %dma_wait3A_363 = tpu.memref_squeeze %dma_wait3A_362 : memref<1x128x64xf32, #tpu.memory_space<vmem>> -> memref<128x64xf32, #tpu.memory_space<vmem>>
    %dma_wait3A_364 = arith.constant 0 : i32
    %dma_wait3A_365 = tpu.memref_slice %arg5[%dma_wait3A_357, %dma_wait3A_364] : memref<200x128xi32, #tpu.memory_space<vmem>> -> memref<1x128xi32, #tpu.memory_space<vmem>>
    %dma_wait3A_366 = tpu.memref_squeeze %dma_wait3A_365 : memref<1x128xi32, #tpu.memory_space<vmem>> -> memref<128xi32, #tpu.memory_space<vmem>>
    %dma_wait3A_367 = arith.constant 0 : i32
    %dma_wait3A_368 = arith.constant 0 : i32
    %dma_wait3A_369 = tpu.memref_slice %arg3[%dma_wait3A_367, %dma_wait3A_368] : memref<2000000x64xf32, #tpu.memory_space<hbm>> -> memref<2000000x64xf32, #tpu.memory_space<hbm>>
    %dma_wait3A_370 = tpu.memref_slice %arg7[%dma_wait3A_359] : memref<8x!tpu.dma_semaphore, #tpu.memory_space<semaphore_mem>> -> memref<1x!tpu.dma_semaphore, #tpu.memory_space<semaphore_mem>>
    %dma_wait3A_371 = tpu.memref_squeeze %dma_wait3A_370 : memref<1x!tpu.dma_semaphore, #tpu.memory_space<semaphore_mem>> -> memref<!tpu.dma_semaphore, #tpu.memory_space<semaphore_mem>>
    tpu.wait_indirect_dma semaphore(%dma_wait3A_371 : memref<!tpu.dma_semaphore, #tpu.memory_space<semaphore_mem>>) src(%dma_wait3A_369 : memref<2000000x64xf32, #tpu.memory_space<hbm>>) dst(%dma_wait3A_363 : memref<128x64xf32, #tpu.memory_space<vmem>>)
    %add3A_372 = arith.constant 25472 : i32
    %add3A_373 = arith.addi %mul3A_2, %add3A_372 : i32
    %dma_start3A_374 = arith.constant 7 : i32
    %dma_start3A_375 = arith.constant 7 : i32
    %dma_start3A_376 = arith.constant 0 : i32
    %dma_start3A_377 = arith.constant 0 : i32
    %dma_start3A_378 = tpu.memref_slice %arg6[%dma_start3A_374, %dma_start3A_376, %dma_start3A_377] : memref<8x128x64xf32, #tpu.memory_space<vmem>> -> memref<1x128x64xf32, #tpu.memory_space<vmem>>
    %dma_start3A_379 = tpu.memref_squeeze %dma_start3A_378 : memref<1x128x64xf32, #tpu.memory_space<vmem>> -> memref<128x64xf32, #tpu.memory_space<vmem>>
    %dma_start3A_380 = arith.constant 0 : i32
    %dma_start3A_381 = tpu.memref_slice %arg4[%add3A_373, %dma_start3A_380] : memref<819200x128xf32, #tpu.memory_space<hbm>> -> memref<128x64xf32, #tpu.memory_space<hbm>>
    %dma_start3A_382 = tpu.memref_slice %arg8[%dma_start3A_375] : memref<8x!tpu.dma_semaphore, #tpu.memory_space<semaphore_mem>> -> memref<1x!tpu.dma_semaphore, #tpu.memory_space<semaphore_mem>>
    %dma_start3A_383 = tpu.memref_squeeze %dma_start3A_382 : memref<1x!tpu.dma_semaphore, #tpu.memory_space<semaphore_mem>> -> memref<!tpu.dma_semaphore, #tpu.memory_space<semaphore_mem>>
    %dma_start3A_384 = arith.constant 0 : i32
    %dma_start3A_385 = tpu.memref_slice %arg4[%add3A_373, %dma_start3A_384] : memref<819200x128xf32, #tpu.memory_space<hbm>> -> memref<128x64xf32, #tpu.memory_space<hbm>>
    %dma_start3A_386 = arith.constant 0 : i32
    %dma_start3A_387 = arith.constant 0 : i32
    %dma_start3A_388 = tpu.memref_slice %arg6[%dma_start3A_374, %dma_start3A_386, %dma_start3A_387] : memref<8x128x64xf32, #tpu.memory_space<vmem>> -> memref<1x128x64xf32, #tpu.memory_space<vmem>>
    %dma_start3A_389 = tpu.memref_squeeze %dma_start3A_388 : memref<1x128x64xf32, #tpu.memory_space<vmem>> -> memref<128x64xf32, #tpu.memory_space<vmem>>
    tpu.enqueue_dma source(%dma_start3A_389 : memref<128x64xf32, #tpu.memory_space<vmem>>) target(%dma_start3A_385 : memref<128x64xf32, #tpu.memory_space<hbm>>) target_semaphore(%dma_start3A_383 : memref<!tpu.dma_semaphore, #tpu.memory_space<semaphore_mem>>)
    %add3A_390 = arith.constant 24576 : i32
    %add3A_391 = arith.addi %mul3A_2, %add3A_390 : i32
    %dma_wait3A_392 = arith.constant 0 : i32
    %dma_wait3A_393 = arith.constant 0 : i32
    %dma_wait3A_394 = arith.constant 0 : i32
    %dma_wait3A_395 = arith.constant 0 : i32
    %dma_wait3A_396 = tpu.memref_slice %arg6[%dma_wait3A_392, %dma_wait3A_394, %dma_wait3A_395] : memref<8x128x64xf32, #tpu.memory_space<vmem>> -> memref<1x128x64xf32, #tpu.memory_space<vmem>>
    %dma_wait3A_397 = tpu.memref_squeeze %dma_wait3A_396 : memref<1x128x64xf32, #tpu.memory_space<vmem>> -> memref<128x64xf32, #tpu.memory_space<vmem>>
    %dma_wait3A_398 = arith.constant 0 : i32
    %dma_wait3A_399 = tpu.memref_slice %arg4[%add3A_391, %dma_wait3A_398] : memref<819200x128xf32, #tpu.memory_space<hbm>> -> memref<128x64xf32, #tpu.memory_space<hbm>>
    %dma_wait3A_400 = tpu.memref_slice %arg8[%dma_wait3A_393] : memref<8x!tpu.dma_semaphore, #tpu.memory_space<semaphore_mem>> -> memref<1x!tpu.dma_semaphore, #tpu.memory_space<semaphore_mem>>
    %dma_wait3A_401 = tpu.memref_squeeze %dma_wait3A_400 : memref<1x!tpu.dma_semaphore, #tpu.memory_space<semaphore_mem>> -> memref<!tpu.dma_semaphore, #tpu.memory_space<semaphore_mem>>
    %dma_wait3A_402 = arith.constant 0 : i32
    %dma_wait3A_403 = tpu.memref_slice %arg4[%add3A_391, %dma_wait3A_402] : memref<819200x128xf32, #tpu.memory_space<hbm>> -> memref<128x64xf32, #tpu.memory_space<hbm>>
    %dma_wait3A_404 = arith.constant 0 : i32
    %dma_wait3A_405 = arith.constant 0 : i32
    %dma_wait3A_406 = tpu.memref_slice %arg6[%dma_wait3A_392, %dma_wait3A_404, %dma_wait3A_405] : memref<8x128x64xf32, #tpu.memory_space<vmem>> -> memref<1x128x64xf32, #tpu.memory_space<vmem>>
    %dma_wait3A_407 = tpu.memref_squeeze %dma_wait3A_406 : memref<1x128x64xf32, #tpu.memory_space<vmem>> -> memref<128x64xf32, #tpu.memory_space<vmem>>
    tpu.wait_dma2 semaphore(%dma_wait3A_401 : memref<!tpu.dma_semaphore, #tpu.memory_space<semaphore_mem>>) src(%dma_wait3A_407 : memref<128x64xf32, #tpu.memory_space<vmem>>) dst(%dma_wait3A_403 : memref<128x64xf32, #tpu.memory_space<hbm>>)
    %add3A_408 = arith.constant 24704 : i32
    %add3A_409 = arith.addi %mul3A_2, %add3A_408 : i32
    %dma_wait3A_410 = arith.constant 1 : i32
    %dma_wait3A_411 = arith.constant 1 : i32
    %dma_wait3A_412 = arith.constant 0 : i32
    %dma_wait3A_413 = arith.constant 0 : i32
    %dma_wait3A_414 = tpu.memref_slice %arg6[%dma_wait3A_410, %dma_wait3A_412, %dma_wait3A_413] : memref<8x128x64xf32, #tpu.memory_space<vmem>> -> memref<1x128x64xf32, #tpu.memory_space<vmem>>
    %dma_wait3A_415 = tpu.memref_squeeze %dma_wait3A_414 : memref<1x128x64xf32, #tpu.memory_space<vmem>> -> memref<128x64xf32, #tpu.memory_space<vmem>>
    %dma_wait3A_416 = arith.constant 0 : i32
    %dma_wait3A_417 = tpu.memref_slice %arg4[%add3A_409, %dma_wait3A_416] : memref<819200x128xf32, #tpu.memory_space<hbm>> -> memref<128x64xf32, #tpu.memory_space<hbm>>
    %dma_wait3A_418 = tpu.memref_slice %arg8[%dma_wait3A_411] : memref<8x!tpu.dma_semaphore, #tpu.memory_space<semaphore_mem>> -> memref<1x!tpu.dma_semaphore, #tpu.memory_space<semaphore_mem>>
    %dma_wait3A_419 = tpu.memref_squeeze %dma_wait3A_418 : memref<1x!tpu.dma_semaphore, #tpu.memory_space<semaphore_mem>> -> memref<!tpu.dma_semaphore, #tpu.memory_space<semaphore_mem>>
    %dma_wait3A_420 = arith.constant 0 : i32
    %dma_wait3A_421 = tpu.memref_slice %arg4[%add3A_409, %dma_wait3A_420] : memref<819200x128xf32, #tpu.memory_space<hbm>> -> memref<128x64xf32, #tpu.memory_space<hbm>>
    %dma_wait3A_422 = arith.constant 0 : i32
    %dma_wait3A_423 = arith.constant 0 : i32
    %dma_wait3A_424 = tpu.memref_slice %arg6[%dma_wait3A_410, %dma_wait3A_422, %dma_wait3A_423] : memref<8x128x64xf32, #tpu.memory_space<vmem>> -> memref<1x128x64xf32, #tpu.memory_space<vmem>>
    %dma_wait3A_425 = tpu.memref_squeeze %dma_wait3A_424 : memref<1x128x64xf32, #tpu.memory_space<vmem>> -> memref<128x64xf32, #tpu.memory_space<vmem>>
    tpu.wait_dma2 semaphore(%dma_wait3A_419 : memref<!tpu.dma_semaphore, #tpu.memory_space<semaphore_mem>>) src(%dma_wait3A_425 : memref<128x64xf32, #tpu.memory_space<vmem>>) dst(%dma_wait3A_421 : memref<128x64xf32, #tpu.memory_space<hbm>>)
    %add3A_426 = arith.constant 24832 : i32
    %add3A_427 = arith.addi %mul3A_2, %add3A_426 : i32
    %dma_wait3A_428 = arith.constant 2 : i32
    %dma_wait3A_429 = arith.constant 2 : i32
    %dma_wait3A_430 = arith.constant 0 : i32
    %dma_wait3A_431 = arith.constant 0 : i32
    %dma_wait3A_432 = tpu.memref_slice %arg6[%dma_wait3A_428, %dma_wait3A_430, %dma_wait3A_431] : memref<8x128x64xf32, #tpu.memory_space<vmem>> -> memref<1x128x64xf32, #tpu.memory_space<vmem>>
    %dma_wait3A_433 = tpu.memref_squeeze %dma_wait3A_432 : memref<1x128x64xf32, #tpu.memory_space<vmem>> -> memref<128x64xf32, #tpu.memory_space<vmem>>
    %dma_wait3A_434 = arith.constant 0 : i32
    %dma_wait3A_435 = tpu.memref_slice %arg4[%add3A_427, %dma_wait3A_434] : memref<819200x128xf32, #tpu.memory_space<hbm>> -> memref<128x64xf32, #tpu.memory_space<hbm>>
    %dma_wait3A_436 = tpu.memref_slice %arg8[%dma_wait3A_429] : memref<8x!tpu.dma_semaphore, #tpu.memory_space<semaphore_mem>> -> memref<1x!tpu.dma_semaphore, #tpu.memory_space<semaphore_mem>>
    %dma_wait3A_437 = tpu.memref_squeeze %dma_wait3A_436 : memref<1x!tpu.dma_semaphore, #tpu.memory_space<semaphore_mem>> -> memref<!tpu.dma_semaphore, #tpu.memory_space<semaphore_mem>>
    %dma_wait3A_438 = arith.constant 0 : i32
    %dma_wait3A_439 = tpu.memref_slice %arg4[%add3A_427, %dma_wait3A_438] : memref<819200x128xf32, #tpu.memory_space<hbm>> -> memref<128x64xf32, #tpu.memory_space<hbm>>
    %dma_wait3A_440 = arith.constant 0 : i32
    %dma_wait3A_441 = arith.constant 0 : i32
    %dma_wait3A_442 = tpu.memref_slice %arg6[%dma_wait3A_428, %dma_wait3A_440, %dma_wait3A_441] : memref<8x128x64xf32, #tpu.memory_space<vmem>> -> memref<1x128x64xf32, #tpu.memory_space<vmem>>
    %dma_wait3A_443 = tpu.memref_squeeze %dma_wait3A_442 : memref<1x128x64xf32, #tpu.memory_space<vmem>> -> memref<128x64xf32, #tpu.memory_space<vmem>>
    tpu.wait_dma2 semaphore(%dma_wait3A_437 : memref<!tpu.dma_semaphore, #tpu.memory_space<semaphore_mem>>) src(%dma_wait3A_443 : memref<128x64xf32, #tpu.memory_space<vmem>>) dst(%dma_wait3A_439 : memref<128x64xf32, #tpu.memory_space<hbm>>)
    %add3A_444 = arith.constant 24960 : i32
    %add3A_445 = arith.addi %mul3A_2, %add3A_444 : i32
    %dma_wait3A_446 = arith.constant 3 : i32
    %dma_wait3A_447 = arith.constant 3 : i32
    %dma_wait3A_448 = arith.constant 0 : i32
    %dma_wait3A_449 = arith.constant 0 : i32
    %dma_wait3A_450 = tpu.memref_slice %arg6[%dma_wait3A_446, %dma_wait3A_448, %dma_wait3A_449] : memref<8x128x64xf32, #tpu.memory_space<vmem>> -> memref<1x128x64xf32, #tpu.memory_space<vmem>>
    %dma_wait3A_451 = tpu.memref_squeeze %dma_wait3A_450 : memref<1x128x64xf32, #tpu.memory_space<vmem>> -> memref<128x64xf32, #tpu.memory_space<vmem>>
    %dma_wait3A_452 = arith.constant 0 : i32
    %dma_wait3A_453 = tpu.memref_slice %arg4[%add3A_445, %dma_wait3A_452] : memref<819200x128xf32, #tpu.memory_space<hbm>> -> memref<128x64xf32, #tpu.memory_space<hbm>>
    %dma_wait3A_454 = tpu.memref_slice %arg8[%dma_wait3A_447] : memref<8x!tpu.dma_semaphore, #tpu.memory_space<semaphore_mem>> -> memref<1x!tpu.dma_semaphore, #tpu.memory_space<semaphore_mem>>
    %dma_wait3A_455 = tpu.memref_squeeze %dma_wait3A_454 : memref<1x!tpu.dma_semaphore, #tpu.memory_space<semaphore_mem>> -> memref<!tpu.dma_semaphore, #tpu.memory_space<semaphore_mem>>
    %dma_wait3A_456 = arith.constant 0 : i32
    %dma_wait3A_457 = tpu.memref_slice %arg4[%add3A_445, %dma_wait3A_456] : memref<819200x128xf32, #tpu.memory_space<hbm>> -> memref<128x64xf32, #tpu.memory_space<hbm>>
    %dma_wait3A_458 = arith.constant 0 : i32
    %dma_wait3A_459 = arith.constant 0 : i32
    %dma_wait3A_460 = tpu.memref_slice %arg6[%dma_wait3A_446, %dma_wait3A_458, %dma_wait3A_459] : memref<8x128x64xf32, #tpu.memory_space<vmem>> -> memref<1x128x64xf32, #tpu.memory_space<vmem>>
    %dma_wait3A_461 = tpu.memref_squeeze %dma_wait3A_460 : memref<1x128x64xf32, #tpu.memory_space<vmem>> -> memref<128x64xf32, #tpu.memory_space<vmem>>
    tpu.wait_dma2 semaphore(%dma_wait3A_455 : memref<!tpu.dma_semaphore, #tpu.memory_space<semaphore_mem>>) src(%dma_wait3A_461 : memref<128x64xf32, #tpu.memory_space<vmem>>) dst(%dma_wait3A_457 : memref<128x64xf32, #tpu.memory_space<hbm>>)
    %add3A_462 = arith.constant 25088 : i32
    %add3A_463 = arith.addi %mul3A_2, %add3A_462 : i32
    %dma_wait3A_464 = arith.constant 4 : i32
    %dma_wait3A_465 = arith.constant 4 : i32
    %dma_wait3A_466 = arith.constant 0 : i32
    %dma_wait3A_467 = arith.constant 0 : i32
    %dma_wait3A_468 = tpu.memref_slice %arg6[%dma_wait3A_464, %dma_wait3A_466, %dma_wait3A_467] : memref<8x128x64xf32, #tpu.memory_space<vmem>> -> memref<1x128x64xf32, #tpu.memory_space<vmem>>
    %dma_wait3A_469 = tpu.memref_squeeze %dma_wait3A_468 : memref<1x128x64xf32, #tpu.memory_space<vmem>> -> memref<128x64xf32, #tpu.memory_space<vmem>>
    %dma_wait3A_470 = arith.constant 0 : i32
    %dma_wait3A_471 = tpu.memref_slice %arg4[%add3A_463, %dma_wait3A_470] : memref<819200x128xf32, #tpu.memory_space<hbm>> -> memref<128x64xf32, #tpu.memory_space<hbm>>
    %dma_wait3A_472 = tpu.memref_slice %arg8[%dma_wait3A_465] : memref<8x!tpu.dma_semaphore, #tpu.memory_space<semaphore_mem>> -> memref<1x!tpu.dma_semaphore, #tpu.memory_space<semaphore_mem>>
    %dma_wait3A_473 = tpu.memref_squeeze %dma_wait3A_472 : memref<1x!tpu.dma_semaphore, #tpu.memory_space<semaphore_mem>> -> memref<!tpu.dma_semaphore, #tpu.memory_space<semaphore_mem>>
    %dma_wait3A_474 = arith.constant 0 : i32
    %dma_wait3A_475 = tpu.memref_slice %arg4[%add3A_463, %dma_wait3A_474] : memref<819200x128xf32, #tpu.memory_space<hbm>> -> memref<128x64xf32, #tpu.memory_space<hbm>>
    %dma_wait3A_476 = arith.constant 0 : i32
    %dma_wait3A_477 = arith.constant 0 : i32
    %dma_wait3A_478 = tpu.memref_slice %arg6[%dma_wait3A_464, %dma_wait3A_476, %dma_wait3A_477] : memref<8x128x64xf32, #tpu.memory_space<vmem>> -> memref<1x128x64xf32, #tpu.memory_space<vmem>>
    %dma_wait3A_479 = tpu.memref_squeeze %dma_wait3A_478 : memref<1x128x64xf32, #tpu.memory_space<vmem>> -> memref<128x64xf32, #tpu.memory_space<vmem>>
    tpu.wait_dma2 semaphore(%dma_wait3A_473 : memref<!tpu.dma_semaphore, #tpu.memory_space<semaphore_mem>>) src(%dma_wait3A_479 : memref<128x64xf32, #tpu.memory_space<vmem>>) dst(%dma_wait3A_475 : memref<128x64xf32, #tpu.memory_space<hbm>>)
    %add3A_480 = arith.constant 25216 : i32
    %add3A_481 = arith.addi %mul3A_2, %add3A_480 : i32
    %dma_wait3A_482 = arith.constant 5 : i32
    %dma_wait3A_483 = arith.constant 5 : i32
    %dma_wait3A_484 = arith.constant 0 : i32
    %dma_wait3A_485 = arith.constant 0 : i32
    %dma_wait3A_486 = tpu.memref_slice %arg6[%dma_wait3A_482, %dma_wait3A_484, %dma_wait3A_485] : memref<8x128x64xf32, #tpu.memory_space<vmem>> -> memref<1x128x64xf32, #tpu.memory_space<vmem>>
    %dma_wait3A_487 = tpu.memref_squeeze %dma_wait3A_486 : memref<1x128x64xf32, #tpu.memory_space<vmem>> -> memref<128x64xf32, #tpu.memory_space<vmem>>
    %dma_wait3A_488 = arith.constant 0 : i32
    %dma_wait3A_489 = tpu.memref_slice %arg4[%add3A_481, %dma_wait3A_488] : memref<819200x128xf32, #tpu.memory_space<hbm>> -> memref<128x64xf32, #tpu.memory_space<hbm>>
    %dma_wait3A_490 = tpu.memref_slice %arg8[%dma_wait3A_483] : memref<8x!tpu.dma_semaphore, #tpu.memory_space<semaphore_mem>> -> memref<1x!tpu.dma_semaphore, #tpu.memory_space<semaphore_mem>>
    %dma_wait3A_491 = tpu.memref_squeeze %dma_wait3A_490 : memref<1x!tpu.dma_semaphore, #tpu.memory_space<semaphore_mem>> -> memref<!tpu.dma_semaphore, #tpu.memory_space<semaphore_mem>>
    %dma_wait3A_492 = arith.constant 0 : i32
    %dma_wait3A_493 = tpu.memref_slice %arg4[%add3A_481, %dma_wait3A_492] : memref<819200x128xf32, #tpu.memory_space<hbm>> -> memref<128x64xf32, #tpu.memory_space<hbm>>
    %dma_wait3A_494 = arith.constant 0 : i32
    %dma_wait3A_495 = arith.constant 0 : i32
    %dma_wait3A_496 = tpu.memref_slice %arg6[%dma_wait3A_482, %dma_wait3A_494, %dma_wait3A_495] : memref<8x128x64xf32, #tpu.memory_space<vmem>> -> memref<1x128x64xf32, #tpu.memory_space<vmem>>
    %dma_wait3A_497 = tpu.memref_squeeze %dma_wait3A_496 : memref<1x128x64xf32, #tpu.memory_space<vmem>> -> memref<128x64xf32, #tpu.memory_space<vmem>>
    tpu.wait_dma2 semaphore(%dma_wait3A_491 : memref<!tpu.dma_semaphore, #tpu.memory_space<semaphore_mem>>) src(%dma_wait3A_497 : memref<128x64xf32, #tpu.memory_space<vmem>>) dst(%dma_wait3A_493 : memref<128x64xf32, #tpu.memory_space<hbm>>)
    %add3A_498 = arith.constant 25344 : i32
    %add3A_499 = arith.addi %mul3A_2, %add3A_498 : i32
    %dma_wait3A_500 = arith.constant 6 : i32
    %dma_wait3A_501 = arith.constant 6 : i32
    %dma_wait3A_502 = arith.constant 0 : i32
    %dma_wait3A_503 = arith.constant 0 : i32
    %dma_wait3A_504 = tpu.memref_slice %arg6[%dma_wait3A_500, %dma_wait3A_502, %dma_wait3A_503] : memref<8x128x64xf32, #tpu.memory_space<vmem>> -> memref<1x128x64xf32, #tpu.memory_space<vmem>>
    %dma_wait3A_505 = tpu.memref_squeeze %dma_wait3A_504 : memref<1x128x64xf32, #tpu.memory_space<vmem>> -> memref<128x64xf32, #tpu.memory_space<vmem>>
    %dma_wait3A_506 = arith.constant 0 : i32
    %dma_wait3A_507 = tpu.memref_slice %arg4[%add3A_499, %dma_wait3A_506] : memref<819200x128xf32, #tpu.memory_space<hbm>> -> memref<128x64xf32, #tpu.memory_space<hbm>>
    %dma_wait3A_508 = tpu.memref_slice %arg8[%dma_wait3A_501] : memref<8x!tpu.dma_semaphore, #tpu.memory_space<semaphore_mem>> -> memref<1x!tpu.dma_semaphore, #tpu.memory_space<semaphore_mem>>
    %dma_wait3A_509 = tpu.memref_squeeze %dma_wait3A_508 : memref<1x!tpu.dma_semaphore, #tpu.memory_space<semaphore_mem>> -> memref<!tpu.dma_semaphore, #tpu.memory_space<semaphore_mem>>
    %dma_wait3A_510 = arith.constant 0 : i32
    %dma_wait3A_511 = tpu.memref_slice %arg4[%add3A_499, %dma_wait3A_510] : memref<819200x128xf32, #tpu.memory_space<hbm>> -> memref<128x64xf32, #tpu.memory_space<hbm>>
    %dma_wait3A_512 = arith.constant 0 : i32
    %dma_wait3A_513 = arith.constant 0 : i32
    %dma_wait3A_514 = tpu.memref_slice %arg6[%dma_wait3A_500, %dma_wait3A_512, %dma_wait3A_513] : memref<8x128x64xf32, #tpu.memory_space<vmem>> -> memref<1x128x64xf32, #tpu.memory_space<vmem>>
    %dma_wait3A_515 = tpu.memref_squeeze %dma_wait3A_514 : memref<1x128x64xf32, #tpu.memory_space<vmem>> -> memref<128x64xf32, #tpu.memory_space<vmem>>
    tpu.wait_dma2 semaphore(%dma_wait3A_509 : memref<!tpu.dma_semaphore, #tpu.memory_space<semaphore_mem>>) src(%dma_wait3A_515 : memref<128x64xf32, #tpu.memory_space<vmem>>) dst(%dma_wait3A_511 : memref<128x64xf32, #tpu.memory_space<hbm>>)
    %add3A_516 = arith.constant 25472 : i32
    %add3A_517 = arith.addi %mul3A_2, %add3A_516 : i32
    %dma_wait3A_518 = arith.constant 7 : i32
    %dma_wait3A_519 = arith.constant 7 : i32
    %dma_wait3A_520 = arith.constant 0 : i32
    %dma_wait3A_521 = arith.constant 0 : i32
    %dma_wait3A_522 = tpu.memref_slice %arg6[%dma_wait3A_518, %dma_wait3A_520, %dma_wait3A_521] : memref<8x128x64xf32, #tpu.memory_space<vmem>> -> memref<1x128x64xf32, #tpu.memory_space<vmem>>
    %dma_wait3A_523 = tpu.memref_squeeze %dma_wait3A_522 : memref<1x128x64xf32, #tpu.memory_space<vmem>> -> memref<128x64xf32, #tpu.memory_space<vmem>>
    %dma_wait3A_524 = arith.constant 0 : i32
    %dma_wait3A_525 = tpu.memref_slice %arg4[%add3A_517, %dma_wait3A_524] : memref<819200x128xf32, #tpu.memory_space<hbm>> -> memref<128x64xf32, #tpu.memory_space<hbm>>
    %dma_wait3A_526 = tpu.memref_slice %arg8[%dma_wait3A_519] : memref<8x!tpu.dma_semaphore, #tpu.memory_space<semaphore_mem>> -> memref<1x!tpu.dma_semaphore, #tpu.memory_space<semaphore_mem>>
    %dma_wait3A_527 = tpu.memref_squeeze %dma_wait3A_526 : memref<1x!tpu.dma_semaphore, #tpu.memory_space<semaphore_mem>> -> memref<!tpu.dma_semaphore, #tpu.memory_space<semaphore_mem>>
    %dma_wait3A_528 = arith.constant 0 : i32
    %dma_wait3A_529 = tpu.memref_slice %arg4[%add3A_517, %dma_wait3A_528] : memref<819200x128xf32, #tpu.memory_space<hbm>> -> memref<128x64xf32, #tpu.memory_space<hbm>>
    %dma_wait3A_530 = arith.constant 0 : i32
    %dma_wait3A_531 = arith.constant 0 : i32
    %dma_wait3A_532 = tpu.memref_slice %arg6[%dma_wait3A_518, %dma_wait3A_530, %dma_wait3A_531] : memref<8x128x64xf32, #tpu.memory_space<vmem>> -> memref<1x128x64xf32, #tpu.memory_space<vmem>>
    %dma_wait3A_533 = tpu.memref_squeeze %dma_wait3A_532 : memref<1x128x64xf32, #tpu.memory_space<vmem>> -> memref<128x64xf32, #tpu.memory_space<vmem>>
    tpu.wait_dma2 semaphore(%dma_wait3A_527 : memref<!tpu.dma_semaphore, #tpu.memory_space<semaphore_mem>>) src(%dma_wait3A_533 : memref<128x64xf32, #tpu.memory_space<vmem>>) dst(%dma_wait3A_529 : memref<128x64xf32, #tpu.memory_space<hbm>>)
    return
  }
}

</mosaic_0001>

<sc_bundles>
// kernel: kernel.4.cloned.1.call-start
scs
__scs_entry_jumppad:
0x0: {  	(pc) =	sbr.rel $0x88, $3  }
0x1: {  	(tag) =	ssettag $0x0;
	lr =	simm.s32 $0x1  }
0x2: {  	[smem:$0x3F9F] =	sst lr;
	_ =	strace $0xD0000000  }
0x3: {  	_ = 	snop  }
0x4: {  	_ = 	snop  }
0x5: {  	_ = 	snop  }
0x6: {  	_ = 	snop  }
0x7: {  	_ = 	snop  }
__scs_overlays_trampoline_lowered:
0x8: {  	[smem:$0x3FAE] =	sst s0  }
0x9: {  	[smem:$0x3FAF] =	sst s1  }
0xa: {  	[smem:$0x3FB0] =	sst s2  }
0xb: {  	[smem:$0x3FB1] =	sst s3  }
0xc: {  	[smem:$0x3FB2] =	sst s4  }
0xd: {  	[smem:$0x3FB3] =	sst s5  }
0xe: {  	[smem:$0x3FB4] =	sst s6  }
0xf: {  	[smem:$0x3FB5] =	sst s7  }
0x10: {  	[smem:$0x3FB6] =	sst s8  }
0x11: {  	[smem:$0x3FB7] =	sst s9;
	s0 =	simm.s32 @!p0 $0x0  }
0x12: {  	s1 =	sld [smem:$0x3F9D];
	s0 =	simm.s32 @p0 $0x1  }
0x13: {  	[smem:$0x3FB8] =	sst s0;
	s0 =	simm.s32 @!p1 $0x0  }
0x14: {  	s2 =	sld [smem:$0x3F9C];
	s0 =	simm.s32 @p1 $0x1  }
0x15: {  	[smem:$0x3FB9] =	sst s0;
	s0 =	simm.s32 @!p2 $0x0  }
0x16: {  	s3 =	sld [smem:$0x3FDB];
	s0 =	simm.s32 @p2 $0x1  }
0x17: {  	s4 =	simm.s32 $0x1BF5;
	[smem:$0x3FBB] =	sst s0  }
0x18: {  	s0 =	sld [smem:$0x3F9E];
	_ =	swait.ge [sflag:s4], $0x0  }
0x19: {  	s7 =	sld [smem:$0x3F9F]  }
0x1a: {  	s8 =	sadd.s32 $0xFFFFE003, lr  }
0x1b: {  	s9 =	sadd.s32 $0xFFFFFEF7, lr;
	s5 =	simm.s32 $0xFFFFFFFF;
	p2 =	slt.u32 s8, $0xFFFFF086  }
0x1c: {  	p1 =	slt.u32 s9, $0xF7A;
	s5 =	simm.s32 @!p2 $0x0  }
0x1d: {  	s5 =	simm.s32 @p1 $0x1;
	p0 =	seq.s32 s7, s2  }
0x1e: {  	s7 =	smul.u32 @!p0 $0xF7A, s2;
	p2 =	seq.s32 @!p0 s5, $0x0  }
0x1f: {  	s9 =	smul.u32 $0xF7A, s1;
	s8 =	simm.s32 @!p0 $0x1BF5;
	p2 =	por !p2, p0  }
0x20: {  	[sflag:s8] =	ssyncset.s32 @!p0 $0xFFFFF086;
	s6 =	sadd.s32 @!p0 s3, s7;
	s7 =	simm.s32 @!p0 $0x108  }
0x21: {  	s3 =	sadd.s32 s3, s9;
	s6 =	sadd.s32 @!p0 $0x88, s6;
	s7 =	simm.s32 @p2 $0x1082  }
0x22: {  	[simem:s7], [sflag:s8] =	dma.local @!p0 [hbm:s6], $0xF7A  }
0x23: {  	s9 =	sor.u32 $0xD0000000, s2;
	s6 =	simm.s32 $0x108;
	_ =	swait.ge @!p0 [sflag:s8], $0x0  }
0x24: {  	s3 =	sadd.s32 $0x88, s3;
	s6 =	simm.s32 @!p1 $0x1082;
	[sflag:s4] =	ssyncset.s32 $0xFFFFF086  }
0x25: {  	[simem:s6], [sflag:s4] =	dma.local [hbm:s3], $0xF7A  }
0x26: {  	[smem:$0x3F9F] =	sst s1;
	(tag) =	ssettag s2;
	_ =	strace s9  }
0x27: {  	s1 =	sld [smem:$0x3FAF]  }
0x28: {  	s2 =	sld [smem:$0x3FB0]  }
0x29: {  	s4 =	sld [smem:$0x3FB2]  }
0x2a: {  	p0 =	seq.s32 s5, $0x0;
	s5 =	sld [smem:$0x3FB3]  }
0x2b: {  	s6 =	sld [smem:$0x3FB4]  }
0x2c: {  	s7 =	sld [smem:$0x3FB5]  }
0x2d: {  	s3 =	simm.s32 $0x108;
	s8 =	sld [smem:$0x3FB6]  }
0x2e: {  	s3 =	simm.s32 @!p0 $0x1082;
	s9 =	sld [smem:$0x3FB7]  }
0x2f: {  	lr =	sadd.s32 s0, s3;
	s0 =	sld [smem:$0x3FAE]  }
0x30: {  	s3 =	sld [smem:$0x3FB1]  }
0x31: {  	[smem:$0x3FBA] =	sst s10  }
0x32: {  	s10 =	sld [smem:$0x3FB8];
	_ =	sdelay $0x3  }
0x33: {  	p0 =	seq.s32 s10, $0x1;
	s10 =	sld [smem:$0x3FBA];
	_ =	sdelay $0x3  }
0x34: {  	[smem:$0x3FBA] =	sst s10  }
0x35: {  	s10 =	sld [smem:$0x3FB9];
	_ =	sdelay $0x3  }
0x36: {  	p1 =	seq.s32 s10, $0x1;
	s10 =	sld [smem:$0x3FBA];
	_ =	sdelay $0x3  }
0x37: {  	[smem:$0x3FBA] =	sst s10  }
0x38: {  	s10 =	sld [smem:$0x3FBB]  }
0x39: {  	_ = 	snop;
	(pc) =	sbr.ind lr, $3  }
0x3a: {  	_ = 	snop  }
0x3b: {  	_ = 	snop  }
0x3c: {  	p2 =	seq.s32 s10, $0x1;
	s10 =	sld [smem:$0x3FBA]  }
0x3d: {  	_ =	shalt  }
0x3e: {  	_ =	shalt  }
0x3f: {  	_ =	shalt  }
0x40: {  	_ =	shalt  }
0x41: {  	_ =	shalt  }
0x42: {  	_ =	shalt  }
0x43: {  	_ =	shalt  }
0x44: {  	_ =	shalt  }
0x45: {  	_ =	shalt  }
0x46: {  	_ =	shalt  }
0x47: {  	_ =	shalt  }
0x48: {  	_ =	shalt  }
0x49: {  	_ =	shalt  }
0x4a: {  	_ =	shalt  }
0x4b: {  	_ =	shalt  }
0x4c: {  	_ =	shalt  }
0x4d: {  	_ =	shalt  }
0x4e: {  	_ =	shalt  }
0x4f: {  	_ =	shalt  }
0x50: {  	_ =	shalt  }
0x51: {  	_ =	shalt  }
0x52: {  	_ =	shalt  }
0x53: {  	_ =	shalt  }
0x54: {  	_ =	shalt  }
0x55: {  	_ =	shalt  }
0x56: {  	_ =	shalt  }
0x57: {  	_ =	shalt  }
0x58: {  	_ =	shalt  }
0x59: {  	_ =	shalt  }
0x5a: {  	_ =	shalt  }
0x5b: {  	_ =	shalt  }
0x5c: {  	_ =	shalt  }
0x5d: {  	_ =	shalt  }
0x5e: {  	_ =	shalt  }
0x5f: {  	_ =	shalt  }
0x60: {  	_ =	shalt  }
0x61: {  	_ =	shalt  }
0x62: {  	_ =	shalt  }
0x63: {  	_ =	shalt  }
0x64: {  	_ =	shalt  }
0x65: {  	_ =	shalt  }
0x66: {  	_ =	shalt  }
0x67: {  	_ =	shalt  }
0x68: {  	_ =	shalt  }
0x69: {  	_ =	shalt  }
0x6a: {  	_ =	shalt  }
0x6b: {  	_ =	shalt  }
0x6c: {  	_ =	shalt  }
0x6d: {  	_ =	shalt  }
0x6e: {  	_ =	shalt  }
0x6f: {  	_ =	shalt  }
0x70: {  	_ =	shalt  }
0x71: {  	_ =	shalt  }
0x72: {  	_ =	shalt  }
0x73: {  	_ =	shalt  }
0x74: {  	_ =	shalt  }
0x75: {  	_ =	shalt  }
0x76: {  	_ =	shalt  }
0x77: {  	_ =	shalt  }
0x78: {  	_ =	shalt  }
0x79: {  	_ =	shalt  }
0x7a: {  	_ =	shalt  }
0x7b: {  	_ =	shalt  }
0x7c: {  	_ =	shalt  }
0x7d: {  	_ =	shalt  }
0x7e: {  	_ =	shalt  }
0x7f: {  	_ =	shalt  }
0x80: {  	_ =	shalt  }
0x81: {  	_ =	shalt  }
0x82: {  	_ =	shalt  }
0x83: {  	_ =	shalt  }
0x84: {  	_ =	shalt  }
0x85: {  	_ =	shalt  }
0x86: {  	_ =	shalt  }
0x87: {  	_ =	shalt  }
.Lfunc_end0:
.L_simem_size_0:
called_computation.1_lowered:
.L_overlay_start_0:
0x88: {  	s2 =	sld [smem:$0x3FD9]  }
0x89: {  	s3 =	sld [smem:$0x3FFE];
	_ =	sdelay $0x1  }
0x8a: {  	s1 =	srdreg.scid  }
0x8b: {  	s0 =	sand.u32 $0x1, s1  }
0x8c: {  	s16 =	sshll.u32 s0, $0xA;
	s2 =	sadd.s32 s3, s2  }
0x8d: {  	s2 =	sadd.s32 s2, s16  }
0x8e: {  	[smem:$0x3FC6] =	sst s2  }
0x8f: {  	_ = 	snop  }
0x90: {  	(tm) =	ssettm $0x1  }
0x91: {  	s17 =	sld [smem:$0x3FFB];
	_ =	sdelay $0x3  }
0x92: {  	_ =	strace s17  }
0x93: {  	s2 =	sld [smem:$0x3FFC];
	_ =	sdelay $0x3  }
0x94: {  	_ =	strace s2  }
0x95: {  	s2 =	sld [smem:$0x3FFD];
	_ =	sdelay $0x3  }
0x96: {  	_ =	strace s2  }
0x97: {  	_ =	strace $0x8FFFFFFF  }
0x98: {  	s18 =	sld [smem:$0x3FDB];
	_ =	sdelay $0x1  }
0x99: {  	s19 =	simm.s32 $_scs_section_size  }
0x9a: {  	s4 =	simm.s32 $_size__tile_overlayer_lowered;
	s5 =	simm.s32 $_tile_overlayer_lowered  }
0x9b: {  	s22 =	simm.s32 $0x1BFF;
	s21 =	sshll.u32 s5, $0x1;
	s2 =	sadd.s32 s19, s18  }
0x9c: {  	s6 =	simm.s32 $0x0;
	s20 =	sshll.u32 s4, $0x1;
	s4 =	sadd.s32 s21, s2  }
0x9d: {  	[timem:s6], [sflag:s22] =	dma.local [hbm:s4], s20  }
0x9e: {  	_ =	swait.ge [sflag:s22], s20  }
0x9f: {  	s3 =	ssub.s32 $0x0, s20;
	[sflag:s22] =	ssyncset.done $0x0  }
0xa0: {  	[sflag:s22] =	ssyncadd.s32 s3;
	_ =	sdelay $0x1  }
0xa1: {  	s23 =	simm.s32 $0x1B8B  }
0xa2: {  	_ =	swait.ge [sflag:s23], $0x1  }
0xa3: {  	[sflag:s23] =	ssyncset.done $0x0  }
0xa4: {  	s25 =	simm.s32 $0x1B8E;
	s24 =	sld [smem:$0x3FFE];
	[sflag:s23] =	ssyncadd.s32 $0xFFFFFFFF  }
0xa5: {  	s26 =	simm.s32 $execute0_lowered;
	[smem:$0x3FD2] =	sst s25  }
0xa6: {  	s4 =	sshll.u32 s26, $0x1;
	_ =	strace $0x80000046;
	[dreg:$0x1] =	wrdreg $0xFFFFFFFF  }
0xa7: {  	s28 =	simm.s32 $_size_execute0_lowered;
	s2 =	sadd.s32 s2, s4;
	[dreg:$0x0] =	wrdreg $0x0  }
0xa8: {  	s4 =	sshll.u32 s28, $0x1;
	[dreg:$0x2] =	wrdreg s2  }
0xa9: {  	[dreg:$0x3] =	wrdreg s4  }
0xaa: {  	[dreg:$0x4] =	wrdreg $0xC0  }
0xab: {  	_ =	task [dreg:s6], $0x5FFFF  }
0xac: {  	[dreg:$0x1] =	wrdreg $0xFFFFFFFF  }
0xad: {  	[dreg:$0x0] =	wrdreg $0x60  }
0xae: {  	[dreg:$0x2] =	wrdreg s24  }
0xaf: {  	[dreg:$0x3] =	wrdreg $0x9  }
0xb0: {  	_ =	task.clear_ibuf [dreg:s6], $0x4FFFF;
	_ =	strace $0x90000046  }
0xb1: {  	s29 =	simm.s32 $0x9;
	_ =	strace $0x80000048  }
0xb2: {  	_ =	swait.ge [sflag:s29], $0x1  }
0xb3: {  	[sflag:s29] =	ssyncadd.s32 $0xFFFFFFFF  }
0xb4: {  	_ =	strace $0x90000048  }
0xb5: {  	_ =	sfence  }
0xb6: {  	s30 =	sld [smem:$0x0];
	_ =	sdelay $0x2  }
0xb7: {  	s31 =	sshll.u32 s1, $0xD;
	s1 =	sshrl.u32 s1, $0x2  }
0xb8: {  	s3 =	sand.u32 $0x4000, s31;
	s1 =	sadd.s32 s1, s30  }
0xb9: {  	s0 =	sor.u32 s3, s0;
	s1 =	sshll.u32 s1, $0x11  }
0xba: {  	s0 =	sor.u32 s1, s0  }
0xbb: {  	s0 =	sadd.s32 $0x8F2B, s0  }
0xbc: {  	[sflag:s0] =	ssyncadd.remote.s32 $0x1  }
0xbd: {  	_ =	sfence.sel $0xFFFF  }
0xbe: {  	[dreg:$0x0] =	wrdreg $0xFFFFFFFF;
	(pc) =	sbr.abs _section_cstart, $3  }
0xbf: {  	[dreg:$0x1] =	wrdreg $0xFFFFFFFF  }
0xc0: {  	_ =	task.clear_ibuf [dreg:s6], $0x2FFFF;
	_ =	strace $0x9FFFFFFF  }
0xc1: {  	(tm) =	ssettm $0x7FFFFFFF  }
tec
execute0_lowered:
.L_overlay_start_1:
0x0: {  	(tag) =	ssettag $0x1  }
0x1: {  	s12 =	rddreg [dreg:$0x0]  }
0x2: {  	s0 =	rddreg [dreg:$0x1];
	s2 =	simm.s32 $0x0;
	s3 =	srdreg.scid  }
0x3: {  	s1 =	stileid.u32;
	s14 =	simm.s32 $0x4000;
	s15 =	simm.s32 $0x1  }
0x4: {  	s16 =	simm.s32 $0x8000;
	s17 =	simm.s32 $0x3;
	s18 =	simm.s32 $0x2  }
0x5: {  	s19 =	simm.s32 $0xC000;
	s20 =	simm.s32 $0x4;
	s21 =	simm.s32 $0x5  }
0x6: {  	s22 =	simm.s32 $0x0;
	[smem:$0x7FF] =	sst s2;
	s4 =	sand.u32 $0x1, s3  }
0x7: {  	s5 =	sshll.u32 s1, $0x1;
	s3 =	sadd.s32 $0xE00, s12;
	s11 =	sadd.s32 $0xF42E00, s12  }
0x8: {  	p0 =	sgt.u32 s1, $0x1;
	_ =	strace $0x80000047;
	s6 =	ssub.s32 $0x2, s4  }
.Ltmp0:
0x9: {  	s4 =	sor.u32 s4, s5;
	s5 =	sadd.s32 $0xF43200, s12;
	(pc) =	sbr.rel .LBB2_1-.Ltmp0, $4  }
0xa: {  	s12 =	sadd.s32 $0x1E85200, s12;
	s7 =	sshrl.u32 s6, $0x1;
	s8 =	sshll.u32 s4, $0xB  }
0xb: {  	s10 =	sor.u32 $0x60, s4;
	p1 =	sne.s32 s4, $0x0;
	s13 =	ssub.s32 s6, s7  }
0xc: {  	s6 =	sadd.s32 s3, s8;
	s9 =	sadd.s32 s8, s5;
	s8 =	sor.u32 $0x40, s4  }
0xd: {  	s7 =	sadd.s32 $0x10000, s6;
	s9 =	sadd.s32 $0xF40000, s9;
	s13 =	smax.u32 s13, $0x1  }
.LBB2_11:
.Ltmp1:
0xe: {  	(pc) =	sbr.rel @!p1 .LBB2_12-.Ltmp1, $1  }
0xf: {  	_ =	sdelay $0x3  }
.LBB2_15:
0x10: {  	s22 =	sadd.s32 $0x1, s22  }
0x11: {  	p2 =	sne.s32 s22, s13  }
.Ltmp2:
0x12: {  	_ = 	snop;
	(pc) =	sbr.rel @!p2 .LBB2_16-.Ltmp2, $1  }
0x13: {  	_ =	sdelay $0x3  }
.LBB2_1:
0x14: {  	[tilespmem:s2], [sflag:$0x1] =	stream.linear.gather [hbm4b:s6+s2], $0x4000, $0x38;
	[tilespmem:$0x10000] =	vst v63  }
0x15: {  	s23 =	simm.s32 $0x0  }
0x16: {  	[tilespmem:s14], [sflag:$0x2] =	stream.linear.gather [hbm4b:s7+s2], $0x4000, $0x38;
	[tilespmem:$0x10000] =	vst v63  }
.LBB2_2:
0x17: {  	_ =	swait.ge [sflag:s15], $0x4000  }
0x18: {  	[sflag:s15] =	ssyncset.done $0x0  }
0x19: {  	s25 =	simm.s32 $0x0;
	[sflag:s15] =	ssyncadd.s32 $0xFFFFC000  }
0x1a: {  	v0 =	vld [tilespmem:s25+$0x3B0]  }
0x1b: {  	v1 =	vld [tilespmem:s25+$0x0]  }
0x1c: {  	v2 =	vld [tilespmem:s25+$0x10]  }
0x1d: {  	v3 =	vld [tilespmem:s25+$0x20]  }
0x1e: {  	v4 =	vld [tilespmem:s25+$0x30]  }
0x1f: {  	v5 =	vld [tilespmem:s25+$0x80];
	[tilespmem:s25+$0x83B0] =	vst v0  }
0x20: {  	[tilespmem:s25+$0x8000] =	vst v1;
	v0 =	vld [tilespmem:s25+$0x90]  }
0x21: {  	[tilespmem:s25+$0x8010] =	vst v2;
	v1 =	vld [tilespmem:s25+$0xA0]  }
0x22: {  	[tilespmem:s25+$0x8020] =	vst v3;
	v2 =	vld [tilespmem:s25+$0xB0]  }
0x23: {  	[tilespmem:s25+$0x8030] =	vst v4;
	v3 =	vld [tilespmem:s25+$0x100]  }
0x24: {  	[tilespmem:s25+$0x8080] =	vst v5;
	v4 =	vld [tilespmem:s25+$0x110]  }
0x25: {  	v5 =	vld [tilespmem:s25+$0x310];
	[tilespmem:s25+$0x8090] =	vst v0  }
0x26: {  	v0 =	vld [tilespmem:s25+$0x120];
	[tilespmem:s25+$0x80A0] =	vst v1  }
0x27: {  	v1 =	vld [tilespmem:s25+$0x130];
	[tilespmem:s25+$0x80B0] =	vst v2  }
0x28: {  	v2 =	vld [tilespmem:s25+$0x180];
	[tilespmem:s25+$0x8100] =	vst v3  }
0x29: {  	v3 =	vld [tilespmem:s25+$0x190];
	[tilespmem:s25+$0x8110] =	vst v4  }
0x2a: {  	v4 =	vld [tilespmem:s25+$0x1A0];
	[tilespmem:s25+$0x8310] =	vst v5  }
0x2b: {  	[tilespmem:s25+$0x8120] =	vst v0;
	v0 =	vld [tilespmem:s25+$0x1B0]  }
0x2c: {  	[tilespmem:s25+$0x8130] =	vst v1;
	v1 =	vld [tilespmem:s25+$0x200]  }
0x2d: {  	[tilespmem:s25+$0x8180] =	vst v2;
	v2 =	vld [tilespmem:s25+$0x210]  }
0x2e: {  	[tilespmem:s25+$0x8190] =	vst v3;
	v3 =	vld [tilespmem:s25+$0x220]  }
0x2f: {  	[tilespmem:s25+$0x81A0] =	vst v4;
	v4 =	vld [tilespmem:s25+$0x230]  }
0x30: {  	[tilespmem:s25+$0x81B0] =	vst v0;
	v0 =	vld [tilespmem:s25+$0x280]  }
0x31: {  	[tilespmem:s25+$0x8200] =	vst v1;
	v1 =	vld [tilespmem:s25+$0x290]  }
0x32: {  	[tilespmem:s25+$0x8210] =	vst v2;
	v2 =	vld [tilespmem:s25+$0x2A0]  }
0x33: {  	[tilespmem:s25+$0x8220] =	vst v3;
	v3 =	vld [tilespmem:s25+$0x2B0]  }
0x34: {  	[tilespmem:s25+$0x8230] =	vst v4;
	v4 =	vld [tilespmem:s25+$0x300]  }
0x35: {  	[tilespmem:s25+$0x8280] =	vst v0;
	v0 =	vld [tilespmem:s25+$0x320]  }
0x36: {  	[tilespmem:s25+$0x8290] =	vst v1;
	v1 =	vld [tilespmem:s25+$0x330]  }
0x37: {  	[tilespmem:s25+$0x82A0] =	vst v2;
	v2 =	vld [tilespmem:s25+$0x380]  }
0x38: {  	s24 =	sshll.u32 s23, $0x6;
	[tilespmem:s25+$0x82B0] =	vst v3;
	v3 =	vld [tilespmem:s25+$0x390]  }
0x39: {  	s29 =	simm.s32 $0x400;
	s28 =	simm.s32 $0x2000;
	s26 =	sor.u32 s4, s24;
	[tilespmem:s25+$0x8300] =	vst v4;
	v4 =	vld [tilespmem:s25+$0x3A0]  }
.LBB2_3:
0x3a: {  	p2 =	sne.s32 s28, $0xF000;
	v5 =	vld [tilespmem:s29+$0x3B0];
	[tilespmem:s25+$0x8320] =	vst v0  }
0x3b: {  	v0 =	vld [tilespmem:s29+$0x0];
	[tilespmem:s25+$0x8330] =	vst v1  }
0x3c: {  	v1 =	vld [tilespmem:s29+$0x10];
	[tilespmem:s25+$0x8380] =	vst v2  }
0x3d: {  	v2 =	vld [tilespmem:s29+$0x20];
	[tilespmem:s25+$0x8390] =	vst v3  }
0x3e: {  	v3 =	vld [tilespmem:s29+$0x30];
	[tilespmem:s25+$0x83A0] =	vst v4;
	s25 =	smov.u32 s29  }
0x3f: {  	v4 =	vld [tilespmem:s25+$0x80];
	[tilespmem:s25+$0x83B0] =	vst v5  }
0x40: {  	[tilespmem:s25+$0x8000] =	vst v0;
	v0 =	vld [tilespmem:s25+$0x90]  }
0x41: {  	[tilespmem:s25+$0x8010] =	vst v1;
	v1 =	vld [tilespmem:s25+$0xA0]  }
0x42: {  	[tilespmem:s25+$0x8020] =	vst v2;
	v2 =	vld [tilespmem:s25+$0xB0]  }
0x43: {  	[tilespmem:s25+$0x8030] =	vst v3;
	v3 =	vld [tilespmem:s25+$0x100]  }
0x44: {  	[tilespmem:s25+$0x8080] =	vst v4;
	v4 =	vld [tilespmem:s25+$0x110]  }
0x45: {  	[tilespmem:s25+$0x8090] =	vst v0;
	v0 =	vld [tilespmem:s25+$0x120]  }
0x46: {  	[tilespmem:s25+$0x80A0] =	vst v1;
	v1 =	vld [tilespmem:s25+$0x130]  }
0x47: {  	[tilespmem:s25+$0x80B0] =	vst v2;
	v2 =	vld [tilespmem:s25+$0x180]  }
0x48: {  	[tilespmem:s25+$0x8100] =	vst v3;
	v3 =	vld [tilespmem:s25+$0x190]  }
0x49: {  	[tilespmem:s25+$0x8110] =	vst v4;
	v4 =	vld [tilespmem:s25+$0x1A0]  }
0x4a: {  	[tilespmem:s25+$0x8120] =	vst v0;
	v0 =	vld [tilespmem:s25+$0x1B0]  }
0x4b: {  	[tilespmem:s25+$0x8130] =	vst v1;
	v1 =	vld [tilespmem:s25+$0x200]  }
0x4c: {  	[tilespmem:s25+$0x8180] =	vst v2;
	v2 =	vld [tilespmem:s25+$0x210]  }
0x4d: {  	[tilespmem:s25+$0x8190] =	vst v3;
	v3 =	vld [tilespmem:s25+$0x220]  }
0x4e: {  	[tilespmem:s25+$0x81A0] =	vst v4;
	v4 =	vld [tilespmem:s25+$0x230]  }
0x4f: {  	[tilespmem:s25+$0x81B0] =	vst v0;
	v0 =	vld [tilespmem:s25+$0x280]  }
0x50: {  	[tilespmem:s25+$0x8200] =	vst v1;
	v1 =	vld [tilespmem:s25+$0x290]  }
0x51: {  	[tilespmem:s25+$0x8210] =	vst v2;
	v2 =	vld [tilespmem:s25+$0x2A0]  }
0x52: {  	[tilespmem:s25+$0x8220] =	vst v3;
	v3 =	vld [tilespmem:s25+$0x2B0]  }
0x53: {  	[tilespmem:s25+$0x8230] =	vst v4;
	v4 =	vld [tilespmem:s25+$0x300]  }
0x54: {  	[tilespmem:s25+$0x8280] =	vst v0;
	v5 =	vld [tilespmem:s25+$0x310]  }
.Ltmp3:
0x55: {  	[tilespmem:s25+$0x8290] =	vst v1;
	v0 =	vld [tilespmem:s25+$0x320];
	(pc) =	sbr.rel @p2 .LBB2_3-.Ltmp3, $4  }
0x56: {  	[tilespmem:s25+$0x82A0] =	vst v2;
	v1 =	vld [tilespmem:s25+$0x330]  }
0x57: {  	[tilespmem:s25+$0x82B0] =	vst v3;
	v2 =	vld [tilespmem:s25+$0x380]  }
0x58: {  	[tilespmem:s25+$0x8300] =	vst v4;
	v3 =	vld [tilespmem:s25+$0x390]  }
0x59: {  	s29 =	sshra.s32 s28, $0x2;
	s28 =	sadd.s32 $0x1000, s28;
	[tilespmem:s25+$0x8310] =	vst v5;
	v4 =	vld [tilespmem:s25+$0x3A0]  }
0x5a: {  	v5 =	vld [tilespmem:s29+$0x3B0];
	[tilespmem:s25+$0x8320] =	vst v0  }
0x5b: {  	v0 =	vld [tilespmem:s29+$0x0];
	[tilespmem:s25+$0x8330] =	vst v1  }
0x5c: {  	v1 =	vld [tilespmem:s29+$0x10];
	[tilespmem:s25+$0x8380] =	vst v2  }
0x5d: {  	v2 =	vld [tilespmem:s29+$0x20];
	[tilespmem:s25+$0x8390] =	vst v3  }
0x5e: {  	v3 =	vld [tilespmem:s29+$0x30];
	[tilespmem:s25+$0x83A0] =	vst v4  }
0x5f: {  	v4 =	vld [tilespmem:s29+$0x80];
	[tilespmem:s29+$0x83B0] =	vst v5  }
0x60: {  	[tilespmem:s29+$0x8000] =	vst v0;
	v0 =	vld [tilespmem:s29+$0x90]  }
0x61: {  	[tilespmem:s29+$0x8010] =	vst v1;
	v1 =	vld [tilespmem:s29+$0xA0]  }
0x62: {  	[tilespmem:s29+$0x8020] =	vst v2;
	v2 =	vld [tilespmem:s29+$0xB0]  }
0x63: {  	[tilespmem:s29+$0x8030] =	vst v3;
	v3 =	vld [tilespmem:s29+$0x100]  }
0x64: {  	[tilespmem:s29+$0x8080] =	vst v4;
	v4 =	vld [tilespmem:s29+$0x110]  }
0x65: {  	[tilespmem:s29+$0x8090] =	vst v0;
	v0 =	vld [tilespmem:s29+$0x120]  }
0x66: {  	[tilespmem:s29+$0x80A0] =	vst v1;
	v1 =	vld [tilespmem:s29+$0x130]  }
0x67: {  	[tilespmem:s29+$0x80B0] =	vst v2;
	v2 =	vld [tilespmem:s29+$0x180]  }
0x68: {  	[tilespmem:s29+$0x8100] =	vst v3;
	v3 =	vld [tilespmem:s29+$0x190]  }
0x69: {  	[tilespmem:s29+$0x8110] =	vst v4;
	v4 =	vld [tilespmem:s29+$0x1A0]  }
0x6a: {  	[tilespmem:s29+$0x8120] =	vst v0;
	v0 =	vld [tilespmem:s29+$0x1B0]  }
0x6b: {  	[tilespmem:s29+$0x8130] =	vst v1;
	v1 =	vld [tilespmem:s29+$0x200]  }
0x6c: {  	[tilespmem:s29+$0x8180] =	vst v2;
	v2 =	vld [tilespmem:s29+$0x210]  }
0x6d: {  	[tilespmem:s29+$0x8190] =	vst v3;
	v3 =	vld [tilespmem:s29+$0x220]  }
0x6e: {  	[tilespmem:s29+$0x81A0] =	vst v4;
	v4 =	vld [tilespmem:s29+$0x230]  }
0x6f: {  	[tilespmem:s29+$0x81B0] =	vst v0;
	v0 =	vld [tilespmem:s29+$0x280]  }
0x70: {  	[tilespmem:s29+$0x8200] =	vst v1;
	v1 =	vld [tilespmem:s29+$0x290]  }
0x71: {  	[tilespmem:s29+$0x8210] =	vst v2;
	v2 =	vld [tilespmem:s29+$0x2A0]  }
0x72: {  	[tilespmem:s29+$0x8220] =	vst v3;
	v3 =	vld [tilespmem:s29+$0x2B0]  }
0x73: {  	[tilespmem:s29+$0x8230] =	vst v4;
	v4 =	vld [tilespmem:s29+$0x300]  }
0x74: {  	[tilespmem:s29+$0x8280] =	vst v0;
	v0 =	vld [tilespmem:s29+$0x310]  }
0x75: {  	[tilespmem:s29+$0x8290] =	vst v1;
	v1 =	vld [tilespmem:s29+$0x320]  }
0x76: {  	[tilespmem:s29+$0x82A0] =	vst v2;
	v2 =	vld [tilespmem:s29+$0x330]  }
0x77: {  	[tilespmem:s29+$0x82B0] =	vst v3;
	v3 =	vld [tilespmem:s29+$0x380]  }
0x78: {  	[tilespmem:s29+$0x8300] =	vst v4;
	v4 =	vld [tilespmem:s29+$0x390]  }
0x79: {  	[tilespmem:s29+$0x8310] =	vst v0;
	v0 =	vld [tilespmem:s29+$0x3A0]  }
0x7a: {  	[tilespmem:s29+$0x8320] =	vst v1  }
0x7b: {  	[tilespmem:s29+$0x8330] =	vst v2  }
0x7c: {  	[tilespmem:s29+$0x8380] =	vst v3  }
0x7d: {  	s25 =	sshll.u32 s26, $0xB;
	[tilespmem:s29+$0x8390] =	vst v4  }
0x7e: {  	s26 =	sadd.s32 s5, s25;
	[tilespmem:s29+$0x83A0] =	vst v0  }
0x7f: {  	[hbm4b:s26+s2] =	stream.linear.scatter [tilespmem:s16], [sflag:$0x3], $0x4000, $0x38;
	[tilespmem:$0x10000] =	vst v63  }
0x80: {  	s26 =	sadd.s32 s8, s24  }
0x81: {  	_ =	swait.ge [sflag:s17], $0x4000;
	p2 =	sgt.u32 s26, $0x1E83  }
0x82: {  	[sflag:s17] =	ssyncset.done $0x0;
	s26 =	sshll.u32 @!p2 s26, $0xB  }
0x83: {  	s28 =	simm.s32 @!p2 $0x0;
	[sflag:s17] =	ssyncadd.s32 $0xFFFFC000;
	s26 =	sadd.s32 @!p2 s3, s26  }
0x84: {  	[tilespmem:s28], [sflag:$0x1] =	stream.linear.gather @!p2 [hbm4b:s26+s28], $0x4000, $0x38;
	[tilespmem:$0x10000] =	vst v63  }
0x85: {  	_ =	swait.ge [sflag:s18], $0x4000  }
0x86: {  	[sflag:s18] =	ssyncset.done $0x0  }
0x87: {  	s26 =	simm.s32 $0x0;
	[sflag:s18] =	ssyncadd.s32 $0xFFFFC000  }
0x88: {  	v0 =	vld [tilespmem:s26+$0x43B0]  }
0x89: {  	v1 =	vld [tilespmem:s26+$0x4000]  }
0x8a: {  	v2 =	vld [tilespmem:s26+$0x4010]  }
0x8b: {  	v3 =	vld [tilespmem:s26+$0x4020]  }
0x8c: {  	v4 =	vld [tilespmem:s26+$0x4030]  }
0x8d: {  	v5 =	vld [tilespmem:s26+$0x4080];
	[tilespmem:s26+$0xC3B0] =	vst v0  }
0x8e: {  	[tilespmem:s26+$0xC000] =	vst v1;
	v0 =	vld [tilespmem:s26+$0x4090]  }
0x8f: {  	[tilespmem:s26+$0xC010] =	vst v2;
	v1 =	vld [tilespmem:s26+$0x40A0]  }
0x90: {  	[tilespmem:s26+$0xC020] =	vst v3;
	v2 =	vld [tilespmem:s26+$0x40B0]  }
0x91: {  	[tilespmem:s26+$0xC030] =	vst v4;
	v3 =	vld [tilespmem:s26+$0x4100]  }
0x92: {  	[tilespmem:s26+$0xC080] =	vst v5;
	v4 =	vld [tilespmem:s26+$0x4110]  }
0x93: {  	v5 =	vld [tilespmem:s26+$0x4310];
	[tilespmem:s26+$0xC090] =	vst v0  }
0x94: {  	v0 =	vld [tilespmem:s26+$0x4120];
	[tilespmem:s26+$0xC0A0] =	vst v1  }
0x95: {  	v1 =	vld [tilespmem:s26+$0x4130];
	[tilespmem:s26+$0xC0B0] =	vst v2  }
0x96: {  	v2 =	vld [tilespmem:s26+$0x4180];
	[tilespmem:s26+$0xC100] =	vst v3  }
0x97: {  	v3 =	vld [tilespmem:s26+$0x4190];
	[tilespmem:s26+$0xC110] =	vst v4  }
0x98: {  	v4 =	vld [tilespmem:s26+$0x41A0];
	[tilespmem:s26+$0xC310] =	vst v5  }
0x99: {  	[tilespmem:s26+$0xC120] =	vst v0;
	v0 =	vld [tilespmem:s26+$0x41B0]  }
0x9a: {  	[tilespmem:s26+$0xC130] =	vst v1;
	v1 =	vld [tilespmem:s26+$0x4200]  }
0x9b: {  	[tilespmem:s26+$0xC180] =	vst v2;
	v2 =	vld [tilespmem:s26+$0x4210]  }
0x9c: {  	[tilespmem:s26+$0xC190] =	vst v3;
	v3 =	vld [tilespmem:s26+$0x4220]  }
0x9d: {  	[tilespmem:s26+$0xC1A0] =	vst v4;
	v4 =	vld [tilespmem:s26+$0x4230]  }
0x9e: {  	[tilespmem:s26+$0xC1B0] =	vst v0;
	v0 =	vld [tilespmem:s26+$0x4280]  }
0x9f: {  	[tilespmem:s26+$0xC200] =	vst v1;
	v1 =	vld [tilespmem:s26+$0x4290]  }
0xa0: {  	[tilespmem:s26+$0xC210] =	vst v2;
	v2 =	vld [tilespmem:s26+$0x42A0]  }
0xa1: {  	[tilespmem:s26+$0xC220] =	vst v3;
	v3 =	vld [tilespmem:s26+$0x42B0]  }
0xa2: {  	[tilespmem:s26+$0xC230] =	vst v4;
	v4 =	vld [tilespmem:s26+$0x4300]  }
0xa3: {  	[tilespmem:s26+$0xC280] =	vst v0;
	v0 =	vld [tilespmem:s26+$0x4320]  }
0xa4: {  	[tilespmem:s26+$0xC290] =	vst v1;
	v1 =	vld [tilespmem:s26+$0x4330]  }
0xa5: {  	[tilespmem:s26+$0xC2A0] =	vst v2;
	v2 =	vld [tilespmem:s26+$0x4380]  }
0xa6: {  	[tilespmem:s26+$0xC2B0] =	vst v3;
	v3 =	vld [tilespmem:s26+$0x4390]  }
0xa7: {  	s29 =	simm.s32 $0x400;
	s28 =	simm.s32 $0x2000;
	[tilespmem:s26+$0xC300] =	vst v4;
	v4 =	vld [tilespmem:s26+$0x43A0]  }
.LBB2_5:
0xa8: {  	p2 =	sne.s32 s28, $0xF000;
	v5 =	vld [tilespmem:s29+$0x43B0];
	[tilespmem:s26+$0xC320] =	vst v0  }
0xa9: {  	v0 =	vld [tilespmem:s29+$0x4000];
	[tilespmem:s26+$0xC330] =	vst v1  }
0xaa: {  	v1 =	vld [tilespmem:s29+$0x4010];
	[tilespmem:s26+$0xC380] =	vst v2  }
0xab: {  	v2 =	vld [tilespmem:s29+$0x4020];
	[tilespmem:s26+$0xC390] =	vst v3  }
0xac: {  	v3 =	vld [tilespmem:s29+$0x4030];
	[tilespmem:s26+$0xC3A0] =	vst v4;
	s26 =	smov.u32 s29  }
0xad: {  	v4 =	vld [tilespmem:s26+$0x4080];
	[tilespmem:s26+$0xC3B0] =	vst v5  }
0xae: {  	[tilespmem:s26+$0xC000] =	vst v0;
	v0 =	vld [tilespmem:s26+$0x4090]  }
0xaf: {  	[tilespmem:s26+$0xC010] =	vst v1;
	v1 =	vld [tilespmem:s26+$0x40A0]  }
0xb0: {  	[tilespmem:s26+$0xC020] =	vst v2;
	v2 =	vld [tilespmem:s26+$0x40B0]  }
0xb1: {  	[tilespmem:s26+$0xC030] =	vst v3;
	v3 =	vld [tilespmem:s26+$0x4100]  }
0xb2: {  	[tilespmem:s26+$0xC080] =	vst v4;
	v4 =	vld [tilespmem:s26+$0x4110]  }
0xb3: {  	[tilespmem:s26+$0xC090] =	vst v0;
	v0 =	vld [tilespmem:s26+$0x4120]  }
0xb4: {  	[tilespmem:s26+$0xC0A0] =	vst v1;
	v1 =	vld [tilespmem:s26+$0x4130]  }
0xb5: {  	[tilespmem:s26+$0xC0B0] =	vst v2;
	v2 =	vld [tilespmem:s26+$0x4180]  }
0xb6: {  	[tilespmem:s26+$0xC100] =	vst v3;
	v3 =	vld [tilespmem:s26+$0x4190]  }
0xb7: {  	[tilespmem:s26+$0xC110] =	vst v4;
	v4 =	vld [tilespmem:s26+$0x41A0]  }
0xb8: {  	[tilespmem:s26+$0xC120] =	vst v0;
	v0 =	vld [tilespmem:s26+$0x41B0]  }
0xb9: {  	[tilespmem:s26+$0xC130] =	vst v1;
	v1 =	vld [tilespmem:s26+$0x4200]  }
0xba: {  	[tilespmem:s26+$0xC180] =	vst v2;
	v2 =	vld [tilespmem:s26+$0x4210]  }
0xbb: {  	[tilespmem:s26+$0xC190] =	vst v3;
	v3 =	vld [tilespmem:s26+$0x4220]  }
0xbc: {  	[tilespmem:s26+$0xC1A0] =	vst v4;
	v4 =	vld [tilespmem:s26+$0x4230]  }
0xbd: {  	[tilespmem:s26+$0xC1B0] =	vst v0;
	v0 =	vld [tilespmem:s26+$0x4280]  }
0xbe: {  	[tilespmem:s26+$0xC200] =	vst v1;
	v1 =	vld [tilespmem:s26+$0x4290]  }
0xbf: {  	[tilespmem:s26+$0xC210] =	vst v2;
	v2 =	vld [tilespmem:s26+$0x42A0]  }
0xc0: {  	[tilespmem:s26+$0xC220] =	vst v3;
	v3 =	vld [tilespmem:s26+$0x42B0]  }
0xc1: {  	[tilespmem:s26+$0xC230] =	vst v4;
	v4 =	vld [tilespmem:s26+$0x4300]  }
0xc2: {  	[tilespmem:s26+$0xC280] =	vst v0;
	v5 =	vld [tilespmem:s26+$0x4310]  }
.Ltmp4:
0xc3: {  	[tilespmem:s26+$0xC290] =	vst v1;
	v0 =	vld [tilespmem:s26+$0x4320];
	(pc) =	sbr.rel @p2 .LBB2_5-.Ltmp4, $4  }
0xc4: {  	[tilespmem:s26+$0xC2A0] =	vst v2;
	v1 =	vld [tilespmem:s26+$0x4330]  }
0xc5: {  	[tilespmem:s26+$0xC2B0] =	vst v3;
	v2 =	vld [tilespmem:s26+$0x4380]  }
0xc6: {  	[tilespmem:s26+$0xC300] =	vst v4;
	v3 =	vld [tilespmem:s26+$0x4390]  }
0xc7: {  	s29 =	sshra.s32 s28, $0x2;
	s28 =	sadd.s32 $0x1000, s28;
	[tilespmem:s26+$0xC310] =	vst v5;
	v4 =	vld [tilespmem:s26+$0x43A0]  }
0xc8: {  	v5 =	vld [tilespmem:s29+$0x43B0];
	[tilespmem:s26+$0xC320] =	vst v0  }
0xc9: {  	v0 =	vld [tilespmem:s29+$0x4000];
	[tilespmem:s26+$0xC330] =	vst v1  }
0xca: {  	v1 =	vld [tilespmem:s29+$0x4010];
	[tilespmem:s26+$0xC380] =	vst v2  }
0xcb: {  	v2 =	vld [tilespmem:s29+$0x4020];
	[tilespmem:s26+$0xC390] =	vst v3  }
0xcc: {  	v3 =	vld [tilespmem:s29+$0x4030];
	[tilespmem:s26+$0xC3A0] =	vst v4  }
0xcd: {  	v4 =	vld [tilespmem:s29+$0x4080];
	[tilespmem:s29+$0xC3B0] =	vst v5  }
0xce: {  	v38 =	vld [tilespmem:s29+$0x4090];
	[tilespmem:s29+$0xC000] =	vst v0  }
0xcf: {  	v39 =	vld [tilespmem:s29+$0x40A0];
	[tilespmem:s29+$0xC010] =	vst v1  }
0xd0: {  	v40 =	vld [tilespmem:s29+$0x40B0];
	[tilespmem:s29+$0xC020] =	vst v2  }
0xd1: {  	v41 =	vld [tilespmem:s29+$0x4100];
	[tilespmem:s29+$0xC030] =	vst v3  }
0xd2: {  	v42 =	vld [tilespmem:s29+$0x4110];
	[tilespmem:s29+$0xC080] =	vst v4  }
0xd3: {  	v43 =	vld [tilespmem:s29+$0x4120];
	[tilespmem:s29+$0xC090] =	vst v38  }
0xd4: {  	v44 =	vld [tilespmem:s29+$0x4130];
	[tilespmem:s29+$0xC0A0] =	vst v39  }
0xd5: {  	v45 =	vld [tilespmem:s29+$0x4180];
	[tilespmem:s29+$0xC0B0] =	vst v40  }
0xd6: {  	v46 =	vld [tilespmem:s29+$0x4190];
	[tilespmem:s29+$0xC100] =	vst v41  }
0xd7: {  	v47 =	vld [tilespmem:s29+$0x41A0];
	[tilespmem:s29+$0xC110] =	vst v42  }
0xd8: {  	v48 =	vld [tilespmem:s29+$0x41B0];
	[tilespmem:s29+$0xC120] =	vst v43  }
0xd9: {  	v49 =	vld [tilespmem:s29+$0x4200];
	[tilespmem:s29+$0xC130] =	vst v44  }
0xda: {  	v50 =	vld [tilespmem:s29+$0x4210];
	[tilespmem:s29+$0xC180] =	vst v45  }
0xdb: {  	v51 =	vld [tilespmem:s29+$0x4220];
	[tilespmem:s29+$0xC190] =	vst v46  }
0xdc: {  	v52 =	vld [tilespmem:s29+$0x4230];
	[tilespmem:s29+$0xC1A0] =	vst v47  }
0xdd: {  	v53 =	vld [tilespmem:s29+$0x4280];
	[tilespmem:s29+$0xC1B0] =	vst v48  }
0xde: {  	v54 =	vld [tilespmem:s29+$0x4290];
	[tilespmem:s29+$0xC200] =	vst v49  }
0xdf: {  	v55 =	vld [tilespmem:s29+$0x42A0];
	[tilespmem:s29+$0xC210] =	vst v50  }
0xe0: {  	v56 =	vld [tilespmem:s29+$0x42B0];
	[tilespmem:s29+$0xC220] =	vst v51  }
0xe1: {  	v57 =	vld [tilespmem:s29+$0x4300];
	[tilespmem:s29+$0xC230] =	vst v52  }
0xe2: {  	v58 =	vld [tilespmem:s29+$0x4310];
	[tilespmem:s29+$0xC280] =	vst v53  }
0xe3: {  	v59 =	vld [tilespmem:s29+$0x4320];
	[tilespmem:s29+$0xC290] =	vst v54  }
0xe4: {  	v60 =	vld [tilespmem:s29+$0x4330];
	[tilespmem:s29+$0xC2A0] =	vst v55  }
0xe5: {  	v61 =	vld [tilespmem:s29+$0x4380];
	[tilespmem:s29+$0xC2B0] =	vst v56  }
0xe6: {  	v62 =	vld [tilespmem:s29+$0x4390];
	[tilespmem:s29+$0xC300] =	vst v57  }
0xe7: {  	v63 =	vld [tilespmem:s29+$0x43A0];
	[tilespmem:s29+$0xC310] =	vst v58  }
0xe8: {  	[tilespmem:s29+$0xC320] =	vst v59  }
0xe9: {  	[tilespmem:s29+$0xC330] =	vst v60  }
0xea: {  	[tilespmem:s29+$0xC380] =	vst v61  }
0xeb: {  	s25 =	sadd.s32 s25, s5;
	s24 =	sadd.s32 s10, s24;
	[tilespmem:s29+$0xC390] =	vst v62  }
0xec: {  	s25 =	sadd.s32 $0x10000, s25;
	p2 =	sgt.u32 s24, $0x1E83;
	[tilespmem:s29+$0xC3A0] =	vst v63  }
0xed: {  	[hbm4b:s25+s2] =	stream.linear.scatter [tilespmem:s19], [sflag:$0x4], $0x4000, $0x38;
	[tilespmem:$0x10000] =	vst v63  }
0xee: {  	s24 =	sshll.u32 @!p2 s24, $0xB;
	_ =	swait.ge [sflag:s20], $0x4000  }
0xef: {  	s23 =	sadd.s32 $0x1, s23;
	s24 =	sadd.s32 @!p2 s3, s24;
	[sflag:s20] =	ssyncset.done $0x0  }
0xf0: {  	s26 =	simm.s32 @!p2 $0x4000;
	s25 =	simm.s32 @!p2 $0x0;
	[sflag:s20] =	ssyncadd.s32 $0xFFFFC000  }
0xf1: {  	[tilespmem:s26], [sflag:$0x2] =	stream.linear.gather @!p2 [hbm4b:s24+s25], $0x4000, $0x38;
	[tilespmem:$0x10000] =	vst v63  }
0xf2: {  	p2 =	sne.s32 s23, $0x7A  }
.Ltmp5:
0xf3: {  	_ = 	snop;
	(pc) =	sbr.rel @p2 .LBB2_2-.Ltmp5, $1  }
0xf4: {  	_ =	sdelay $0x3  }
.Ltmp6:
0xf5: {  	(pc) =	sbr.rel @p0 .LBB2_11-.Ltmp6, $1  }
0xf6: {  	_ =	sdelay $0x3  }
0xf7: {  	_ =	swait.ge [sflag:s15], $0x4000  }
0xf8: {  	[sflag:s15] =	ssyncset.done $0x0  }
0xf9: {  	s23 =	simm.s32 $0x0;
	[sflag:s15] =	ssyncadd.s32 $0xFFFFC000  }
0xfa: {  	v0 =	vld [tilespmem:s23+$0x3B0]  }
0xfb: {  	v1 =	vld [tilespmem:s23+$0x0]  }
0xfc: {  	v2 =	vld [tilespmem:s23+$0x10]  }
0xfd: {  	v3 =	vld [tilespmem:s23+$0x20]  }
0xfe: {  	v4 =	vld [tilespmem:s23+$0x30]  }
0xff: {  	v5 =	vld [tilespmem:s23+$0x80];
	[tilespmem:s23+$0x83B0] =	vst v0  }
0x100: {  	[tilespmem:s23+$0x8000] =	vst v1;
	v0 =	vld [tilespmem:s23+$0x90]  }
0x101: {  	[tilespmem:s23+$0x8010] =	vst v2;
	v1 =	vld [tilespmem:s23+$0xA0]  }
0x102: {  	[tilespmem:s23+$0x8020] =	vst v3;
	v2 =	vld [tilespmem:s23+$0xB0]  }
0x103: {  	[tilespmem:s23+$0x8030] =	vst v4;
	v3 =	vld [tilespmem:s23+$0x100]  }
0x104: {  	[tilespmem:s23+$0x8080] =	vst v5;
	v4 =	vld [tilespmem:s23+$0x110]  }
0x105: {  	v5 =	vld [tilespmem:s23+$0x310];
	[tilespmem:s23+$0x8090] =	vst v0  }
0x106: {  	v0 =	vld [tilespmem:s23+$0x120];
	[tilespmem:s23+$0x80A0] =	vst v1  }
0x107: {  	v1 =	vld [tilespmem:s23+$0x130];
	[tilespmem:s23+$0x80B0] =	vst v2  }
0x108: {  	v2 =	vld [tilespmem:s23+$0x180];
	[tilespmem:s23+$0x8100] =	vst v3  }
0x109: {  	v3 =	vld [tilespmem:s23+$0x190];
	[tilespmem:s23+$0x8110] =	vst v4  }
0x10a: {  	v4 =	vld [tilespmem:s23+$0x1A0];
	[tilespmem:s23+$0x8310] =	vst v5  }
0x10b: {  	[tilespmem:s23+$0x8120] =	vst v0;
	v0 =	vld [tilespmem:s23+$0x1B0]  }
0x10c: {  	[tilespmem:s23+$0x8130] =	vst v1;
	v1 =	vld [tilespmem:s23+$0x200]  }
0x10d: {  	[tilespmem:s23+$0x8180] =	vst v2;
	v2 =	vld [tilespmem:s23+$0x210]  }
0x10e: {  	[tilespmem:s23+$0x8190] =	vst v3;
	v3 =	vld [tilespmem:s23+$0x220]  }
0x10f: {  	[tilespmem:s23+$0x81A0] =	vst v4;
	v4 =	vld [tilespmem:s23+$0x230]  }
0x110: {  	[tilespmem:s23+$0x81B0] =	vst v0;
	v0 =	vld [tilespmem:s23+$0x280]  }
0x111: {  	[tilespmem:s23+$0x8200] =	vst v1;
	v1 =	vld [tilespmem:s23+$0x290]  }
0x112: {  	[tilespmem:s23+$0x8210] =	vst v2;
	v2 =	vld [tilespmem:s23+$0x2A0]  }
0x113: {  	[tilespmem:s23+$0x8220] =	vst v3;
	v3 =	vld [tilespmem:s23+$0x2B0]  }
0x114: {  	[tilespmem:s23+$0x8230] =	vst v4;
	v4 =	vld [tilespmem:s23+$0x300]  }
0x115: {  	[tilespmem:s23+$0x8280] =	vst v0;
	v0 =	vld [tilespmem:s23+$0x320]  }
0x116: {  	[tilespmem:s23+$0x8290] =	vst v1;
	v1 =	vld [tilespmem:s23+$0x330]  }
0x117: {  	[tilespmem:s23+$0x82A0] =	vst v2;
	v2 =	vld [tilespmem:s23+$0x380]  }
0x118: {  	[tilespmem:s23+$0x82B0] =	vst v3;
	v3 =	vld [tilespmem:s23+$0x390]  }
0x119: {  	s25 =	simm.s32 $0x400;
	s24 =	simm.s32 $0x2000;
	[tilespmem:s23+$0x8300] =	vst v4;
	v4 =	vld [tilespmem:s23+$0x3A0]  }
.LBB2_9:
0x11a: {  	p2 =	sne.s32 s24, $0xF000;
	v5 =	vld [tilespmem:s25+$0x3B0];
	[tilespmem:s23+$0x8320] =	vst v0  }
0x11b: {  	v0 =	vld [tilespmem:s25+$0x0];
	[tilespmem:s23+$0x8330] =	vst v1  }
0x11c: {  	v1 =	vld [tilespmem:s25+$0x10];
	[tilespmem:s23+$0x8380] =	vst v2  }
0x11d: {  	v2 =	vld [tilespmem:s25+$0x20];
	[tilespmem:s23+$0x8390] =	vst v3  }
0x11e: {  	v3 =	vld [tilespmem:s25+$0x30];
	[tilespmem:s23+$0x83A0] =	vst v4;
	s23 =	smov.u32 s25  }
0x11f: {  	v4 =	vld [tilespmem:s23+$0x80];
	[tilespmem:s23+$0x83B0] =	vst v5  }
0x120: {  	[tilespmem:s23+$0x8000] =	vst v0;
	v0 =	vld [tilespmem:s23+$0x90]  }
0x121: {  	[tilespmem:s23+$0x8010] =	vst v1;
	v1 =	vld [tilespmem:s23+$0xA0]  }
0x122: {  	[tilespmem:s23+$0x8020] =	vst v2;
	v2 =	vld [tilespmem:s23+$0xB0]  }
0x123: {  	[tilespmem:s23+$0x8030] =	vst v3;
	v3 =	vld [tilespmem:s23+$0x100]  }
0x124: {  	[tilespmem:s23+$0x8080] =	vst v4;
	v4 =	vld [tilespmem:s23+$0x110]  }
0x125: {  	[tilespmem:s23+$0x8090] =	vst v0;
	v0 =	vld [tilespmem:s23+$0x120]  }
0x126: {  	[tilespmem:s23+$0x80A0] =	vst v1;
	v1 =	vld [tilespmem:s23+$0x130]  }
0x127: {  	[tilespmem:s23+$0x80B0] =	vst v2;
	v2 =	vld [tilespmem:s23+$0x180]  }
0x128: {  	[tilespmem:s23+$0x8100] =	vst v3;
	v3 =	vld [tilespmem:s23+$0x190]  }
0x129: {  	[tilespmem:s23+$0x8110] =	vst v4;
	v4 =	vld [tilespmem:s23+$0x1A0]  }
0x12a: {  	[tilespmem:s23+$0x8120] =	vst v0;
	v0 =	vld [tilespmem:s23+$0x1B0]  }
0x12b: {  	[tilespmem:s23+$0x8130] =	vst v1;
	v1 =	vld [tilespmem:s23+$0x200]  }
0x12c: {  	[tilespmem:s23+$0x8180] =	vst v2;
	v2 =	vld [tilespmem:s23+$0x210]  }
0x12d: {  	[tilespmem:s23+$0x8190] =	vst v3;
	v3 =	vld [tilespmem:s23+$0x220]  }
0x12e: {  	[tilespmem:s23+$0x81A0] =	vst v4;
	v4 =	vld [tilespmem:s23+$0x230]  }
0x12f: {  	[tilespmem:s23+$0x81B0] =	vst v0;
	v0 =	vld [tilespmem:s23+$0x280]  }
0x130: {  	[tilespmem:s23+$0x8200] =	vst v1;
	v1 =	vld [tilespmem:s23+$0x290]  }
0x131: {  	[tilespmem:s23+$0x8210] =	vst v2;
	v2 =	vld [tilespmem:s23+$0x2A0]  }
0x132: {  	[tilespmem:s23+$0x8220] =	vst v3;
	v3 =	vld [tilespmem:s23+$0x2B0]  }
0x133: {  	[tilespmem:s23+$0x8230] =	vst v4;
	v4 =	vld [tilespmem:s23+$0x300]  }
0x134: {  	[tilespmem:s23+$0x8280] =	vst v0;
	v5 =	vld [tilespmem:s23+$0x310]  }
.Ltmp7:
0x135: {  	[tilespmem:s23+$0x8290] =	vst v1;
	v0 =	vld [tilespmem:s23+$0x320];
	(pc) =	sbr.rel @p2 .LBB2_9-.Ltmp7, $4  }
0x136: {  	[tilespmem:s23+$0x82A0] =	vst v2;
	v1 =	vld [tilespmem:s23+$0x330]  }
0x137: {  	[tilespmem:s23+$0x82B0] =	vst v3;
	v2 =	vld [tilespmem:s23+$0x380]  }
0x138: {  	[tilespmem:s23+$0x8300] =	vst v4;
	v3 =	vld [tilespmem:s23+$0x390]  }
0x139: {  	s25 =	sshra.s32 s24, $0x2;
	s24 =	sadd.s32 $0x1000, s24;
	[tilespmem:s23+$0x8310] =	vst v5;
	v4 =	vld [tilespmem:s23+$0x3A0]  }
0x13a: {  	v5 =	vld [tilespmem:s25+$0x3B0];
	[tilespmem:s23+$0x8320] =	vst v0  }
0x13b: {  	v0 =	vld [tilespmem:s25+$0x0];
	[tilespmem:s23+$0x8330] =	vst v1  }
0x13c: {  	v1 =	vld [tilespmem:s25+$0x10];
	[tilespmem:s23+$0x8380] =	vst v2  }
0x13d: {  	v2 =	vld [tilespmem:s25+$0x20];
	[tilespmem:s23+$0x8390] =	vst v3  }
0x13e: {  	v3 =	vld [tilespmem:s25+$0x30];
	[tilespmem:s23+$0x83A0] =	vst v4  }
0x13f: {  	v4 =	vld [tilespmem:s25+$0x80];
	[tilespmem:s25+$0x83B0] =	vst v5  }
0x140: {  	v38 =	vld [tilespmem:s25+$0x90];
	[tilespmem:s25+$0x8000] =	vst v0  }
0x141: {  	v39 =	vld [tilespmem:s25+$0xA0];
	[tilespmem:s25+$0x8010] =	vst v1  }
0x142: {  	v40 =	vld [tilespmem:s25+$0xB0];
	[tilespmem:s25+$0x8020] =	vst v2  }
0x143: {  	v41 =	vld [tilespmem:s25+$0x100];
	[tilespmem:s25+$0x8030] =	vst v3  }
0x144: {  	v42 =	vld [tilespmem:s25+$0x110];
	[tilespmem:s25+$0x8080] =	vst v4  }
0x145: {  	v43 =	vld [tilespmem:s25+$0x120];
	[tilespmem:s25+$0x8090] =	vst v38  }
0x146: {  	v44 =	vld [tilespmem:s25+$0x130];
	[tilespmem:s25+$0x80A0] =	vst v39  }
0x147: {  	v45 =	vld [tilespmem:s25+$0x180];
	[tilespmem:s25+$0x80B0] =	vst v40  }
0x148: {  	v46 =	vld [tilespmem:s25+$0x190];
	[tilespmem:s25+$0x8100] =	vst v41  }
0x149: {  	v47 =	vld [tilespmem:s25+$0x1A0];
	[tilespmem:s25+$0x8110] =	vst v42  }
0x14a: {  	v48 =	vld [tilespmem:s25+$0x1B0];
	[tilespmem:s25+$0x8120] =	vst v43  }
0x14b: {  	v49 =	vld [tilespmem:s25+$0x200];
	[tilespmem:s25+$0x8130] =	vst v44  }
0x14c: {  	v50 =	vld [tilespmem:s25+$0x210];
	[tilespmem:s25+$0x8180] =	vst v45  }
0x14d: {  	v51 =	vld [tilespmem:s25+$0x220];
	[tilespmem:s25+$0x8190] =	vst v46  }
0x14e: {  	v52 =	vld [tilespmem:s25+$0x230];
	[tilespmem:s25+$0x81A0] =	vst v47  }
0x14f: {  	v53 =	vld [tilespmem:s25+$0x280];
	[tilespmem:s25+$0x81B0] =	vst v48  }
0x150: {  	v54 =	vld [tilespmem:s25+$0x290];
	[tilespmem:s25+$0x8200] =	vst v49  }
0x151: {  	v55 =	vld [tilespmem:s25+$0x2A0];
	[tilespmem:s25+$0x8210] =	vst v50  }
0x152: {  	v56 =	vld [tilespmem:s25+$0x2B0];
	[tilespmem:s25+$0x8220] =	vst v51  }
0x153: {  	v57 =	vld [tilespmem:s25+$0x300];
	[tilespmem:s25+$0x8230] =	vst v52  }
0x154: {  	v58 =	vld [tilespmem:s25+$0x310];
	[tilespmem:s25+$0x8280] =	vst v53  }
0x155: {  	v59 =	vld [tilespmem:s25+$0x320];
	[tilespmem:s25+$0x8290] =	vst v54  }
0x156: {  	v60 =	vld [tilespmem:s25+$0x330];
	[tilespmem:s25+$0x82A0] =	vst v55  }
0x157: {  	v61 =	vld [tilespmem:s25+$0x380];
	[tilespmem:s25+$0x82B0] =	vst v56  }
0x158: {  	v62 =	vld [tilespmem:s25+$0x390];
	[tilespmem:s25+$0x8300] =	vst v57  }
0x159: {  	v63 =	vld [tilespmem:s25+$0x3A0];
	[tilespmem:s25+$0x8310] =	vst v58  }
0x15a: {  	[tilespmem:s25+$0x8320] =	vst v59  }
0x15b: {  	[tilespmem:s25+$0x8330] =	vst v60  }
0x15c: {  	[tilespmem:s25+$0x8380] =	vst v61  }
0x15d: {  	[tilespmem:s25+$0x8390] =	vst v62  }
.Ltmp8:
0x15e: {  	[tilespmem:s25+$0x83A0] =	vst v63;
	(pc) =	sbr.rel .LBB2_11-.Ltmp8, $4  }
0x15f: {  	[hbm4b:s9+s2] =	stream.linear.scatter [tilespmem:s16], [sflag:$0x3], $0x4000, $0x38;
	[tilespmem:$0x10000] =	vst v63  }
0x160: {  	_ =	swait.ge [sflag:s17], $0x4000  }
0x161: {  	[sflag:s17] =	ssyncset.done $0x0  }
0x162: {  	[sflag:s17] =	ssyncadd.s32 $0xFFFFC000  }
.LBB2_12:
0x163: {  	s23 =	simm.s32 $0x0  }
0x164: {  	[tilespmem:s23], [sflag:$0x5] =	stream.linear.gather [hbm4b:s11+s23], $0x2000, $0x38;
	[tilespmem:$0x10000] =	vst v63  }
0x165: {  	_ =	swait.ge [sflag:s21], $0x2000  }
0x166: {  	[sflag:s21] =	ssyncset.done $0x0  }
0x167: {  	s23 =	simm.s32 $0x0;
	[sflag:s21] =	ssyncadd.s32 $0xFFFFE000  }
0x168: {  	v0 =	vld [tilespmem:s23+$0x3B0]  }
0x169: {  	v1 =	vld [tilespmem:s23+$0x0]  }
0x16a: {  	v2 =	vld [tilespmem:s23+$0x10]  }
0x16b: {  	v3 =	vld [tilespmem:s23+$0x20]  }
0x16c: {  	v4 =	vld [tilespmem:s23+$0x30]  }
0x16d: {  	v5 =	vld [tilespmem:s23+$0x80];
	[tilespmem:s23+$0x83B0] =	vst v0  }
0x16e: {  	[tilespmem:s23+$0x8000] =	vst v1;
	v0 =	vld [tilespmem:s23+$0x90]  }
0x16f: {  	[tilespmem:s23+$0x8010] =	vst v2;
	v1 =	vld [tilespmem:s23+$0xA0]  }
0x170: {  	[tilespmem:s23+$0x8020] =	vst v3;
	v2 =	vld [tilespmem:s23+$0xB0]  }
0x171: {  	[tilespmem:s23+$0x8030] =	vst v4;
	v3 =	vld [tilespmem:s23+$0x100]  }
0x172: {  	[tilespmem:s23+$0x8080] =	vst v5;
	v4 =	vld [tilespmem:s23+$0x110]  }
0x173: {  	v5 =	vld [tilespmem:s23+$0x310];
	[tilespmem:s23+$0x8090] =	vst v0  }
0x174: {  	v0 =	vld [tilespmem:s23+$0x120];
	[tilespmem:s23+$0x80A0] =	vst v1  }
0x175: {  	v1 =	vld [tilespmem:s23+$0x130];
	[tilespmem:s23+$0x80B0] =	vst v2  }
0x176: {  	v2 =	vld [tilespmem:s23+$0x180];
	[tilespmem:s23+$0x8100] =	vst v3  }
0x177: {  	v3 =	vld [tilespmem:s23+$0x190];
	[tilespmem:s23+$0x8110] =	vst v4  }
0x178: {  	v4 =	vld [tilespmem:s23+$0x1A0];
	[tilespmem:s23+$0x8310] =	vst v5  }
0x179: {  	[tilespmem:s23+$0x8120] =	vst v0;
	v0 =	vld [tilespmem:s23+$0x1B0]  }
0x17a: {  	[tilespmem:s23+$0x8130] =	vst v1;
	v1 =	vld [tilespmem:s23+$0x200]  }
0x17b: {  	[tilespmem:s23+$0x8180] =	vst v2;
	v2 =	vld [tilespmem:s23+$0x210]  }
0x17c: {  	[tilespmem:s23+$0x8190] =	vst v3;
	v3 =	vld [tilespmem:s23+$0x220]  }
0x17d: {  	[tilespmem:s23+$0x81A0] =	vst v4;
	v4 =	vld [tilespmem:s23+$0x230]  }
0x17e: {  	[tilespmem:s23+$0x81B0] =	vst v0;
	v0 =	vld [tilespmem:s23+$0x280]  }
0x17f: {  	[tilespmem:s23+$0x8200] =	vst v1;
	v1 =	vld [tilespmem:s23+$0x290]  }
0x180: {  	[tilespmem:s23+$0x8210] =	vst v2;
	v2 =	vld [tilespmem:s23+$0x2A0]  }
0x181: {  	[tilespmem:s23+$0x8220] =	vst v3;
	v3 =	vld [tilespmem:s23+$0x2B0]  }
0x182: {  	[tilespmem:s23+$0x8230] =	vst v4;
	v4 =	vld [tilespmem:s23+$0x300]  }
0x183: {  	[tilespmem:s23+$0x8280] =	vst v0;
	v0 =	vld [tilespmem:s23+$0x320]  }
0x184: {  	[tilespmem:s23+$0x8290] =	vst v1;
	v1 =	vld [tilespmem:s23+$0x330]  }
0x185: {  	[tilespmem:s23+$0x82A0] =	vst v2;
	v2 =	vld [tilespmem:s23+$0x380]  }
0x186: {  	[tilespmem:s23+$0x82B0] =	vst v3;
	v3 =	vld [tilespmem:s23+$0x390]  }
0x187: {  	s25 =	simm.s32 $0x400;
	s24 =	simm.s32 $0x2000;
	[tilespmem:s23+$0x8300] =	vst v4;
	v4 =	vld [tilespmem:s23+$0x3A0]  }
.LBB2_13:
0x188: {  	p2 =	sne.s32 s24, $0x7000;
	v5 =	vld [tilespmem:s25+$0x3B0];
	[tilespmem:s23+$0x8320] =	vst v0  }
0x189: {  	v0 =	vld [tilespmem:s25+$0x0];
	[tilespmem:s23+$0x8330] =	vst v1  }
0x18a: {  	v1 =	vld [tilespmem:s25+$0x10];
	[tilespmem:s23+$0x8380] =	vst v2  }
0x18b: {  	v2 =	vld [tilespmem:s25+$0x20];
	[tilespmem:s23+$0x8390] =	vst v3  }
0x18c: {  	v3 =	vld [tilespmem:s25+$0x30];
	[tilespmem:s23+$0x83A0] =	vst v4;
	s23 =	smov.u32 s25  }
0x18d: {  	v4 =	vld [tilespmem:s23+$0x80];
	[tilespmem:s23+$0x83B0] =	vst v5  }
0x18e: {  	[tilespmem:s23+$0x8000] =	vst v0;
	v0 =	vld [tilespmem:s23+$0x90]  }
0x18f: {  	[tilespmem:s23+$0x8010] =	vst v1;
	v1 =	vld [tilespmem:s23+$0xA0]  }
0x190: {  	[tilespmem:s23+$0x8020] =	vst v2;
	v2 =	vld [tilespmem:s23+$0xB0]  }
0x191: {  	[tilespmem:s23+$0x8030] =	vst v3;
	v3 =	vld [tilespmem:s23+$0x100]  }
0x192: {  	[tilespmem:s23+$0x8080] =	vst v4;
	v4 =	vld [tilespmem:s23+$0x110]  }
0x193: {  	[tilespmem:s23+$0x8090] =	vst v0;
	v0 =	vld [tilespmem:s23+$0x120]  }
0x194: {  	[tilespmem:s23+$0x80A0] =	vst v1;
	v1 =	vld [tilespmem:s23+$0x130]  }
0x195: {  	[tilespmem:s23+$0x80B0] =	vst v2;
	v2 =	vld [tilespmem:s23+$0x180]  }
0x196: {  	[tilespmem:s23+$0x8100] =	vst v3;
	v3 =	vld [tilespmem:s23+$0x190]  }
0x197: {  	[tilespmem:s23+$0x8110] =	vst v4;
	v4 =	vld [tilespmem:s23+$0x1A0]  }
0x198: {  	[tilespmem:s23+$0x8120] =	vst v0;
	v0 =	vld [tilespmem:s23+$0x1B0]  }
0x199: {  	[tilespmem:s23+$0x8130] =	vst v1;
	v1 =	vld [tilespmem:s23+$0x200]  }
0x19a: {  	[tilespmem:s23+$0x8180] =	vst v2;
	v2 =	vld [tilespmem:s23+$0x210]  }
0x19b: {  	[tilespmem:s23+$0x8190] =	vst v3;
	v3 =	vld [tilespmem:s23+$0x220]  }
0x19c: {  	[tilespmem:s23+$0x81A0] =	vst v4;
	v4 =	vld [tilespmem:s23+$0x230]  }
0x19d: {  	[tilespmem:s23+$0x81B0] =	vst v0;
	v0 =	vld [tilespmem:s23+$0x280]  }
0x19e: {  	[tilespmem:s23+$0x8200] =	vst v1;
	v1 =	vld [tilespmem:s23+$0x290]  }
0x19f: {  	[tilespmem:s23+$0x8210] =	vst v2;
	v2 =	vld [tilespmem:s23+$0x2A0]  }
0x1a0: {  	[tilespmem:s23+$0x8220] =	vst v3;
	v3 =	vld [tilespmem:s23+$0x2B0]  }
0x1a1: {  	[tilespmem:s23+$0x8230] =	vst v4;
	v4 =	vld [tilespmem:s23+$0x300]  }
0x1a2: {  	[tilespmem:s23+$0x8280] =	vst v0;
	v5 =	vld [tilespmem:s23+$0x310]  }
.Ltmp9:
0x1a3: {  	[tilespmem:s23+$0x8290] =	vst v1;
	v0 =	vld [tilespmem:s23+$0x320];
	(pc) =	sbr.rel @p2 .LBB2_13-.Ltmp9, $4  }
0x1a4: {  	[tilespmem:s23+$0x82A0] =	vst v2;
	v1 =	vld [tilespmem:s23+$0x330]  }
0x1a5: {  	[tilespmem:s23+$0x82B0] =	vst v3;
	v2 =	vld [tilespmem:s23+$0x380]  }
0x1a6: {  	[tilespmem:s23+$0x8300] =	vst v4;
	v3 =	vld [tilespmem:s23+$0x390]  }
0x1a7: {  	s25 =	sshra.s32 s24, $0x2;
	s24 =	sadd.s32 $0x1000, s24;
	[tilespmem:s23+$0x8310] =	vst v5;
	v4 =	vld [tilespmem:s23+$0x3A0]  }
0x1a8: {  	v5 =	vld [tilespmem:s25+$0x3B0];
	[tilespmem:s23+$0x8320] =	vst v0  }
0x1a9: {  	v0 =	vld [tilespmem:s25+$0x0];
	[tilespmem:s23+$0x8330] =	vst v1  }
0x1aa: {  	v1 =	vld [tilespmem:s25+$0x10];
	[tilespmem:s23+$0x8380] =	vst v2  }
0x1ab: {  	v2 =	vld [tilespmem:s25+$0x20];
	[tilespmem:s23+$0x8390] =	vst v3  }
0x1ac: {  	v3 =	vld [tilespmem:s25+$0x30];
	[tilespmem:s23+$0x83A0] =	vst v4  }
0x1ad: {  	v4 =	vld [tilespmem:s25+$0x80];
	[tilespmem:s25+$0x83B0] =	vst v5  }
0x1ae: {  	v38 =	vld [tilespmem:s25+$0x90];
	[tilespmem:s25+$0x8000] =	vst v0  }
0x1af: {  	v39 =	vld [tilespmem:s25+$0xA0];
	[tilespmem:s25+$0x8010] =	vst v1  }
0x1b0: {  	v40 =	vld [tilespmem:s25+$0xB0];
	[tilespmem:s25+$0x8020] =	vst v2  }
0x1b1: {  	v41 =	vld [tilespmem:s25+$0x100];
	[tilespmem:s25+$0x8030] =	vst v3  }
0x1b2: {  	v42 =	vld [tilespmem:s25+$0x110];
	[tilespmem:s25+$0x8080] =	vst v4  }
0x1b3: {  	v43 =	vld [tilespmem:s25+$0x120];
	[tilespmem:s25+$0x8090] =	vst v38  }
0x1b4: {  	v44 =	vld [tilespmem:s25+$0x130];
	[tilespmem:s25+$0x80A0] =	vst v39  }
0x1b5: {  	v45 =	vld [tilespmem:s25+$0x180];
	[tilespmem:s25+$0x80B0] =	vst v40  }
0x1b6: {  	v46 =	vld [tilespmem:s25+$0x190];
	[tilespmem:s25+$0x8100] =	vst v41  }
0x1b7: {  	v47 =	vld [tilespmem:s25+$0x1A0];
	[tilespmem:s25+$0x8110] =	vst v42  }
0x1b8: {  	v48 =	vld [tilespmem:s25+$0x1B0];
	[tilespmem:s25+$0x8120] =	vst v43  }
0x1b9: {  	v49 =	vld [tilespmem:s25+$0x200];
	[tilespmem:s25+$0x8130] =	vst v44  }
0x1ba: {  	v50 =	vld [tilespmem:s25+$0x210];
	[tilespmem:s25+$0x8180] =	vst v45  }
0x1bb: {  	v51 =	vld [tilespmem:s25+$0x220];
	[tilespmem:s25+$0x8190] =	vst v46  }
0x1bc: {  	v52 =	vld [tilespmem:s25+$0x230];
	[tilespmem:s25+$0x81A0] =	vst v47  }
0x1bd: {  	v53 =	vld [tilespmem:s25+$0x280];
	[tilespmem:s25+$0x81B0] =	vst v48  }
0x1be: {  	v54 =	vld [tilespmem:s25+$0x290];
	[tilespmem:s25+$0x8200] =	vst v49  }
0x1bf: {  	v55 =	vld [tilespmem:s25+$0x2A0];
	[tilespmem:s25+$0x8210] =	vst v50  }
0x1c0: {  	v56 =	vld [tilespmem:s25+$0x2B0];
	[tilespmem:s25+$0x8220] =	vst v51  }
0x1c1: {  	v57 =	vld [tilespmem:s25+$0x300];
	[tilespmem:s25+$0x8230] =	vst v52  }
0x1c2: {  	v58 =	vld [tilespmem:s25+$0x310];
	[tilespmem:s25+$0x8280] =	vst v53  }
0x1c3: {  	v59 =	vld [tilespmem:s25+$0x320];
	[tilespmem:s25+$0x8290] =	vst v54  }
0x1c4: {  	v60 =	vld [tilespmem:s25+$0x330];
	[tilespmem:s25+$0x82A0] =	vst v55  }
0x1c5: {  	v61 =	vld [tilespmem:s25+$0x380];
	[tilespmem:s25+$0x82B0] =	vst v56  }
0x1c6: {  	v62 =	vld [tilespmem:s25+$0x390];
	[tilespmem:s25+$0x8300] =	vst v57  }
0x1c7: {  	v63 =	vld [tilespmem:s25+$0x3A0];
	[tilespmem:s25+$0x8310] =	vst v58  }
0x1c8: {  	[tilespmem:s25+$0x8320] =	vst v59  }
0x1c9: {  	[tilespmem:s25+$0x8330] =	vst v60  }
0x1ca: {  	[tilespmem:s25+$0x8380] =	vst v61  }
0x1cb: {  	[tilespmem:s25+$0x8390] =	vst v62  }
.Ltmp10:
0x1cc: {  	[tilespmem:s25+$0x83A0] =	vst v63;
	(pc) =	sbr.rel .LBB2_15-.Ltmp10, $4  }
0x1cd: {  	[hbm4b:s12+s2] =	stream.linear.scatter [tilespmem:s16], [sflag:$0x5], $0x2000, $0x38;
	[tilespmem:$0x10000] =	vst v63  }
0x1ce: {  	_ =	swait.ge [sflag:s21], $0x2000  }
0x1cf: {  	[sflag:s21] =	ssyncset.done $0x0  }
0x1d0: {  	[sflag:s21] =	ssyncadd.s32 $0xFFFFE000  }
.LBB2_16:
0x1d1: {  	_ =	sfence.sel $0x180000  }
0x1d2: {  	[bflag:$0x0] =	sbarrier.arrive $0xFFFF  }
0x1d3: {  	p0 =	sne.s32 s1, $0x0;
	_ =	strace $0x90000047  }
0x1d4: {  	s0 =	sadd.s32 @!p0 $0x100000, s0;
	[bflag:$0x2] =	sbarrier.arrive $0xFFFF  }
0x1d5: {  	[sflag:s0] =	ssyncadd.tile.s32 @!p0 $0x1;
	_ =	shalt  }
.Lfunc_end2:
_tile_overlayer_lowered:
.L_overlay_start_2:
0x1d6: {  	(tag) =	ssettag $0x2  }
0x1d7: {  	s0 =	rddreg [dreg:$0x0];
	s2 =	stileid.u32  }
0x1d8: {  	s1 =	rddreg [dreg:$0x1];
	p0 =	sne.s32 s2, $0x0  }
0x1d9: {  	s3 =	rddreg [dreg:$0x2];
	[bflag:$0x3] =	sbarrier.arrive $0xFFFF;
	s2 =	simm.s32 @!p0 $0x1C05  }
0x1da: {  	[timem:s3], [sflag:s2] =	dma.local @!p0 [hbm:s0], s1  }
0x1db: {  	s0 =	simm.s32 @!p0 $0x5  }
0x1dc: {  	_ =	swait.ge @!p0 [sflag:s0], s1  }
0x1dd: {  	s1 =	ssub.s32 @!p0 $0x0, s1;
	[sflag:s0] =	ssyncset.done @!p0 $0x0  }
0x1de: {  	[sflag:s0] =	ssyncadd.s32 @!p0 s1  }
0x1df: {  	[bflag:$0x3] =	sbarrier.arrive $0xFFFF  }
0x1e0: {  	_ =	shalt  }

// kernel: kernel.7.cloned.1.call-start
scs
__scs_entry_jumppad:
0x0: {  	(pc) =	sbr.rel $0x88, $3  }
0x1: {  	(tag) =	ssettag $0x0;
	lr =	simm.s32 $0x1  }
0x2: {  	[smem:$0x3F9F] =	sst lr;
	_ =	strace $0xD0000000  }
0x3: {  	_ = 	snop  }
0x4: {  	_ = 	snop  }
0x5: {  	_ = 	snop  }
0x6: {  	_ = 	snop  }
0x7: {  	_ = 	snop  }
__scs_overlays_trampoline_lowered:
0x8: {  	[smem:$0x3FAE] =	sst s0  }
0x9: {  	[smem:$0x3FAF] =	sst s1  }
0xa: {  	[smem:$0x3FB0] =	sst s2  }
0xb: {  	[smem:$0x3FB1] =	sst s3  }
0xc: {  	[smem:$0x3FB2] =	sst s4  }
0xd: {  	[smem:$0x3FB3] =	sst s5  }
0xe: {  	[smem:$0x3FB4] =	sst s6  }
0xf: {  	[smem:$0x3FB5] =	sst s7  }
0x10: {  	[smem:$0x3FB6] =	sst s8  }
0x11: {  	[smem:$0x3FB7] =	sst s9;
	s0 =	simm.s32 @!p0 $0x0  }
0x12: {  	s1 =	sld [smem:$0x3F9D];
	s0 =	simm.s32 @p0 $0x1  }
0x13: {  	[smem:$0x3FB8] =	sst s0;
	s0 =	simm.s32 @!p1 $0x0  }
0x14: {  	s2 =	sld [smem:$0x3F9C];
	s0 =	simm.s32 @p1 $0x1  }
0x15: {  	[smem:$0x3FB9] =	sst s0;
	s0 =	simm.s32 @!p2 $0x0  }
0x16: {  	s3 =	sld [smem:$0x3FDB];
	s0 =	simm.s32 @p2 $0x1  }
0x17: {  	s4 =	simm.s32 $0x1BF5;
	[smem:$0x3FBB] =	sst s0  }
0x18: {  	s0 =	sld [smem:$0x3F9E];
	_ =	swait.ge [sflag:s4], $0x0  }
0x19: {  	s7 =	sld [smem:$0x3F9F]  }
0x1a: {  	s8 =	sadd.s32 $0xFFFFE003, lr  }
0x1b: {  	s9 =	sadd.s32 $0xFFFFFEF7, lr;
	s5 =	simm.s32 $0xFFFFFFFF;
	p2 =	slt.u32 s8, $0xFFFFF086  }
0x1c: {  	p1 =	slt.u32 s9, $0xF7A;
	s5 =	simm.s32 @!p2 $0x0  }
0x1d: {  	s5 =	simm.s32 @p1 $0x1;
	p0 =	seq.s32 s7, s2  }
0x1e: {  	s7 =	smul.u32 @!p0 $0xF7A, s2;
	p2 =	seq.s32 @!p0 s5, $0x0  }
0x1f: {  	s9 =	smul.u32 $0xF7A, s1;
	s8 =	simm.s32 @!p0 $0x1BF5;
	p2 =	por !p2, p0  }
0x20: {  	[sflag:s8] =	ssyncset.s32 @!p0 $0xFFFFF086;
	s6 =	sadd.s32 @!p0 s3, s7;
	s7 =	simm.s32 @!p0 $0x108  }
0x21: {  	s3 =	sadd.s32 s3, s9;
	s6 =	sadd.s32 @!p0 $0x88, s6;
	s7 =	simm.s32 @p2 $0x1082  }
0x22: {  	[simem:s7], [sflag:s8] =	dma.local @!p0 [hbm:s6], $0xF7A  }
0x23: {  	s9 =	sor.u32 $0xD0000000, s2;
	s6 =	simm.s32 $0x108;
	_ =	swait.ge @!p0 [sflag:s8], $0x0  }
0x24: {  	s3 =	sadd.s32 $0x88, s3;
	s6 =	simm.s32 @!p1 $0x1082;
	[sflag:s4] =	ssyncset.s32 $0xFFFFF086  }
0x25: {  	[simem:s6], [sflag:s4] =	dma.local [hbm:s3], $0xF7A  }
0x26: {  	[smem:$0x3F9F] =	sst s1;
	(tag) =	ssettag s2;
	_ =	strace s9  }
0x27: {  	s1 =	sld [smem:$0x3FAF]  }
0x28: {  	s2 =	sld [smem:$0x3FB0]  }
0x29: {  	s4 =	sld [smem:$0x3FB2]  }
0x2a: {  	p0 =	seq.s32 s5, $0x0;
	s5 =	sld [smem:$0x3FB3]  }
0x2b: {  	s6 =	sld [smem:$0x3FB4]  }
0x2c: {  	s7 =	sld [smem:$0x3FB5]  }
0x2d: {  	s3 =	simm.s32 $0x108;
	s8 =	sld [smem:$0x3FB6]  }
0x2e: {  	s3 =	simm.s32 @!p0 $0x1082;
	s9 =	sld [smem:$0x3FB7]  }
0x2f: {  	lr =	sadd.s32 s0, s3;
	s0 =	sld [smem:$0x3FAE]  }
0x30: {  	s3 =	sld [smem:$0x3FB1]  }
0x31: {  	[smem:$0x3FBA] =	sst s10  }
0x32: {  	s10 =	sld [smem:$0x3FB8];
	_ =	sdelay $0x3  }
0x33: {  	p0 =	seq.s32 s10, $0x1;
	s10 =	sld [smem:$0x3FBA];
	_ =	sdelay $0x3  }
0x34: {  	[smem:$0x3FBA] =	sst s10  }
0x35: {  	s10 =	sld [smem:$0x3FB9];
	_ =	sdelay $0x3  }
0x36: {  	p1 =	seq.s32 s10, $0x1;
	s10 =	sld [smem:$0x3FBA];
	_ =	sdelay $0x3  }
0x37: {  	[smem:$0x3FBA] =	sst s10  }
0x38: {  	s10 =	sld [smem:$0x3FBB]  }
0x39: {  	_ = 	snop;
	(pc) =	sbr.ind lr, $3  }
0x3a: {  	_ = 	snop  }
0x3b: {  	_ = 	snop  }
0x3c: {  	p2 =	seq.s32 s10, $0x1;
	s10 =	sld [smem:$0x3FBA]  }
0x3d: {  	_ =	shalt  }
0x3e: {  	_ =	shalt  }
0x3f: {  	_ =	shalt  }
0x40: {  	_ =	shalt  }
0x41: {  	_ =	shalt  }
0x42: {  	_ =	shalt  }
0x43: {  	_ =	shalt  }
0x44: {  	_ =	shalt  }
0x45: {  	_ =	shalt  }
0x46: {  	_ =	shalt  }
0x47: {  	_ =	shalt  }
0x48: {  	_ =	shalt  }
0x49: {  	_ =	shalt  }
0x4a: {  	_ =	shalt  }
0x4b: {  	_ =	shalt  }
0x4c: {  	_ =	shalt  }
0x4d: {  	_ =	shalt  }
0x4e: {  	_ =	shalt  }
0x4f: {  	_ =	shalt  }
0x50: {  	_ =	shalt  }
0x51: {  	_ =	shalt  }
0x52: {  	_ =	shalt  }
0x53: {  	_ =	shalt  }
0x54: {  	_ =	shalt  }
0x55: {  	_ =	shalt  }
0x56: {  	_ =	shalt  }
0x57: {  	_ =	shalt  }
0x58: {  	_ =	shalt  }
0x59: {  	_ =	shalt  }
0x5a: {  	_ =	shalt  }
0x5b: {  	_ =	shalt  }
0x5c: {  	_ =	shalt  }
0x5d: {  	_ =	shalt  }
0x5e: {  	_ =	shalt  }
0x5f: {  	_ =	shalt  }
0x60: {  	_ =	shalt  }
0x61: {  	_ =	shalt  }
0x62: {  	_ =	shalt  }
0x63: {  	_ =	shalt  }
0x64: {  	_ =	shalt  }
0x65: {  	_ =	shalt  }
0x66: {  	_ =	shalt  }
0x67: {  	_ =	shalt  }
0x68: {  	_ =	shalt  }
0x69: {  	_ =	shalt  }
0x6a: {  	_ =	shalt  }
0x6b: {  	_ =	shalt  }
0x6c: {  	_ =	shalt  }
0x6d: {  	_ =	shalt  }
0x6e: {  	_ =	shalt  }
0x6f: {  	_ =	shalt  }
0x70: {  	_ =	shalt  }
0x71: {  	_ =	shalt  }
0x72: {  	_ =	shalt  }
0x73: {  	_ =	shalt  }
0x74: {  	_ =	shalt  }
0x75: {  	_ =	shalt  }
0x76: {  	_ =	shalt  }
0x77: {  	_ =	shalt  }
0x78: {  	_ =	shalt  }
0x79: {  	_ =	shalt  }
0x7a: {  	_ =	shalt  }
0x7b: {  	_ =	shalt  }
0x7c: {  	_ =	shalt  }
0x7d: {  	_ =	shalt  }
0x7e: {  	_ =	shalt  }
0x7f: {  	_ =	shalt  }
0x80: {  	_ =	shalt  }
0x81: {  	_ =	shalt  }
0x82: {  	_ =	shalt  }
0x83: {  	_ =	shalt  }
0x84: {  	_ =	shalt  }
0x85: {  	_ =	shalt  }
0x86: {  	_ =	shalt  }
0x87: {  	_ =	shalt  }
.Lfunc_end0:
.L_simem_size_0:
called_computation.2_lowered:
.L_overlay_start_0:
0x88: {  	s2 =	sld [smem:$0x3FD9]  }
0x89: {  	s3 =	sld [smem:$0x3FFE];
	_ =	sdelay $0x1  }
0x8a: {  	s1 =	srdreg.scid  }
0x8b: {  	s0 =	sand.u32 $0x1, s1  }
0x8c: {  	s17 =	sshll.u32 s0, $0xA;
	s2 =	sadd.s32 s3, s2  }
0x8d: {  	s2 =	sadd.s32 s2, s17  }
0x8e: {  	[smem:$0x3FC6] =	sst s2  }
0x8f: {  	_ = 	snop  }
0x90: {  	s2 =	sld [smem:$0x3FD0];
	(tm) =	ssettm $0x1  }
0x91: {  	s18 =	sld [smem:$0x3FFB];
	_ =	sdelay $0x3  }
0x92: {  	_ =	strace s18  }
0x93: {  	s3 =	sld [smem:$0x3FFC];
	_ =	sdelay $0x3  }
0x94: {  	_ =	strace s3  }
0x95: {  	s3 =	sld [smem:$0x3FFD];
	_ =	sdelay $0x3  }
0x96: {  	_ =	strace s3  }
0x97: {  	_ =	strace $0x8FFFFFFF  }
0x98: {  	s19 =	sld [smem:$0x3FDB];
	_ =	sdelay $0x1  }
0x99: {  	s4 =	simm.s32 $_scs_section_size  }
0x9a: {  	s5 =	simm.s32 $_size__tile_overlayer_lowered;
	s6 =	simm.s32 $_tile_overlayer_lowered  }
0x9b: {  	s22 =	simm.s32 $0x1BFF;
	s21 =	sshll.u32 s6, $0x1;
	s3 =	sadd.s32 s4, s19  }
0x9c: {  	s7 =	simm.s32 $0x0;
	s20 =	sshll.u32 s5, $0x1;
	s5 =	sadd.s32 s21, s3  }
0x9d: {  	[timem:s7], [sflag:s22] =	dma.local [hbm:s5], s20  }
0x9e: {  	_ =	swait.ge [sflag:s22], s20  }
0x9f: {  	s4 =	ssub.s32 $0x0, s20;
	[sflag:s22] =	ssyncset.done $0x0  }
0xa0: {  	[sflag:s22] =	ssyncadd.s32 s4;
	_ =	sdelay $0x1  }
0xa1: {  	s23 =	simm.s32 $0x1B8B  }
0xa2: {  	_ =	swait.ge [sflag:s23], $0x1  }
0xa3: {  	[sflag:s23] =	ssyncset.done $0x0  }
0xa4: {  	s25 =	simm.s32 $0x1B8E;
	s24 =	sld [smem:$0x3FFE];
	[sflag:s23] =	ssyncadd.s32 $0xFFFFFFFF  }
0xa5: {  	s26 =	simm.s32 $execute0_lowered;
	[smem:$0x3FD2] =	sst s25  }
0xa6: {  	s5 =	sshll.u32 s26, $0x1;
	_ =	strace $0x80000049;
	[dreg:$0x1] =	wrdreg $0xFFFFFFFF  }
0xa7: {  	s28 =	simm.s32 $_size_execute0_lowered;
	s3 =	sadd.s32 s3, s5;
	[dreg:$0x0] =	wrdreg $0x0  }
0xa8: {  	s5 =	sshll.u32 s28, $0x1;
	[dreg:$0x2] =	wrdreg s3  }
0xa9: {  	[dreg:$0x3] =	wrdreg s5  }
0xaa: {  	[dreg:$0x4] =	wrdreg $0xC0  }
0xab: {  	_ =	task [dreg:s7], $0x5FFFF  }
0xac: {  	[dreg:$0x1] =	wrdreg $0xFFFFFFFF  }
0xad: {  	[dreg:$0x0] =	wrdreg $0x60  }
0xae: {  	[dreg:$0x2] =	wrdreg s2  }
0xaf: {  	[dreg:$0x3] =	wrdreg s24  }
0xb0: {  	[dreg:$0x4] =	wrdreg $0x9  }
0xb1: {  	_ =	task.clear_ibuf [dreg:s7], $0x5FFFF;
	_ =	strace $0x90000049  }
0xb2: {  	s29 =	simm.s32 $0x9;
	_ =	strace $0x8000004B  }
0xb3: {  	_ =	swait.ge [sflag:s29], $0x1  }
0xb4: {  	[sflag:s29] =	ssyncadd.s32 $0xFFFFFFFF  }
0xb5: {  	_ =	strace $0x9000004B  }
0xb6: {  	_ =	sfence  }
0xb7: {  	s30 =	sld [smem:$0x0];
	_ =	sdelay $0x2  }
0xb8: {  	s31 =	sshll.u32 s1, $0xD;
	s1 =	sshrl.u32 s1, $0x2  }
0xb9: {  	s3 =	sand.u32 $0x4000, s31;
	s1 =	sadd.s32 s1, s30  }
0xba: {  	s0 =	sor.u32 s3, s0;
	s1 =	sshll.u32 s1, $0x11  }
0xbb: {  	s0 =	sor.u32 s1, s0  }
0xbc: {  	s0 =	sadd.s32 $0x8F2B, s0  }
0xbd: {  	[sflag:s0] =	ssyncadd.remote.s32 $0x1  }
0xbe: {  	_ =	sfence.sel $0xFFFF  }
0xbf: {  	[dreg:$0x0] =	wrdreg $0xFFFFFFFF;
	(pc) =	sbr.abs _section_cstart, $3  }
0xc0: {  	[dreg:$0x1] =	wrdreg $0xFFFFFFFF  }
0xc1: {  	_ =	task.clear_ibuf [dreg:s7], $0x2FFFF;
	_ =	strace $0x9FFFFFFF  }
0xc2: {  	(tm) =	ssettm $0x7FFFFFFF  }
0xc3: {  	_ =	shalt  }
tec
execute0_lowered:
.L_overlay_start_1:
0x0: {  	(tag) =	ssettag $0x1  }
0x1: {  	s0 =	rddreg [dreg:$0x0];
	s1 =	srdreg.scid  }
0x2: {  	s4 =	stileid.u32;
	s2 =	rddreg [dreg:$0x1];
	s6 =	simm.s32 $0x0  }
0x3: {  	s28 =	simm.s32 $0x1;
	s29 =	simm.s32 $0x40;
	s1 =	sand.u32 $0x1, s1  }
0x4: {  	s3 =	sshll.u32 s4, $0x1;
	[smem:$0x7FF] =	sst s6;
	s8 =	smul.u32 $0xC800, s4  }
0x5: {  	s5 =	sor.u32 s1, s3;
	s7 =	ssub.s32 $0x2, s1;
	s1 =	smul.u32 $0x6400, s1  }
0x6: {  	s31 =	simm.s32 $0x12400;
	_ =	strace $0x8000004A;
	s26 =	smul.u32 $0x6400, s5  }
0x7: {  	s30 =	simm.s32 $0xA;
	s3 =	sadd.s32 $0xF43200, s2;
	s10 =	smul.u32 $0x64000, s5  }
0x8: {  	s2 =	sadd.s32 $0xE00, s2;
	s9 =	sshrl.u32 s7, $0x1;
	s5 =	smul.u32 $0x320000, s5  }
0x9: {  	[dreg:$0xb] =	wrdreg s2;
	s9 =	ssub.s32 s7, s9;
	s1 =	sadd.s32 s1, s8  }
0xa: {  	s7 =	simm.s32 $0xC;
	s8 =	simm.s32 $0x7;
	s11 =	sadd.s32 s2, s10  }
0xb: {  	s6 =	sshrl.u32 s26, $0x3;
	s26 =	smax.u32 s9, $0x1;
	[dreg:$0xd] =	wrdreg s11  }
0xc: {  	s12 =	sshll.u32 s1, $0x4;
	s0 =	sadd.s32 s0, s6;
	[dreg:$0x15] =	wrdreg s26  }
0xd: {  	s14 =	sshrl.u32 s5, $0x3;
	s13 =	sadd.s32 $0x800, s11;
	[dreg:$0xc] =	wrdreg s0  }
0xe: {  	s5 =	simm.s32 $0x6;
	s15 =	sor.u32 $0x3800, s12;
	[dreg:$0xe] =	wrdreg s13  }
0xf: {  	s9 =	simm.s32 $0xD;
	s16 =	sor.u32 $0x3000, s12;
	[dreg:$0x3] =	wrdreg s15  }
0x10: {  	s10 =	simm.s32 $0xE;
	s17 =	sor.u32 $0x2800, s12;
	[dreg:$0x4] =	wrdreg s16  }
0x11: {  	s1 =	sadd.s32 s2, s14;
	s19 =	sor.u32 $0x2000, s12;
	[dreg:$0x5] =	wrdreg s17  }
0x12: {  	s21 =	sor.u32 $0x1800, s12;
	s23 =	sor.u32 $0x1000, s12;
	[dreg:$0x6] =	wrdreg s19  }
0x13: {  	s25 =	sadd.s32 $0x4800, s12;
	s26 =	simm.s32 $0x10400;
	[dreg:$0x7] =	wrdreg s21  }
0x14: {  	s2 =	simm.s32 $0xB;
	s6 =	simm.s32 $0x8;
	[dreg:$0x8] =	wrdreg s23  }
0x15: {  	s11 =	simm.s32 $0xF;
	s4 =	sadd.s32 $0x61000, s1;
	[dreg:$0x9] =	wrdreg s25  }
0x16: {  	s18 =	sadd.s32 $0x61800, s1;
	s20 =	sadd.s32 $0x62000, s1;
	[dreg:$0xf] =	wrdreg s4  }
0x17: {  	s22 =	sadd.s32 $0x62800, s1;
	s24 =	sadd.s32 $0x63000, s1;
	[dreg:$0x10] =	wrdreg s18  }
0x18: {  	s1 =	sadd.s32 $0x63800, s1;
	s0 =	sadd.s32 $0x4000, s12;
	[dreg:$0x11] =	wrdreg s20  }
0x19: {  	s16 =	simm.s32 $0x80;
	s17 =	simm.s32 $0x6400;
	[dreg:$0x12] =	wrdreg s22  }
0x1a: {  	s19 =	simm.s32 $0x14400;
	s21 =	simm.s32 $0x3;
	[dreg:$0x13] =	wrdreg s24  }
0x1b: {  	s23 =	simm.s32 $0x9;
	s25 =	simm.s32 $0x4;
	[dreg:$0x14] =	wrdreg s1  }
0x1c: {  	s12 =	simm.s32 $0x10;
	s13 =	simm.s32 $0x0;
	[dreg:$0xa] =	wrdreg s0  }
0x1d: {  	s18 =	simm.s32 $0x8400;
	s20 =	simm.s32 $0xA400;
	s22 =	simm.s32 $0xC400  }
0x1e: {  	s24 =	simm.s32 $0xE400;
	s1 =	simm.s32 $0x2;
	s0 =	simm.s32 $0x5  }
.LBB2_1:
0x1f: {  	[dreg:$0x16] =	wrdreg s13  }
0x20: {  	s4 =	simm.s32 $0x0;
	s14 =	rddreg [dreg:$0xc];
	s15 =	simm.s32 $0x11  }
0x21: {  	[tilespmem:s4], [sflag:$0x11] =	stream.linear.gather [hbm4b:s14+s4], $0x6400, $0x38;
	[tilespmem:$0x16400] =	vst v63  }
0x22: {  	_ =	swait.ge [sflag:s15], $0x6400  }
0x23: {  	[sflag:s15] =	ssyncset.done $0x0  }
0x24: {  	[sflag:s15] =	ssyncadd.s32 $0xFFFF9C00  }
0x25: {  	[tilespmem:s17], [sflag:$0x1] =	stream.indirect.gather [hbm4b:s3+s16], $0x40, s4, s16, $0xb8;
	[tilespmem:$0x16400] =	vst v63  }
0x26: {  	_ = 	snop  }
0x27: {  	[tilespmem:s18], [sflag:$0x2] =	stream.indirect.gather [hbm4b:s3+s16], $0x40, s16, s16, $0xb8;
	[tilespmem:$0x16400] =	vst v63  }
0x28: {  	s13 =	simm.s32 $0x100  }
0x29: {  	[tilespmem:s20], [sflag:$0x3] =	stream.indirect.gather [hbm4b:s3+s16], $0x40, s13, s16, $0xb8;
	[tilespmem:$0x16400] =	vst v63  }
0x2a: {  	s14 =	simm.s32 $0x180  }
0x2b: {  	[tilespmem:s22], [sflag:$0x4] =	stream.indirect.gather [hbm4b:s3+s16], $0x40, s14, s16, $0xb8;
	[tilespmem:$0x16400] =	vst v63  }
0x2c: {  	s15 =	simm.s32 $0x200  }
0x2d: {  	[tilespmem:s24], [sflag:$0x5] =	stream.indirect.gather [hbm4b:s3+s16], $0x40, s15, s16, $0xb8;
	[tilespmem:$0x16400] =	vst v63  }
0x2e: {  	s13 =	simm.s32 $0x280  }
0x2f: {  	[tilespmem:s26], [sflag:$0x6] =	stream.indirect.gather [hbm4b:s3+s16], $0x40, s13, s16, $0xb8;
	[tilespmem:$0x16400] =	vst v63  }
0x30: {  	_ =	swait.ge [sflag:s28], $0x2000  }
0x31: {  	[sflag:s28] =	ssyncset.done $0x0  }
0x32: {  	s14 =	rddreg [dreg:$0xd];
	[sflag:s28] =	ssyncadd.s32 $0xFFFFE000  }
0x33: {  	[hbm4b:s14+s29] =	stream.strided.scatter [tilespmem:s17], [sflag:$0x9], $0x2000, s16, s29, $0x38;
	[tilespmem:$0x16400] =	vst v63  }
0x34: {  	s15 =	simm.s32 $0x300  }
0x35: {  	[tilespmem:s31], [sflag:$0x7] =	stream.indirect.gather [hbm4b:s3+s16], $0x40, s15, s16, $0xb8;
	[tilespmem:$0x16400] =	vst v63  }
0x36: {  	_ =	swait.ge [sflag:s1], $0x2000  }
0x37: {  	[sflag:s1] =	ssyncset.done $0x0  }
0x38: {  	s13 =	rddreg [dreg:$0xe];
	[sflag:s1] =	ssyncadd.s32 $0xFFFFE000  }
0x39: {  	[hbm4b:s13+s29] =	stream.strided.scatter [tilespmem:s18], [sflag:$0xA], $0x2000, s16, s29, $0x38;
	[tilespmem:$0x16400] =	vst v63  }
0x3a: {  	s14 =	simm.s32 $0x380  }
0x3b: {  	[tilespmem:s19], [sflag:$0x8] =	stream.indirect.gather [hbm4b:s3+s16], $0x40, s14, s16, $0xb8;
	[tilespmem:$0x16400] =	vst v63  }
0x3c: {  	_ =	swait.ge [sflag:s21], $0x2000  }
0x3d: {  	s15 =	rddreg [dreg:$0x8]  }
0x3e: {  	[sflag:s21] =	ssyncset.done $0x0;
	s4 =	rddreg [dreg:$0xb]  }
0x3f: {  	[sflag:s21] =	ssyncadd.s32 $0xFFFFE000;
	s13 =	sadd.s32 s4, s15  }
0x40: {  	[hbm4b:s13+s29] =	stream.strided.scatter [tilespmem:s20], [sflag:$0xB], $0x2000, s16, s29, $0x38;
	[tilespmem:$0x16400] =	vst v63  }
0x41: {  	_ =	swait.ge [sflag:s23], $0x2000  }
0x42: {  	[sflag:s23] =	ssyncset.done $0x0  }
0x43: {  	s14 =	simm.s32 $0x400;
	[sflag:s23] =	ssyncadd.s32 $0xFFFFE000  }
0x44: {  	[tilespmem:s17], [sflag:$0x1] =	stream.indirect.gather [hbm4b:s3+s16], $0x40, s14, s16, $0xb8;
	[tilespmem:$0x16400] =	vst v63  }
0x45: {  	_ =	swait.ge [sflag:s25], $0x2000  }
0x46: {  	s15 =	rddreg [dreg:$0x7];
	[sflag:s25] =	ssyncset.done $0x0  }
0x47: {  	[sflag:s25] =	ssyncadd.s32 $0xFFFFE000;
	s13 =	sadd.s32 s4, s15  }
0x48: {  	[hbm4b:s13+s29] =	stream.strided.scatter [tilespmem:s22], [sflag:$0xC], $0x2000, s16, s29, $0x38;
	[tilespmem:$0x16400] =	vst v63  }
0x49: {  	_ =	swait.ge [sflag:s30], $0x2000  }
0x4a: {  	[sflag:s30] =	ssyncset.done $0x0  }
0x4b: {  	s14 =	simm.s32 $0x480;
	[sflag:s30] =	ssyncadd.s32 $0xFFFFE000  }
0x4c: {  	[tilespmem:s18], [sflag:$0x2] =	stream.indirect.gather [hbm4b:s3+s16], $0x40, s14, s16, $0xb8;
	[tilespmem:$0x16400] =	vst v63  }
0x4d: {  	_ =	swait.ge [sflag:s0], $0x2000  }
0x4e: {  	s15 =	rddreg [dreg:$0x6];
	[sflag:s0] =	ssyncset.done $0x0  }
0x4f: {  	[sflag:s0] =	ssyncadd.s32 $0xFFFFE000;
	s13 =	sadd.s32 s4, s15  }
0x50: {  	[hbm4b:s13+s29] =	stream.strided.scatter [tilespmem:s24], [sflag:$0xD], $0x2000, s16, s29, $0x38;
	[tilespmem:$0x16400] =	vst v63  }
0x51: {  	_ =	swait.ge [sflag:s2], $0x2000  }
0x52: {  	[sflag:s2] =	ssyncset.done $0x0  }
0x53: {  	s14 =	simm.s32 $0x500;
	[sflag:s2] =	ssyncadd.s32 $0xFFFFE000  }
0x54: {  	[tilespmem:s20], [sflag:$0x3] =	stream.indirect.gather [hbm4b:s3+s16], $0x40, s14, s16, $0xb8;
	[tilespmem:$0x16400] =	vst v63  }
0x55: {  	_ =	swait.ge [sflag:s5], $0x2000  }
0x56: {  	s15 =	rddreg [dreg:$0x5];
	[sflag:s5] =	ssyncset.done $0x0  }
0x57: {  	[sflag:s5] =	ssyncadd.s32 $0xFFFFE000;
	s13 =	sadd.s32 s4, s15  }
0x58: {  	[hbm4b:s13+s29] =	stream.strided.scatter [tilespmem:s26], [sflag:$0xE], $0x2000, s16, s29, $0x38;
	[tilespmem:$0x16400] =	vst v63  }
0x59: {  	_ =	swait.ge [sflag:s7], $0x2000  }
0x5a: {  	[sflag:s7] =	ssyncset.done $0x0  }
0x5b: {  	s14 =	simm.s32 $0x580;
	[sflag:s7] =	ssyncadd.s32 $0xFFFFE000  }
0x5c: {  	[tilespmem:s22], [sflag:$0x4] =	stream.indirect.gather [hbm4b:s3+s16], $0x40, s14, s16, $0xb8;
	[tilespmem:$0x16400] =	vst v63  }
0x5d: {  	_ =	swait.ge [sflag:s8], $0x2000  }
0x5e: {  	s15 =	rddreg [dreg:$0x4];
	[sflag:s8] =	ssyncset.done $0x0  }
0x5f: {  	[sflag:s8] =	ssyncadd.s32 $0xFFFFE000;
	s13 =	sadd.s32 s4, s15  }
0x60: {  	[hbm4b:s13+s29] =	stream.strided.scatter [tilespmem:s31], [sflag:$0xF], $0x2000, s16, s29, $0x38;
	[tilespmem:$0x16400] =	vst v63  }
0x61: {  	_ =	swait.ge [sflag:s9], $0x2000  }
0x62: {  	[sflag:s9] =	ssyncset.done $0x0  }
0x63: {  	s14 =	simm.s32 $0x600;
	[sflag:s9] =	ssyncadd.s32 $0xFFFFE000  }
0x64: {  	[tilespmem:s24], [sflag:$0x5] =	stream.indirect.gather [hbm4b:s3+s16], $0x40, s14, s16, $0xb8;
	[tilespmem:$0x16400] =	vst v63  }
0x65: {  	_ =	swait.ge [sflag:s6], $0x2000  }
0x66: {  	s15 =	rddreg [dreg:$0x3];
	[sflag:s6] =	ssyncset.done $0x0  }
0x67: {  	[sflag:s6] =	ssyncadd.s32 $0xFFFFE000;
	s13 =	sadd.s32 s4, s15  }
0x68: {  	[hbm4b:s13+s29] =	stream.strided.scatter [tilespmem:s19], [sflag:$0x10], $0x2000, s16, s29, $0x38;
	[tilespmem:$0x16400] =	vst v63  }
0x69: {  	_ =	swait.ge [sflag:s10], $0x2000  }
0x6a: {  	[sflag:s10] =	ssyncset.done $0x0  }
0x6b: {  	s14 =	simm.s32 $0x680;
	[sflag:s10] =	ssyncadd.s32 $0xFFFFE000  }
0x6c: {  	[tilespmem:s26], [sflag:$0x6] =	stream.indirect.gather [hbm4b:s3+s16], $0x40, s14, s16, $0xb8;
	[tilespmem:$0x16400] =	vst v63  }
0x6d: {  	_ =	swait.ge [sflag:s28], $0x2000  }
0x6e: {  	s15 =	rddreg [dreg:$0xa];
	[sflag:s28] =	ssyncset.done $0x0  }
0x6f: {  	[sflag:s28] =	ssyncadd.s32 $0xFFFFE000;
	s13 =	sadd.s32 s4, s15  }
0x70: {  	[hbm4b:s13+s29] =	stream.strided.scatter [tilespmem:s17], [sflag:$0x9], $0x2000, s16, s29, $0x38;
	[tilespmem:$0x16400] =	vst v63  }
0x71: {  	_ =	swait.ge [sflag:s11], $0x2000  }
0x72: {  	[sflag:s11] =	ssyncset.done $0x0  }
0x73: {  	s14 =	simm.s32 $0x700;
	[sflag:s11] =	ssyncadd.s32 $0xFFFFE000  }
0x74: {  	[tilespmem:s31], [sflag:$0x7] =	stream.indirect.gather [hbm4b:s3+s16], $0x40, s14, s16, $0xb8;
	[tilespmem:$0x16400] =	vst v63  }
0x75: {  	_ =	swait.ge [sflag:s1], $0x2000  }
0x76: {  	s15 =	rddreg [dreg:$0x9];
	[sflag:s1] =	ssyncset.done $0x0  }
0x77: {  	[sflag:s1] =	ssyncadd.s32 $0xFFFFE000;
	s13 =	sadd.s32 s4, s15  }
0x78: {  	[hbm4b:s13+s29] =	stream.strided.scatter [tilespmem:s18], [sflag:$0xA], $0x2000, s16, s29, $0x38;
	[tilespmem:$0x16400] =	vst v63  }
0x79: {  	_ =	swait.ge [sflag:s12], $0x2000  }
0x7a: {  	s14 =	simm.s32 $0x1000;
	[sflag:s12] =	ssyncset.done $0x0  }
0x7b: {  	s15 =	sadd.s32 $0x4000, s4;
	s13 =	simm.s32 $0x780;
	[sflag:s12] =	ssyncadd.s32 $0xFFFFE000  }
.LBB2_2:
0x7c: {  	[tilespmem:s19], [sflag:$0x8] =	stream.indirect.gather [hbm4b:s3+s16], $0x40, s13, s16, $0xb8;
	[tilespmem:$0x16400] =	vst v63  }
0x7d: {  	_ =	swait.ge [sflag:s21], $0x2000  }
0x7e: {  	s4 =	rddreg [dreg:$0x8];
	[sflag:s21] =	ssyncset.done $0x0  }
0x7f: {  	[sflag:s21] =	ssyncadd.s32 $0xFFFFE000;
	s4 =	sadd.s32 s15, s4  }
0x80: {  	[hbm4b:s4+s29] =	stream.strided.scatter [tilespmem:s20], [sflag:$0xB], $0x2000, s16, s29, $0x38;
	[tilespmem:$0x16400] =	vst v63  }
0x81: {  	s13 =	smov.u32 s14;
	_ =	swait.ge [sflag:s23], $0x2000  }
0x82: {  	s13 =	sshra.s32 s13, $0x2;
	[sflag:s23] =	ssyncset.done $0x0  }
0x83: {  	s4 =	sadd.s32 $0x400, s13;
	[sflag:s23] =	ssyncadd.s32 $0xFFFFE000  }
0x84: {  	[tilespmem:s17], [sflag:$0x1] =	stream.indirect.gather [hbm4b:s3+s16], $0x40, s4, s16, $0xb8;
	[tilespmem:$0x16400] =	vst v63  }
0x85: {  	_ =	swait.ge [sflag:s25], $0x2000  }
0x86: {  	s4 =	rddreg [dreg:$0x7];
	[sflag:s25] =	ssyncset.done $0x0  }
0x87: {  	[sflag:s25] =	ssyncadd.s32 $0xFFFFE000;
	s4 =	sadd.s32 s15, s4  }
0x88: {  	[hbm4b:s4+s29] =	stream.strided.scatter [tilespmem:s22], [sflag:$0xC], $0x2000, s16, s29, $0x38;
	[tilespmem:$0x16400] =	vst v63  }
0x89: {  	_ =	swait.ge [sflag:s30], $0x2000  }
0x8a: {  	[sflag:s30] =	ssyncset.done $0x0  }
0x8b: {  	s4 =	sadd.s32 $0x480, s13;
	[sflag:s30] =	ssyncadd.s32 $0xFFFFE000  }
0x8c: {  	[tilespmem:s18], [sflag:$0x2] =	stream.indirect.gather [hbm4b:s3+s16], $0x40, s4, s16, $0xb8;
	[tilespmem:$0x16400] =	vst v63  }
0x8d: {  	_ =	swait.ge [sflag:s0], $0x2000  }
0x8e: {  	s4 =	rddreg [dreg:$0x6];
	[sflag:s0] =	ssyncset.done $0x0  }
0x8f: {  	[sflag:s0] =	ssyncadd.s32 $0xFFFFE000;
	s4 =	sadd.s32 s15, s4  }
0x90: {  	[hbm4b:s4+s29] =	stream.strided.scatter [tilespmem:s24], [sflag:$0xD], $0x2000, s16, s29, $0x38;
	[tilespmem:$0x16400] =	vst v63  }
0x91: {  	_ =	swait.ge [sflag:s2], $0x2000  }
0x92: {  	[sflag:s2] =	ssyncset.done $0x0  }
0x93: {  	s4 =	sadd.s32 $0x500, s13;
	[sflag:s2] =	ssyncadd.s32 $0xFFFFE000  }
0x94: {  	[tilespmem:s20], [sflag:$0x3] =	stream.indirect.gather [hbm4b:s3+s16], $0x40, s4, s16, $0xb8;
	[tilespmem:$0x16400] =	vst v63  }
0x95: {  	_ =	swait.ge [sflag:s5], $0x2000  }
0x96: {  	s4 =	rddreg [dreg:$0x5];
	[sflag:s5] =	ssyncset.done $0x0  }
0x97: {  	[sflag:s5] =	ssyncadd.s32 $0xFFFFE000;
	s4 =	sadd.s32 s15, s4  }
0x98: {  	[hbm4b:s4+s29] =	stream.strided.scatter [tilespmem:s26], [sflag:$0xE], $0x2000, s16, s29, $0x38;
	[tilespmem:$0x16400] =	vst v63  }
0x99: {  	_ =	swait.ge [sflag:s7], $0x2000  }
0x9a: {  	[sflag:s7] =	ssyncset.done $0x0  }
0x9b: {  	s4 =	sadd.s32 $0x580, s13;
	[sflag:s7] =	ssyncadd.s32 $0xFFFFE000  }
0x9c: {  	[tilespmem:s22], [sflag:$0x4] =	stream.indirect.gather [hbm4b:s3+s16], $0x40, s4, s16, $0xb8;
	[tilespmem:$0x16400] =	vst v63  }
0x9d: {  	_ =	swait.ge [sflag:s8], $0x2000  }
0x9e: {  	s4 =	rddreg [dreg:$0x4];
	[sflag:s8] =	ssyncset.done $0x0  }
0x9f: {  	[sflag:s8] =	ssyncadd.s32 $0xFFFFE000;
	s4 =	sadd.s32 s15, s4  }
0xa0: {  	[hbm4b:s4+s29] =	stream.strided.scatter [tilespmem:s31], [sflag:$0xF], $0x2000, s16, s29, $0x38;
	[tilespmem:$0x16400] =	vst v63  }
0xa1: {  	_ =	swait.ge [sflag:s9], $0x2000  }
0xa2: {  	[sflag:s9] =	ssyncset.done $0x0  }
0xa3: {  	s4 =	sadd.s32 $0x600, s13;
	[sflag:s9] =	ssyncadd.s32 $0xFFFFE000  }
0xa4: {  	[tilespmem:s24], [sflag:$0x5] =	stream.indirect.gather [hbm4b:s3+s16], $0x40, s4, s16, $0xb8;
	[tilespmem:$0x16400] =	vst v63  }
0xa5: {  	_ =	swait.ge [sflag:s6], $0x2000  }
0xa6: {  	s4 =	rddreg [dreg:$0x3];
	[sflag:s6] =	ssyncset.done $0x0  }
0xa7: {  	[sflag:s6] =	ssyncadd.s32 $0xFFFFE000;
	s4 =	sadd.s32 s15, s4  }
0xa8: {  	[hbm4b:s4+s29] =	stream.strided.scatter [tilespmem:s19], [sflag:$0x10], $0x2000, s16, s29, $0x38;
	[tilespmem:$0x16400] =	vst v63  }
0xa9: {  	_ =	swait.ge [sflag:s10], $0x2000  }
0xaa: {  	[sflag:s10] =	ssyncset.done $0x0  }
0xab: {  	s4 =	sadd.s32 $0x680, s13;
	[sflag:s10] =	ssyncadd.s32 $0xFFFFE000  }
0xac: {  	[tilespmem:s26], [sflag:$0x6] =	stream.indirect.gather [hbm4b:s3+s16], $0x40, s4, s16, $0xb8;
	[tilespmem:$0x16400] =	vst v63  }
0xad: {  	_ =	swait.ge [sflag:s28], $0x2000  }
0xae: {  	s4 =	rddreg [dreg:$0xa];
	[sflag:s28] =	ssyncset.done $0x0  }
0xaf: {  	[sflag:s28] =	ssyncadd.s32 $0xFFFFE000;
	s4 =	sadd.s32 s15, s4  }
0xb0: {  	[hbm4b:s4+s29] =	stream.strided.scatter [tilespmem:s17], [sflag:$0x9], $0x2000, s16, s29, $0x38;
	[tilespmem:$0x16400] =	vst v63  }
0xb1: {  	_ =	swait.ge [sflag:s11], $0x2000  }
0xb2: {  	[sflag:s11] =	ssyncset.done $0x0  }
0xb3: {  	s4 =	sadd.s32 $0x700, s13;
	[sflag:s11] =	ssyncadd.s32 $0xFFFFE000  }
0xb4: {  	[tilespmem:s31], [sflag:$0x7] =	stream.indirect.gather [hbm4b:s3+s16], $0x40, s4, s16, $0xb8;
	[tilespmem:$0x16400] =	vst v63  }
0xb5: {  	_ =	swait.ge [sflag:s1], $0x2000  }
0xb6: {  	p0 =	sne.s32 s14, $0x17000;
	s4 =	rddreg [dreg:$0x9];
	[sflag:s1] =	ssyncset.done $0x0  }
.Ltmp0:
0xb7: {  	[sflag:s1] =	ssyncadd.s32 $0xFFFFE000;
	s4 =	sadd.s32 s15, s4;
	(pc) =	sbr.rel @p0 .LBB2_2-.Ltmp0, $4  }
0xb8: {  	[hbm4b:s4+s29] =	stream.strided.scatter [tilespmem:s18], [sflag:$0xA], $0x2000, s16, s29, $0x38;
	[tilespmem:$0x16400] =	vst v63  }
0xb9: {  	_ =	swait.ge [sflag:s12], $0x2000  }
0xba: {  	s14 =	sadd.s32 $0x1000, s14;
	[sflag:s12] =	ssyncset.done $0x0  }
0xbb: {  	s13 =	sadd.s32 $0x780, s13;
	s15 =	sadd.s32 $0x4000, s15;
	[sflag:s12] =	ssyncadd.s32 $0xFFFFE000  }
0xbc: {  	[tilespmem:s19], [sflag:$0x8] =	stream.indirect.gather [hbm4b:s3+s16], $0x40, s13, s16, $0xb8;
	[tilespmem:$0x16400] =	vst v63  }
0xbd: {  	_ =	swait.ge [sflag:s21], $0x2000  }
0xbe: {  	[sflag:s21] =	ssyncset.done $0x0  }
0xbf: {  	s4 =	rddreg [dreg:$0xf];
	[sflag:s21] =	ssyncadd.s32 $0xFFFFE000  }
0xc0: {  	[hbm4b:s4+s29] =	stream.strided.scatter [tilespmem:s20], [sflag:$0xB], $0x2000, s16, s29, $0x38;
	[tilespmem:$0x16400] =	vst v63  }
0xc1: {  	_ =	swait.ge [sflag:s25], $0x2000  }
0xc2: {  	[sflag:s25] =	ssyncset.done $0x0  }
0xc3: {  	s15 =	rddreg [dreg:$0x10];
	[sflag:s25] =	ssyncadd.s32 $0xFFFFE000  }
0xc4: {  	[hbm4b:s15+s29] =	stream.strided.scatter [tilespmem:s22], [sflag:$0xC], $0x2000, s16, s29, $0x38;
	[tilespmem:$0x16400] =	vst v63  }
0xc5: {  	_ =	swait.ge [sflag:s0], $0x2000  }
0xc6: {  	[sflag:s0] =	ssyncset.done $0x0  }
0xc7: {  	s13 =	rddreg [dreg:$0x11];
	[sflag:s0] =	ssyncadd.s32 $0xFFFFE000  }
0xc8: {  	[hbm4b:s13+s29] =	stream.strided.scatter [tilespmem:s24], [sflag:$0xD], $0x2000, s16, s29, $0x38;
	[tilespmem:$0x16400] =	vst v63  }
0xc9: {  	_ =	swait.ge [sflag:s5], $0x2000  }
0xca: {  	[sflag:s5] =	ssyncset.done $0x0  }
0xcb: {  	s14 =	rddreg [dreg:$0x12];
	[sflag:s5] =	ssyncadd.s32 $0xFFFFE000  }
0xcc: {  	[hbm4b:s14+s29] =	stream.strided.scatter [tilespmem:s26], [sflag:$0xE], $0x2000, s16, s29, $0x38;
	[tilespmem:$0x16400] =	vst v63  }
0xcd: {  	_ =	swait.ge [sflag:s8], $0x2000  }
0xce: {  	[sflag:s8] =	ssyncset.done $0x0  }
0xcf: {  	s15 =	rddreg [dreg:$0x13];
	[sflag:s8] =	ssyncadd.s32 $0xFFFFE000  }
0xd0: {  	[hbm4b:s15+s29] =	stream.strided.scatter [tilespmem:s31], [sflag:$0xF], $0x2000, s16, s29, $0x38;
	[tilespmem:$0x16400] =	vst v63  }
0xd1: {  	_ =	swait.ge [sflag:s6], $0x2000  }
0xd2: {  	[sflag:s6] =	ssyncset.done $0x0  }
0xd3: {  	s13 =	rddreg [dreg:$0x14];
	[sflag:s6] =	ssyncadd.s32 $0xFFFFE000  }
0xd4: {  	[hbm4b:s13+s29] =	stream.strided.scatter [tilespmem:s19], [sflag:$0x10], $0x2000, s16, s29, $0x38;
	[tilespmem:$0x16400] =	vst v63  }
0xd5: {  	_ =	swait.ge [sflag:s23], $0x2000  }
0xd6: {  	[sflag:s23] =	ssyncset.done $0x0  }
0xd7: {  	[sflag:s23] =	ssyncadd.s32 $0xFFFFE000  }
0xd8: {  	_ =	swait.ge [sflag:s30], $0x2000  }
0xd9: {  	[sflag:s30] =	ssyncset.done $0x0  }
0xda: {  	[sflag:s30] =	ssyncadd.s32 $0xFFFFE000  }
0xdb: {  	_ =	swait.ge [sflag:s2], $0x2000  }
0xdc: {  	[sflag:s2] =	ssyncset.done $0x0  }
0xdd: {  	[sflag:s2] =	ssyncadd.s32 $0xFFFFE000  }
0xde: {  	_ =	swait.ge [sflag:s7], $0x2000  }
0xdf: {  	[sflag:s7] =	ssyncset.done $0x0  }
0xe0: {  	[sflag:s7] =	ssyncadd.s32 $0xFFFFE000  }
0xe1: {  	_ =	swait.ge [sflag:s9], $0x2000  }
0xe2: {  	[sflag:s9] =	ssyncset.done $0x0  }
0xe3: {  	[sflag:s9] =	ssyncadd.s32 $0xFFFFE000  }
0xe4: {  	_ =	swait.ge [sflag:s10], $0x2000  }
0xe5: {  	[sflag:s10] =	ssyncset.done $0x0  }
0xe6: {  	[sflag:s10] =	ssyncadd.s32 $0xFFFFE000  }
0xe7: {  	_ =	swait.ge [sflag:s11], $0x2000  }
0xe8: {  	[sflag:s11] =	ssyncset.done $0x0  }
0xe9: {  	[sflag:s11] =	ssyncadd.s32 $0xFFFFE000  }
0xea: {  	_ =	swait.ge [sflag:s12], $0x2000  }
0xeb: {  	s14 =	rddreg [dreg:$0x16]  }
0xec: {  	s15 =	rddreg [dreg:$0x15];
	s13 =	sadd.s32 $0x1, s14  }
0xed: {  	p0 =	sne.s32 s13, s15  }
.Ltmp1:
0xee: {  	_ = 	snop;
	(pc) =	sbr.rel @p0 .LBB2_1-.Ltmp1, $3  }
0xef: {  	_ =	sdelay $0x1  }
0xf0: {  	[sflag:s12] =	ssyncset.done $0x0  }
0xf1: {  	[sflag:s12] =	ssyncadd.s32 $0xFFFFE000  }
0xf2: {  	_ =	sfence.sel $0x180000  }
0xf3: {  	[bflag:$0x0] =	sbarrier.arrive $0xFFFF  }
0xf4: {  	_ =	strace $0x9000004A  }
0xf5: {  	s0 =	stileid.u32;
	[bflag:$0x2] =	sbarrier.arrive $0xFFFF  }
0xf6: {  	p0 =	sne.s32 s0, $0x0;
	s0 =	rddreg [dreg:$0x2]  }
0xf7: {  	s0 =	sadd.s32 @!p0 $0x100000, s0  }
0xf8: {  	[sflag:s0] =	ssyncadd.tile.s32 @!p0 $0x1;
	_ =	shalt  }
.Lfunc_end2:
_tile_overlayer_lowered:
.L_overlay_start_2:
0xf9: {  	(tag) =	ssettag $0x2  }
0xfa: {  	s0 =	rddreg [dreg:$0x0];
	s2 =	stileid.u32  }
0xfb: {  	s1 =	rddreg [dreg:$0x1];
	p0 =	sne.s32 s2, $0x0  }
0xfc: {  	s3 =	rddreg [dreg:$0x2];
	[bflag:$0x3] =	sbarrier.arrive $0xFFFF;
	s2 =	simm.s32 @!p0 $0x1C11  }
0xfd: {  	[timem:s3], [sflag:s2] =	dma.local @!p0 [hbm:s0], s1  }
0xfe: {  	s0 =	simm.s32 @!p0 $0x11  }
0xff: {  	_ =	swait.ge @!p0 [sflag:s0], s1  }
0x100: {  	s1 =	ssub.s32 @!p0 $0x0, s1;
	[sflag:s0] =	ssyncset.done @!p0 $0x0  }
0x101: {  	[sflag:s0] =	ssyncadd.s32 @!p0 s1  }
0x102: {  	[bflag:$0x3] =	sbarrier.arrive $0xFFFF  }
0x103: {  	_ =	shalt  }

// kernel: sparse-core-data-format-call.cloned.1.call-start
scs
called_computation_lowered:
.L_overlay_start_0:
0x0: {  	s2 =	sld [smem:$0x3FD9]  }
0x1: {  	s3 =	sld [smem:$0x3FFE];
	_ =	sdelay $0x1  }
0x2: {  	s1 =	srdreg.scid  }
0x3: {  	s0 =	sand.u32 $0x1, s1  }
0x4: {  	s18 =	sshll.u32 s0, $0xA;
	s2 =	sadd.s32 s3, s2  }
0x5: {  	s2 =	sadd.s32 s2, s18  }
0x6: {  	[smem:$0x3FC6] =	sst s2  }
0x7: {  	_ = 	snop  }
0x8: {  	s2 =	sld [smem:$0x3FD0];
	(tm) =	ssettm $0x1  }
0x9: {  	s19 =	sld [smem:$0x3FFB];
	_ =	sdelay $0x3  }
0xa: {  	_ =	strace s19  }
0xb: {  	s3 =	sld [smem:$0x3FFC];
	_ =	sdelay $0x3  }
0xc: {  	_ =	strace s3  }
0xd: {  	s3 =	sld [smem:$0x3FFD];
	_ =	sdelay $0x3  }
0xe: {  	_ =	strace s3  }
0xf: {  	_ =	strace $0x8FFFFFFF  }
0x10: {  	s20 =	sld [smem:$0x3FDB];
	_ =	sdelay $0x1  }
0x11: {  	s4 =	simm.s32 $_scs_section_size  }
0x12: {  	s5 =	simm.s32 $_size__tile_overlayer_lowered;
	s6 =	simm.s32 $_tile_overlayer_lowered  }
0x13: {  	s23 =	simm.s32 $0x1BFF;
	s22 =	sshll.u32 s6, $0x1;
	s3 =	sadd.s32 s4, s20  }
0x14: {  	s7 =	simm.s32 $0x0;
	s21 =	sshll.u32 s5, $0x1;
	s5 =	sadd.s32 s22, s3  }
0x15: {  	[timem:s7], [sflag:s23] =	dma.local [hbm:s5], s21  }
0x16: {  	_ =	swait.ge [sflag:s23], s21  }
0x17: {  	s4 =	ssub.s32 $0x0, s21;
	[sflag:s23] =	ssyncset.done $0x0  }
0x18: {  	[sflag:s23] =	ssyncadd.s32 s4;
	_ =	sdelay $0x1  }
0x19: {  	s24 =	simm.s32 $0x1B8B  }
0x1a: {  	_ =	swait.ge [sflag:s24], $0x1  }
0x1b: {  	[sflag:s24] =	ssyncset.done $0x0  }
0x1c: {  	s26 =	simm.s32 $0x1B8E;
	s25 =	sld [smem:$0x3FFE];
	[sflag:s24] =	ssyncadd.s32 $0xFFFFFFFF  }
0x1d: {  	s27 =	simm.s32 $execute0_lowered;
	[smem:$0x3FD2] =	sst s26  }
0x1e: {  	s5 =	sshll.u32 s27, $0x1;
	_ =	strace $0x8000004C;
	[dreg:$0x1] =	wrdreg $0xFFFFFFFF  }
0x1f: {  	s28 =	simm.s32 $_size_execute0_lowered;
	s3 =	sadd.s32 s3, s5;
	[dreg:$0x0] =	wrdreg $0x0  }
0x20: {  	s5 =	sshll.u32 s28, $0x1;
	[dreg:$0x2] =	wrdreg s3  }
0x21: {  	[dreg:$0x3] =	wrdreg s5  }
0x22: {  	[dreg:$0x4] =	wrdreg $0xC0  }
0x23: {  	_ =	task [dreg:s7], $0x5FFFF  }
0x24: {  	[dreg:$0x1] =	wrdreg $0xFFFFFFFF  }
0x25: {  	[dreg:$0x0] =	wrdreg $0x60  }
0x26: {  	[dreg:$0x2] =	wrdreg s25  }
0x27: {  	[dreg:$0x3] =	wrdreg s2  }
0x28: {  	[dreg:$0x4] =	wrdreg $0x9  }
0x29: {  	_ =	task.clear_ibuf [dreg:s7], $0x5FFFF;
	_ =	strace $0x9000004C  }
0x2a: {  	s29 =	simm.s32 $0x9;
	_ =	strace $0x8000004E  }
0x2b: {  	_ =	swait.ge [sflag:s29], $0x1  }
0x2c: {  	[sflag:s29] =	ssyncadd.s32 $0xFFFFFFFF  }
0x2d: {  	_ =	strace $0x9000004E  }
0x2e: {  	_ =	sfence  }
0x2f: {  	s30 =	sld [smem:$0x0];
	_ =	sdelay $0x2  }
0x30: {  	s31 =	sshll.u32 s1, $0xD;
	s1 =	sshrl.u32 s1, $0x2  }
0x31: {  	s3 =	sand.u32 $0x4000, s31;
	s1 =	sadd.s32 s1, s30  }
0x32: {  	s0 =	sor.u32 s3, s0;
	s1 =	sshll.u32 s1, $0x11  }
0x33: {  	s0 =	sor.u32 s1, s0  }
0x34: {  	s0 =	sadd.s32 $0x8F2B, s0  }
0x35: {  	[sflag:s0] =	ssyncadd.remote.s32 $0x1  }
0x36: {  	_ =	sfence.sel $0xFFFF  }
0x37: {  	[dreg:$0x0] =	wrdreg $0xFFFFFFFF;
	(pc) =	sbr.abs _section_cstart, $3  }
0x38: {  	[dreg:$0x1] =	wrdreg $0xFFFFFFFF  }
0x39: {  	_ =	task.clear_ibuf [dreg:s7], $0x2FFFF;
	_ =	strace $0x9FFFFFFF  }
0x3a: {  	(tm) =	ssettm $0x7FFFFFFF  }
0x3b: {  	_ =	shalt  }
tec
execute0_lowered:
.L_overlay_start_1:
0x0: {  	(tag) =	ssettag $0x1  }
0x1: {  	s0 =	srdreg.scid  }
0x2: {  	s1 =	sshll.u32 s0, $0x4  }
0x3: {  	s5 =	rddreg [dreg:$0x0];
	s0 =	stileid.u32;
	s1 =	sand.u32 $0x10, s1  }
0x4: {  	s3 =	rddreg [dreg:$0x1];
	s31 =	simm.s32 $0x2;
	s4 =	sor.u32 s0, s1  }
0x5: {  	s13 =	simm.s32 $0x0;
	s9 =	simm.s32 $0x400;
	s2 =	sshll.u32 s4, $0x7  }
0x6: {  	s10 =	simm.s32 $0x8000;
	s14 =	simm.s32 $0x0;
	s6 =	ssub.s32 $0x1000, s2  }
0x7: {  	s1 =	rddreg [dreg:$0x2];
	_ =	strace $0x8000004D;
	s7 =	sand.u32 $0xF80, s6  }
0x8: {  	s4 =	sshll.u32 s4, $0xB;
	p0 =	sne.s32 s7, $0x0;
	s7 =	simm.s32 $0x1  }
.Ltmp0:
0x9: {  	s6 =	sshrl.u32 s6, $0xC;
	s7 =	simm.s32 @!p0 $0x0;
	(pc) =	sbr.rel .LBB1_1-.Ltmp0, $4  }
0xa: {  	s8 =	sadd.s32 s4, s5;
	s4 =	simm.s32 $0x1;
	s30 =	sadd.s32 s7, s6  }
0xb: {  	s11 =	simm.s32 $0x0;
	[sflag:s4] =	ssyncpa.u1 $0x0;
	s5 =	smul.u32 $0x64, s30  }
0xc: {  	s12 =	simm.s32 $0x0;
	[sflag:s31] =	ssyncpa.u1 $0x0;
	p0 =	por $0x0, $0x0  }
0xd: {  	s6 =	sadd.s32 $0xE00, s8;
	s7 =	sadd.s32 $0x10E00, s8;
	s8 =	sor.u32 $0x1, s5  }
.LBB1_7:
0xe: {  	s15 =	sadd.s32 $0x2, s11  }
0xf: {  	p2 =	sgt.s32 s15, $0xC7  }
0x10: {  	s15 =	simm.s32 @p2 $0x0;
	p2 =	sne.s32 s12, s8  }
.Ltmp1:
0x11: {  	p1 =	slt.u32 s12, $0x2;
	(pc) =	sbr.rel @!p2 .LBB1_8-.Ltmp1, $4  }
0x12: {  	s13 =	simm.s32 @!p1 $0x2  }
0x13: {  	s16 =	sadd.s32 $0x1, s12;
	s14 =	smov.u32 s11;
	_ =	swait.ge @!p1 [sflag:s13], $0x4000  }
0x14: {  	p0 =	por !p0, !p0;
	s12 =	smov.u32 s16;
	[sflag:s13] =	ssyncset.done @!p1 $0x0  }
0x15: {  	s11 =	smov.u32 s15;
	[sflag:s13] =	ssyncadd.s32 @!p1 $0xFFFFC000;
	s13 =	smov.u32 s2  }
.LBB1_1:
0x16: {  	p1 =	sge.u32 s12, s5  }
0x17: {  	s15 =	sxor.u32 @!p1 $0xFFFFFFFF, s12  }
0x18: {  	s16 =	sshll.u32 @!p1 s11, $0x10;
	s18 =	simm.s32 @!p1 $0x40;
	s15 =	sshll.u32 @!p1 s15, $0xE  }
0x19: {  	s19 =	simm.s32 @!p1 $0x80;
	s17 =	sadd.s32 @!p1 s16, s6;
	s15 =	sand.u32 @!p1 $0x4000, s15  }
0x1a: {  	[tilespmem:s15], [sflag:$0x1] =	stream.strided.gather @!p1 [hbm4b:s17+s18], $0x2000, s19, s18, $0x38;
	[tilespmem:$0x10100] =	vst v63  }
0x1b: {  	s31 =	sadd.s32 $0xFFFFFFFF, s12;
	s16 =	sadd.s32 @!p1 s16, s7;
	s15 =	sor.u32 @!p1 $0x2000, s15  }
0x1c: {  	[tilespmem:s15], [sflag:$0x1] =	stream.strided.gather @!p1 [hbm4b:s16+s18], $0x2000, s19, s18, $0x38;
	[tilespmem:$0x10100] =	vst v63  }
0x1d: {  	p1 =	sge.u32 s31, s5  }
.Ltmp2:
0x1e: {  	_ = 	snop;
	(pc) =	sbr.rel @p1 .LBB1_7-.Ltmp2, $1  }
0x1f: {  	_ =	sdelay $0x3  }
0x20: {  	s15 =	simm.s32 $0x1;
	s17 =	sand.u32 $0x1, s12  }
0x21: {  	_ =	swait.ge [sflag:s4], $0x4000;
	s15 =	simm.s32 @!p0 $0x0;
	s17 =	smul.u32 $0x10200, s17  }
0x22: {  	p2 =	por $0x1, $0x1;
	[sflag:s4] =	ssyncset.done $0x0;
	s16 =	smul.u32 $0x10200, s15  }
0x23: {  	s18 =	sshll.u32 s15, $0x10;
	[sflag:s4] =	ssyncadd.s32 $0xFFFFC000;
	s30 =	sshrl.u32 s17, $0x2  }
0x24: {  	s31 =	sshrl.u32 s18, $0x2;
	s18 =	simm.s32 $0x0;
	s16 =	sshrl.u32 s16, $0x2  }
0x25: {  	s15 =	sor.u32 $0x8000, s30;
	s17 =	sadd.s32 $0x20, s31;
	s16 =	sor.u32 $0x8000, s16  }
.LBB1_3:
0x26: {  	s19 =	sshll.u32 s18, $0xD  }
0x27: {  	s19 =	sand.u32 $0x3FFFE000, s19  }
0x28: {  	s21 =	sadd.s32 s19, s17  }
0x29: {  	s31 =	smul.u32 $0x8100, s18;
	v3 =	vld [tilespmem:s21+$0x10]  }
0x2a: {  	v1 =	vld [tilespmem:s21+$0xFFFFFFF0]  }
0x2b: {  	s18 =	sshra.s32 s31, $0x2;
	v0 =	vld [tilespmem:s21+$0x0]  }
0x2c: {  	s18 =	sadd.s32 s18, s16;
	v2 =	vld [tilespmem:s21+$0xFFFFFFE0]  }
0x2d: {  	s19 =	sadd.s32 $0x0, s18  }
0x2e: {  	p1 =	por p2, p2;
	s20 =	simm.s32 $0x4;
	s21 =	sadd.s32 $0x40, s21;
	[tilespmem:s19+$0x1830 ss:$0x81] =	vst.msk $0xffff, v3  }
.LBB1_4:
0x2f: {  	v3 =	vld [tilespmem:s21+$0x10];
	p2 =	sne.s32 s20, $0x1FC;
	[tilespmem:s19+$0x810 ss:$0x81] =	vst.msk $0xffff, v1;
	s22 =	smov.u32 s20;
	s20 =	sadd.s32 $0x4, s20  }
.Ltmp3:
0x30: {  	v1 =	vld [tilespmem:s21+$0xFFFFFFF0];
	[tilespmem:s19+$0x1020 ss:$0x81] =	vst.msk $0xffff, v0;
	(pc) =	sbr.rel @p2 .LBB1_4-.Ltmp3, $4  }
0x31: {  	v0 =	vld [tilespmem:s21+$0x0];
	[tilespmem:s19+$0x0 ss:$0x81] =	vst.msk $0xffff, v2  }
0x32: {  	s19 =	sshra.s32 s22, $0x2;
	v2 =	vld [tilespmem:s21+$0xFFFFFFE0]  }
0x33: {  	s19 =	sadd.s32 s19, s18  }
0x34: {  	s21 =	sadd.s32 $0x40, s21;
	[tilespmem:s19+$0x1830 ss:$0x81] =	vst.msk $0xffff, v3  }
.Ltmp4:
0x35: {  	(pc) =	sbr.rel @p1 .LBB1_3-.Ltmp4, $4  }
0x36: {  	_ = 	snop  }
0x37: {  	[tilespmem:s19+$0x810 ss:$0x81] =	vst.msk $0xffff, v1  }
0x38: {  	[tilespmem:s19+$0x1020 ss:$0x81] =	vst.msk $0xffff, v0  }
0x39: {  	s18 =	simm.s32 $0x1;
	p2 =	por $0x0, $0x0;
	[tilespmem:s19+$0x0 ss:$0x81] =	vst.msk $0xffff, v2  }
.Ltmp5:
0x3a: {  	(pc) =	sbr.rel .LBB1_7-.Ltmp5, $4  }
0x3b: {  	s14 =	sshll.u32 s14, $0xF  }
0x3c: {  	s14 =	sadd.s32 s3, s14  }
0x3d: {  	s13 =	sadd.s32 s13, s14  }
0x3e: {  	[hbm4b:s13+s9] =	stream.strided.scatter [tilespmem:s15], [sflag:$0x2], $0x4000, s10, s9, $0x20;
	[tilespmem:$0x10100] =	vst v63  }
.LBB1_8:
0x3f: {  	_ =	sfence.sel $0x180000  }
0x40: {  	s2 =	simm.s32 $0x1;
	[bflag:$0x0] =	sbarrier.arrive $0xFFFF  }
0x41: {  	s31 =	simm.s32 $0x2;
	[sflag:s2] =	ssyncpa.u1 $0x1  }
0x42: {  	[sflag:s31] =	ssyncpa.u1 $0x1  }
0x43: {  	p0 =	sne.s32 s0, $0x0;
	_ =	strace $0x9000004D  }
0x44: {  	s0 =	sadd.s32 @!p0 $0x100000, s1;
	[bflag:$0x2] =	sbarrier.arrive $0xFFFF  }
0x45: {  	[sflag:s0] =	ssyncadd.tile.s32 @!p0 $0x1;
	_ =	shalt  }
.Lfunc_end1:
_tile_overlayer_lowered:
.L_overlay_start_2:
0x46: {  	(tag) =	ssettag $0x2  }
0x47: {  	s0 =	rddreg [dreg:$0x0];
	s2 =	stileid.u32  }
0x48: {  	s1 =	rddreg [dreg:$0x1];
	p0 =	sne.s32 s2, $0x0  }
0x49: {  	s3 =	rddreg [dreg:$0x2];
	[bflag:$0x3] =	sbarrier.arrive $0xFFFF;
	s2 =	simm.s32 @!p0 $0x1C01  }
0x4a: {  	[timem:s3], [sflag:s2] =	dma.local @!p0 [hbm:s0], s1  }
0x4b: {  	s0 =	simm.s32 @!p0 $0x1  }
0x4c: {  	_ =	swait.ge @!p0 [sflag:s0], s1  }
0x4d: {  	s1 =	ssub.s32 @!p0 $0x0, s1;
	[sflag:s0] =	ssyncset.done @!p0 $0x0  }
0x4e: {  	[sflag:s0] =	ssyncadd.s32 @!p0 s1  }
0x4f: {  	[bflag:$0x3] =	sbarrier.arrive $0xFFFF  }
0x50: {  	_ =	shalt  }

</sc_bundles>
